<compile_context>
chip_gen: v7x
topology: tpu7x:2x2x1
jax: 0.10.2.dev20260603
libtpu: 0.0.44.dev20260713+nightly
codegen_flags: <defaults>
</compile_context>

<pallas_src>
import functools

import jax
import jax.numpy as jnp
import numpy as np
from jax import lax
from jax.experimental import pallas as pl
from jax.experimental.pallas import tpu as pltpu
from jax.experimental.pallas import tpu_sc as plsc

N_ = 10000
E_ = 160000
D_ = 128
H_ = 8
DE_ = 16
NPAD = 10240
EPAD = 163840
NC = 2
NS = 16
NW = NC * NS
EPW = EPAD // NW
ACCW = 144
RSQD = float(1.0 / np.sqrt(D_))
NEG = -1e9

_MESH = functools.partial(
    plsc.VectorSubcoreMesh, core_axis_name="c", subcore_axis_name="s")



def _wt_body(wq, wk, we, bq, bk,
             acat, pcat, wecat, avec, bvec, gvec, cconst):
    dn = (((1,), (1,)), ((), ()))
    for h in range(H_):
        wq_h = wq[:, h * D_:(h + 1) * D_]
        wk_h = wk[:, h * D_:(h + 1) * D_]
        we_h = we[:, h * D_:(h + 1) * D_]
        bq_h = bq[:, h * D_:(h + 1) * D_]
        bk_h = bk[:, h * D_:(h + 1) * D_]
        acat[:, h * D_:(h + 1) * D_] = lax.dot_general(
            wq_h, wk_h, dn, preferred_element_type=jnp.float32).astype(
                jnp.bfloat16)
        pcat[:, h * DE_:(h + 1) * DE_] = lax.dot_general(
            wq_h, we_h, dn, preferred_element_type=jnp.float32).astype(
                jnp.bfloat16)
        wecat[h * DE_:(h + 1) * DE_, :] = we_h
        avec[:, h:h + 1] = lax.dot_general(
            wq_h, bk_h, dn, preferred_element_type=jnp.float32)
        bvec[:, h:h + 1] = lax.dot_general(
            wk_h, bq_h, dn, preferred_element_type=jnp.float32)
        gvec[:, h:h + 1] = lax.dot_general(
            we_h, bq_h, dn, preferred_element_type=jnp.float32)
        cconst[:, h:h + 1] = jnp.sum(bq_h * bk_h, axis=1, keepdims=True)


def _hnv_body(h_ref, lnw, lnb, wv, bv, wq, wk, we, bq, bk,
              hn_ref, hnb_ref, v_ref,
              acat, pcat, wecat, avec, bvec, gvec, cconst):
    @pl.when(pl.program_id(0) == 0)
    def _():
        _wt_body(wq, wk, we, bq, bk,
                 acat, pcat, wecat, avec, bvec, gvec, cconst)
    x = h_ref[...]
    mu = jnp.mean(x, axis=1, keepdims=True)
    var = jnp.mean((x - mu) ** 2, axis=1, keepdims=True)
    hn = (x - mu) / jnp.sqrt(var + 1e-5) * lnw[...] + lnb[...]
    hn_ref[...] = hn
    hnb_ref[...] = hn.astype(jnp.bfloat16)
    v = jnp.dot(hn, wv[...], preferred_element_type=jnp.float32) + bv[...]
    v_ref[...] = v.astype(jnp.bfloat16)


def _hnv_call(h, lnw2, lnb2, Wv, bv2, Wq, Wk, We, bq2, bk2):
    BN = 400
    grid = (N_ // BN,)
    row = lambda shape: pl.BlockSpec(shape, lambda i: (i, 0))
    full = lambda shape: pl.BlockSpec(shape, lambda i: (0, 0))
    return pl.pallas_call(
        _hnv_body,
        grid=grid,
        in_specs=[row((BN, D_)), full((1, D_)), full((1, D_)),
                  full((D_, H_ * D_)), full((1, H_ * D_)),
                  full((D_, H_ * D_)), full((D_, H_ * D_)),
                  full((DE_, H_ * D_)), full((1, H_ * D_)),
                  full((1, H_ * D_))],
        out_specs=[row((BN, D_)), row((BN, D_)), row((BN, H_ * D_)),
                   full((D_, H_ * D_)), full((D_, H_ * DE_)),
                   full((H_ * DE_, D_)), full((D_, H_)), full((D_, H_)),
                   full((DE_, H_)), full((1, H_))],
        out_shape=[jax.ShapeDtypeStruct((N_, D_), jnp.float32),
                   jax.ShapeDtypeStruct((N_, D_), jnp.bfloat16),
                   jax.ShapeDtypeStruct((N_, H_ * D_), jnp.bfloat16),
                   jax.ShapeDtypeStruct((D_, H_ * D_), jnp.bfloat16),
                   jax.ShapeDtypeStruct((D_, H_ * DE_), jnp.bfloat16),
                   jax.ShapeDtypeStruct((H_ * DE_, D_), jnp.float32),
                   jax.ShapeDtypeStruct((D_, H_), jnp.float32),
                   jax.ShapeDtypeStruct((D_, H_), jnp.float32),
                   jax.ShapeDtypeStruct((DE_, H_), jnp.float32),
                   jax.ShapeDtypeStruct((1, H_), jnp.float32)],
    )(h, lnw2, lnb2, Wv, bv2, Wq, Wk, We, bq2, bk2)


_BE = 1024


def _alpha_body(hnd_ref, hns_ref, ea_ref, acat, pcat, avec, bvec, gvec, cconst,
                out_ref):
    hnd = hnd_ref[...]
    hns = hns_ref[...]
    hndf = hnd.astype(jnp.float32)
    hnsf = hns.astype(jnp.float32)
    ea = ea_ref[...]
    t1 = jnp.dot(hnd, acat[...], preferred_element_type=jnp.float32)
    hns_rep = jnp.concatenate([hnsf] * H_, axis=1)
    r1 = lax.broadcasted_iota(jnp.int32, (H_ * D_, H_), 0)
    c1 = lax.broadcasted_iota(jnp.int32, (H_ * D_, H_), 1)
    s1 = ((r1 // D_) == c1).astype(jnp.bfloat16)
    al = jnp.dot((t1 * hns_rep).astype(jnp.bfloat16), s1,
                 preferred_element_type=jnp.float32)
    t2 = jnp.dot(hnd, pcat[...], preferred_element_type=jnp.float32)
    ea_rep = jnp.concatenate([ea] * H_, axis=1)
    r2 = lax.broadcasted_iota(jnp.int32, (H_ * DE_, H_), 0)
    c2 = lax.broadcasted_iota(jnp.int32, (H_ * DE_, H_), 1)
    s2 = ((r2 // DE_) == c2).astype(jnp.bfloat16)
    al = al + jnp.dot((t2 * ea_rep).astype(jnp.bfloat16), s2,
                      preferred_element_type=jnp.float32)
    al = (al
          + jnp.dot(hndf, avec[...], preferred_element_type=jnp.float32)
          + jnp.dot(hnsf, bvec[...], preferred_element_type=jnp.float32)
          + jnp.dot(ea, gvec[...], preferred_element_type=jnp.float32)
          + cconst[...])
    al = al * RSQD
    al = jnp.concatenate([al, jnp.full((_BE, H_), NEG, jnp.float32)], axis=1)
    i = pl.program_id(0)
    rowid = i * _BE + lax.broadcasted_iota(jnp.int32, (_BE, 1), 0)
    out_ref[...] = jnp.where(rowid < E_, al, NEG)


def _alpha_call(hnd, hns, eap, acat, pcat, avec, bvec, gvec, cconst):
    grid = (EPAD // _BE,)
    row = lambda shape: pl.BlockSpec(shape, lambda i: (i, 0))
    full = lambda shape: pl.BlockSpec(shape, lambda i: (0, 0))
    return pl.pallas_call(
        _alpha_body,
        grid=grid,
        in_specs=[row((_BE, D_)), row((_BE, D_)), row((_BE, DE_)),
                  full((D_, H_ * D_)), full((D_, H_ * DE_)),
                  full((D_, H_)), full((D_, H_)), full((DE_, H_)),
                  full((1, H_))],
        out_specs=row((_BE, 2 * H_)),
        out_shape=jax.ShapeDtypeStruct((EPAD, 2 * H_), jnp.float32),
    )(hnd, hns, eap, acat, pcat, avec, bvec, gvec, cconst)


def _norm_body(acc0, acc1, wecat, invd_ref, ec_ref):
    den = acc0[:, D_:D_ + H_] + acc1[:, D_:D_ + H_]
    inv = 1.0 / (den + 1e-16)
    t = acc0[:, 0:D_] + acc1[:, 0:D_]
    parts = [t[:, h * DE_:(h + 1) * DE_] * inv[:, h:h + 1] for h in range(H_)]
    ts = jnp.concatenate(parts, axis=1)
    ec_ref[...] = jnp.dot(ts, wecat[...], preferred_element_type=jnp.float32)
    invd_ref[...] = jnp.concatenate([inv, jnp.zeros_like(inv)], axis=1)


def _norm_call(acc0, acc1, wecat):
    BN = 512
    grid = (NPAD // BN,)
    row = lambda shape: pl.BlockSpec(shape, lambda i: (i, 0))
    full = lambda shape: pl.BlockSpec(shape, lambda i: (0, 0))
    return pl.pallas_call(
        _norm_body,
        grid=grid,
        in_specs=[row((BN, ACCW)), row((BN, ACCW)), full((H_ * DE_, D_))],
        out_specs=[row((BN, 2 * H_)), row((BN, D_))],
        out_shape=[jax.ShapeDtypeStruct((NPAD, 2 * H_), jnp.float32),
                   jax.ShapeDtypeStruct((NPAD, D_), jnp.float32)],
    )(acc0, acc1, wecat)


def _final_body(hn_ref, o0_ref, o1_ref, ec_ref, wskip, bskip,
                gaW1, gab1, gaW2, gab2, gaW3r, gab3,
                ln2w, ln2b, ffW1, ffb1, ffW2, ffb2,
                gfW1, gfb1, gfW2, gfb2, gfW3r, gfb3, out_ref):
    hn = hn_ref[...]
    p = lax.broadcasted_iota(jnp.int32, (D_, D_), 0)
    c = lax.broadcasted_iota(jnp.int32, (D_, D_), 1)
    tgt = ((p >> 5) << 5) + 2 * (p & 15) + ((p >> 4) & 1)
    perm = (c == tgt).astype(jnp.float32)
    op = jnp.dot(o0_ref[...] + o1_ref[...], perm,
                 preferred_element_type=jnp.float32)
    out = ((op + ec_ref[...]) * (1.0 / H_)
           + jnp.dot(hn, wskip[...], preferred_element_type=jnp.float32)
           + bskip[...])

    def gate(u, v, W1, b1, W2, b2, W3r, b3):
        z = jnp.concatenate([u, v, u - v], axis=1)
        a = jnp.dot(z, W1[...], preferred_element_type=jnp.float32) + b1[...]
        a = a * jax.nn.sigmoid(a)
        a = jnp.dot(a, W2[...], preferred_element_type=jnp.float32) + b2[...]
        a = a * jax.nn.sigmoid(a)
        g = jnp.sum(a * W3r[...], axis=1, keepdims=True) + b3[...]
        g = jax.nn.sigmoid(g)
        return g * u + (1 - g) * v

    h1 = gate(hn, out, gaW1, gab1, gaW2, gab2, gaW3r, gab3)
    mu = jnp.mean(h1, axis=1, keepdims=True)
    var = jnp.mean((h1 - mu) ** 2, axis=1, keepdims=True)
    h2 = (h1 - mu) / jnp.sqrt(var + 1e-5) * ln2w[...] + ln2b[...]
    ff = jnp.dot(h2, ffW1[...], preferred_element_type=jnp.float32) + ffb1[...]
    ff = ff * jax.nn.sigmoid(ff)
    ff = jnp.dot(ff, ffW2[...], preferred_element_type=jnp.float32) + ffb2[...]
    out_ref[...] = gate(h2, ff, gfW1, gfb1, gfW2, gfb2, gfW3r, gfb3)


def _final_call(hn, o0, o1, ec, Wskip, bskip2, ga, ln2w2, ln2b2, ff, gf):
    BN = 400
    grid = (N_ // BN,)
    row = lambda shape: pl.BlockSpec(shape, lambda i: (i, 0))
    full = lambda shape: pl.BlockSpec(shape, lambda i: (0, 0))
    D3, D32, D34 = 3 * D_, 3 * D_ // 2, 3 * D_ // 4
    in_specs = [row((BN, D_)), row((BN, D_)), row((BN, D_)), row((BN, D_)),
                full((D_, D_)), full((1, D_)),
                full((D3, D32)), full((1, D32)), full((D32, D34)), full((1, D34)),
                full((1, D34)), full((1, 1)),
                full((1, D_)), full((1, D_)),
                full((D_, D_)), full((1, D_)), full((D_, D_)), full((1, D_)),
                full((D3, D32)), full((1, D32)), full((D32, D34)), full((1, D34)),
                full((1, D34)), full((1, 1))]
    return pl.pallas_call(
        _final_body,
        grid=grid,
        in_specs=in_specs,
        out_specs=row((BN, D_)),
        out_shape=jax.ShapeDtypeStruct((N_, D_), jnp.float32),
    )(hn, o0, o1, ec, Wskip, bskip2, *ga, ln2w2, ln2b2, *ff, *gf)



def _sc_gather(hnb, srcp, dstp):
    CB = 128
    nch = EPW // CB

    @functools.partial(
        pl.kernel,
        out_type=(jax.ShapeDtypeStruct((EPAD, D_), jnp.bfloat16),
                  jax.ShapeDtypeStruct((EPAD, D_), jnp.bfloat16)),
        mesh=_MESH(),
        compiler_params=pltpu.CompilerParams(use_tc_tiling_on_sc=False, needs_layout_passes=False),
        scratch_types=[pltpu.VMEM((EPW // 128, 128), jnp.int32),
                       pltpu.VMEM((EPW // 128, 128), jnp.int32),
                       pltpu.VMEM((2, CB, D_), jnp.bfloat16),
                       pltpu.VMEM((2, CB, D_), jnp.bfloat16),
                       pltpu.SemaphoreType.DMA, pltpu.SemaphoreType.DMA,
                       pltpu.SemaphoreType.DMA, pltpu.SemaphoreType.DMA,
                       pltpu.SemaphoreType.DMA, pltpu.SemaphoreType.DMA,
                       pltpu.SemaphoreType.DMA, pltpu.SemaphoreType.DMA],
    )
    def k(hn_hbm, src_hbm, dst_hbm, hns_hbm, hnd_hbm,
          sidx, didx, srows, drows,
          s_s0, s_s1, s_d0, s_d1, w_s0, w_s1, w_d0, w_d1):
        wid = lax.axis_index("s") * NC + lax.axis_index("c")
        ssems = (s_s0, s_s1)
        dsems = (s_d0, s_d1)
        wssems = (w_s0, w_s1)
        wdsems = (w_d0, w_d1)

        pltpu.sync_copy(src_hbm.at[pl.ds(wid * nch, nch)], sidx)
        pltpu.sync_copy(dst_hbm.at[pl.ds(wid * nch, nch)], didx)

        def start(j, b):
            pltpu.async_copy(hn_hbm.at[sidx.at[j]], srows.at[b], ssems[b])
            pltpu.async_copy(hn_hbm.at[didx.at[j]], drows.at[b], dsems[b])

        def waitwb(b):
            base = wid * EPW
            pltpu.make_async_copy(srows.at[b], hns_hbm.at[pl.ds(base, CB)],
                                  wssems[b]).wait()
            pltpu.make_async_copy(drows.at[b], hnd_hbm.at[pl.ds(base, CB)],
                                  wdsems[b]).wait()

        def drain(j, b):
            base = wid * EPW + j * CB
            pltpu.make_async_copy(hn_hbm.at[sidx.at[j]], srows.at[b],
                                  ssems[b]).wait()
            pltpu.make_async_copy(hn_hbm.at[didx.at[j]], drows.at[b],
                                  dsems[b]).wait()
            pltpu.async_copy(srows.at[b], hns_hbm.at[pl.ds(base, CB)],
                             wssems[b])
            pltpu.async_copy(drows.at[b], hnd_hbm.at[pl.ds(base, CB)],
                             wdsems[b])

        start(0, 0)
        start(1, 1)

        def body(p, carry):
            drain(2 * p, 0)

            @pl.when(p + 1 < nch // 2)
            def _():
                waitwb(0)
                start(2 * p + 2, 0)
            drain(2 * p + 1, 1)

            @pl.when(p + 1 < nch // 2)
            def _():
                waitwb(1)
                start(2 * p + 3, 1)
            return carry

        lax.fori_loop(0, nch // 2, body, 0)
        waitwb(0)
        waitwb(1)

    return k(hnb, srcp.reshape(EPAD // CB, CB), dstp.reshape(EPAD // CB, CB))


def _sc_p1(alpha, eap, dstp):
    CB = 64
    nch = EPW // CB
    rpt = NPAD // NS

    @functools.partial(
        pl.kernel,
        out_type=(jax.ShapeDtypeStruct((NPAD, ACCW), jnp.float32),
                  jax.ShapeDtypeStruct((NPAD, ACCW), jnp.float32)),
        mesh=_MESH(),
        compiler_params=pltpu.CompilerParams(use_tc_tiling_on_sc=False, needs_layout_passes=False),
        scratch_types=[pltpu.VMEM((2, CB, 2 * H_), jnp.float32),
                       pltpu.VMEM((2, CB, DE_), jnp.float32),
                       pltpu.VMEM((nch, CB), jnp.int32),
                       pltpu.VMEM((2, CB, ACCW), jnp.float32),
                       pltpu.VMEM_SHARED((NPAD, ACCW), jnp.float32),
                       pltpu.SemaphoreType.DMA, pltpu.SemaphoreType.DMA,
                       pltpu.SemaphoreType.DMA, pltpu.SemaphoreType.DMA,
                       pltpu.SemaphoreType.DMA, pltpu.SemaphoreType.DMA],
    )
    def k(alpha_hbm, ea_hbm, dst_hbm, out0_hbm, out1_hbm,
          abuf, eabuf, didx, payload, acc, sa0, sa1, se0, se1, sc0, sc1):
        cid = lax.axis_index("c")
        sid = lax.axis_index("s")
        wid = sid * NC + cid
        asems = (sa0, sa1)
        esems = (se0, se1)
        csems = (sc0, sc1)

        pltpu.sync_copy(dst_hbm.at[pl.ds(wid * nch, nch)], didx)

        def zrow(i, c):
            for bb in range(2):
                for j in range(ACCW // 16):
                    payload[bb, i, pl.ds(j * 16, 16)] = jnp.zeros(
                        (16,), jnp.float32)
            return c
        lax.fori_loop(0, CB, zrow, 0)

        def zacc(i, c):
            pltpu.sync_copy(payload.at[0],
                            acc.at[pl.ds(sid * rpt + i * CB, CB)])
            return c
        lax.fori_loop(0, rpt // CB, zacc, 0)
        plsc.subcore_barrier()

        def start(j, b):
            base = wid * EPW + j * CB
            pltpu.async_copy(alpha_hbm.at[pl.ds(base, CB)], abuf.at[b],
                             asems[b])
            pltpu.async_copy(ea_hbm.at[pl.ds(base, CB)], eabuf.at[b],
                             esems[b])

        def waitsc(j, b):
            pltpu.make_async_copy(payload.at[b], acc.at[didx.at[j]],
                                  csems[b]).wait()

        def process(j, b):
            base = wid * EPW + j * CB
            pltpu.make_async_copy(alpha_hbm.at[pl.ds(base, CB)], abuf.at[b],
                                  asems[b]).wait()
            pltpu.make_async_copy(ea_hbm.at[pl.ds(base, CB)], eabuf.at[b],
                                  esems[b]).wait()

            def edge(e, c2):
                ex16 = jnp.exp(abuf[b, e, pl.ds(0, 16)])
                payload[b, e, pl.ds(D_, 16)] = ex16
                earow = eabuf[b, e, pl.ds(0, DE_)]
                for h in range(H_):
                    payload[b, e, pl.ds(h * DE_, DE_)] = (
                        jnp.full((16,), ex16[h]) * earow)
                return c2

            lax.fori_loop(0, CB, edge, 0)
            pltpu.async_copy(payload.at[b], acc.at[didx.at[j]], csems[b],
                             add=True)

        start(0, 0)
        start(1, 1)

        def body(p, carry):
            process(2 * p, 0)

            @pl.when(p + 1 < nch // 2)
            def _():
                start(2 * p + 2, 0)
            process(2 * p + 1, 1)

            @pl.when(p + 1 < nch // 2)
            def _():
                start(2 * p + 3, 1)

            @pl.when(p + 1 < nch // 2)
            def _():
                waitsc(2 * p, 0)
                waitsc(2 * p + 1, 1)
            return carry

        lax.fori_loop(0, nch // 2, body, 0)
        waitsc(nch - 2, 0)
        waitsc(nch - 1, 1)
        plsc.subcore_barrier()

        def wout(i, c):
            r0 = sid * rpt + i * CB

            @pl.when(cid == 0)
            def _():
                pltpu.sync_copy(acc.at[pl.ds(r0, CB)],
                                out0_hbm.at[pl.ds(r0, CB)])

            @pl.when(cid == 1)
            def _():
                pltpu.sync_copy(acc.at[pl.ds(r0, CB)],
                                out1_hbm.at[pl.ds(r0, CB)])
            return c
        lax.fori_loop(0, rpt // CB, wout, 0)

    return k(alpha, eap, dstp.reshape(EPAD // CB, CB))


def _sc_p2(alpha, srcp, dstp, Vb, invd):
    CB = 32
    nch = EPW // CB
    rpt = NPAD // NS

    @functools.partial(
        pl.kernel,
        out_type=(jax.ShapeDtypeStruct((NPAD, D_), jnp.float32),
                  jax.ShapeDtypeStruct((NPAD, D_), jnp.float32)),
        mesh=_MESH(),
        compiler_params=pltpu.CompilerParams(use_tc_tiling_on_sc=False, needs_layout_passes=False),
        scratch_types=[pltpu.VMEM((2, CB, 2 * H_), jnp.float32),
                       pltpu.VMEM((2, CB, 2 * H_), jnp.float32),
                       pltpu.VMEM((nch, CB), jnp.int32),
                       pltpu.VMEM((nch, CB), jnp.int32),
                       pltpu.VMEM((2, CB, H_ * D_), jnp.bfloat16),
                       pltpu.VMEM((CB, D_), jnp.float32),
                       pltpu.VMEM_SHARED((NPAD, D_), jnp.float32),
                       pltpu.SemaphoreType.DMA, pltpu.SemaphoreType.DMA,
                       pltpu.SemaphoreType.DMA, pltpu.SemaphoreType.DMA],
    )
    def k(alpha_hbm, src_hbm, dst_hbm, v_hbm, invd_hbm, out0_hbm, out1_hbm,
          abuf, ivbuf, sidx, didx, vrows, wpay, acc, sv0, sv1, si0, si1):
        cid = lax.axis_index("c")
        sid = lax.axis_index("s")
        wid = sid * NC + cid
        vsems = (sv0, sv1)
        isems = (si0, si1)

        pltpu.sync_copy(src_hbm.at[pl.ds(wid * nch, nch)], sidx)
        pltpu.sync_copy(dst_hbm.at[pl.ds(wid * nch, nch)], didx)

        def zrow(i, c):
            for j in range(D_ // 16):
                wpay[i, pl.ds(j * 16, 16)] = jnp.zeros((16,), jnp.float32)
            return c
        lax.fori_loop(0, CB, zrow, 0)

        def zacc(i, c):
            pltpu.sync_copy(wpay, acc.at[pl.ds(sid * rpt + i * CB, CB)])
            return c
        lax.fori_loop(0, rpt // CB, zacc, 0)
        plsc.subcore_barrier()

        def start(j, b):
            base = wid * EPW + j * CB
            pltpu.sync_copy(alpha_hbm.at[pl.ds(base, CB)], abuf.at[b])
            pltpu.async_copy(v_hbm.at[sidx.at[j]], vrows.at[b], vsems[b])
            pltpu.async_copy(invd_hbm.at[didx.at[j]], ivbuf.at[b], isems[b])

        def process(j, b):
            pltpu.make_async_copy(
                v_hbm.at[sidx.at[j]], vrows.at[b], vsems[b]).wait()
            pltpu.make_async_copy(
                invd_hbm.at[didx.at[j]], ivbuf.at[b], isems[b]).wait()

            def edge(e, c2):
                attn16 = (jnp.exp(abuf[b, e, pl.ds(0, 16)])
                          * ivbuf[b, e, pl.ds(0, 16)])
                accs = [jnp.zeros((16,), jnp.float32)
                        for _ in range(D_ // 16)]
                for h in range(H_):
                    avf = jnp.full((16,), attn16[h])
                    avv = plsc.pack(avf, avf,
                                    format=plsc.PackFormat.INTERLEAVED)
                    for g in range(D_ // 32):
                        x32 = vrows[b, e, pl.ds(h * D_ + g * 32, 32)]
                        lo, hi = plsc.unpack(
                            x32 * avv, format=plsc.PackFormat.INTERLEAVED)
                        accs[2 * g] = accs[2 * g] + lo
                        accs[2 * g + 1] = accs[2 * g + 1] + hi
                for dv in range(D_ // 16):
                    wpay[e, pl.ds(dv * 16, 16)] = accs[dv]
                return c2

            lax.fori_loop(0, CB, edge, 0)
            pltpu.sync_copy(wpay, acc.at[didx.at[j]], add=True)

        start(0, 0)

        def body(p, carry):
            start(2 * p + 1, 1)
            process(2 * p, 0)

            @pl.when(p + 1 < nch // 2)
            def _():
                start(2 * p + 2, 0)
            process(2 * p + 1, 1)
            return carry

        lax.fori_loop(0, nch // 2, body, 0)
        plsc.subcore_barrier()

        def wout(i, c):
            r0 = sid * rpt + i * CB

            @pl.when(cid == 0)
            def _():
                pltpu.sync_copy(acc.at[pl.ds(r0, CB)],
                                out0_hbm.at[pl.ds(r0, CB)])

            @pl.when(cid == 1)
            def _():
                pltpu.sync_copy(acc.at[pl.ds(r0, CB)],
                                out1_hbm.at[pl.ds(r0, CB)])
            return c
        lax.fori_loop(0, rpt // CB, wout, 0)

    return k(alpha, srcp.reshape(EPAD // CB, CB), dstp.reshape(EPAD // CB, CB),
             Vb, invd)



def kernel(h, edge_index, edge_attr, ln1_w, ln1_b, Wq, bq, Wk, bk, Wv, bv, We,
           Wskip, bskip, ga_W1, ga_b1, ga_W2, ga_b2, ga_W3, ga_b3, ln2_w, ln2_b,
           ff_W1, ff_b1, ff_W2, ff_b2, gf_W1, gf_b1, gf_W2, gf_b2, gf_W3, gf_b3):
    pad_e = EPAD - E_
    srcp = jnp.concatenate([edge_index[0], jnp.zeros((pad_e,), jnp.int32)])
    dstp = jnp.concatenate([edge_index[1], jnp.zeros((pad_e,), jnp.int32)])
    eap = jnp.concatenate(
        [edge_attr, jnp.zeros((pad_e, DE_), jnp.float32)], axis=0)

    (hn, hnb, Vb, acat, pcat, wecat, avec, bvec, gvec, cconst) = _hnv_call(
        h, ln1_w.reshape(1, -1), ln1_b.reshape(1, -1), Wv, bv.reshape(1, -1),
        Wq, Wk, We, bq.reshape(1, -1), bk.reshape(1, -1))
    hns, hnd = _sc_gather(hnb, srcp, dstp)
    alpha = _alpha_call(hnd, hns, eap, acat, pcat, avec, bvec, gvec, cconst)
    acc0, acc1 = _sc_p1(alpha, eap, dstp)
    invd, ec = _norm_call(acc0, acc1, wecat)
    o0, o1 = _sc_p2(alpha, srcp, dstp, Vb, invd)
    ga = (ga_W1, ga_b1.reshape(1, -1), ga_W2, ga_b2.reshape(1, -1),
          ga_W3.reshape(1, -1), ga_b3.reshape(1, -1))
    ff = (ff_W1, ff_b1.reshape(1, -1), ff_W2, ff_b2.reshape(1, -1))
    gf = (gf_W1, gf_b1.reshape(1, -1), gf_W2, gf_b2.reshape(1, -1),
          gf_W3.reshape(1, -1), gf_b3.reshape(1, -1))
    return _final_call(hn, o0, o1, ec,
                       Wskip, bskip.reshape(1, -1), ga,
                       ln2_w.reshape(1, -1), ln2_b.reshape(1, -1), ff, gf)

# --- scband reference (transcript-rebuilt; emitter-appended) ---
"""Pipeline reference for scband-crys-former-layer-12841952215475 (READ-ONLY COPY).

The authoritative reference and input builder live on the scoring server;
editing this copy changes nothing except your own understanding.
"""

import jax, jax.numpy as jnp
import numpy as np

N = 10000
E = 160000
D = 128
H = 8
DE = 16


def _lin_init(key, fan_in, fan_out, bias=True):
    kw, kb = jax.random.split(key)
    s = 1.0 / np.sqrt(fan_in)
    W = jax.random.uniform(kw, (fan_in, fan_out), minval=-s, maxval=s, dtype=jnp.float32)
    if bias:
        b = jax.random.uniform(kb, (fan_out,), minval=-s, maxval=s, dtype=jnp.float32)
        return W, b
    return W


def setup_inputs(seed: int = 0):
    key = jax.random.key(seed)
    ks = jax.random.split(key, 16)
    h = jax.random.normal(ks[0], (N, D), dtype=jnp.float32)
    edge_index = jax.random.randint(ks[1], (2, E), 0, N, dtype=jnp.int32)
    edge_attr = jax.random.normal(ks[15], (E, DE), dtype=jnp.float32)
    Wq, bq = _lin_init(ks[2], D, H * D)
    Wk, bk = _lin_init(ks[3], D, H * D)
    Wv, bv = _lin_init(ks[4], D, H * D)
    We = _lin_init(ks[5], DE, H * D, bias=False)
    Wskip, bskip = _lin_init(ks[6], D, D)
    ga_W1, ga_b1 = _lin_init(ks[7], 3 * D, 3 * D // 2)
    ga_W2, ga_b2 = _lin_init(ks[8], 3 * D // 2, 3 * D // 4)
    ga_W3, ga_b3 = _lin_init(ks[9], 3 * D // 4, 1)
    ff_W1, ff_b1 = _lin_init(ks[10], D, D)
    ff_W2, ff_b2 = _lin_init(ks[11], D, D)
    gf_W1, gf_b1 = _lin_init(ks[12], 3 * D, 3 * D // 2)
    gf_W2, gf_b2 = _lin_init(ks[13], 3 * D // 2, 3 * D // 4)
    gf_W3, gf_b3 = _lin_init(ks[14], 3 * D // 4, 1)
    ln1_w = jnp.ones((D,), jnp.float32)
    ln1_b = jnp.zeros((D,), jnp.float32)
    ln2_w = jnp.ones((D,), jnp.float32)
    ln2_b = jnp.zeros((D,), jnp.float32)
    return dict(h=h, edge_index=edge_index, edge_attr=edge_attr, ln1_w=ln1_w, ln1_b=ln1_b, Wq=Wq, bq=bq, Wk=Wk, bk=bk, Wv=Wv, bv=bv, We=We, Wskip=Wskip, bskip=bskip, ga_W1=ga_W1, ga_b1=ga_b1, ga_W2=ga_W2, ga_b2=ga_b2, ga_W3=ga_W3, ga_b3=ga_b3, ln2_w=ln2_w, ln2_b=ln2_b, ff_W1=ff_W1, ff_b1=ff_b1, ff_W2=ff_W2, ff_b2=ff_b2, gf_W1=gf_W1, gf_b1=gf_b1, gf_W2=gf_W2, gf_b2=gf_b2, gf_W3=gf_W3, gf_b3=gf_b3)


def _layernorm(x, w, b):
    mu = jnp.mean(x, axis=-1, keepdims=True)
    var = jnp.mean((x - mu) ** 2, axis=-1, keepdims=True)
    return (x - mu) / jnp.sqrt(var + 1e-5) * w + b


def _silu(x):
    return x * jax.nn.sigmoid(x)


def _gate(u, v, W1, b1, W2, b2, W3, b3):
    z = jnp.concatenate([u, v, u - v], axis=-1)
    a = _silu(z @ W1 + b1)
    a = _silu(a @ W2 + b2)
    a = jax.nn.sigmoid(a @ W3 + b3)
    return a * u + (1 - a) * v


def reference(h, edge_index, edge_attr, ln1_w, ln1_b, Wq, bq, Wk, bk, Wv, bv, We, Wskip, bskip, ga_W1, ga_b1, ga_W2, ga_b2, ga_W3, ga_b3, ln2_w, ln2_b, ff_W1, ff_b1, ff_W2, ff_b2, gf_W1, gf_b1, gf_W2, gf_b2, gf_W3, gf_b3):
    n = h.shape[0]
    src = edge_index[0]
    dst = edge_index[1]
    hn = _layernorm(h, ln1_w, ln1_b)
    q = (hn @ Wq + bq).reshape(n, H, D)[dst]
    k = (hn @ Wk + bk).reshape(n, H, D)[src]
    e = (edge_attr @ We).reshape(-1, H, D)
    k = k + e
    alpha = jnp.sum(q * k, axis=-1) / np.sqrt(D)
    amax = jax.lax.stop_gradient(jax.ops.segment_max(alpha, dst, num_segments=n))
    amax = jnp.where(jnp.isfinite(amax), amax, 0.0)
    ex = jnp.exp(alpha - amax[dst])
    denom = jax.ops.segment_sum(ex, dst, num_segments=n)
    attn = ex / (denom[dst] + 1e-16)
    v = (hn @ Wv + bv).reshape(n, H, D)[src] + e
    agg = jax.ops.segment_sum((v * attn[:, :, None]).reshape(-1, H * D), dst, num_segments=n).reshape(n, H, D)
    out = jnp.mean(agg, axis=1) + hn @ Wskip + bskip
    h1 = _gate(hn, out, ga_W1, ga_b1, ga_W2, ga_b2, ga_W3, ga_b3)
    h2 = _layernorm(h1, ln2_w, ln2_b)
    ff = _silu(h2 @ ff_W1 + ff_b1) @ ff_W2 + ff_b2
    return _gate(h2, ff, gf_W1, gf_b1, gf_W2, gf_b2, gf_W3, gf_b3)

if __name__ == "__main__":
    import jax
    _d = setup_inputs()
    print(jax.jit(kernel)(*tuple(_d.values())))

</pallas_src>

<mosaic_0001>
#map = affine_map<(d0, d1) -> (0, 0)>
module attributes {stable_mosaic.version = 14 : i64} {
  func.func @k(%arg0: i32, %arg1: i32, %arg2: memref<163840x16xf32, #tpu.memory_space<hbm>>, %arg3: memref<5120x32xi32, #tpu.memory_space<hbm>>, %arg4: memref<5120x32xi32, #tpu.memory_space<hbm>>, %arg5: memref<10000x1024xbf16, #tpu.memory_space<hbm>>, %arg6: memref<10240x16xf32, #tpu.memory_space<hbm>>, %arg7: memref<10240x128xf32, #tpu.memory_space<hbm>>, %arg8: memref<10240x128xf32, #tpu.memory_space<hbm>>, %arg9: memref<2x32x16xf32, #tpu.memory_space<vmem>>, %arg10: memref<2x32x16xf32, #tpu.memory_space<vmem>>, %arg11: memref<160x32xi32, #tpu.memory_space<vmem>>, %arg12: memref<160x32xi32, #tpu.memory_space<vmem>>, %arg13: memref<2x32x1024xbf16, #tpu.memory_space<vmem>>, %arg14: memref<32x128xf32, #tpu.memory_space<vmem>>, %arg15: memref<10240x128xf32, #tpu.memory_space<vmem_shared>>, %arg16: memref<!tpu.dma_semaphore, #tpu.memory_space<semaphore_mem>>, %arg17: memref<!tpu.dma_semaphore, #tpu.memory_space<semaphore_mem>>, %arg18: memref<!tpu.dma_semaphore, #tpu.memory_space<semaphore_mem>>, %arg19: memref<!tpu.dma_semaphore, #tpu.memory_space<semaphore_mem>>) attributes {dimension_semantics = [#tpu.dimension_semantics<core_parallel>, #tpu.dimension_semantics<subcore_parallel>], iteration_bounds = array<i64: 2, 16>, scalar_prefetch = 0 : i64, scratch_operands = 11 : i64, tpu.core_type = #tpu.core_type<sc_vector_subcore>, window_params = [{transform_indices = #map}, {transform_indices = #map}, {transform_indices = #map}, {transform_indices = #map}, {transform_indices = #map}, {transform_indices = #map}, {transform_indices = #map}]} {
    %mul3A = arith.constant 2 : i32
    %mul3A_0 = arith.muli %arg1, %mul3A : i32
    %add3A = arith.addi %mul3A_0, %arg0 : i32
    %mul3A_1 = arith.constant 160 : i32
    %mul3A_2 = arith.muli %add3A, %mul3A_1 : i32
    "tpu.region"() ({
      %run_scoped3A_56 = tpu.sem_alloc : memref<!tpu.dma_semaphore, #tpu.memory_space<semaphore_mem>>
      %dma_start3A_57 = arith.constant 0 : i32
      %dma_start3A_58 = tpu.memref_slice %arg3[%mul3A_2, %dma_start3A_57] : memref<5120x32xi32, #tpu.memory_space<hbm>> -> memref<160x32xi32, #tpu.memory_space<hbm>>
      %dma_start3A_59 = arith.constant 0 : i32
      %dma_start3A_60 = tpu.memref_slice %arg3[%mul3A_2, %dma_start3A_59] : memref<5120x32xi32, #tpu.memory_space<hbm>> -> memref<160x32xi32, #tpu.memory_space<hbm>>
      tpu.enqueue_dma source(%dma_start3A_60 : memref<160x32xi32, #tpu.memory_space<hbm>>) target(%arg11 : memref<160x32xi32, #tpu.memory_space<vmem>>) target_semaphore(%run_scoped3A_56 : memref<!tpu.dma_semaphore, #tpu.memory_space<semaphore_mem>>)
      %dma_wait3A = arith.constant 0 : i32
      %dma_wait3A_61 = tpu.memref_slice %arg3[%mul3A_2, %dma_wait3A] : memref<5120x32xi32, #tpu.memory_space<hbm>> -> memref<160x32xi32, #tpu.memory_space<hbm>>
      %dma_wait3A_62 = arith.constant 0 : i32
      %dma_wait3A_63 = tpu.memref_slice %arg3[%mul3A_2, %dma_wait3A_62] : memref<5120x32xi32, #tpu.memory_space<hbm>> -> memref<160x32xi32, #tpu.memory_space<hbm>>
      tpu.wait_dma2 semaphore(%run_scoped3A_56 : memref<!tpu.dma_semaphore, #tpu.memory_space<semaphore_mem>>) src(%dma_wait3A_63 : memref<160x32xi32, #tpu.memory_space<hbm>>) dst(%arg11 : memref<160x32xi32, #tpu.memory_space<vmem>>)
      tpu.yield
    }) : () -> ()
    %mul3A_3 = arith.constant 160 : i32
    %mul3A_4 = arith.muli %add3A, %mul3A_3 : i32
    "tpu.region"() ({
      %run_scoped3A_56 = tpu.sem_alloc : memref<!tpu.dma_semaphore, #tpu.memory_space<semaphore_mem>>
      %dma_start3A_57 = arith.constant 0 : i32
      %dma_start3A_58 = tpu.memref_slice %arg4[%mul3A_4, %dma_start3A_57] : memref<5120x32xi32, #tpu.memory_space<hbm>> -> memref<160x32xi32, #tpu.memory_space<hbm>>
      %dma_start3A_59 = arith.constant 0 : i32
      %dma_start3A_60 = tpu.memref_slice %arg4[%mul3A_4, %dma_start3A_59] : memref<5120x32xi32, #tpu.memory_space<hbm>> -> memref<160x32xi32, #tpu.memory_space<hbm>>
      tpu.enqueue_dma source(%dma_start3A_60 : memref<160x32xi32, #tpu.memory_space<hbm>>) target(%arg12 : memref<160x32xi32, #tpu.memory_space<vmem>>) target_semaphore(%run_scoped3A_56 : memref<!tpu.dma_semaphore, #tpu.memory_space<semaphore_mem>>)
      %dma_wait3A = arith.constant 0 : i32
      %dma_wait3A_61 = tpu.memref_slice %arg4[%mul3A_4, %dma_wait3A] : memref<5120x32xi32, #tpu.memory_space<hbm>> -> memref<160x32xi32, #tpu.memory_space<hbm>>
      %dma_wait3A_62 = arith.constant 0 : i32
      %dma_wait3A_63 = tpu.memref_slice %arg4[%mul3A_4, %dma_wait3A_62] : memref<5120x32xi32, #tpu.memory_space<hbm>> -> memref<160x32xi32, #tpu.memory_space<hbm>>
      tpu.wait_dma2 semaphore(%run_scoped3A_56 : memref<!tpu.dma_semaphore, #tpu.memory_space<semaphore_mem>>) src(%dma_wait3A_63 : memref<160x32xi32, #tpu.memory_space<hbm>>) dst(%arg12 : memref<160x32xi32, #tpu.memory_space<vmem>>)
      tpu.yield
    }) : () -> ()
    %scan3A = arith.constant 0 : i32
    %scan3A_5 = arith.constant 0 : i32
    %scan3A_6 = arith.constant 32 : i32
    %scan3A_7 = arith.addi %scan3A_5, %scan3A_6 : i32
    %scan3A_8 = arith.constant 1 : i32
    scf.for %scan3A_56 = %scan3A_5 to %scan3A_7 step %scan3A_8  : i32 {
      %broadcast_in_dim3A = arith.constant 0.000000e+00 : f32
      %broadcast_in_dim3A_57 = vector.broadcast %broadcast_in_dim3A : f32 to vector<16xf32>
      %swap3A = arith.index_cast %scan3A_56 : i32 to index
      %swap3A_58 = arith.constant 0 : index
      %swap3A_59 = tpu.vector_load %arg14[%swap3A, %swap3A_58] {strides = array<i32>} : memref<32x128xf32, #tpu.memory_space<vmem>>, vector<16xf32>,
      tpu.vector_store %arg14[%swap3A, %swap3A_58], %broadcast_in_dim3A_57 {strides = array<i32>} : memref<32x128xf32, #tpu.memory_space<vmem>>, vector<16xf32>,
      %broadcast_in_dim3A_60 = arith.constant 0.000000e+00 : f32
      %broadcast_in_dim3A_61 = vector.broadcast %broadcast_in_dim3A_60 : f32 to vector<16xf32>
      %swap3A_62 = arith.index_cast %scan3A_56 : i32 to index
      %swap3A_63 = arith.constant 16 : index
      %swap3A_64 = tpu.vector_load %arg14[%swap3A_62, %swap3A_63] {strides = array<i32>} : memref<32x128xf32, #tpu.memory_space<vmem>>, vector<16xf32>,
      tpu.vector_store %arg14[%swap3A_62, %swap3A_63], %broadcast_in_dim3A_61 {strides = array<i32>} : memref<32x128xf32, #tpu.memory_space<vmem>>, vector<16xf32>,
      %broadcast_in_dim3A_65 = arith.constant 0.000000e+00 : f32
      %broadcast_in_dim3A_66 = vector.broadcast %broadcast_in_dim3A_65 : f32 to vector<16xf32>
      %swap3A_67 = arith.index_cast %scan3A_56 : i32 to index
      %swap3A_68 = arith.constant 32 : index
      %swap3A_69 = tpu.vector_load %arg14[%swap3A_67, %swap3A_68] {strides = array<i32>} : memref<32x128xf32, #tpu.memory_space<vmem>>, vector<16xf32>,
      tpu.vector_store %arg14[%swap3A_67, %swap3A_68], %broadcast_in_dim3A_66 {strides = array<i32>} : memref<32x128xf32, #tpu.memory_space<vmem>>, vector<16xf32>,
      %broadcast_in_dim3A_70 = arith.constant 0.000000e+00 : f32
      %broadcast_in_dim3A_71 = vector.broadcast %broadcast_in_dim3A_70 : f32 to vector<16xf32>
      %swap3A_72 = arith.index_cast %scan3A_56 : i32 to index
      %swap3A_73 = arith.constant 48 : index
      %swap3A_74 = tpu.vector_load %arg14[%swap3A_72, %swap3A_73] {strides = array<i32>} : memref<32x128xf32, #tpu.memory_space<vmem>>, vector<16xf32>,
      tpu.vector_store %arg14[%swap3A_72, %swap3A_73], %broadcast_in_dim3A_71 {strides = array<i32>} : memref<32x128xf32, #tpu.memory_space<vmem>>, vector<16xf32>,
      %broadcast_in_dim3A_75 = arith.constant 0.000000e+00 : f32
      %broadcast_in_dim3A_76 = vector.broadcast %broadcast_in_dim3A_75 : f32 to vector<16xf32>
      %swap3A_77 = arith.index_cast %scan3A_56 : i32 to index
      %swap3A_78 = arith.constant 64 : index
      %swap3A_79 = tpu.vector_load %arg14[%swap3A_77, %swap3A_78] {strides = array<i32>} : memref<32x128xf32, #tpu.memory_space<vmem>>, vector<16xf32>,
      tpu.vector_store %arg14[%swap3A_77, %swap3A_78], %broadcast_in_dim3A_76 {strides = array<i32>} : memref<32x128xf32, #tpu.memory_space<vmem>>, vector<16xf32>,
      %broadcast_in_dim3A_80 = arith.constant 0.000000e+00 : f32
      %broadcast_in_dim3A_81 = vector.broadcast %broadcast_in_dim3A_80 : f32 to vector<16xf32>
      %swap3A_82 = arith.index_cast %scan3A_56 : i32 to index
      %swap3A_83 = arith.constant 80 : index
      %swap3A_84 = tpu.vector_load %arg14[%swap3A_82, %swap3A_83] {strides = array<i32>} : memref<32x128xf32, #tpu.memory_space<vmem>>, vector<16xf32>,
      tpu.vector_store %arg14[%swap3A_82, %swap3A_83], %broadcast_in_dim3A_81 {strides = array<i32>} : memref<32x128xf32, #tpu.memory_space<vmem>>, vector<16xf32>,
      %broadcast_in_dim3A_85 = arith.constant 0.000000e+00 : f32
      %broadcast_in_dim3A_86 = vector.broadcast %broadcast_in_dim3A_85 : f32 to vector<16xf32>
      %swap3A_87 = arith.index_cast %scan3A_56 : i32 to index
      %swap3A_88 = arith.constant 96 : index
      %swap3A_89 = tpu.vector_load %arg14[%swap3A_87, %swap3A_88] {strides = array<i32>} : memref<32x128xf32, #tpu.memory_space<vmem>>, vector<16xf32>,
      tpu.vector_store %arg14[%swap3A_87, %swap3A_88], %broadcast_in_dim3A_86 {strides = array<i32>} : memref<32x128xf32, #tpu.memory_space<vmem>>, vector<16xf32>,
      %broadcast_in_dim3A_90 = arith.constant 0.000000e+00 : f32
      %broadcast_in_dim3A_91 = vector.broadcast %broadcast_in_dim3A_90 : f32 to vector<16xf32>
      %swap3A_92 = arith.index_cast %scan3A_56 : i32 to index
      %swap3A_93 = arith.constant 112 : index
      %swap3A_94 = tpu.vector_load %arg14[%swap3A_92, %swap3A_93] {strides = array<i32>} : memref<32x128xf32, #tpu.memory_space<vmem>>, vector<16xf32>,
      tpu.vector_store %arg14[%swap3A_92, %swap3A_93], %broadcast_in_dim3A_91 {strides = array<i32>} : memref<32x128xf32, #tpu.memory_space<vmem>>, vector<16xf32>,
    }
    %scan3A_9 = arith.constant 32 : i32
    %scan3A_10 = arith.constant 0 : i32
    %scan3A_11 = arith.constant 0 : i32
    %scan3A_12 = arith.constant 20 : i32
    %scan3A_13 = arith.addi %scan3A_11, %scan3A_12 : i32
    %scan3A_14 = arith.constant 1 : i32
    scf.for %scan3A_56 = %scan3A_11 to %scan3A_13 step %scan3A_14  : i32 {
      %mul3A_57 = arith.constant 640 : i32
      %mul3A_58 = arith.muli %arg1, %mul3A_57 : i32
      %mul3A_59 = arith.constant 32 : i32
      %mul3A_60 = arith.muli %scan3A_56, %mul3A_59 : i32
      %add3A_61 = arith.addi %mul3A_58, %mul3A_60 : i32
      "tpu.region"() ({
        %run_scoped3A_62 = tpu.sem_alloc : memref<!tpu.dma_semaphore, #tpu.memory_space<semaphore_mem>>
        %dma_start3A_63 = arith.constant 0 : i32
        %dma_start3A_64 = tpu.memref_slice %arg15[%add3A_61, %dma_start3A_63] : memref<10240x128xf32, #tpu.memory_space<vmem_shared>> -> memref<32x128xf32, #tpu.memory_space<vmem_shared>>
        %dma_start3A_65 = arith.constant 0 : i32
        %dma_start3A_66 = tpu.memref_slice %arg15[%add3A_61, %dma_start3A_65] : memref<10240x128xf32, #tpu.memory_space<vmem_shared>> -> memref<32x128xf32, #tpu.memory_space<vmem_shared>>
        tpu.enqueue_dma source(%arg14 : memref<32x128xf32, #tpu.memory_space<vmem>>) target(%dma_start3A_66 : memref<32x128xf32, #tpu.memory_space<vmem_shared>>) target_semaphore(%run_scoped3A_62 : memref<!tpu.dma_semaphore, #tpu.memory_space<semaphore_mem>>)
        %dma_wait3A = arith.constant 0 : i32
        %dma_wait3A_67 = tpu.memref_slice %arg15[%add3A_61, %dma_wait3A] : memref<10240x128xf32, #tpu.memory_space<vmem_shared>> -> memref<32x128xf32, #tpu.memory_space<vmem_shared>>
        %dma_wait3A_68 = arith.constant 0 : i32
        %dma_wait3A_69 = tpu.memref_slice %arg15[%add3A_61, %dma_wait3A_68] : memref<10240x128xf32, #tpu.memory_space<vmem_shared>> -> memref<32x128xf32, #tpu.memory_space<vmem_shared>>
        tpu.wait_dma2 semaphore(%run_scoped3A_62 : memref<!tpu.dma_semaphore, #tpu.memory_space<semaphore_mem>>) src(%arg14 : memref<32x128xf32, #tpu.memory_space<vmem>>) dst(%dma_wait3A_69 : memref<32x128xf32, #tpu.memory_space<vmem_shared>>)
        tpu.yield
      }) : () -> ()
    }
    %scan3A_15 = arith.constant 20 : i32
    %barrier3A = arith.constant 0 : index
    tpu.barrier barrier_id(%barrier3A)
    %mul3A_16 = arith.constant 5120 : i32
    %mul3A_17 = arith.muli %add3A, %mul3A_16 : i32
    %add3A_18 = arith.constant 0 : i32
    %add3A_19 = arith.addi %mul3A_17, %add3A_18 : i32
    %run_scoped3A = arith.constant 0 : i32
    "tpu.region"() ({
      %run_scoped3A_56 = tpu.sem_alloc : memref<!tpu.dma_semaphore, #tpu.memory_space<semaphore_mem>>
      %dma_start3A_57 = arith.constant 0 : i32
      %dma_start3A_58 = arith.constant 0 : i32
      %dma_start3A_59 = tpu.memref_slice %arg9[%run_scoped3A, %dma_start3A_57, %dma_start3A_58] : memref<2x32x16xf32, #tpu.memory_space<vmem>> -> memref<1x32x16xf32, #tpu.memory_space<vmem>>
      %dma_start3A_60 = tpu.memref_squeeze %dma_start3A_59 : memref<1x32x16xf32, #tpu.memory_space<vmem>> -> memref<32x16xf32, #tpu.memory_space<vmem>>
      %dma_start3A_61 = arith.constant 0 : i32
      %dma_start3A_62 = tpu.memref_slice %arg2[%add3A_19, %dma_start3A_61] : memref<163840x16xf32, #tpu.memory_space<hbm>> -> memref<32x16xf32, #tpu.memory_space<hbm>>
      %dma_start3A_63 = arith.constant 0 : i32
      %dma_start3A_64 = arith.constant 0 : i32
      %dma_start3A_65 = tpu.memref_slice %arg9[%run_scoped3A, %dma_start3A_63, %dma_start3A_64] : memref<2x32x16xf32, #tpu.memory_space<vmem>> -> memref<1x32x16xf32, #tpu.memory_space<vmem>>
      %dma_start3A_66 = tpu.memref_squeeze %dma_start3A_65 : memref<1x32x16xf32, #tpu.memory_space<vmem>> -> memref<32x16xf32, #tpu.memory_space<vmem>>
      %dma_start3A_67 = arith.constant 0 : i32
      %dma_start3A_68 = tpu.memref_slice %arg2[%add3A_19, %dma_start3A_67] : memref<163840x16xf32, #tpu.memory_space<hbm>> -> memref<32x16xf32, #tpu.memory_space<hbm>>
      tpu.enqueue_dma source(%dma_start3A_68 : memref<32x16xf32, #tpu.memory_space<hbm>>) target(%dma_start3A_66 : memref<32x16xf32, #tpu.memory_space<vmem>>) target_semaphore(%run_scoped3A_56 : memref<!tpu.dma_semaphore, #tpu.memory_space<semaphore_mem>>)
      %dma_wait3A = arith.constant 0 : i32
      %dma_wait3A_69 = arith.constant 0 : i32
      %dma_wait3A_70 = tpu.memref_slice %arg9[%run_scoped3A, %dma_wait3A, %dma_wait3A_69] : memref<2x32x16xf32, #tpu.memory_space<vmem>> -> memref<1x32x16xf32, #tpu.memory_space<vmem>>
      %dma_wait3A_71 = tpu.memref_squeeze %dma_wait3A_70 : memref<1x32x16xf32, #tpu.memory_space<vmem>> -> memref<32x16xf32, #tpu.memory_space<vmem>>
      %dma_wait3A_72 = arith.constant 0 : i32
      %dma_wait3A_73 = tpu.memref_slice %arg2[%add3A_19, %dma_wait3A_72] : memref<163840x16xf32, #tpu.memory_space<hbm>> -> memref<32x16xf32, #tpu.memory_space<hbm>>
      %dma_wait3A_74 = arith.constant 0 : i32
      %dma_wait3A_75 = arith.constant 0 : i32
      %dma_wait3A_76 = tpu.memref_slice %arg9[%run_scoped3A, %dma_wait3A_74, %dma_wait3A_75] : memref<2x32x16xf32, #tpu.memory_space<vmem>> -> memref<1x32x16xf32, #tpu.memory_space<vmem>>
      %dma_wait3A_77 = tpu.memref_squeeze %dma_wait3A_76 : memref<1x32x16xf32, #tpu.memory_space<vmem>> -> memref<32x16xf32, #tpu.memory_space<vmem>>
      %dma_wait3A_78 = arith.constant 0 : i32
      %dma_wait3A_79 = tpu.memref_slice %arg2[%add3A_19, %dma_wait3A_78] : memref<163840x16xf32, #tpu.memory_space<hbm>> -> memref<32x16xf32, #tpu.memory_space<hbm>>
      tpu.wait_dma2 semaphore(%run_scoped3A_56 : memref<!tpu.dma_semaphore, #tpu.memory_space<semaphore_mem>>) src(%dma_wait3A_79 : memref<32x16xf32, #tpu.memory_space<hbm>>) dst(%dma_wait3A_77 : memref<32x16xf32, #tpu.memory_space<vmem>>)
      tpu.yield
    }) : () -> ()
    %dma_start3A = arith.constant 0 : i32
    %dma_start3A_20 = arith.constant 0 : i32
    %dma_start3A_21 = arith.constant 0 : i32
    %dma_start3A_22 = arith.constant 0 : i32
    %dma_start3A_23 = tpu.memref_slice %arg13[%dma_start3A_20, %dma_start3A_21, %dma_start3A_22] : memref<2x32x1024xbf16, #tpu.memory_space<vmem>> -> memref<1x32x1024xbf16, #tpu.memory_space<vmem>>
    %dma_start3A_24 = tpu.memref_squeeze %dma_start3A_23 : memref<1x32x1024xbf16, #tpu.memory_space<vmem>> -> memref<32x1024xbf16, #tpu.memory_space<vmem>>
    %dma_start3A_25 = arith.constant 0 : i32
    %dma_start3A_26 = tpu.memref_slice %arg11[%dma_start3A, %dma_start3A_25] : memref<160x32xi32, #tpu.memory_space<vmem>> -> memref<1x32xi32, #tpu.memory_space<vmem>>
    %dma_start3A_27 = tpu.memref_squeeze %dma_start3A_26 : memref<1x32xi32, #tpu.memory_space<vmem>> -> memref<32xi32, #tpu.memory_space<vmem>>
    %dma_start3A_28 = arith.constant 0 : i32
    %dma_start3A_29 = arith.constant 0 : i32
    %dma_start3A_30 = tpu.memref_slice %arg5[%dma_start3A_28, %dma_start3A_29] : memref<10000x1024xbf16, #tpu.memory_space<hbm>> -> memref<10000x1024xbf16, #tpu.memory_space<hbm>>
    tpu.enqueue_indirect_dma source(%dma_start3A_30 : memref<10000x1024xbf16, #tpu.memory_space<hbm>>) target(%dma_start3A_24 : memref<32x1024xbf16, #tpu.memory_space<vmem>>) offsets(%dma_start3A_27 : memref<32xi32, #tpu.memory_space<vmem>>) semaphore(%arg16 : memref<!tpu.dma_semaphore, #tpu.memory_space<semaphore_mem>>)
    %dma_start3A_31 = arith.constant 0 : i32
    %dma_start3A_32 = arith.constant 0 : i32
    %dma_start3A_33 = arith.constant 0 : i32
    %dma_start3A_34 = arith.constant 0 : i32
    %dma_start3A_35 = tpu.memref_slice %arg10[%dma_start3A_32, %dma_start3A_33, %dma_start3A_34] : memref<2x32x16xf32, #tpu.memory_space<vmem>> -> memref<1x32x16xf32, #tpu.memory_space<vmem>>
    %dma_start3A_36 = tpu.memref_squeeze %dma_start3A_35 : memref<1x32x16xf32, #tpu.memory_space<vmem>> -> memref<32x16xf32, #tpu.memory_space<vmem>>
    %dma_start3A_37 = arith.constant 0 : i32
    %dma_start3A_38 = tpu.memref_slice %arg12[%dma_start3A_31, %dma_start3A_37] : memref<160x32xi32, #tpu.memory_space<vmem>> -> memref<1x32xi32, #tpu.memory_space<vmem>>
    %dma_start3A_39 = tpu.memref_squeeze %dma_start3A_38 : memref<1x32xi32, #tpu.memory_space<vmem>> -> memref<32xi32, #tpu.memory_space<vmem>>
    %dma_start3A_40 = arith.constant 0 : i32
    %dma_start3A_41 = arith.constant 0 : i32
    %dma_start3A_42 = tpu.memref_slice %arg6[%dma_start3A_40, %dma_start3A_41] : memref<10240x16xf32, #tpu.memory_space<hbm>> -> memref<10240x16xf32, #tpu.memory_space<hbm>>
    tpu.enqueue_indirect_dma source(%dma_start3A_42 : memref<10240x16xf32, #tpu.memory_space<hbm>>) target(%dma_start3A_36 : memref<32x16xf32, #tpu.memory_space<vmem>>) offsets(%dma_start3A_39 : memref<32xi32, #tpu.memory_space<vmem>>) semaphore(%arg18 : memref<!tpu.dma_semaphore, #tpu.memory_space<semaphore_mem>>)
    %scan3A_43 = arith.constant 0 : i32
    %scan3A_44 = arith.constant 0 : i32
    %scan3A_45 = arith.constant 80 : i32
    %scan3A_46 = arith.addi %scan3A_44, %scan3A_45 : i32
    %scan3A_47 = arith.constant 1 : i32
    scf.for %scan3A_56 = %scan3A_44 to %scan3A_46 step %scan3A_47  : i32 {
      %mul3A_57 = arith.constant 2 : i32
      %mul3A_58 = arith.muli %mul3A_57, %scan3A_56 : i32
      %add3A_59 = arith.constant 1 : i32
      %add3A_60 = arith.addi %mul3A_58, %add3A_59 : i32
      %mul3A_61 = arith.constant 5120 : i32
      %mul3A_62 = arith.muli %add3A, %mul3A_61 : i32
      %mul3A_63 = arith.constant 32 : i32
      %mul3A_64 = arith.muli %add3A_60, %mul3A_63 : i32
      %add3A_65 = arith.addi %mul3A_62, %mul3A_64 : i32
      %run_scoped3A_66 = arith.constant 1 : i32
      "tpu.region"() ({
        %run_scoped3A_154 = tpu.sem_alloc : memref<!tpu.dma_semaphore, #tpu.memory_space<semaphore_mem>>
        %dma_start3A_155 = arith.constant 0 : i32
        %dma_start3A_156 = arith.constant 0 : i32
        %dma_start3A_157 = tpu.memref_slice %arg9[%run_scoped3A_66, %dma_start3A_155, %dma_start3A_156] : memref<2x32x16xf32, #tpu.memory_space<vmem>> -> memref<1x32x16xf32, #tpu.memory_space<vmem>>
        %dma_start3A_158 = tpu.memref_squeeze %dma_start3A_157 : memref<1x32x16xf32, #tpu.memory_space<vmem>> -> memref<32x16xf32, #tpu.memory_space<vmem>>
        %dma_start3A_159 = arith.constant 0 : i32
        %dma_start3A_160 = tpu.memref_slice %arg2[%add3A_65, %dma_start3A_159] : memref<163840x16xf32, #tpu.memory_space<hbm>> -> memref<32x16xf32, #tpu.memory_space<hbm>>
        %dma_start3A_161 = arith.constant 0 : i32
        %dma_start3A_162 = arith.constant 0 : i32
        %dma_start3A_163 = tpu.memref_slice %arg9[%run_scoped3A_66, %dma_start3A_161, %dma_start3A_162] : memref<2x32x16xf32, #tpu.memory_space<vmem>> -> memref<1x32x16xf32, #tpu.memory_space<vmem>>
        %dma_start3A_164 = tpu.memref_squeeze %dma_start3A_163 : memref<1x32x16xf32, #tpu.memory_space<vmem>> -> memref<32x16xf32, #tpu.memory_space<vmem>>
        %dma_start3A_165 = arith.constant 0 : i32
        %dma_start3A_166 = tpu.memref_slice %arg2[%add3A_65, %dma_start3A_165] : memref<163840x16xf32, #tpu.memory_space<hbm>> -> memref<32x16xf32, #tpu.memory_space<hbm>>
        tpu.enqueue_dma source(%dma_start3A_166 : memref<32x16xf32, #tpu.memory_space<hbm>>) target(%dma_start3A_164 : memref<32x16xf32, #tpu.memory_space<vmem>>) target_semaphore(%run_scoped3A_154 : memref<!tpu.dma_semaphore, #tpu.memory_space<semaphore_mem>>)
        %dma_wait3A_167 = arith.constant 0 : i32
        %dma_wait3A_168 = arith.constant 0 : i32
        %dma_wait3A_169 = tpu.memref_slice %arg9[%run_scoped3A_66, %dma_wait3A_167, %dma_wait3A_168] : memref<2x32x16xf32, #tpu.memory_space<vmem>> -> memref<1x32x16xf32, #tpu.memory_space<vmem>>
        %dma_wait3A_170 = tpu.memref_squeeze %dma_wait3A_169 : memref<1x32x16xf32, #tpu.memory_space<vmem>> -> memref<32x16xf32, #tpu.memory_space<vmem>>
        %dma_wait3A_171 = arith.constant 0 : i32
        %dma_wait3A_172 = tpu.memref_slice %arg2[%add3A_65, %dma_wait3A_171] : memref<163840x16xf32, #tpu.memory_space<hbm>> -> memref<32x16xf32, #tpu.memory_space<hbm>>
        %dma_wait3A_173 = arith.constant 0 : i32
        %dma_wait3A_174 = arith.constant 0 : i32
        %dma_wait3A_175 = tpu.memref_slice %arg9[%run_scoped3A_66, %dma_wait3A_173, %dma_wait3A_174] : memref<2x32x16xf32, #tpu.memory_space<vmem>> -> memref<1x32x16xf32, #tpu.memory_space<vmem>>
        %dma_wait3A_176 = tpu.memref_squeeze %dma_wait3A_175 : memref<1x32x16xf32, #tpu.memory_space<vmem>> -> memref<32x16xf32, #tpu.memory_space<vmem>>
        %dma_wait3A_177 = arith.constant 0 : i32
        %dma_wait3A_178 = tpu.memref_slice %arg2[%add3A_65, %dma_wait3A_177] : memref<163840x16xf32, #tpu.memory_space<hbm>> -> memref<32x16xf32, #tpu.memory_space<hbm>>
        tpu.wait_dma2 semaphore(%run_scoped3A_154 : memref<!tpu.dma_semaphore, #tpu.memory_space<semaphore_mem>>) src(%dma_wait3A_178 : memref<32x16xf32, #tpu.memory_space<hbm>>) dst(%dma_wait3A_176 : memref<32x16xf32, #tpu.memory_space<vmem>>)
        tpu.yield
      }) : () -> ()
      %dma_start3A_67 = arith.constant 1 : i32
      %dma_start3A_68 = arith.constant 0 : i32
      %dma_start3A_69 = arith.constant 0 : i32
      %dma_start3A_70 = tpu.memref_slice %arg13[%dma_start3A_67, %dma_start3A_68, %dma_start3A_69] : memref<2x32x1024xbf16, #tpu.memory_space<vmem>> -> memref<1x32x1024xbf16, #tpu.memory_space<vmem>>
      %dma_start3A_71 = tpu.memref_squeeze %dma_start3A_70 : memref<1x32x1024xbf16, #tpu.memory_space<vmem>> -> memref<32x1024xbf16, #tpu.memory_space<vmem>>
      %dma_start3A_72 = arith.constant 0 : i32
      %dma_start3A_73 = tpu.memref_slice %arg11[%add3A_60, %dma_start3A_72] : memref<160x32xi32, #tpu.memory_space<vmem>> -> memref<1x32xi32, #tpu.memory_space<vmem>>
      %dma_start3A_74 = tpu.memref_squeeze %dma_start3A_73 : memref<1x32xi32, #tpu.memory_space<vmem>> -> memref<32xi32, #tpu.memory_space<vmem>>
      %dma_start3A_75 = arith.constant 0 : i32
      %dma_start3A_76 = arith.constant 0 : i32
      %dma_start3A_77 = tpu.memref_slice %arg5[%dma_start3A_75, %dma_start3A_76] : memref<10000x1024xbf16, #tpu.memory_space<hbm>> -> memref<10000x1024xbf16, #tpu.memory_space<hbm>>
      tpu.enqueue_indirect_dma source(%dma_start3A_77 : memref<10000x1024xbf16, #tpu.memory_space<hbm>>) target(%dma_start3A_71 : memref<32x1024xbf16, #tpu.memory_space<vmem>>) offsets(%dma_start3A_74 : memref<32xi32, #tpu.memory_space<vmem>>) semaphore(%arg17 : memref<!tpu.dma_semaphore, #tpu.memory_space<semaphore_mem>>)
      %dma_start3A_78 = arith.constant 1 : i32
      %dma_start3A_79 = arith.constant 0 : i32
      %dma_start3A_80 = arith.constant 0 : i32
      %dma_start3A_81 = tpu.memref_slice %arg10[%dma_start3A_78, %dma_start3A_79, %dma_start3A_80] : memref<2x32x16xf32, #tpu.memory_space<vmem>> -> memref<1x32x16xf32, #tpu.memory_space<vmem>>
      %dma_start3A_82 = tpu.memref_squeeze %dma_start3A_81 : memref<1x32x16xf32, #tpu.memory_space<vmem>> -> memref<32x16xf32, #tpu.memory_space<vmem>>
      %dma_start3A_83 = arith.constant 0 : i32
      %dma_start3A_84 = tpu.memref_slice %arg12[%add3A_60, %dma_start3A_83] : memref<160x32xi32, #tpu.memory_space<vmem>> -> memref<1x32xi32, #tpu.memory_space<vmem>>
      %dma_start3A_85 = tpu.memref_squeeze %dma_start3A_84 : memref<1x32xi32, #tpu.memory_space<vmem>> -> memref<32xi32, #tpu.memory_space<vmem>>
      %dma_start3A_86 = arith.constant 0 : i32
      %dma_start3A_87 = arith.constant 0 : i32
      %dma_start3A_88 = tpu.memref_slice %arg6[%dma_start3A_86, %dma_start3A_87] : memref<10240x16xf32, #tpu.memory_space<hbm>> -> memref<10240x16xf32, #tpu.memory_space<hbm>>
      tpu.enqueue_indirect_dma source(%dma_start3A_88 : memref<10240x16xf32, #tpu.memory_space<hbm>>) target(%dma_start3A_82 : memref<32x16xf32, #tpu.memory_space<vmem>>) offsets(%dma_start3A_85 : memref<32xi32, #tpu.memory_space<vmem>>) semaphore(%arg19 : memref<!tpu.dma_semaphore, #tpu.memory_space<semaphore_mem>>)
      %mul3A_89 = arith.constant 2 : i32
      %mul3A_90 = arith.muli %mul3A_89, %scan3A_56 : i32
      %dma_wait3A = arith.constant 0 : i32
      %dma_wait3A_91 = arith.constant 0 : i32
      %dma_wait3A_92 = arith.constant 0 : i32
      %dma_wait3A_93 = tpu.memref_slice %arg13[%dma_wait3A, %dma_wait3A_91, %dma_wait3A_92] : memref<2x32x1024xbf16, #tpu.memory_space<vmem>> -> memref<1x32x1024xbf16, #tpu.memory_space<vmem>>
      %dma_wait3A_94 = tpu.memref_squeeze %dma_wait3A_93 : memref<1x32x1024xbf16, #tpu.memory_space<vmem>> -> memref<32x1024xbf16, #tpu.memory_space<vmem>>
      %dma_wait3A_95 = arith.constant 0 : i32
      %dma_wait3A_96 = tpu.memref_slice %arg11[%mul3A_90, %dma_wait3A_95] : memref<160x32xi32, #tpu.memory_space<vmem>> -> memref<1x32xi32, #tpu.memory_space<vmem>>
      %dma_wait3A_97 = tpu.memref_squeeze %dma_wait3A_96 : memref<1x32xi32, #tpu.memory_space<vmem>> -> memref<32xi32, #tpu.memory_space<vmem>>
      %dma_wait3A_98 = arith.constant 0 : i32
      %dma_wait3A_99 = arith.constant 0 : i32
      %dma_wait3A_100 = tpu.memref_slice %arg5[%dma_wait3A_98, %dma_wait3A_99] : memref<10000x1024xbf16, #tpu.memory_space<hbm>> -> memref<10000x1024xbf16, #tpu.memory_space<hbm>>
      tpu.wait_indirect_dma semaphore(%arg16 : memref<!tpu.dma_semaphore, #tpu.memory_space<semaphore_mem>>) src(%dma_wait3A_100 : memref<10000x1024xbf16, #tpu.memory_space<hbm>>) dst(%dma_wait3A_94 : memref<32x1024xbf16, #tpu.memory_space<vmem>>)
      %dma_wait3A_101 = arith.constant 0 : i32
      %dma_wait3A_102 = arith.constant 0 : i32
      %dma_wait3A_103 = arith.constant 0 : i32
      %dma_wait3A_104 = tpu.memref_slice %arg10[%dma_wait3A_101, %dma_wait3A_102, %dma_wait3A_103] : memref<2x32x16xf32, #tpu.memory_space<vmem>> -> memref<1x32x16xf32, #tpu.memory_space<vmem>>
      %dma_wait3A_105 = tpu.memref_squeeze %dma_wait3A_104 : memref<1x32x16xf32, #tpu.memory_space<vmem>> -> memref<32x16xf32, #tpu.memory_space<vmem>>
      %dma_wait3A_106 = arith.constant 0 : i32
      %dma_wait3A_107 = tpu.memref_slice %arg12[%mul3A_90, %dma_wait3A_106] : memref<160x32xi32, #tpu.memory_space<vmem>> -> memref<1x32xi32, #tpu.memory_space<vmem>>
      %dma_wait3A_108 = tpu.memref_squeeze %dma_wait3A_107 : memref<1x32xi32, #tpu.memory_space<vmem>> -> memref<32xi32, #tpu.memory_space<vmem>>
      %dma_wait3A_109 = arith.constant 0 : i32
      %dma_wait3A_110 = arith.constant 0 : i32
      %dma_wait3A_111 = tpu.memref_slice %arg6[%dma_wait3A_109, %dma_wait3A_110] : memref<10240x16xf32, #tpu.memory_space<hbm>> -> memref<10240x16xf32, #tpu.memory_space<hbm>>
      tpu.wait_indirect_dma semaphore(%arg18 : memref<!tpu.dma_semaphore, #tpu.memory_space<semaphore_mem>>) src(%dma_wait3A_111 : memref<10240x16xf32, #tpu.memory_space<hbm>>) dst(%dma_wait3A_105 : memref<32x16xf32, #tpu.memory_space<vmem>>)
      %scan3A_112 = arith.constant 0 : i32
      %scan3A_113 = arith.constant 0 : i32
      %scan3A_114 = arith.constant 32 : i32
      %scan3A_115 = arith.addi %scan3A_113, %scan3A_114 : i32
      %scan3A_116 = arith.constant 1 : i32
      scf.for %scan3A_154 = %scan3A_113 to %scan3A_115 step %scan3A_116  : i32 {
        %get3A = arith.constant 0 : i32
        %get3A_155 = arith.index_cast %get3A : i32 to index
        %get3A_156 = arith.index_cast %scan3A_154 : i32 to index
        %get3A_157 = arith.constant 0 : index
        %get3A_158 = tpu.vector_load %arg9[%get3A_155, %get3A_156, %get3A_157] {strides = array<i32>} : memref<2x32x16xf32, #tpu.memory_space<vmem>>, vector<16xf32>,
        %exp3A = math.exp %get3A_158 : vector<16xf32>
        %get3A_159 = arith.constant 0 : i32
        %get3A_160 = arith.index_cast %get3A_159 : i32 to index
        %get3A_161 = arith.index_cast %scan3A_154 : i32 to index
        %get3A_162 = arith.constant 0 : index
        %get3A_163 = tpu.vector_load %arg10[%get3A_160, %get3A_161, %get3A_162] {strides = array<i32>} : memref<2x32x16xf32, #tpu.memory_space<vmem>>, vector<16xf32>,
        %mul3A_164 = arith.mulf %exp3A, %get3A_163 : vector<16xf32>
        %broadcast_in_dim3A = arith.constant 0.000000e+00 : f32
        %broadcast_in_dim3A_165 = vector.broadcast %broadcast_in_dim3A : f32 to vector<16xf32>
        %broadcast_in_dim3A_166 = arith.constant 0.000000e+00 : f32
        %broadcast_in_dim3A_167 = vector.broadcast %broadcast_in_dim3A_166 : f32 to vector<16xf32>
        %broadcast_in_dim3A_168 = arith.constant 0.000000e+00 : f32
        %broadcast_in_dim3A_169 = vector.broadcast %broadcast_in_dim3A_168 : f32 to vector<16xf32>
        %broadcast_in_dim3A_170 = arith.constant 0.000000e+00 : f32
        %broadcast_in_dim3A_171 = vector.broadcast %broadcast_in_dim3A_170 : f32 to vector<16xf32>
        %broadcast_in_dim3A_172 = arith.constant 0.000000e+00 : f32
        %broadcast_in_dim3A_173 = vector.broadcast %broadcast_in_dim3A_172 : f32 to vector<16xf32>
        %broadcast_in_dim3A_174 = arith.constant 0.000000e+00 : f32
        %broadcast_in_dim3A_175 = vector.broadcast %broadcast_in_dim3A_174 : f32 to vector<16xf32>
        %broadcast_in_dim3A_176 = arith.constant 0.000000e+00 : f32
        %broadcast_in_dim3A_177 = vector.broadcast %broadcast_in_dim3A_176 : f32 to vector<16xf32>
        %broadcast_in_dim3A_178 = arith.constant 0.000000e+00 : f32
        %broadcast_in_dim3A_179 = vector.broadcast %broadcast_in_dim3A_178 : f32 to vector<16xf32>
        %slice3A = vector.extract_strided_slice %mul3A_164 {offsets = [0], sizes = [1], strides = [1]} : vector<16xf32> to vector<1xf32>
        %squeeze3A = vector.extract %slice3A[0] : f32 from vector<1xf32>
        %broadcast_in_dim3A_180 = vector.broadcast %squeeze3A : f32 to vector<16xf32>
        %pack3A = tpu.pack_subelements %broadcast_in_dim3A_180, %broadcast_in_dim3A_180 {pack_format = #tpu.pack_format<interleaved>, positions = array<i32: 0, 1>} : vector<16xf32>, vector<16xf32> -> vector<32xbf16>
        %get3A_181 = arith.constant 0 : i32
        %get3A_182 = arith.index_cast %get3A_181 : i32 to index
        %get3A_183 = arith.index_cast %scan3A_154 : i32 to index
        %get3A_184 = arith.constant 0 : index
        %get3A_185 = tpu.vector_load %arg13[%get3A_182, %get3A_183, %get3A_184] {strides = array<i32>} : memref<2x32x1024xbf16, #tpu.memory_space<vmem>>, vector<32xbf16>,
        %mul3A_186 = arith.mulf %get3A_185, %pack3A : vector<32xbf16>
        %unpack3A = tpu.unpack_subelements %mul3A_186, 0 {pack_format = #tpu.pack_format<interleaved>} : vector<32xbf16> -> vector<16xf32>
        %unpack3A_187 = tpu.unpack_subelements %mul3A_186, 1 {pack_format = #tpu.pack_format<interleaved>} : vector<32xbf16> -> vector<16xf32>
        %add3A_188 = arith.addf %broadcast_in_dim3A_165, %unpack3A : vector<16xf32>
        %add3A_189 = arith.addf %broadcast_in_dim3A_167, %unpack3A_187 : vector<16xf32>
        %get3A_190 = arith.constant 0 : i32
        %get3A_191 = arith.index_cast %get3A_190 : i32 to index
        %get3A_192 = arith.index_cast %scan3A_154 : i32 to index
        %get3A_193 = arith.constant 32 : index
        %get3A_194 = tpu.vector_load %arg13[%get3A_191, %get3A_192, %get3A_193] {strides = array<i32>} : memref<2x32x1024xbf16, #tpu.memory_space<vmem>>, vector<32xbf16>,
        %mul3A_195 = arith.mulf %get3A_194, %pack3A : vector<32xbf16>
        %unpack3A_196 = tpu.unpack_subelements %mul3A_195, 0 {pack_format = #tpu.pack_format<interleaved>} : vector<32xbf16> -> vector<16xf32>
        %unpack3A_197 = tpu.unpack_subelements %mul3A_195, 1 {pack_format = #tpu.pack_format<interleaved>} : vector<32xbf16> -> vector<16xf32>
        %add3A_198 = arith.addf %broadcast_in_dim3A_169, %unpack3A_196 : vector<16xf32>
        %add3A_199 = arith.addf %broadcast_in_dim3A_171, %unpack3A_197 : vector<16xf32>
        %get3A_200 = arith.constant 0 : i32
        %get3A_201 = arith.index_cast %get3A_200 : i32 to index
        %get3A_202 = arith.index_cast %scan3A_154 : i32 to index
        %get3A_203 = arith.constant 64 : index
        %get3A_204 = tpu.vector_load %arg13[%get3A_201, %get3A_202, %get3A_203] {strides = array<i32>} : memref<2x32x1024xbf16, #tpu.memory_space<vmem>>, vector<32xbf16>,
        %mul3A_205 = arith.mulf %get3A_204, %pack3A : vector<32xbf16>
        %unpack3A_206 = tpu.unpack_subelements %mul3A_205, 0 {pack_format = #tpu.pack_format<interleaved>} : vector<32xbf16> -> vector<16xf32>
        %unpack3A_207 = tpu.unpack_subelements %mul3A_205, 1 {pack_format = #tpu.pack_format<interleaved>} : vector<32xbf16> -> vector<16xf32>
        %add3A_208 = arith.addf %broadcast_in_dim3A_173, %unpack3A_206 : vector<16xf32>
        %add3A_209 = arith.addf %broadcast_in_dim3A_175, %unpack3A_207 : vector<16xf32>
        %get3A_210 = arith.constant 0 : i32
        %get3A_211 = arith.index_cast %get3A_210 : i32 to index
        %get3A_212 = arith.index_cast %scan3A_154 : i32 to index
        %get3A_213 = arith.constant 96 : index
        %get3A_214 = tpu.vector_load %arg13[%get3A_211, %get3A_212, %get3A_213] {strides = array<i32>} : memref<2x32x1024xbf16, #tpu.memory_space<vmem>>, vector<32xbf16>,
        %mul3A_215 = arith.mulf %get3A_214, %pack3A : vector<32xbf16>
        %unpack3A_216 = tpu.unpack_subelements %mul3A_215, 0 {pack_format = #tpu.pack_format<interleaved>} : vector<32xbf16> -> vector<16xf32>
        %unpack3A_217 = tpu.unpack_subelements %mul3A_215, 1 {pack_format = #tpu.pack_format<interleaved>} : vector<32xbf16> -> vector<16xf32>
        %add3A_218 = arith.addf %broadcast_in_dim3A_177, %unpack3A_216 : vector<16xf32>
        %add3A_219 = arith.addf %broadcast_in_dim3A_179, %unpack3A_217 : vector<16xf32>
        %slice3A_220 = vector.extract_strided_slice %mul3A_164 {offsets = [1], sizes = [1], strides = [1]} : vector<16xf32> to vector<1xf32>
        %squeeze3A_221 = vector.extract %slice3A_220[0] : f32 from vector<1xf32>
        %broadcast_in_dim3A_222 = vector.broadcast %squeeze3A_221 : f32 to vector<16xf32>
        %pack3A_223 = tpu.pack_subelements %broadcast_in_dim3A_222, %broadcast_in_dim3A_222 {pack_format = #tpu.pack_format<interleaved>, positions = array<i32: 0, 1>} : vector<16xf32>, vector<16xf32> -> vector<32xbf16>
        %get3A_224 = arith.constant 0 : i32
        %get3A_225 = arith.index_cast %get3A_224 : i32 to index
        %get3A_226 = arith.index_cast %scan3A_154 : i32 to index
        %get3A_227 = arith.constant 128 : index
        %get3A_228 = tpu.vector_load %arg13[%get3A_225, %get3A_226, %get3A_227] {strides = array<i32>} : memref<2x32x1024xbf16, #tpu.memory_space<vmem>>, vector<32xbf16>,
        %mul3A_229 = arith.mulf %get3A_228, %pack3A_223 : vector<32xbf16>
        %unpack3A_230 = tpu.unpack_subelements %mul3A_229, 0 {pack_format = #tpu.pack_format<interleaved>} : vector<32xbf16> -> vector<16xf32>
        %unpack3A_231 = tpu.unpack_subelements %mul3A_229, 1 {pack_format = #tpu.pack_format<interleaved>} : vector<32xbf16> -> vector<16xf32>
        %add3A_232 = arith.addf %add3A_188, %unpack3A_230 : vector<16xf32>
        %add3A_233 = arith.addf %add3A_189, %unpack3A_231 : vector<16xf32>
        %get3A_234 = arith.constant 0 : i32
        %get3A_235 = arith.index_cast %get3A_234 : i32 to index
        %get3A_236 = arith.index_cast %scan3A_154 : i32 to index
        %get3A_237 = arith.constant 160 : index
        %get3A_238 = tpu.vector_load %arg13[%get3A_235, %get3A_236, %get3A_237] {strides = array<i32>} : memref<2x32x1024xbf16, #tpu.memory_space<vmem>>, vector<32xbf16>,
        %mul3A_239 = arith.mulf %get3A_238, %pack3A_223 : vector<32xbf16>
        %unpack3A_240 = tpu.unpack_subelements %mul3A_239, 0 {pack_format = #tpu.pack_format<interleaved>} : vector<32xbf16> -> vector<16xf32>
        %unpack3A_241 = tpu.unpack_subelements %mul3A_239, 1 {pack_format = #tpu.pack_format<interleaved>} : vector<32xbf16> -> vector<16xf32>
        %add3A_242 = arith.addf %add3A_198, %unpack3A_240 : vector<16xf32>
        %add3A_243 = arith.addf %add3A_199, %unpack3A_241 : vector<16xf32>
        %get3A_244 = arith.constant 0 : i32
        %get3A_245 = arith.index_cast %get3A_244 : i32 to index
        %get3A_246 = arith.index_cast %scan3A_154 : i32 to index
        %get3A_247 = arith.constant 192 : index
        %get3A_248 = tpu.vector_load %arg13[%get3A_245, %get3A_246, %get3A_247] {strides = array<i32>} : memref<2x32x1024xbf16, #tpu.memory_space<vmem>>, vector<32xbf16>,
        %mul3A_249 = arith.mulf %get3A_248, %pack3A_223 : vector<32xbf16>
        %unpack3A_250 = tpu.unpack_subelements %mul3A_249, 0 {pack_format = #tpu.pack_format<interleaved>} : vector<32xbf16> -> vector<16xf32>
        %unpack3A_251 = tpu.unpack_subelements %mul3A_249, 1 {pack_format = #tpu.pack_format<interleaved>} : vector<32xbf16> -> vector<16xf32>
        %add3A_252 = arith.addf %add3A_208, %unpack3A_250 : vector<16xf32>
        %add3A_253 = arith.addf %add3A_209, %unpack3A_251 : vector<16xf32>
        %get3A_254 = arith.constant 0 : i32
        %get3A_255 = arith.index_cast %get3A_254 : i32 to index
        %get3A_256 = arith.index_cast %scan3A_154 : i32 to index
        %get3A_257 = arith.constant 224 : index
        %get3A_258 = tpu.vector_load %arg13[%get3A_255, %get3A_256, %get3A_257] {strides = array<i32>} : memref<2x32x1024xbf16, #tpu.memory_space<vmem>>, vector<32xbf16>,
        %mul3A_259 = arith.mulf %get3A_258, %pack3A_223 : vector<32xbf16>
        %unpack3A_260 = tpu.unpack_subelements %mul3A_259, 0 {pack_format = #tpu.pack_format<interleaved>} : vector<32xbf16> -> vector<16xf32>
        %unpack3A_261 = tpu.unpack_subelements %mul3A_259, 1 {pack_format = #tpu.pack_format<interleaved>} : vector<32xbf16> -> vector<16xf32>
        %add3A_262 = arith.addf %add3A_218, %unpack3A_260 : vector<16xf32>
        %add3A_263 = arith.addf %add3A_219, %unpack3A_261 : vector<16xf32>
        %slice3A_264 = vector.extract_strided_slice %mul3A_164 {offsets = [2], sizes = [1], strides = [1]} : vector<16xf32> to vector<1xf32>
        %squeeze3A_265 = vector.extract %slice3A_264[0] : f32 from vector<1xf32>
        %broadcast_in_dim3A_266 = vector.broadcast %squeeze3A_265 : f32 to vector<16xf32>
        %pack3A_267 = tpu.pack_subelements %broadcast_in_dim3A_266, %broadcast_in_dim3A_266 {pack_format = #tpu.pack_format<interleaved>, positions = array<i32: 0, 1>} : vector<16xf32>, vector<16xf32> -> vector<32xbf16>
        %get3A_268 = arith.constant 0 : i32
        %get3A_269 = arith.index_cast %get3A_268 : i32 to index
        %get3A_270 = arith.index_cast %scan3A_154 : i32 to index
        %get3A_271 = arith.constant 256 : index
        %get3A_272 = tpu.vector_load %arg13[%get3A_269, %get3A_270, %get3A_271] {strides = array<i32>} : memref<2x32x1024xbf16, #tpu.memory_space<vmem>>, vector<32xbf16>,
        %mul3A_273 = arith.mulf %get3A_272, %pack3A_267 : vector<32xbf16>
        %unpack3A_274 = tpu.unpack_subelements %mul3A_273, 0 {pack_format = #tpu.pack_format<interleaved>} : vector<32xbf16> -> vector<16xf32>
        %unpack3A_275 = tpu.unpack_subelements %mul3A_273, 1 {pack_format = #tpu.pack_format<interleaved>} : vector<32xbf16> -> vector<16xf32>
        %add3A_276 = arith.addf %add3A_232, %unpack3A_274 : vector<16xf32>
        %add3A_277 = arith.addf %add3A_233, %unpack3A_275 : vector<16xf32>
        %get3A_278 = arith.constant 0 : i32
        %get3A_279 = arith.index_cast %get3A_278 : i32 to index
        %get3A_280 = arith.index_cast %scan3A_154 : i32 to index
        %get3A_281 = arith.constant 288 : index
        %get3A_282 = tpu.vector_load %arg13[%get3A_279, %get3A_280, %get3A_281] {strides = array<i32>} : memref<2x32x1024xbf16, #tpu.memory_space<vmem>>, vector<32xbf16>,
        %mul3A_283 = arith.mulf %get3A_282, %pack3A_267 : vector<32xbf16>
        %unpack3A_284 = tpu.unpack_subelements %mul3A_283, 0 {pack_format = #tpu.pack_format<interleaved>} : vector<32xbf16> -> vector<16xf32>
        %unpack3A_285 = tpu.unpack_subelements %mul3A_283, 1 {pack_format = #tpu.pack_format<interleaved>} : vector<32xbf16> -> vector<16xf32>
        %add3A_286 = arith.addf %add3A_242, %unpack3A_284 : vector<16xf32>
        %add3A_287 = arith.addf %add3A_243, %unpack3A_285 : vector<16xf32>
        %get3A_288 = arith.constant 0 : i32
        %get3A_289 = arith.index_cast %get3A_288 : i32 to index
        %get3A_290 = arith.index_cast %scan3A_154 : i32 to index
        %get3A_291 = arith.constant 320 : index
        %get3A_292 = tpu.vector_load %arg13[%get3A_289, %get3A_290, %get3A_291] {strides = array<i32>} : memref<2x32x1024xbf16, #tpu.memory_space<vmem>>, vector<32xbf16>,
        %mul3A_293 = arith.mulf %get3A_292, %pack3A_267 : vector<32xbf16>
        %unpack3A_294 = tpu.unpack_subelements %mul3A_293, 0 {pack_format = #tpu.pack_format<interleaved>} : vector<32xbf16> -> vector<16xf32>
        %unpack3A_295 = tpu.unpack_subelements %mul3A_293, 1 {pack_format = #tpu.pack_format<interleaved>} : vector<32xbf16> -> vector<16xf32>
        %add3A_296 = arith.addf %add3A_252, %unpack3A_294 : vector<16xf32>
        %add3A_297 = arith.addf %add3A_253, %unpack3A_295 : vector<16xf32>
        %get3A_298 = arith.constant 0 : i32
        %get3A_299 = arith.index_cast %get3A_298 : i32 to index
        %get3A_300 = arith.index_cast %scan3A_154 : i32 to index
        %get3A_301 = arith.constant 352 : index
        %get3A_302 = tpu.vector_load %arg13[%get3A_299, %get3A_300, %get3A_301] {strides = array<i32>} : memref<2x32x1024xbf16, #tpu.memory_space<vmem>>, vector<32xbf16>,
        %mul3A_303 = arith.mulf %get3A_302, %pack3A_267 : vector<32xbf16>
        %unpack3A_304 = tpu.unpack_subelements %mul3A_303, 0 {pack_format = #tpu.pack_format<interleaved>} : vector<32xbf16> -> vector<16xf32>
        %unpack3A_305 = tpu.unpack_subelements %mul3A_303, 1 {pack_format = #tpu.pack_format<interleaved>} : vector<32xbf16> -> vector<16xf32>
        %add3A_306 = arith.addf %add3A_262, %unpack3A_304 : vector<16xf32>
        %add3A_307 = arith.addf %add3A_263, %unpack3A_305 : vector<16xf32>
        %slice3A_308 = vector.extract_strided_slice %mul3A_164 {offsets = [3], sizes = [1], strides = [1]} : vector<16xf32> to vector<1xf32>
        %squeeze3A_309 = vector.extract %slice3A_308[0] : f32 from vector<1xf32>
        %broadcast_in_dim3A_310 = vector.broadcast %squeeze3A_309 : f32 to vector<16xf32>
        %pack3A_311 = tpu.pack_subelements %broadcast_in_dim3A_310, %broadcast_in_dim3A_310 {pack_format = #tpu.pack_format<interleaved>, positions = array<i32: 0, 1>} : vector<16xf32>, vector<16xf32> -> vector<32xbf16>
        %get3A_312 = arith.constant 0 : i32
        %get3A_313 = arith.index_cast %get3A_312 : i32 to index
        %get3A_314 = arith.index_cast %scan3A_154 : i32 to index
        %get3A_315 = arith.constant 384 : index
        %get3A_316 = tpu.vector_load %arg13[%get3A_313, %get3A_314, %get3A_315] {strides = array<i32>} : memref<2x32x1024xbf16, #tpu.memory_space<vmem>>, vector<32xbf16>,
        %mul3A_317 = arith.mulf %get3A_316, %pack3A_311 : vector<32xbf16>
        %unpack3A_318 = tpu.unpack_subelements %mul3A_317, 0 {pack_format = #tpu.pack_format<interleaved>} : vector<32xbf16> -> vector<16xf32>
        %unpack3A_319 = tpu.unpack_subelements %mul3A_317, 1 {pack_format = #tpu.pack_format<interleaved>} : vector<32xbf16> -> vector<16xf32>
        %add3A_320 = arith.addf %add3A_276, %unpack3A_318 : vector<16xf32>
        %add3A_321 = arith.addf %add3A_277, %unpack3A_319 : vector<16xf32>
        %get3A_322 = arith.constant 0 : i32
        %get3A_323 = arith.index_cast %get3A_322 : i32 to index
        %get3A_324 = arith.index_cast %scan3A_154 : i32 to index
        %get3A_325 = arith.constant 416 : index
        %get3A_326 = tpu.vector_load %arg13[%get3A_323, %get3A_324, %get3A_325] {strides = array<i32>} : memref<2x32x1024xbf16, #tpu.memory_space<vmem>>, vector<32xbf16>,
        %mul3A_327 = arith.mulf %get3A_326, %pack3A_311 : vector<32xbf16>
        %unpack3A_328 = tpu.unpack_subelements %mul3A_327, 0 {pack_format = #tpu.pack_format<interleaved>} : vector<32xbf16> -> vector<16xf32>
        %unpack3A_329 = tpu.unpack_subelements %mul3A_327, 1 {pack_format = #tpu.pack_format<interleaved>} : vector<32xbf16> -> vector<16xf32>
        %add3A_330 = arith.addf %add3A_286, %unpack3A_328 : vector<16xf32>
        %add3A_331 = arith.addf %add3A_287, %unpack3A_329 : vector<16xf32>
        %get3A_332 = arith.constant 0 : i32
        %get3A_333 = arith.index_cast %get3A_332 : i32 to index
        %get3A_334 = arith.index_cast %scan3A_154 : i32 to index
        %get3A_335 = arith.constant 448 : index
        %get3A_336 = tpu.vector_load %arg13[%get3A_333, %get3A_334, %get3A_335] {strides = array<i32>} : memref<2x32x1024xbf16, #tpu.memory_space<vmem>>, vector<32xbf16>,
        %mul3A_337 = arith.mulf %get3A_336, %pack3A_311 : vector<32xbf16>
        %unpack3A_338 = tpu.unpack_subelements %mul3A_337, 0 {pack_format = #tpu.pack_format<interleaved>} : vector<32xbf16> -> vector<16xf32>
        %unpack3A_339 = tpu.unpack_subelements %mul3A_337, 1 {pack_format = #tpu.pack_format<interleaved>} : vector<32xbf16> -> vector<16xf32>
        %add3A_340 = arith.addf %add3A_296, %unpack3A_338 : vector<16xf32>
        %add3A_341 = arith.addf %add3A_297, %unpack3A_339 : vector<16xf32>
        %get3A_342 = arith.constant 0 : i32
        %get3A_343 = arith.index_cast %get3A_342 : i32 to index
        %get3A_344 = arith.index_cast %scan3A_154 : i32 to index
        %get3A_345 = arith.constant 480 : index
        %get3A_346 = tpu.vector_load %arg13[%get3A_343, %get3A_344, %get3A_345] {strides = array<i32>} : memref<2x32x1024xbf16, #tpu.memory_space<vmem>>, vector<32xbf16>,
        %mul3A_347 = arith.mulf %get3A_346, %pack3A_311 : vector<32xbf16>
        %unpack3A_348 = tpu.unpack_subelements %mul3A_347, 0 {pack_format = #tpu.pack_format<interleaved>} : vector<32xbf16> -> vector<16xf32>
        %unpack3A_349 = tpu.unpack_subelements %mul3A_347, 1 {pack_format = #tpu.pack_format<interleaved>} : vector<32xbf16> -> vector<16xf32>
        %add3A_350 = arith.addf %add3A_306, %unpack3A_348 : vector<16xf32>
        %add3A_351 = arith.addf %add3A_307, %unpack3A_349 : vector<16xf32>
        %slice3A_352 = vector.extract_strided_slice %mul3A_164 {offsets = [4], sizes = [1], strides = [1]} : vector<16xf32> to vector<1xf32>
        %squeeze3A_353 = vector.extract %slice3A_352[0] : f32 from vector<1xf32>
        %broadcast_in_dim3A_354 = vector.broadcast %squeeze3A_353 : f32 to vector<16xf32>
        %pack3A_355 = tpu.pack_subelements %broadcast_in_dim3A_354, %broadcast_in_dim3A_354 {pack_format = #tpu.pack_format<interleaved>, positions = array<i32: 0, 1>} : vector<16xf32>, vector<16xf32> -> vector<32xbf16>
        %get3A_356 = arith.constant 0 : i32
        %get3A_357 = arith.index_cast %get3A_356 : i32 to index
        %get3A_358 = arith.index_cast %scan3A_154 : i32 to index
        %get3A_359 = arith.constant 512 : index
        %get3A_360 = tpu.vector_load %arg13[%get3A_357, %get3A_358, %get3A_359] {strides = array<i32>} : memref<2x32x1024xbf16, #tpu.memory_space<vmem>>, vector<32xbf16>,
        %mul3A_361 = arith.mulf %get3A_360, %pack3A_355 : vector<32xbf16>
        %unpack3A_362 = tpu.unpack_subelements %mul3A_361, 0 {pack_format = #tpu.pack_format<interleaved>} : vector<32xbf16> -> vector<16xf32>
        %unpack3A_363 = tpu.unpack_subelements %mul3A_361, 1 {pack_format = #tpu.pack_format<interleaved>} : vector<32xbf16> -> vector<16xf32>
        %add3A_364 = arith.addf %add3A_320, %unpack3A_362 : vector<16xf32>
        %add3A_365 = arith.addf %add3A_321, %unpack3A_363 : vector<16xf32>
        %get3A_366 = arith.constant 0 : i32
        %get3A_367 = arith.index_cast %get3A_366 : i32 to index
        %get3A_368 = arith.index_cast %scan3A_154 : i32 to index
        %get3A_369 = arith.constant 544 : index
        %get3A_370 = tpu.vector_load %arg13[%get3A_367, %get3A_368, %get3A_369] {strides = array<i32>} : memref<2x32x1024xbf16, #tpu.memory_space<vmem>>, vector<32xbf16>,
        %mul3A_371 = arith.mulf %get3A_370, %pack3A_355 : vector<32xbf16>
        %unpack3A_372 = tpu.unpack_subelements %mul3A_371, 0 {pack_format = #tpu.pack_format<interleaved>} : vector<32xbf16> -> vector<16xf32>
        %unpack3A_373 = tpu.unpack_subelements %mul3A_371, 1 {pack_format = #tpu.pack_format<interleaved>} : vector<32xbf16> -> vector<16xf32>
        %add3A_374 = arith.addf %add3A_330, %unpack3A_372 : vector<16xf32>
        %add3A_375 = arith.addf %add3A_331, %unpack3A_373 : vector<16xf32>
        %get3A_376 = arith.constant 0 : i32
        %get3A_377 = arith.index_cast %get3A_376 : i32 to index
        %get3A_378 = arith.index_cast %scan3A_154 : i32 to index
        %get3A_379 = arith.constant 576 : index
        %get3A_380 = tpu.vector_load %arg13[%get3A_377, %get3A_378, %get3A_379] {strides = array<i32>} : memref<2x32x1024xbf16, #tpu.memory_space<vmem>>, vector<32xbf16>,
        %mul3A_381 = arith.mulf %get3A_380, %pack3A_355 : vector<32xbf16>
        %unpack3A_382 = tpu.unpack_subelements %mul3A_381, 0 {pack_format = #tpu.pack_format<interleaved>} : vector<32xbf16> -> vector<16xf32>
        %unpack3A_383 = tpu.unpack_subelements %mul3A_381, 1 {pack_format = #tpu.pack_format<interleaved>} : vector<32xbf16> -> vector<16xf32>
        %add3A_384 = arith.addf %add3A_340, %unpack3A_382 : vector<16xf32>
        %add3A_385 = arith.addf %add3A_341, %unpack3A_383 : vector<16xf32>
        %get3A_386 = arith.constant 0 : i32
        %get3A_387 = arith.index_cast %get3A_386 : i32 to index
        %get3A_388 = arith.index_cast %scan3A_154 : i32 to index
        %get3A_389 = arith.constant 608 : index
        %get3A_390 = tpu.vector_load %arg13[%get3A_387, %get3A_388, %get3A_389] {strides = array<i32>} : memref<2x32x1024xbf16, #tpu.memory_space<vmem>>, vector<32xbf16>,
        %mul3A_391 = arith.mulf %get3A_390, %pack3A_355 : vector<32xbf16>
        %unpack3A_392 = tpu.unpack_subelements %mul3A_391, 0 {pack_format = #tpu.pack_format<interleaved>} : vector<32xbf16> -> vector<16xf32>
        %unpack3A_393 = tpu.unpack_subelements %mul3A_391, 1 {pack_format = #tpu.pack_format<interleaved>} : vector<32xbf16> -> vector<16xf32>
        %add3A_394 = arith.addf %add3A_350, %unpack3A_392 : vector<16xf32>
        %add3A_395 = arith.addf %add3A_351, %unpack3A_393 : vector<16xf32>
        %slice3A_396 = vector.extract_strided_slice %mul3A_164 {offsets = [5], sizes = [1], strides = [1]} : vector<16xf32> to vector<1xf32>
        %squeeze3A_397 = vector.extract %slice3A_396[0] : f32 from vector<1xf32>
        %broadcast_in_dim3A_398 = vector.broadcast %squeeze3A_397 : f32 to vector<16xf32>
        %pack3A_399 = tpu.pack_subelements %broadcast_in_dim3A_398, %broadcast_in_dim3A_398 {pack_format = #tpu.pack_format<interleaved>, positions = array<i32: 0, 1>} : vector<16xf32>, vector<16xf32> -> vector<32xbf16>
        %get3A_400 = arith.constant 0 : i32
        %get3A_401 = arith.index_cast %get3A_400 : i32 to index
        %get3A_402 = arith.index_cast %scan3A_154 : i32 to index
        %get3A_403 = arith.constant 640 : index
        %get3A_404 = tpu.vector_load %arg13[%get3A_401, %get3A_402, %get3A_403] {strides = array<i32>} : memref<2x32x1024xbf16, #tpu.memory_space<vmem>>, vector<32xbf16>,
        %mul3A_405 = arith.mulf %get3A_404, %pack3A_399 : vector<32xbf16>
        %unpack3A_406 = tpu.unpack_subelements %mul3A_405, 0 {pack_format = #tpu.pack_format<interleaved>} : vector<32xbf16> -> vector<16xf32>
        %unpack3A_407 = tpu.unpack_subelements %mul3A_405, 1 {pack_format = #tpu.pack_format<interleaved>} : vector<32xbf16> -> vector<16xf32>
        %add3A_408 = arith.addf %add3A_364, %unpack3A_406 : vector<16xf32>
        %add3A_409 = arith.addf %add3A_365, %unpack3A_407 : vector<16xf32>
        %get3A_410 = arith.constant 0 : i32
        %get3A_411 = arith.index_cast %get3A_410 : i32 to index
        %get3A_412 = arith.index_cast %scan3A_154 : i32 to index
        %get3A_413 = arith.constant 672 : index
        %get3A_414 = tpu.vector_load %arg13[%get3A_411, %get3A_412, %get3A_413] {strides = array<i32>} : memref<2x32x1024xbf16, #tpu.memory_space<vmem>>, vector<32xbf16>,
        %mul3A_415 = arith.mulf %get3A_414, %pack3A_399 : vector<32xbf16>
        %unpack3A_416 = tpu.unpack_subelements %mul3A_415, 0 {pack_format = #tpu.pack_format<interleaved>} : vector<32xbf16> -> vector<16xf32>
        %unpack3A_417 = tpu.unpack_subelements %mul3A_415, 1 {pack_format = #tpu.pack_format<interleaved>} : vector<32xbf16> -> vector<16xf32>
        %add3A_418 = arith.addf %add3A_374, %unpack3A_416 : vector<16xf32>
        %add3A_419 = arith.addf %add3A_375, %unpack3A_417 : vector<16xf32>
        %get3A_420 = arith.constant 0 : i32
        %get3A_421 = arith.index_cast %get3A_420 : i32 to index
        %get3A_422 = arith.index_cast %scan3A_154 : i32 to index
        %get3A_423 = arith.constant 704 : index
        %get3A_424 = tpu.vector_load %arg13[%get3A_421, %get3A_422, %get3A_423] {strides = array<i32>} : memref<2x32x1024xbf16, #tpu.memory_space<vmem>>, vector<32xbf16>,
        %mul3A_425 = arith.mulf %get3A_424, %pack3A_399 : vector<32xbf16>
        %unpack3A_426 = tpu.unpack_subelements %mul3A_425, 0 {pack_format = #tpu.pack_format<interleaved>} : vector<32xbf16> -> vector<16xf32>
        %unpack3A_427 = tpu.unpack_subelements %mul3A_425, 1 {pack_format = #tpu.pack_format<interleaved>} : vector<32xbf16> -> vector<16xf32>
        %add3A_428 = arith.addf %add3A_384, %unpack3A_426 : vector<16xf32>
        %add3A_429 = arith.addf %add3A_385, %unpack3A_427 : vector<16xf32>
        %get3A_430 = arith.constant 0 : i32
        %get3A_431 = arith.index_cast %get3A_430 : i32 to index
        %get3A_432 = arith.index_cast %scan3A_154 : i32 to index
        %get3A_433 = arith.constant 736 : index
        %get3A_434 = tpu.vector_load %arg13[%get3A_431, %get3A_432, %get3A_433] {strides = array<i32>} : memref<2x32x1024xbf16, #tpu.memory_space<vmem>>, vector<32xbf16>,
        %mul3A_435 = arith.mulf %get3A_434, %pack3A_399 : vector<32xbf16>
        %unpack3A_436 = tpu.unpack_subelements %mul3A_435, 0 {pack_format = #tpu.pack_format<interleaved>} : vector<32xbf16> -> vector<16xf32>
        %unpack3A_437 = tpu.unpack_subelements %mul3A_435, 1 {pack_format = #tpu.pack_format<interleaved>} : vector<32xbf16> -> vector<16xf32>
        %add3A_438 = arith.addf %add3A_394, %unpack3A_436 : vector<16xf32>
        %add3A_439 = arith.addf %add3A_395, %unpack3A_437 : vector<16xf32>
        %slice3A_440 = vector.extract_strided_slice %mul3A_164 {offsets = [6], sizes = [1], strides = [1]} : vector<16xf32> to vector<1xf32>
        %squeeze3A_441 = vector.extract %slice3A_440[0] : f32 from vector<1xf32>
        %broadcast_in_dim3A_442 = vector.broadcast %squeeze3A_441 : f32 to vector<16xf32>
        %pack3A_443 = tpu.pack_subelements %broadcast_in_dim3A_442, %broadcast_in_dim3A_442 {pack_format = #tpu.pack_format<interleaved>, positions = array<i32: 0, 1>} : vector<16xf32>, vector<16xf32> -> vector<32xbf16>
        %get3A_444 = arith.constant 0 : i32
        %get3A_445 = arith.index_cast %get3A_444 : i32 to index
        %get3A_446 = arith.index_cast %scan3A_154 : i32 to index
        %get3A_447 = arith.constant 768 : index
        %get3A_448 = tpu.vector_load %arg13[%get3A_445, %get3A_446, %get3A_447] {strides = array<i32>} : memref<2x32x1024xbf16, #tpu.memory_space<vmem>>, vector<32xbf16>,
        %mul3A_449 = arith.mulf %get3A_448, %pack3A_443 : vector<32xbf16>
        %unpack3A_450 = tpu.unpack_subelements %mul3A_449, 0 {pack_format = #tpu.pack_format<interleaved>} : vector<32xbf16> -> vector<16xf32>
        %unpack3A_451 = tpu.unpack_subelements %mul3A_449, 1 {pack_format = #tpu.pack_format<interleaved>} : vector<32xbf16> -> vector<16xf32>
        %add3A_452 = arith.addf %add3A_408, %unpack3A_450 : vector<16xf32>
        %add3A_453 = arith.addf %add3A_409, %unpack3A_451 : vector<16xf32>
        %get3A_454 = arith.constant 0 : i32
        %get3A_455 = arith.index_cast %get3A_454 : i32 to index
        %get3A_456 = arith.index_cast %scan3A_154 : i32 to index
        %get3A_457 = arith.constant 800 : index
        %get3A_458 = tpu.vector_load %arg13[%get3A_455, %get3A_456, %get3A_457] {strides = array<i32>} : memref<2x32x1024xbf16, #tpu.memory_space<vmem>>, vector<32xbf16>,
        %mul3A_459 = arith.mulf %get3A_458, %pack3A_443 : vector<32xbf16>
        %unpack3A_460 = tpu.unpack_subelements %mul3A_459, 0 {pack_format = #tpu.pack_format<interleaved>} : vector<32xbf16> -> vector<16xf32>
        %unpack3A_461 = tpu.unpack_subelements %mul3A_459, 1 {pack_format = #tpu.pack_format<interleaved>} : vector<32xbf16> -> vector<16xf32>
        %add3A_462 = arith.addf %add3A_418, %unpack3A_460 : vector<16xf32>
        %add3A_463 = arith.addf %add3A_419, %unpack3A_461 : vector<16xf32>
        %get3A_464 = arith.constant 0 : i32
        %get3A_465 = arith.index_cast %get3A_464 : i32 to index
        %get3A_466 = arith.index_cast %scan3A_154 : i32 to index
        %get3A_467 = arith.constant 832 : index
        %get3A_468 = tpu.vector_load %arg13[%get3A_465, %get3A_466, %get3A_467] {strides = array<i32>} : memref<2x32x1024xbf16, #tpu.memory_space<vmem>>, vector<32xbf16>,
        %mul3A_469 = arith.mulf %get3A_468, %pack3A_443 : vector<32xbf16>
        %unpack3A_470 = tpu.unpack_subelements %mul3A_469, 0 {pack_format = #tpu.pack_format<interleaved>} : vector<32xbf16> -> vector<16xf32>
        %unpack3A_471 = tpu.unpack_subelements %mul3A_469, 1 {pack_format = #tpu.pack_format<interleaved>} : vector<32xbf16> -> vector<16xf32>
        %add3A_472 = arith.addf %add3A_428, %unpack3A_470 : vector<16xf32>
        %add3A_473 = arith.addf %add3A_429, %unpack3A_471 : vector<16xf32>
        %get3A_474 = arith.constant 0 : i32
        %get3A_475 = arith.index_cast %get3A_474 : i32 to index
        %get3A_476 = arith.index_cast %scan3A_154 : i32 to index
        %get3A_477 = arith.constant 864 : index
        %get3A_478 = tpu.vector_load %arg13[%get3A_475, %get3A_476, %get3A_477] {strides = array<i32>} : memref<2x32x1024xbf16, #tpu.memory_space<vmem>>, vector<32xbf16>,
        %mul3A_479 = arith.mulf %get3A_478, %pack3A_443 : vector<32xbf16>
        %unpack3A_480 = tpu.unpack_subelements %mul3A_479, 0 {pack_format = #tpu.pack_format<interleaved>} : vector<32xbf16> -> vector<16xf32>
        %unpack3A_481 = tpu.unpack_subelements %mul3A_479, 1 {pack_format = #tpu.pack_format<interleaved>} : vector<32xbf16> -> vector<16xf32>
        %add3A_482 = arith.addf %add3A_438, %unpack3A_480 : vector<16xf32>
        %add3A_483 = arith.addf %add3A_439, %unpack3A_481 : vector<16xf32>
        %slice3A_484 = vector.extract_strided_slice %mul3A_164 {offsets = [7], sizes = [1], strides = [1]} : vector<16xf32> to vector<1xf32>
        %squeeze3A_485 = vector.extract %slice3A_484[0] : f32 from vector<1xf32>
        %broadcast_in_dim3A_486 = vector.broadcast %squeeze3A_485 : f32 to vector<16xf32>
        %pack3A_487 = tpu.pack_subelements %broadcast_in_dim3A_486, %broadcast_in_dim3A_486 {pack_format = #tpu.pack_format<interleaved>, positions = array<i32: 0, 1>} : vector<16xf32>, vector<16xf32> -> vector<32xbf16>
        %get3A_488 = arith.constant 0 : i32
        %get3A_489 = arith.index_cast %get3A_488 : i32 to index
        %get3A_490 = arith.index_cast %scan3A_154 : i32 to index
        %get3A_491 = arith.constant 896 : index
        %get3A_492 = tpu.vector_load %arg13[%get3A_489, %get3A_490, %get3A_491] {strides = array<i32>} : memref<2x32x1024xbf16, #tpu.memory_space<vmem>>, vector<32xbf16>,
        %mul3A_493 = arith.mulf %get3A_492, %pack3A_487 : vector<32xbf16>
        %unpack3A_494 = tpu.unpack_subelements %mul3A_493, 0 {pack_format = #tpu.pack_format<interleaved>} : vector<32xbf16> -> vector<16xf32>
        %unpack3A_495 = tpu.unpack_subelements %mul3A_493, 1 {pack_format = #tpu.pack_format<interleaved>} : vector<32xbf16> -> vector<16xf32>
        %add3A_496 = arith.addf %add3A_452, %unpack3A_494 : vector<16xf32>
        %add3A_497 = arith.addf %add3A_453, %unpack3A_495 : vector<16xf32>
        %get3A_498 = arith.constant 0 : i32
        %get3A_499 = arith.index_cast %get3A_498 : i32 to index
        %get3A_500 = arith.index_cast %scan3A_154 : i32 to index
        %get3A_501 = arith.constant 928 : index
        %get3A_502 = tpu.vector_load %arg13[%get3A_499, %get3A_500, %get3A_501] {strides = array<i32>} : memref<2x32x1024xbf16, #tpu.memory_space<vmem>>, vector<32xbf16>,
        %mul3A_503 = arith.mulf %get3A_502, %pack3A_487 : vector<32xbf16>
        %unpack3A_504 = tpu.unpack_subelements %mul3A_503, 0 {pack_format = #tpu.pack_format<interleaved>} : vector<32xbf16> -> vector<16xf32>
        %unpack3A_505 = tpu.unpack_subelements %mul3A_503, 1 {pack_format = #tpu.pack_format<interleaved>} : vector<32xbf16> -> vector<16xf32>
        %add3A_506 = arith.addf %add3A_462, %unpack3A_504 : vector<16xf32>
        %add3A_507 = arith.addf %add3A_463, %unpack3A_505 : vector<16xf32>
        %get3A_508 = arith.constant 0 : i32
        %get3A_509 = arith.index_cast %get3A_508 : i32 to index
        %get3A_510 = arith.index_cast %scan3A_154 : i32 to index
        %get3A_511 = arith.constant 960 : index
        %get3A_512 = tpu.vector_load %arg13[%get3A_509, %get3A_510, %get3A_511] {strides = array<i32>} : memref<2x32x1024xbf16, #tpu.memory_space<vmem>>, vector<32xbf16>,
        %mul3A_513 = arith.mulf %get3A_512, %pack3A_487 : vector<32xbf16>
        %unpack3A_514 = tpu.unpack_subelements %mul3A_513, 0 {pack_format = #tpu.pack_format<interleaved>} : vector<32xbf16> -> vector<16xf32>
        %unpack3A_515 = tpu.unpack_subelements %mul3A_513, 1 {pack_format = #tpu.pack_format<interleaved>} : vector<32xbf16> -> vector<16xf32>
        %add3A_516 = arith.addf %add3A_472, %unpack3A_514 : vector<16xf32>
        %add3A_517 = arith.addf %add3A_473, %unpack3A_515 : vector<16xf32>
        %get3A_518 = arith.constant 0 : i32
        %get3A_519 = arith.index_cast %get3A_518 : i32 to index
        %get3A_520 = arith.index_cast %scan3A_154 : i32 to index
        %get3A_521 = arith.constant 992 : index
        %get3A_522 = tpu.vector_load %arg13[%get3A_519, %get3A_520, %get3A_521] {strides = array<i32>} : memref<2x32x1024xbf16, #tpu.memory_space<vmem>>, vector<32xbf16>,
        %mul3A_523 = arith.mulf %get3A_522, %pack3A_487 : vector<32xbf16>
        %unpack3A_524 = tpu.unpack_subelements %mul3A_523, 0 {pack_format = #tpu.pack_format<interleaved>} : vector<32xbf16> -> vector<16xf32>
        %unpack3A_525 = tpu.unpack_subelements %mul3A_523, 1 {pack_format = #tpu.pack_format<interleaved>} : vector<32xbf16> -> vector<16xf32>
        %add3A_526 = arith.addf %add3A_482, %unpack3A_524 : vector<16xf32>
        %add3A_527 = arith.addf %add3A_483, %unpack3A_525 : vector<16xf32>
        %swap3A = arith.index_cast %scan3A_154 : i32 to index
        %swap3A_528 = arith.constant 0 : index
        %swap3A_529 = tpu.vector_load %arg14[%swap3A, %swap3A_528] {strides = array<i32>} : memref<32x128xf32, #tpu.memory_space<vmem>>, vector<16xf32>,
        tpu.vector_store %arg14[%swap3A, %swap3A_528], %add3A_496 {strides = array<i32>} : memref<32x128xf32, #tpu.memory_space<vmem>>, vector<16xf32>,
        %swap3A_530 = arith.index_cast %scan3A_154 : i32 to index
        %swap3A_531 = arith.constant 16 : index
        %swap3A_532 = tpu.vector_load %arg14[%swap3A_530, %swap3A_531] {strides = array<i32>} : memref<32x128xf32, #tpu.memory_space<vmem>>, vector<16xf32>,
        tpu.vector_store %arg14[%swap3A_530, %swap3A_531], %add3A_497 {strides = array<i32>} : memref<32x128xf32, #tpu.memory_space<vmem>>, vector<16xf32>,
        %swap3A_533 = arith.index_cast %scan3A_154 : i32 to index
        %swap3A_534 = arith.constant 32 : index
        %swap3A_535 = tpu.vector_load %arg14[%swap3A_533, %swap3A_534] {strides = array<i32>} : memref<32x128xf32, #tpu.memory_space<vmem>>, vector<16xf32>,
        tpu.vector_store %arg14[%swap3A_533, %swap3A_534], %add3A_506 {strides = array<i32>} : memref<32x128xf32, #tpu.memory_space<vmem>>, vector<16xf32>,
        %swap3A_536 = arith.index_cast %scan3A_154 : i32 to index
        %swap3A_537 = arith.constant 48 : index
        %swap3A_538 = tpu.vector_load %arg14[%swap3A_536, %swap3A_537] {strides = array<i32>} : memref<32x128xf32, #tpu.memory_space<vmem>>, vector<16xf32>,
        tpu.vector_store %arg14[%swap3A_536, %swap3A_537], %add3A_507 {strides = array<i32>} : memref<32x128xf32, #tpu.memory_space<vmem>>, vector<16xf32>,
        %swap3A_539 = arith.index_cast %scan3A_154 : i32 to index
        %swap3A_540 = arith.constant 64 : index
        %swap3A_541 = tpu.vector_load %arg14[%swap3A_539, %swap3A_540] {strides = array<i32>} : memref<32x128xf32, #tpu.memory_space<vmem>>, vector<16xf32>,
        tpu.vector_store %arg14[%swap3A_539, %swap3A_540], %add3A_516 {strides = array<i32>} : memref<32x128xf32, #tpu.memory_space<vmem>>, vector<16xf32>,
        %swap3A_542 = arith.index_cast %scan3A_154 : i32 to index
        %swap3A_543 = arith.constant 80 : index
        %swap3A_544 = tpu.vector_load %arg14[%swap3A_542, %swap3A_543] {strides = array<i32>} : memref<32x128xf32, #tpu.memory_space<vmem>>, vector<16xf32>,
        tpu.vector_store %arg14[%swap3A_542, %swap3A_543], %add3A_517 {strides = array<i32>} : memref<32x128xf32, #tpu.memory_space<vmem>>, vector<16xf32>,
        %swap3A_545 = arith.index_cast %scan3A_154 : i32 to index
        %swap3A_546 = arith.constant 96 : index
        %swap3A_547 = tpu.vector_load %arg14[%swap3A_545, %swap3A_546] {strides = array<i32>} : memref<32x128xf32, #tpu.memory_space<vmem>>, vector<16xf32>,
        tpu.vector_store %arg14[%swap3A_545, %swap3A_546], %add3A_526 {strides = array<i32>} : memref<32x128xf32, #tpu.memory_space<vmem>>, vector<16xf32>,
        %swap3A_548 = arith.index_cast %scan3A_154 : i32 to index
        %swap3A_549 = arith.constant 112 : index
        %swap3A_550 = tpu.vector_load %arg14[%swap3A_548, %swap3A_549] {strides = array<i32>} : memref<32x128xf32, #tpu.memory_space<vmem>>, vector<16xf32>,
        tpu.vector_store %arg14[%swap3A_548, %swap3A_549], %add3A_527 {strides = array<i32>} : memref<32x128xf32, #tpu.memory_space<vmem>>, vector<16xf32>,
      }
      %scan3A_117 = arith.constant 32 : i32
      "tpu.region"() ({
        %run_scoped3A_154 = tpu.sem_alloc : memref<!tpu.dma_semaphore, #tpu.memory_space<semaphore_mem>>
        %dma_start3A_155 = arith.constant 0 : i32
        %dma_start3A_156 = tpu.memref_slice %arg12[%mul3A_90, %dma_start3A_155] : memref<160x32xi32, #tpu.memory_space<vmem>> -> memref<1x32xi32, #tpu.memory_space<vmem>>
        %dma_start3A_157 = tpu.memref_squeeze %dma_start3A_156 : memref<1x32xi32, #tpu.memory_space<vmem>> -> memref<32xi32, #tpu.memory_space<vmem>>
        %dma_start3A_158 = arith.constant 0 : i32
        %dma_start3A_159 = arith.constant 0 : i32
        %dma_start3A_160 = tpu.memref_slice %arg15[%dma_start3A_158, %dma_start3A_159] : memref<10240x128xf32, #tpu.memory_space<vmem_shared>> -> memref<10240x128xf32, #tpu.memory_space<vmem_shared>>
        tpu.enqueue_indirect_dma source(%arg14 : memref<32x128xf32, #tpu.memory_space<vmem>>) target(%dma_start3A_160 : memref<10240x128xf32, #tpu.memory_space<vmem_shared>>) offsets(%dma_start3A_157 : memref<32xi32, #tpu.memory_space<vmem>>) semaphore(%run_scoped3A_154 : memref<!tpu.dma_semaphore, #tpu.memory_space<semaphore_mem>>) {add = true}
        %dma_wait3A_161 = arith.constant 0 : i32
        %dma_wait3A_162 = tpu.memref_slice %arg12[%mul3A_90, %dma_wait3A_161] : memref<160x32xi32, #tpu.memory_space<vmem>> -> memref<1x32xi32, #tpu.memory_space<vmem>>
        %dma_wait3A_163 = tpu.memref_squeeze %dma_wait3A_162 : memref<1x32xi32, #tpu.memory_space<vmem>> -> memref<32xi32, #tpu.memory_space<vmem>>
        %dma_wait3A_164 = arith.constant 0 : i32
        %dma_wait3A_165 = arith.constant 0 : i32
        %dma_wait3A_166 = tpu.memref_slice %arg15[%dma_wait3A_164, %dma_wait3A_165] : memref<10240x128xf32, #tpu.memory_space<vmem_shared>> -> memref<10240x128xf32, #tpu.memory_space<vmem_shared>>
        tpu.wait_indirect_dma semaphore(%run_scoped3A_154 : memref<!tpu.dma_semaphore, #tpu.memory_space<semaphore_mem>>) src(%arg14 : memref<32x128xf32, #tpu.memory_space<vmem>>) dst(%dma_wait3A_166 : memref<10240x128xf32, #tpu.memory_space<vmem_shared>>)
        tpu.yield
      }) : () -> ()
      %add3A_118 = arith.constant 1 : i32
      %add3A_119 = arith.addi %scan3A_56, %add3A_118 : i32
      %lt3A = arith.constant 80 : i32
      %lt3A_120 = arith.cmpi slt, %add3A_119, %lt3A : i32
      %convert_element_type3A = arith.extui %lt3A_120 : i1 to i32
      %cond3A = arith.constant 0 : i32
      %cond3A_121 = arith.cmpi ne, %convert_element_type3A, %cond3A : i32
      scf.if %cond3A_121 {
        %mul3A_154 = arith.constant 2 : i32
        %mul3A_155 = arith.muli %mul3A_154, %scan3A_56 : i32
        %add3A_156 = arith.constant 2 : i32
        %add3A_157 = arith.addi %mul3A_155, %add3A_156 : i32
        %mul3A_158 = arith.constant 5120 : i32
        %mul3A_159 = arith.muli %add3A, %mul3A_158 : i32
        %mul3A_160 = arith.constant 32 : i32
        %mul3A_161 = arith.muli %add3A_157, %mul3A_160 : i32
        %add3A_162 = arith.addi %mul3A_159, %mul3A_161 : i32
        %run_scoped3A_163 = arith.constant 0 : i32
        "tpu.region"() ({
          %run_scoped3A_186 = tpu.sem_alloc : memref<!tpu.dma_semaphore, #tpu.memory_space<semaphore_mem>>
          %dma_start3A_187 = arith.constant 0 : i32
          %dma_start3A_188 = arith.constant 0 : i32
          %dma_start3A_189 = tpu.memref_slice %arg9[%run_scoped3A_163, %dma_start3A_187, %dma_start3A_188] : memref<2x32x16xf32, #tpu.memory_space<vmem>> -> memref<1x32x16xf32, #tpu.memory_space<vmem>>
          %dma_start3A_190 = tpu.memref_squeeze %dma_start3A_189 : memref<1x32x16xf32, #tpu.memory_space<vmem>> -> memref<32x16xf32, #tpu.memory_space<vmem>>
          %dma_start3A_191 = arith.constant 0 : i32
          %dma_start3A_192 = tpu.memref_slice %arg2[%add3A_162, %dma_start3A_191] : memref<163840x16xf32, #tpu.memory_space<hbm>> -> memref<32x16xf32, #tpu.memory_space<hbm>>
          %dma_start3A_193 = arith.constant 0 : i32
          %dma_start3A_194 = arith.constant 0 : i32
          %dma_start3A_195 = tpu.memref_slice %arg9[%run_scoped3A_163, %dma_start3A_193, %dma_start3A_194] : memref<2x32x16xf32, #tpu.memory_space<vmem>> -> memref<1x32x16xf32, #tpu.memory_space<vmem>>
          %dma_start3A_196 = tpu.memref_squeeze %dma_start3A_195 : memref<1x32x16xf32, #tpu.memory_space<vmem>> -> memref<32x16xf32, #tpu.memory_space<vmem>>
          %dma_start3A_197 = arith.constant 0 : i32
          %dma_start3A_198 = tpu.memref_slice %arg2[%add3A_162, %dma_start3A_197] : memref<163840x16xf32, #tpu.memory_space<hbm>> -> memref<32x16xf32, #tpu.memory_space<hbm>>
          tpu.enqueue_dma source(%dma_start3A_198 : memref<32x16xf32, #tpu.memory_space<hbm>>) target(%dma_start3A_196 : memref<32x16xf32, #tpu.memory_space<vmem>>) target_semaphore(%run_scoped3A_186 : memref<!tpu.dma_semaphore, #tpu.memory_space<semaphore_mem>>)
          %dma_wait3A_199 = arith.constant 0 : i32
          %dma_wait3A_200 = arith.constant 0 : i32
          %dma_wait3A_201 = tpu.memref_slice %arg9[%run_scoped3A_163, %dma_wait3A_199, %dma_wait3A_200] : memref<2x32x16xf32, #tpu.memory_space<vmem>> -> memref<1x32x16xf32, #tpu.memory_space<vmem>>
          %dma_wait3A_202 = tpu.memref_squeeze %dma_wait3A_201 : memref<1x32x16xf32, #tpu.memory_space<vmem>> -> memref<32x16xf32, #tpu.memory_space<vmem>>
          %dma_wait3A_203 = arith.constant 0 : i32
          %dma_wait3A_204 = tpu.memref_slice %arg2[%add3A_162, %dma_wait3A_203] : memref<163840x16xf32, #tpu.memory_space<hbm>> -> memref<32x16xf32, #tpu.memory_space<hbm>>
          %dma_wait3A_205 = arith.constant 0 : i32
          %dma_wait3A_206 = arith.constant 0 : i32
          %dma_wait3A_207 = tpu.memref_slice %arg9[%run_scoped3A_163, %dma_wait3A_205, %dma_wait3A_206] : memref<2x32x16xf32, #tpu.memory_space<vmem>> -> memref<1x32x16xf32, #tpu.memory_space<vmem>>
          %dma_wait3A_208 = tpu.memref_squeeze %dma_wait3A_207 : memref<1x32x16xf32, #tpu.memory_space<vmem>> -> memref<32x16xf32, #tpu.memory_space<vmem>>
          %dma_wait3A_209 = arith.constant 0 : i32
          %dma_wait3A_210 = tpu.memref_slice %arg2[%add3A_162, %dma_wait3A_209] : memref<163840x16xf32, #tpu.memory_space<hbm>> -> memref<32x16xf32, #tpu.memory_space<hbm>>
          tpu.wait_dma2 semaphore(%run_scoped3A_186 : memref<!tpu.dma_semaphore, #tpu.memory_space<semaphore_mem>>) src(%dma_wait3A_210 : memref<32x16xf32, #tpu.memory_space<hbm>>) dst(%dma_wait3A_208 : memref<32x16xf32, #tpu.memory_space<vmem>>)
          tpu.yield
        }) : () -> ()
        %dma_start3A_164 = arith.constant 0 : i32
        %dma_start3A_165 = arith.constant 0 : i32
        %dma_start3A_166 = arith.constant 0 : i32
        %dma_start3A_167 = tpu.memref_slice %arg13[%dma_start3A_164, %dma_start3A_165, %dma_start3A_166] : memref<2x32x1024xbf16, #tpu.memory_space<vmem>> -> memref<1x32x1024xbf16, #tpu.memory_space<vmem>>
        %dma_start3A_168 = tpu.memref_squeeze %dma_start3A_167 : memref<1x32x1024xbf16, #tpu.memory_space<vmem>> -> memref<32x1024xbf16, #tpu.memory_space<vmem>>
        %dma_start3A_169 = arith.constant 0 : i32
        %dma_start3A_170 = tpu.memref_slice %arg11[%add3A_157, %dma_start3A_169] : memref<160x32xi32, #tpu.memory_space<vmem>> -> memref<1x32xi32, #tpu.memory_space<vmem>>
        %dma_start3A_171 = tpu.memref_squeeze %dma_start3A_170 : memref<1x32xi32, #tpu.memory_space<vmem>> -> memref<32xi32, #tpu.memory_space<vmem>>
        %dma_start3A_172 = arith.constant 0 : i32
        %dma_start3A_173 = arith.constant 0 : i32
        %dma_start3A_174 = tpu.memref_slice %arg5[%dma_start3A_172, %dma_start3A_173] : memref<10000x1024xbf16, #tpu.memory_space<hbm>> -> memref<10000x1024xbf16, #tpu.memory_space<hbm>>
        tpu.enqueue_indirect_dma source(%dma_start3A_174 : memref<10000x1024xbf16, #tpu.memory_space<hbm>>) target(%dma_start3A_168 : memref<32x1024xbf16, #tpu.memory_space<vmem>>) offsets(%dma_start3A_171 : memref<32xi32, #tpu.memory_space<vmem>>) semaphore(%arg16 : memref<!tpu.dma_semaphore, #tpu.memory_space<semaphore_mem>>)
        %dma_start3A_175 = arith.constant 0 : i32
        %dma_start3A_176 = arith.constant 0 : i32
        %dma_start3A_177 = arith.constant 0 : i32
        %dma_start3A_178 = tpu.memref_slice %arg10[%dma_start3A_175, %dma_start3A_176, %dma_start3A_177] : memref<2x32x16xf32, #tpu.memory_space<vmem>> -> memref<1x32x16xf32, #tpu.memory_space<vmem>>
        %dma_start3A_179 = tpu.memref_squeeze %dma_start3A_178 : memref<1x32x16xf32, #tpu.memory_space<vmem>> -> memref<32x16xf32, #tpu.memory_space<vmem>>
        %dma_start3A_180 = arith.constant 0 : i32
        %dma_start3A_181 = tpu.memref_slice %arg12[%add3A_157, %dma_start3A_180] : memref<160x32xi32, #tpu.memory_space<vmem>> -> memref<1x32xi32, #tpu.memory_space<vmem>>
        %dma_start3A_182 = tpu.memref_squeeze %dma_start3A_181 : memref<1x32xi32, #tpu.memory_space<vmem>> -> memref<32xi32, #tpu.memory_space<vmem>>
        %dma_start3A_183 = arith.constant 0 : i32
        %dma_start3A_184 = arith.constant 0 : i32
        %dma_start3A_185 = tpu.memref_slice %arg6[%dma_start3A_183, %dma_start3A_184] : memref<10240x16xf32, #tpu.memory_space<hbm>> -> memref<10240x16xf32, #tpu.memory_space<hbm>>
        tpu.enqueue_indirect_dma source(%dma_start3A_185 : memref<10240x16xf32, #tpu.memory_space<hbm>>) target(%dma_start3A_179 : memref<32x16xf32, #tpu.memory_space<vmem>>) offsets(%dma_start3A_182 : memref<32xi32, #tpu.memory_space<vmem>>) semaphore(%arg18 : memref<!tpu.dma_semaphore, #tpu.memory_space<semaphore_mem>>)
      } else {
      }
      %mul3A_122 = arith.constant 2 : i32
      %mul3A_123 = arith.muli %mul3A_122, %scan3A_56 : i32
      %add3A_124 = arith.constant 1 : i32
      %add3A_125 = arith.addi %mul3A_123, %add3A_124 : i32
      %dma_wait3A_126 = arith.constant 1 : i32
      %dma_wait3A_127 = arith.constant 0 : i32
      %dma_wait3A_128 = arith.constant 0 : i32
      %dma_wait3A_129 = tpu.memref_slice %arg13[%dma_wait3A_126, %dma_wait3A_127, %dma_wait3A_128] : memref<2x32x1024xbf16, #tpu.memory_space<vmem>> -> memref<1x32x1024xbf16, #tpu.memory_space<vmem>>
      %dma_wait3A_130 = tpu.memref_squeeze %dma_wait3A_129 : memref<1x32x1024xbf16, #tpu.memory_space<vmem>> -> memref<32x1024xbf16, #tpu.memory_space<vmem>>
      %dma_wait3A_131 = arith.constant 0 : i32
      %dma_wait3A_132 = tpu.memref_slice %arg11[%add3A_125, %dma_wait3A_131] : memref<160x32xi32, #tpu.memory_space<vmem>> -> memref<1x32xi32, #tpu.memory_space<vmem>>
      %dma_wait3A_133 = tpu.memref_squeeze %dma_wait3A_132 : memref<1x32xi32, #tpu.memory_space<vmem>> -> memref<32xi32, #tpu.memory_space<vmem>>
      %dma_wait3A_134 = arith.constant 0 : i32
      %dma_wait3A_135 = arith.constant 0 : i32
      %dma_wait3A_136 = tpu.memref_slice %arg5[%dma_wait3A_134, %dma_wait3A_135] : memref<10000x1024xbf16, #tpu.memory_space<hbm>> -> memref<10000x1024xbf16, #tpu.memory_space<hbm>>
      tpu.wait_indirect_dma semaphore(%arg17 : memref<!tpu.dma_semaphore, #tpu.memory_space<semaphore_mem>>) src(%dma_wait3A_136 : memref<10000x1024xbf16, #tpu.memory_space<hbm>>) dst(%dma_wait3A_130 : memref<32x1024xbf16, #tpu.memory_space<vmem>>)
      %dma_wait3A_137 = arith.constant 1 : i32
      %dma_wait3A_138 = arith.constant 0 : i32
      %dma_wait3A_139 = arith.constant 0 : i32
      %dma_wait3A_140 = tpu.memref_slice %arg10[%dma_wait3A_137, %dma_wait3A_138, %dma_wait3A_139] : memref<2x32x16xf32, #tpu.memory_space<vmem>> -> memref<1x32x16xf32, #tpu.memory_space<vmem>>
      %dma_wait3A_141 = tpu.memref_squeeze %dma_wait3A_140 : memref<1x32x16xf32, #tpu.memory_space<vmem>> -> memref<32x16xf32, #tpu.memory_space<vmem>>
      %dma_wait3A_142 = arith.constant 0 : i32
      %dma_wait3A_143 = tpu.memref_slice %arg12[%add3A_125, %dma_wait3A_142] : memref<160x32xi32, #tpu.memory_space<vmem>> -> memref<1x32xi32, #tpu.memory_space<vmem>>
      %dma_wait3A_144 = tpu.memref_squeeze %dma_wait3A_143 : memref<1x32xi32, #tpu.memory_space<vmem>> -> memref<32xi32, #tpu.memory_space<vmem>>
      %dma_wait3A_145 = arith.constant 0 : i32
      %dma_wait3A_146 = arith.constant 0 : i32
      %dma_wait3A_147 = tpu.memref_slice %arg6[%dma_wait3A_145, %dma_wait3A_146] : memref<10240x16xf32, #tpu.memory_space<hbm>> -> memref<10240x16xf32, #tpu.memory_space<hbm>>
      tpu.wait_indirect_dma semaphore(%arg19 : memref<!tpu.dma_semaphore, #tpu.memory_space<semaphore_mem>>) src(%dma_wait3A_147 : memref<10240x16xf32, #tpu.memory_space<hbm>>) dst(%dma_wait3A_141 : memref<32x16xf32, #tpu.memory_space<vmem>>)
      %scan3A_148 = arith.constant 0 : i32
      %scan3A_149 = arith.constant 0 : i32
      %scan3A_150 = arith.constant 32 : i32
      %scan3A_151 = arith.addi %scan3A_149, %scan3A_150 : i32
      %scan3A_152 = arith.constant 1 : i32
      scf.for %scan3A_154 = %scan3A_149 to %scan3A_151 step %scan3A_152  : i32 {
        %get3A = arith.constant 1 : i32
        %get3A_155 = arith.index_cast %get3A : i32 to index
        %get3A_156 = arith.index_cast %scan3A_154 : i32 to index
        %get3A_157 = arith.constant 0 : index
        %get3A_158 = tpu.vector_load %arg9[%get3A_155, %get3A_156, %get3A_157] {strides = array<i32>} : memref<2x32x16xf32, #tpu.memory_space<vmem>>, vector<16xf32>,
        %exp3A = math.exp %get3A_158 : vector<16xf32>
        %get3A_159 = arith.constant 1 : i32
        %get3A_160 = arith.index_cast %get3A_159 : i32 to index
        %get3A_161 = arith.index_cast %scan3A_154 : i32 to index
        %get3A_162 = arith.constant 0 : index
        %get3A_163 = tpu.vector_load %arg10[%get3A_160, %get3A_161, %get3A_162] {strides = array<i32>} : memref<2x32x16xf32, #tpu.memory_space<vmem>>, vector<16xf32>,
        %mul3A_164 = arith.mulf %exp3A, %get3A_163 : vector<16xf32>
        %broadcast_in_dim3A = arith.constant 0.000000e+00 : f32
        %broadcast_in_dim3A_165 = vector.broadcast %broadcast_in_dim3A : f32 to vector<16xf32>
        %broadcast_in_dim3A_166 = arith.constant 0.000000e+00 : f32
        %broadcast_in_dim3A_167 = vector.broadcast %broadcast_in_dim3A_166 : f32 to vector<16xf32>
        %broadcast_in_dim3A_168 = arith.constant 0.000000e+00 : f32
        %broadcast_in_dim3A_169 = vector.broadcast %broadcast_in_dim3A_168 : f32 to vector<16xf32>
        %broadcast_in_dim3A_170 = arith.constant 0.000000e+00 : f32
        %broadcast_in_dim3A_171 = vector.broadcast %broadcast_in_dim3A_170 : f32 to vector<16xf32>
        %broadcast_in_dim3A_172 = arith.constant 0.000000e+00 : f32
        %broadcast_in_dim3A_173 = vector.broadcast %broadcast_in_dim3A_172 : f32 to vector<16xf32>
        %broadcast_in_dim3A_174 = arith.constant 0.000000e+00 : f32
        %broadcast_in_dim3A_175 = vector.broadcast %broadcast_in_dim3A_174 : f32 to vector<16xf32>
        %broadcast_in_dim3A_176 = arith.constant 0.000000e+00 : f32
        %broadcast_in_dim3A_177 = vector.broadcast %broadcast_in_dim3A_176 : f32 to vector<16xf32>
        %broadcast_in_dim3A_178 = arith.constant 0.000000e+00 : f32
        %broadcast_in_dim3A_179 = vector.broadcast %broadcast_in_dim3A_178 : f32 to vector<16xf32>
        %slice3A = vector.extract_strided_slice %mul3A_164 {offsets = [0], sizes = [1], strides = [1]} : vector<16xf32> to vector<1xf32>
        %squeeze3A = vector.extract %slice3A[0] : f32 from vector<1xf32>
        %broadcast_in_dim3A_180 = vector.broadcast %squeeze3A : f32 to vector<16xf32>
        %pack3A = tpu.pack_subelements %broadcast_in_dim3A_180, %broadcast_in_dim3A_180 {pack_format = #tpu.pack_format<interleaved>, positions = array<i32: 0, 1>} : vector<16xf32>, vector<16xf32> -> vector<32xbf16>
        %get3A_181 = arith.constant 1 : i32
        %get3A_182 = arith.index_cast %get3A_181 : i32 to index
        %get3A_183 = arith.index_cast %scan3A_154 : i32 to index
        %get3A_184 = arith.constant 0 : index
        %get3A_185 = tpu.vector_load %arg13[%get3A_182, %get3A_183, %get3A_184] {strides = array<i32>} : memref<2x32x1024xbf16, #tpu.memory_space<vmem>>, vector<32xbf16>,
        %mul3A_186 = arith.mulf %get3A_185, %pack3A : vector<32xbf16>
        %unpack3A = tpu.unpack_subelements %mul3A_186, 0 {pack_format = #tpu.pack_format<interleaved>} : vector<32xbf16> -> vector<16xf32>
        %unpack3A_187 = tpu.unpack_subelements %mul3A_186, 1 {pack_format = #tpu.pack_format<interleaved>} : vector<32xbf16> -> vector<16xf32>
        %add3A_188 = arith.addf %broadcast_in_dim3A_165, %unpack3A : vector<16xf32>
        %add3A_189 = arith.addf %broadcast_in_dim3A_167, %unpack3A_187 : vector<16xf32>
        %get3A_190 = arith.constant 1 : i32
        %get3A_191 = arith.index_cast %get3A_190 : i32 to index
        %get3A_192 = arith.index_cast %scan3A_154 : i32 to index
        %get3A_193 = arith.constant 32 : index
        %get3A_194 = tpu.vector_load %arg13[%get3A_191, %get3A_192, %get3A_193] {strides = array<i32>} : memref<2x32x1024xbf16, #tpu.memory_space<vmem>>, vector<32xbf16>,
        %mul3A_195 = arith.mulf %get3A_194, %pack3A : vector<32xbf16>
        %unpack3A_196 = tpu.unpack_subelements %mul3A_195, 0 {pack_format = #tpu.pack_format<interleaved>} : vector<32xbf16> -> vector<16xf32>
        %unpack3A_197 = tpu.unpack_subelements %mul3A_195, 1 {pack_format = #tpu.pack_format<interleaved>} : vector<32xbf16> -> vector<16xf32>
        %add3A_198 = arith.addf %broadcast_in_dim3A_169, %unpack3A_196 : vector<16xf32>
        %add3A_199 = arith.addf %broadcast_in_dim3A_171, %unpack3A_197 : vector<16xf32>
        %get3A_200 = arith.constant 1 : i32
        %get3A_201 = arith.index_cast %get3A_200 : i32 to index
        %get3A_202 = arith.index_cast %scan3A_154 : i32 to index
        %get3A_203 = arith.constant 64 : index
        %get3A_204 = tpu.vector_load %arg13[%get3A_201, %get3A_202, %get3A_203] {strides = array<i32>} : memref<2x32x1024xbf16, #tpu.memory_space<vmem>>, vector<32xbf16>,
        %mul3A_205 = arith.mulf %get3A_204, %pack3A : vector<32xbf16>
        %unpack3A_206 = tpu.unpack_subelements %mul3A_205, 0 {pack_format = #tpu.pack_format<interleaved>} : vector<32xbf16> -> vector<16xf32>
        %unpack3A_207 = tpu.unpack_subelements %mul3A_205, 1 {pack_format = #tpu.pack_format<interleaved>} : vector<32xbf16> -> vector<16xf32>
        %add3A_208 = arith.addf %broadcast_in_dim3A_173, %unpack3A_206 : vector<16xf32>
        %add3A_209 = arith.addf %broadcast_in_dim3A_175, %unpack3A_207 : vector<16xf32>
        %get3A_210 = arith.constant 1 : i32
        %get3A_211 = arith.index_cast %get3A_210 : i32 to index
        %get3A_212 = arith.index_cast %scan3A_154 : i32 to index
        %get3A_213 = arith.constant 96 : index
        %get3A_214 = tpu.vector_load %arg13[%get3A_211, %get3A_212, %get3A_213] {strides = array<i32>} : memref<2x32x1024xbf16, #tpu.memory_space<vmem>>, vector<32xbf16>,
        %mul3A_215 = arith.mulf %get3A_214, %pack3A : vector<32xbf16>
        %unpack3A_216 = tpu.unpack_subelements %mul3A_215, 0 {pack_format = #tpu.pack_format<interleaved>} : vector<32xbf16> -> vector<16xf32>
        %unpack3A_217 = tpu.unpack_subelements %mul3A_215, 1 {pack_format = #tpu.pack_format<interleaved>} : vector<32xbf16> -> vector<16xf32>
        %add3A_218 = arith.addf %broadcast_in_dim3A_177, %unpack3A_216 : vector<16xf32>
        %add3A_219 = arith.addf %broadcast_in_dim3A_179, %unpack3A_217 : vector<16xf32>
        %slice3A_220 = vector.extract_strided_slice %mul3A_164 {offsets = [1], sizes = [1], strides = [1]} : vector<16xf32> to vector<1xf32>
        %squeeze3A_221 = vector.extract %slice3A_220[0] : f32 from vector<1xf32>
        %broadcast_in_dim3A_222 = vector.broadcast %squeeze3A_221 : f32 to vector<16xf32>
        %pack3A_223 = tpu.pack_subelements %broadcast_in_dim3A_222, %broadcast_in_dim3A_222 {pack_format = #tpu.pack_format<interleaved>, positions = array<i32: 0, 1>} : vector<16xf32>, vector<16xf32> -> vector<32xbf16>
        %get3A_224 = arith.constant 1 : i32
        %get3A_225 = arith.index_cast %get3A_224 : i32 to index
        %get3A_226 = arith.index_cast %scan3A_154 : i32 to index
        %get3A_227 = arith.constant 128 : index
        %get3A_228 = tpu.vector_load %arg13[%get3A_225, %get3A_226, %get3A_227] {strides = array<i32>} : memref<2x32x1024xbf16, #tpu.memory_space<vmem>>, vector<32xbf16>,
        %mul3A_229 = arith.mulf %get3A_228, %pack3A_223 : vector<32xbf16>
        %unpack3A_230 = tpu.unpack_subelements %mul3A_229, 0 {pack_format = #tpu.pack_format<interleaved>} : vector<32xbf16> -> vector<16xf32>
        %unpack3A_231 = tpu.unpack_subelements %mul3A_229, 1 {pack_format = #tpu.pack_format<interleaved>} : vector<32xbf16> -> vector<16xf32>
        %add3A_232 = arith.addf %add3A_188, %unpack3A_230 : vector<16xf32>
        %add3A_233 = arith.addf %add3A_189, %unpack3A_231 : vector<16xf32>
        %get3A_234 = arith.constant 1 : i32
        %get3A_235 = arith.index_cast %get3A_234 : i32 to index
        %get3A_236 = arith.index_cast %scan3A_154 : i32 to index
        %get3A_237 = arith.constant 160 : index
        %get3A_238 = tpu.vector_load %arg13[%get3A_235, %get3A_236, %get3A_237] {strides = array<i32>} : memref<2x32x1024xbf16, #tpu.memory_space<vmem>>, vector<32xbf16>,
        %mul3A_239 = arith.mulf %get3A_238, %pack3A_223 : vector<32xbf16>
        %unpack3A_240 = tpu.unpack_subelements %mul3A_239, 0 {pack_format = #tpu.pack_format<interleaved>} : vector<32xbf16> -> vector<16xf32>
        %unpack3A_241 = tpu.unpack_subelements %mul3A_239, 1 {pack_format = #tpu.pack_format<interleaved>} : vector<32xbf16> -> vector<16xf32>
        %add3A_242 = arith.addf %add3A_198, %unpack3A_240 : vector<16xf32>
        %add3A_243 = arith.addf %add3A_199, %unpack3A_241 : vector<16xf32>
        %get3A_244 = arith.constant 1 : i32
        %get3A_245 = arith.index_cast %get3A_244 : i32 to index
        %get3A_246 = arith.index_cast %scan3A_154 : i32 to index
        %get3A_247 = arith.constant 192 : index
        %get3A_248 = tpu.vector_load %arg13[%get3A_245, %get3A_246, %get3A_247] {strides = array<i32>} : memref<2x32x1024xbf16, #tpu.memory_space<vmem>>, vector<32xbf16>,
        %mul3A_249 = arith.mulf %get3A_248, %pack3A_223 : vector<32xbf16>
        %unpack3A_250 = tpu.unpack_subelements %mul3A_249, 0 {pack_format = #tpu.pack_format<interleaved>} : vector<32xbf16> -> vector<16xf32>
        %unpack3A_251 = tpu.unpack_subelements %mul3A_249, 1 {pack_format = #tpu.pack_format<interleaved>} : vector<32xbf16> -> vector<16xf32>
        %add3A_252 = arith.addf %add3A_208, %unpack3A_250 : vector<16xf32>
        %add3A_253 = arith.addf %add3A_209, %unpack3A_251 : vector<16xf32>
        %get3A_254 = arith.constant 1 : i32
        %get3A_255 = arith.index_cast %get3A_254 : i32 to index
        %get3A_256 = arith.index_cast %scan3A_154 : i32 to index
        %get3A_257 = arith.constant 224 : index
        %get3A_258 = tpu.vector_load %arg13[%get3A_255, %get3A_256, %get3A_257] {strides = array<i32>} : memref<2x32x1024xbf16, #tpu.memory_space<vmem>>, vector<32xbf16>,
        %mul3A_259 = arith.mulf %get3A_258, %pack3A_223 : vector<32xbf16>
        %unpack3A_260 = tpu.unpack_subelements %mul3A_259, 0 {pack_format = #tpu.pack_format<interleaved>} : vector<32xbf16> -> vector<16xf32>
        %unpack3A_261 = tpu.unpack_subelements %mul3A_259, 1 {pack_format = #tpu.pack_format<interleaved>} : vector<32xbf16> -> vector<16xf32>
        %add3A_262 = arith.addf %add3A_218, %unpack3A_260 : vector<16xf32>
        %add3A_263 = arith.addf %add3A_219, %unpack3A_261 : vector<16xf32>
        %slice3A_264 = vector.extract_strided_slice %mul3A_164 {offsets = [2], sizes = [1], strides = [1]} : vector<16xf32> to vector<1xf32>
        %squeeze3A_265 = vector.extract %slice3A_264[0] : f32 from vector<1xf32>
        %broadcast_in_dim3A_266 = vector.broadcast %squeeze3A_265 : f32 to vector<16xf32>
        %pack3A_267 = tpu.pack_subelements %broadcast_in_dim3A_266, %broadcast_in_dim3A_266 {pack_format = #tpu.pack_format<interleaved>, positions = array<i32: 0, 1>} : vector<16xf32>, vector<16xf32> -> vector<32xbf16>
        %get3A_268 = arith.constant 1 : i32
        %get3A_269 = arith.index_cast %get3A_268 : i32 to index
        %get3A_270 = arith.index_cast %scan3A_154 : i32 to index
        %get3A_271 = arith.constant 256 : index
        %get3A_272 = tpu.vector_load %arg13[%get3A_269, %get3A_270, %get3A_271] {strides = array<i32>} : memref<2x32x1024xbf16, #tpu.memory_space<vmem>>, vector<32xbf16>,
        %mul3A_273 = arith.mulf %get3A_272, %pack3A_267 : vector<32xbf16>
        %unpack3A_274 = tpu.unpack_subelements %mul3A_273, 0 {pack_format = #tpu.pack_format<interleaved>} : vector<32xbf16> -> vector<16xf32>
        %unpack3A_275 = tpu.unpack_subelements %mul3A_273, 1 {pack_format = #tpu.pack_format<interleaved>} : vector<32xbf16> -> vector<16xf32>
        %add3A_276 = arith.addf %add3A_232, %unpack3A_274 : vector<16xf32>
        %add3A_277 = arith.addf %add3A_233, %unpack3A_275 : vector<16xf32>
        %get3A_278 = arith.constant 1 : i32
        %get3A_279 = arith.index_cast %get3A_278 : i32 to index
        %get3A_280 = arith.index_cast %scan3A_154 : i32 to index
        %get3A_281 = arith.constant 288 : index
        %get3A_282 = tpu.vector_load %arg13[%get3A_279, %get3A_280, %get3A_281] {strides = array<i32>} : memref<2x32x1024xbf16, #tpu.memory_space<vmem>>, vector<32xbf16>,
        %mul3A_283 = arith.mulf %get3A_282, %pack3A_267 : vector<32xbf16>
        %unpack3A_284 = tpu.unpack_subelements %mul3A_283, 0 {pack_format = #tpu.pack_format<interleaved>} : vector<32xbf16> -> vector<16xf32>
        %unpack3A_285 = tpu.unpack_subelements %mul3A_283, 1 {pack_format = #tpu.pack_format<interleaved>} : vector<32xbf16> -> vector<16xf32>
        %add3A_286 = arith.addf %add3A_242, %unpack3A_284 : vector<16xf32>
        %add3A_287 = arith.addf %add3A_243, %unpack3A_285 : vector<16xf32>
        %get3A_288 = arith.constant 1 : i32
        %get3A_289 = arith.index_cast %get3A_288 : i32 to index
        %get3A_290 = arith.index_cast %scan3A_154 : i32 to index
        %get3A_291 = arith.constant 320 : index
        %get3A_292 = tpu.vector_load %arg13[%get3A_289, %get3A_290, %get3A_291] {strides = array<i32>} : memref<2x32x1024xbf16, #tpu.memory_space<vmem>>, vector<32xbf16>,
        %mul3A_293 = arith.mulf %get3A_292, %pack3A_267 : vector<32xbf16>
        %unpack3A_294 = tpu.unpack_subelements %mul3A_293, 0 {pack_format = #tpu.pack_format<interleaved>} : vector<32xbf16> -> vector<16xf32>
        %unpack3A_295 = tpu.unpack_subelements %mul3A_293, 1 {pack_format = #tpu.pack_format<interleaved>} : vector<32xbf16> -> vector<16xf32>
        %add3A_296 = arith.addf %add3A_252, %unpack3A_294 : vector<16xf32>
        %add3A_297 = arith.addf %add3A_253, %unpack3A_295 : vector<16xf32>
        %get3A_298 = arith.constant 1 : i32
        %get3A_299 = arith.index_cast %get3A_298 : i32 to index
        %get3A_300 = arith.index_cast %scan3A_154 : i32 to index
        %get3A_301 = arith.constant 352 : index
        %get3A_302 = tpu.vector_load %arg13[%get3A_299, %get3A_300, %get3A_301] {strides = array<i32>} : memref<2x32x1024xbf16, #tpu.memory_space<vmem>>, vector<32xbf16>,
        %mul3A_303 = arith.mulf %get3A_302, %pack3A_267 : vector<32xbf16>
        %unpack3A_304 = tpu.unpack_subelements %mul3A_303, 0 {pack_format = #tpu.pack_format<interleaved>} : vector<32xbf16> -> vector<16xf32>
        %unpack3A_305 = tpu.unpack_subelements %mul3A_303, 1 {pack_format = #tpu.pack_format<interleaved>} : vector<32xbf16> -> vector<16xf32>
        %add3A_306 = arith.addf %add3A_262, %unpack3A_304 : vector<16xf32>
        %add3A_307 = arith.addf %add3A_263, %unpack3A_305 : vector<16xf32>
        %slice3A_308 = vector.extract_strided_slice %mul3A_164 {offsets = [3], sizes = [1], strides = [1]} : vector<16xf32> to vector<1xf32>
        %squeeze3A_309 = vector.extract %slice3A_308[0] : f32 from vector<1xf32>
        %broadcast_in_dim3A_310 = vector.broadcast %squeeze3A_309 : f32 to vector<16xf32>
        %pack3A_311 = tpu.pack_subelements %broadcast_in_dim3A_310, %broadcast_in_dim3A_310 {pack_format = #tpu.pack_format<interleaved>, positions = array<i32: 0, 1>} : vector<16xf32>, vector<16xf32> -> vector<32xbf16>
        %get3A_312 = arith.constant 1 : i32
        %get3A_313 = arith.index_cast %get3A_312 : i32 to index
        %get3A_314 = arith.index_cast %scan3A_154 : i32 to index
        %get3A_315 = arith.constant 384 : index
        %get3A_316 = tpu.vector_load %arg13[%get3A_313, %get3A_314, %get3A_315] {strides = array<i32>} : memref<2x32x1024xbf16, #tpu.memory_space<vmem>>, vector<32xbf16>,
        %mul3A_317 = arith.mulf %get3A_316, %pack3A_311 : vector<32xbf16>
        %unpack3A_318 = tpu.unpack_subelements %mul3A_317, 0 {pack_format = #tpu.pack_format<interleaved>} : vector<32xbf16> -> vector<16xf32>
        %unpack3A_319 = tpu.unpack_subelements %mul3A_317, 1 {pack_format = #tpu.pack_format<interleaved>} : vector<32xbf16> -> vector<16xf32>
        %add3A_320 = arith.addf %add3A_276, %unpack3A_318 : vector<16xf32>
        %add3A_321 = arith.addf %add3A_277, %unpack3A_319 : vector<16xf32>
        %get3A_322 = arith.constant 1 : i32
        %get3A_323 = arith.index_cast %get3A_322 : i32 to index
        %get3A_324 = arith.index_cast %scan3A_154 : i32 to index
        %get3A_325 = arith.constant 416 : index
        %get3A_326 = tpu.vector_load %arg13[%get3A_323, %get3A_324, %get3A_325] {strides = array<i32>} : memref<2x32x1024xbf16, #tpu.memory_space<vmem>>, vector<32xbf16>,
        %mul3A_327 = arith.mulf %get3A_326, %pack3A_311 : vector<32xbf16>
        %unpack3A_328 = tpu.unpack_subelements %mul3A_327, 0 {pack_format = #tpu.pack_format<interleaved>} : vector<32xbf16> -> vector<16xf32>
        %unpack3A_329 = tpu.unpack_subelements %mul3A_327, 1 {pack_format = #tpu.pack_format<interleaved>} : vector<32xbf16> -> vector<16xf32>
        %add3A_330 = arith.addf %add3A_286, %unpack3A_328 : vector<16xf32>
        %add3A_331 = arith.addf %add3A_287, %unpack3A_329 : vector<16xf32>
        %get3A_332 = arith.constant 1 : i32
        %get3A_333 = arith.index_cast %get3A_332 : i32 to index
        %get3A_334 = arith.index_cast %scan3A_154 : i32 to index
        %get3A_335 = arith.constant 448 : index
        %get3A_336 = tpu.vector_load %arg13[%get3A_333, %get3A_334, %get3A_335] {strides = array<i32>} : memref<2x32x1024xbf16, #tpu.memory_space<vmem>>, vector<32xbf16>,
        %mul3A_337 = arith.mulf %get3A_336, %pack3A_311 : vector<32xbf16>
        %unpack3A_338 = tpu.unpack_subelements %mul3A_337, 0 {pack_format = #tpu.pack_format<interleaved>} : vector<32xbf16> -> vector<16xf32>
        %unpack3A_339 = tpu.unpack_subelements %mul3A_337, 1 {pack_format = #tpu.pack_format<interleaved>} : vector<32xbf16> -> vector<16xf32>
        %add3A_340 = arith.addf %add3A_296, %unpack3A_338 : vector<16xf32>
        %add3A_341 = arith.addf %add3A_297, %unpack3A_339 : vector<16xf32>
        %get3A_342 = arith.constant 1 : i32
        %get3A_343 = arith.index_cast %get3A_342 : i32 to index
        %get3A_344 = arith.index_cast %scan3A_154 : i32 to index
        %get3A_345 = arith.constant 480 : index
        %get3A_346 = tpu.vector_load %arg13[%get3A_343, %get3A_344, %get3A_345] {strides = array<i32>} : memref<2x32x1024xbf16, #tpu.memory_space<vmem>>, vector<32xbf16>,
        %mul3A_347 = arith.mulf %get3A_346, %pack3A_311 : vector<32xbf16>
        %unpack3A_348 = tpu.unpack_subelements %mul3A_347, 0 {pack_format = #tpu.pack_format<interleaved>} : vector<32xbf16> -> vector<16xf32>
        %unpack3A_349 = tpu.unpack_subelements %mul3A_347, 1 {pack_format = #tpu.pack_format<interleaved>} : vector<32xbf16> -> vector<16xf32>
        %add3A_350 = arith.addf %add3A_306, %unpack3A_348 : vector<16xf32>
        %add3A_351 = arith.addf %add3A_307, %unpack3A_349 : vector<16xf32>
        %slice3A_352 = vector.extract_strided_slice %mul3A_164 {offsets = [4], sizes = [1], strides = [1]} : vector<16xf32> to vector<1xf32>
        %squeeze3A_353 = vector.extract %slice3A_352[0] : f32 from vector<1xf32>
        %broadcast_in_dim3A_354 = vector.broadcast %squeeze3A_353 : f32 to vector<16xf32>
        %pack3A_355 = tpu.pack_subelements %broadcast_in_dim3A_354, %broadcast_in_dim3A_354 {pack_format = #tpu.pack_format<interleaved>, positions = array<i32: 0, 1>} : vector<16xf32>, vector<16xf32> -> vector<32xbf16>
        %get3A_356 = arith.constant 1 : i32
        %get3A_357 = arith.index_cast %get3A_356 : i32 to index
        %get3A_358 = arith.index_cast %scan3A_154 : i32 to index
        %get3A_359 = arith.constant 512 : index
        %get3A_360 = tpu.vector_load %arg13[%get3A_357, %get3A_358, %get3A_359] {strides = array<i32>} : memref<2x32x1024xbf16, #tpu.memory_space<vmem>>, vector<32xbf16>,
        %mul3A_361 = arith.mulf %get3A_360, %pack3A_355 : vector<32xbf16>
        %unpack3A_362 = tpu.unpack_subelements %mul3A_361, 0 {pack_format = #tpu.pack_format<interleaved>} : vector<32xbf16> -> vector<16xf32>
        %unpack3A_363 = tpu.unpack_subelements %mul3A_361, 1 {pack_format = #tpu.pack_format<interleaved>} : vector<32xbf16> -> vector<16xf32>
        %add3A_364 = arith.addf %add3A_320, %unpack3A_362 : vector<16xf32>
        %add3A_365 = arith.addf %add3A_321, %unpack3A_363 : vector<16xf32>
        %get3A_366 = arith.constant 1 : i32
        %get3A_367 = arith.index_cast %get3A_366 : i32 to index
        %get3A_368 = arith.index_cast %scan3A_154 : i32 to index
        %get3A_369 = arith.constant 544 : index
        %get3A_370 = tpu.vector_load %arg13[%get3A_367, %get3A_368, %get3A_369] {strides = array<i32>} : memref<2x32x1024xbf16, #tpu.memory_space<vmem>>, vector<32xbf16>,
        %mul3A_371 = arith.mulf %get3A_370, %pack3A_355 : vector<32xbf16>
        %unpack3A_372 = tpu.unpack_subelements %mul3A_371, 0 {pack_format = #tpu.pack_format<interleaved>} : vector<32xbf16> -> vector<16xf32>
        %unpack3A_373 = tpu.unpack_subelements %mul3A_371, 1 {pack_format = #tpu.pack_format<interleaved>} : vector<32xbf16> -> vector<16xf32>
        %add3A_374 = arith.addf %add3A_330, %unpack3A_372 : vector<16xf32>
        %add3A_375 = arith.addf %add3A_331, %unpack3A_373 : vector<16xf32>
        %get3A_376 = arith.constant 1 : i32
        %get3A_377 = arith.index_cast %get3A_376 : i32 to index
        %get3A_378 = arith.index_cast %scan3A_154 : i32 to index
        %get3A_379 = arith.constant 576 : index
        %get3A_380 = tpu.vector_load %arg13[%get3A_377, %get3A_378, %get3A_379] {strides = array<i32>} : memref<2x32x1024xbf16, #tpu.memory_space<vmem>>, vector<32xbf16>,
        %mul3A_381 = arith.mulf %get3A_380, %pack3A_355 : vector<32xbf16>
        %unpack3A_382 = tpu.unpack_subelements %mul3A_381, 0 {pack_format = #tpu.pack_format<interleaved>} : vector<32xbf16> -> vector<16xf32>
        %unpack3A_383 = tpu.unpack_subelements %mul3A_381, 1 {pack_format = #tpu.pack_format<interleaved>} : vector<32xbf16> -> vector<16xf32>
        %add3A_384 = arith.addf %add3A_340, %unpack3A_382 : vector<16xf32>
        %add3A_385 = arith.addf %add3A_341, %unpack3A_383 : vector<16xf32>
        %get3A_386 = arith.constant 1 : i32
        %get3A_387 = arith.index_cast %get3A_386 : i32 to index
        %get3A_388 = arith.index_cast %scan3A_154 : i32 to index
        %get3A_389 = arith.constant 608 : index
        %get3A_390 = tpu.vector_load %arg13[%get3A_387, %get3A_388, %get3A_389] {strides = array<i32>} : memref<2x32x1024xbf16, #tpu.memory_space<vmem>>, vector<32xbf16>,
        %mul3A_391 = arith.mulf %get3A_390, %pack3A_355 : vector<32xbf16>
        %unpack3A_392 = tpu.unpack_subelements %mul3A_391, 0 {pack_format = #tpu.pack_format<interleaved>} : vector<32xbf16> -> vector<16xf32>
        %unpack3A_393 = tpu.unpack_subelements %mul3A_391, 1 {pack_format = #tpu.pack_format<interleaved>} : vector<32xbf16> -> vector<16xf32>
        %add3A_394 = arith.addf %add3A_350, %unpack3A_392 : vector<16xf32>
        %add3A_395 = arith.addf %add3A_351, %unpack3A_393 : vector<16xf32>
        %slice3A_396 = vector.extract_strided_slice %mul3A_164 {offsets = [5], sizes = [1], strides = [1]} : vector<16xf32> to vector<1xf32>
        %squeeze3A_397 = vector.extract %slice3A_396[0] : f32 from vector<1xf32>
        %broadcast_in_dim3A_398 = vector.broadcast %squeeze3A_397 : f32 to vector<16xf32>
        %pack3A_399 = tpu.pack_subelements %broadcast_in_dim3A_398, %broadcast_in_dim3A_398 {pack_format = #tpu.pack_format<interleaved>, positions = array<i32: 0, 1>} : vector<16xf32>, vector<16xf32> -> vector<32xbf16>
        %get3A_400 = arith.constant 1 : i32
        %get3A_401 = arith.index_cast %get3A_400 : i32 to index
        %get3A_402 = arith.index_cast %scan3A_154 : i32 to index
        %get3A_403 = arith.constant 640 : index
        %get3A_404 = tpu.vector_load %arg13[%get3A_401, %get3A_402, %get3A_403] {strides = array<i32>} : memref<2x32x1024xbf16, #tpu.memory_space<vmem>>, vector<32xbf16>,
        %mul3A_405 = arith.mulf %get3A_404, %pack3A_399 : vector<32xbf16>
        %unpack3A_406 = tpu.unpack_subelements %mul3A_405, 0 {pack_format = #tpu.pack_format<interleaved>} : vector<32xbf16> -> vector<16xf32>
        %unpack3A_407 = tpu.unpack_subelements %mul3A_405, 1 {pack_format = #tpu.pack_format<interleaved>} : vector<32xbf16> -> vector<16xf32>
        %add3A_408 = arith.addf %add3A_364, %unpack3A_406 : vector<16xf32>
        %add3A_409 = arith.addf %add3A_365, %unpack3A_407 : vector<16xf32>
        %get3A_410 = arith.constant 1 : i32
        %get3A_411 = arith.index_cast %get3A_410 : i32 to index
        %get3A_412 = arith.index_cast %scan3A_154 : i32 to index
        %get3A_413 = arith.constant 672 : index
        %get3A_414 = tpu.vector_load %arg13[%get3A_411, %get3A_412, %get3A_413] {strides = array<i32>} : memref<2x32x1024xbf16, #tpu.memory_space<vmem>>, vector<32xbf16>,
        %mul3A_415 = arith.mulf %get3A_414, %pack3A_399 : vector<32xbf16>
        %unpack3A_416 = tpu.unpack_subelements %mul3A_415, 0 {pack_format = #tpu.pack_format<interleaved>} : vector<32xbf16> -> vector<16xf32>
        %unpack3A_417 = tpu.unpack_subelements %mul3A_415, 1 {pack_format = #tpu.pack_format<interleaved>} : vector<32xbf16> -> vector<16xf32>
        %add3A_418 = arith.addf %add3A_374, %unpack3A_416 : vector<16xf32>
        %add3A_419 = arith.addf %add3A_375, %unpack3A_417 : vector<16xf32>
        %get3A_420 = arith.constant 1 : i32
        %get3A_421 = arith.index_cast %get3A_420 : i32 to index
        %get3A_422 = arith.index_cast %scan3A_154 : i32 to index
        %get3A_423 = arith.constant 704 : index
        %get3A_424 = tpu.vector_load %arg13[%get3A_421, %get3A_422, %get3A_423] {strides = array<i32>} : memref<2x32x1024xbf16, #tpu.memory_space<vmem>>, vector<32xbf16>,
        %mul3A_425 = arith.mulf %get3A_424, %pack3A_399 : vector<32xbf16>
        %unpack3A_426 = tpu.unpack_subelements %mul3A_425, 0 {pack_format = #tpu.pack_format<interleaved>} : vector<32xbf16> -> vector<16xf32>
        %unpack3A_427 = tpu.unpack_subelements %mul3A_425, 1 {pack_format = #tpu.pack_format<interleaved>} : vector<32xbf16> -> vector<16xf32>
        %add3A_428 = arith.addf %add3A_384, %unpack3A_426 : vector<16xf32>
        %add3A_429 = arith.addf %add3A_385, %unpack3A_427 : vector<16xf32>
        %get3A_430 = arith.constant 1 : i32
        %get3A_431 = arith.index_cast %get3A_430 : i32 to index
        %get3A_432 = arith.index_cast %scan3A_154 : i32 to index
        %get3A_433 = arith.constant 736 : index
        %get3A_434 = tpu.vector_load %arg13[%get3A_431, %get3A_432, %get3A_433] {strides = array<i32>} : memref<2x32x1024xbf16, #tpu.memory_space<vmem>>, vector<32xbf16>,
        %mul3A_435 = arith.mulf %get3A_434, %pack3A_399 : vector<32xbf16>
        %unpack3A_436 = tpu.unpack_subelements %mul3A_435, 0 {pack_format = #tpu.pack_format<interleaved>} : vector<32xbf16> -> vector<16xf32>
        %unpack3A_437 = tpu.unpack_subelements %mul3A_435, 1 {pack_format = #tpu.pack_format<interleaved>} : vector<32xbf16> -> vector<16xf32>
        %add3A_438 = arith.addf %add3A_394, %unpack3A_436 : vector<16xf32>
        %add3A_439 = arith.addf %add3A_395, %unpack3A_437 : vector<16xf32>
        %slice3A_440 = vector.extract_strided_slice %mul3A_164 {offsets = [6], sizes = [1], strides = [1]} : vector<16xf32> to vector<1xf32>
        %squeeze3A_441 = vector.extract %slice3A_440[0] : f32 from vector<1xf32>
        %broadcast_in_dim3A_442 = vector.broadcast %squeeze3A_441 : f32 to vector<16xf32>
        %pack3A_443 = tpu.pack_subelements %broadcast_in_dim3A_442, %broadcast_in_dim3A_442 {pack_format = #tpu.pack_format<interleaved>, positions = array<i32: 0, 1>} : vector<16xf32>, vector<16xf32> -> vector<32xbf16>
        %get3A_444 = arith.constant 1 : i32
        %get3A_445 = arith.index_cast %get3A_444 : i32 to index
        %get3A_446 = arith.index_cast %scan3A_154 : i32 to index
        %get3A_447 = arith.constant 768 : index
        %get3A_448 = tpu.vector_load %arg13[%get3A_445, %get3A_446, %get3A_447] {strides = array<i32>} : memref<2x32x1024xbf16, #tpu.memory_space<vmem>>, vector<32xbf16>,
        %mul3A_449 = arith.mulf %get3A_448, %pack3A_443 : vector<32xbf16>
        %unpack3A_450 = tpu.unpack_subelements %mul3A_449, 0 {pack_format = #tpu.pack_format<interleaved>} : vector<32xbf16> -> vector<16xf32>
        %unpack3A_451 = tpu.unpack_subelements %mul3A_449, 1 {pack_format = #tpu.pack_format<interleaved>} : vector<32xbf16> -> vector<16xf32>
        %add3A_452 = arith.addf %add3A_408, %unpack3A_450 : vector<16xf32>
        %add3A_453 = arith.addf %add3A_409, %unpack3A_451 : vector<16xf32>
        %get3A_454 = arith.constant 1 : i32
        %get3A_455 = arith.index_cast %get3A_454 : i32 to index
        %get3A_456 = arith.index_cast %scan3A_154 : i32 to index
        %get3A_457 = arith.constant 800 : index
        %get3A_458 = tpu.vector_load %arg13[%get3A_455, %get3A_456, %get3A_457] {strides = array<i32>} : memref<2x32x1024xbf16, #tpu.memory_space<vmem>>, vector<32xbf16>,
        %mul3A_459 = arith.mulf %get3A_458, %pack3A_443 : vector<32xbf16>
        %unpack3A_460 = tpu.unpack_subelements %mul3A_459, 0 {pack_format = #tpu.pack_format<interleaved>} : vector<32xbf16> -> vector<16xf32>
        %unpack3A_461 = tpu.unpack_subelements %mul3A_459, 1 {pack_format = #tpu.pack_format<interleaved>} : vector<32xbf16> -> vector<16xf32>
        %add3A_462 = arith.addf %add3A_418, %unpack3A_460 : vector<16xf32>
        %add3A_463 = arith.addf %add3A_419, %unpack3A_461 : vector<16xf32>
        %get3A_464 = arith.constant 1 : i32
        %get3A_465 = arith.index_cast %get3A_464 : i32 to index
        %get3A_466 = arith.index_cast %scan3A_154 : i32 to index
        %get3A_467 = arith.constant 832 : index
        %get3A_468 = tpu.vector_load %arg13[%get3A_465, %get3A_466, %get3A_467] {strides = array<i32>} : memref<2x32x1024xbf16, #tpu.memory_space<vmem>>, vector<32xbf16>,
        %mul3A_469 = arith.mulf %get3A_468, %pack3A_443 : vector<32xbf16>
        %unpack3A_470 = tpu.unpack_subelements %mul3A_469, 0 {pack_format = #tpu.pack_format<interleaved>} : vector<32xbf16> -> vector<16xf32>
        %unpack3A_471 = tpu.unpack_subelements %mul3A_469, 1 {pack_format = #tpu.pack_format<interleaved>} : vector<32xbf16> -> vector<16xf32>
        %add3A_472 = arith.addf %add3A_428, %unpack3A_470 : vector<16xf32>
        %add3A_473 = arith.addf %add3A_429, %unpack3A_471 : vector<16xf32>
        %get3A_474 = arith.constant 1 : i32
        %get3A_475 = arith.index_cast %get3A_474 : i32 to index
        %get3A_476 = arith.index_cast %scan3A_154 : i32 to index
        %get3A_477 = arith.constant 864 : index
        %get3A_478 = tpu.vector_load %arg13[%get3A_475, %get3A_476, %get3A_477] {strides = array<i32>} : memref<2x32x1024xbf16, #tpu.memory_space<vmem>>, vector<32xbf16>,
        %mul3A_479 = arith.mulf %get3A_478, %pack3A_443 : vector<32xbf16>
        %unpack3A_480 = tpu.unpack_subelements %mul3A_479, 0 {pack_format = #tpu.pack_format<interleaved>} : vector<32xbf16> -> vector<16xf32>
        %unpack3A_481 = tpu.unpack_subelements %mul3A_479, 1 {pack_format = #tpu.pack_format<interleaved>} : vector<32xbf16> -> vector<16xf32>
        %add3A_482 = arith.addf %add3A_438, %unpack3A_480 : vector<16xf32>
        %add3A_483 = arith.addf %add3A_439, %unpack3A_481 : vector<16xf32>
        %slice3A_484 = vector.extract_strided_slice %mul3A_164 {offsets = [7], sizes = [1], strides = [1]} : vector<16xf32> to vector<1xf32>
        %squeeze3A_485 = vector.extract %slice3A_484[0] : f32 from vector<1xf32>
        %broadcast_in_dim3A_486 = vector.broadcast %squeeze3A_485 : f32 to vector<16xf32>
        %pack3A_487 = tpu.pack_subelements %broadcast_in_dim3A_486, %broadcast_in_dim3A_486 {pack_format = #tpu.pack_format<interleaved>, positions = array<i32: 0, 1>} : vector<16xf32>, vector<16xf32> -> vector<32xbf16>
        %get3A_488 = arith.constant 1 : i32
        %get3A_489 = arith.index_cast %get3A_488 : i32 to index
        %get3A_490 = arith.index_cast %scan3A_154 : i32 to index
        %get3A_491 = arith.constant 896 : index
        %get3A_492 = tpu.vector_load %arg13[%get3A_489, %get3A_490, %get3A_491] {strides = array<i32>} : memref<2x32x1024xbf16, #tpu.memory_space<vmem>>, vector<32xbf16>,
        %mul3A_493 = arith.mulf %get3A_492, %pack3A_487 : vector<32xbf16>
        %unpack3A_494 = tpu.unpack_subelements %mul3A_493, 0 {pack_format = #tpu.pack_format<interleaved>} : vector<32xbf16> -> vector<16xf32>
        %unpack3A_495 = tpu.unpack_subelements %mul3A_493, 1 {pack_format = #tpu.pack_format<interleaved>} : vector<32xbf16> -> vector<16xf32>
        %add3A_496 = arith.addf %add3A_452, %unpack3A_494 : vector<16xf32>
        %add3A_497 = arith.addf %add3A_453, %unpack3A_495 : vector<16xf32>
        %get3A_498 = arith.constant 1 : i32
        %get3A_499 = arith.index_cast %get3A_498 : i32 to index
        %get3A_500 = arith.index_cast %scan3A_154 : i32 to index
        %get3A_501 = arith.constant 928 : index
        %get3A_502 = tpu.vector_load %arg13[%get3A_499, %get3A_500, %get3A_501] {strides = array<i32>} : memref<2x32x1024xbf16, #tpu.memory_space<vmem>>, vector<32xbf16>,
        %mul3A_503 = arith.mulf %get3A_502, %pack3A_487 : vector<32xbf16>
        %unpack3A_504 = tpu.unpack_subelements %mul3A_503, 0 {pack_format = #tpu.pack_format<interleaved>} : vector<32xbf16> -> vector<16xf32>
        %unpack3A_505 = tpu.unpack_subelements %mul3A_503, 1 {pack_format = #tpu.pack_format<interleaved>} : vector<32xbf16> -> vector<16xf32>
        %add3A_506 = arith.addf %add3A_462, %unpack3A_504 : vector<16xf32>
        %add3A_507 = arith.addf %add3A_463, %unpack3A_505 : vector<16xf32>
        %get3A_508 = arith.constant 1 : i32
        %get3A_509 = arith.index_cast %get3A_508 : i32 to index
        %get3A_510 = arith.index_cast %scan3A_154 : i32 to index
        %get3A_511 = arith.constant 960 : index
        %get3A_512 = tpu.vector_load %arg13[%get3A_509, %get3A_510, %get3A_511] {strides = array<i32>} : memref<2x32x1024xbf16, #tpu.memory_space<vmem>>, vector<32xbf16>,
        %mul3A_513 = arith.mulf %get3A_512, %pack3A_487 : vector<32xbf16>
        %unpack3A_514 = tpu.unpack_subelements %mul3A_513, 0 {pack_format = #tpu.pack_format<interleaved>} : vector<32xbf16> -> vector<16xf32>
        %unpack3A_515 = tpu.unpack_subelements %mul3A_513, 1 {pack_format = #tpu.pack_format<interleaved>} : vector<32xbf16> -> vector<16xf32>
        %add3A_516 = arith.addf %add3A_472, %unpack3A_514 : vector<16xf32>
        %add3A_517 = arith.addf %add3A_473, %unpack3A_515 : vector<16xf32>
        %get3A_518 = arith.constant 1 : i32
        %get3A_519 = arith.index_cast %get3A_518 : i32 to index
        %get3A_520 = arith.index_cast %scan3A_154 : i32 to index
        %get3A_521 = arith.constant 992 : index
        %get3A_522 = tpu.vector_load %arg13[%get3A_519, %get3A_520, %get3A_521] {strides = array<i32>} : memref<2x32x1024xbf16, #tpu.memory_space<vmem>>, vector<32xbf16>,
        %mul3A_523 = arith.mulf %get3A_522, %pack3A_487 : vector<32xbf16>
        %unpack3A_524 = tpu.unpack_subelements %mul3A_523, 0 {pack_format = #tpu.pack_format<interleaved>} : vector<32xbf16> -> vector<16xf32>
        %unpack3A_525 = tpu.unpack_subelements %mul3A_523, 1 {pack_format = #tpu.pack_format<interleaved>} : vector<32xbf16> -> vector<16xf32>
        %add3A_526 = arith.addf %add3A_482, %unpack3A_524 : vector<16xf32>
        %add3A_527 = arith.addf %add3A_483, %unpack3A_525 : vector<16xf32>
        %swap3A = arith.index_cast %scan3A_154 : i32 to index
        %swap3A_528 = arith.constant 0 : index
        %swap3A_529 = tpu.vector_load %arg14[%swap3A, %swap3A_528] {strides = array<i32>} : memref<32x128xf32, #tpu.memory_space<vmem>>, vector<16xf32>,
        tpu.vector_store %arg14[%swap3A, %swap3A_528], %add3A_496 {strides = array<i32>} : memref<32x128xf32, #tpu.memory_space<vmem>>, vector<16xf32>,
        %swap3A_530 = arith.index_cast %scan3A_154 : i32 to index
        %swap3A_531 = arith.constant 16 : index
        %swap3A_532 = tpu.vector_load %arg14[%swap3A_530, %swap3A_531] {strides = array<i32>} : memref<32x128xf32, #tpu.memory_space<vmem>>, vector<16xf32>,
        tpu.vector_store %arg14[%swap3A_530, %swap3A_531], %add3A_497 {strides = array<i32>} : memref<32x128xf32, #tpu.memory_space<vmem>>, vector<16xf32>,
        %swap3A_533 = arith.index_cast %scan3A_154 : i32 to index
        %swap3A_534 = arith.constant 32 : index
        %swap3A_535 = tpu.vector_load %arg14[%swap3A_533, %swap3A_534] {strides = array<i32>} : memref<32x128xf32, #tpu.memory_space<vmem>>, vector<16xf32>,
        tpu.vector_store %arg14[%swap3A_533, %swap3A_534], %add3A_506 {strides = array<i32>} : memref<32x128xf32, #tpu.memory_space<vmem>>, vector<16xf32>,
        %swap3A_536 = arith.index_cast %scan3A_154 : i32 to index
        %swap3A_537 = arith.constant 48 : index
        %swap3A_538 = tpu.vector_load %arg14[%swap3A_536, %swap3A_537] {strides = array<i32>} : memref<32x128xf32, #tpu.memory_space<vmem>>, vector<16xf32>,
        tpu.vector_store %arg14[%swap3A_536, %swap3A_537], %add3A_507 {strides = array<i32>} : memref<32x128xf32, #tpu.memory_space<vmem>>, vector<16xf32>,
        %swap3A_539 = arith.index_cast %scan3A_154 : i32 to index
        %swap3A_540 = arith.constant 64 : index
        %swap3A_541 = tpu.vector_load %arg14[%swap3A_539, %swap3A_540] {strides = array<i32>} : memref<32x128xf32, #tpu.memory_space<vmem>>, vector<16xf32>,
        tpu.vector_store %arg14[%swap3A_539, %swap3A_540], %add3A_516 {strides = array<i32>} : memref<32x128xf32, #tpu.memory_space<vmem>>, vector<16xf32>,
        %swap3A_542 = arith.index_cast %scan3A_154 : i32 to index
        %swap3A_543 = arith.constant 80 : index
        %swap3A_544 = tpu.vector_load %arg14[%swap3A_542, %swap3A_543] {strides = array<i32>} : memref<32x128xf32, #tpu.memory_space<vmem>>, vector<16xf32>,
        tpu.vector_store %arg14[%swap3A_542, %swap3A_543], %add3A_517 {strides = array<i32>} : memref<32x128xf32, #tpu.memory_space<vmem>>, vector<16xf32>,
        %swap3A_545 = arith.index_cast %scan3A_154 : i32 to index
        %swap3A_546 = arith.constant 96 : index
        %swap3A_547 = tpu.vector_load %arg14[%swap3A_545, %swap3A_546] {strides = array<i32>} : memref<32x128xf32, #tpu.memory_space<vmem>>, vector<16xf32>,
        tpu.vector_store %arg14[%swap3A_545, %swap3A_546], %add3A_526 {strides = array<i32>} : memref<32x128xf32, #tpu.memory_space<vmem>>, vector<16xf32>,
        %swap3A_548 = arith.index_cast %scan3A_154 : i32 to index
        %swap3A_549 = arith.constant 112 : index
        %swap3A_550 = tpu.vector_load %arg14[%swap3A_548, %swap3A_549] {strides = array<i32>} : memref<32x128xf32, #tpu.memory_space<vmem>>, vector<16xf32>,
        tpu.vector_store %arg14[%swap3A_548, %swap3A_549], %add3A_527 {strides = array<i32>} : memref<32x128xf32, #tpu.memory_space<vmem>>, vector<16xf32>,
      }
      %scan3A_153 = arith.constant 32 : i32
      "tpu.region"() ({
        %run_scoped3A_154 = tpu.sem_alloc : memref<!tpu.dma_semaphore, #tpu.memory_space<semaphore_mem>>
        %dma_start3A_155 = arith.constant 0 : i32
        %dma_start3A_156 = tpu.memref_slice %arg12[%add3A_125, %dma_start3A_155] : memref<160x32xi32, #tpu.memory_space<vmem>> -> memref<1x32xi32, #tpu.memory_space<vmem>>
        %dma_start3A_157 = tpu.memref_squeeze %dma_start3A_156 : memref<1x32xi32, #tpu.memory_space<vmem>> -> memref<32xi32, #tpu.memory_space<vmem>>
        %dma_start3A_158 = arith.constant 0 : i32
        %dma_start3A_159 = arith.constant 0 : i32
        %dma_start3A_160 = tpu.memref_slice %arg15[%dma_start3A_158, %dma_start3A_159] : memref<10240x128xf32, #tpu.memory_space<vmem_shared>> -> memref<10240x128xf32, #tpu.memory_space<vmem_shared>>
        tpu.enqueue_indirect_dma source(%arg14 : memref<32x128xf32, #tpu.memory_space<vmem>>) target(%dma_start3A_160 : memref<10240x128xf32, #tpu.memory_space<vmem_shared>>) offsets(%dma_start3A_157 : memref<32xi32, #tpu.memory_space<vmem>>) semaphore(%run_scoped3A_154 : memref<!tpu.dma_semaphore, #tpu.memory_space<semaphore_mem>>) {add = true}
        %dma_wait3A_161 = arith.constant 0 : i32
        %dma_wait3A_162 = tpu.memref_slice %arg12[%add3A_125, %dma_wait3A_161] : memref<160x32xi32, #tpu.memory_space<vmem>> -> memref<1x32xi32, #tpu.memory_space<vmem>>
        %dma_wait3A_163 = tpu.memref_squeeze %dma_wait3A_162 : memref<1x32xi32, #tpu.memory_space<vmem>> -> memref<32xi32, #tpu.memory_space<vmem>>
        %dma_wait3A_164 = arith.constant 0 : i32
        %dma_wait3A_165 = arith.constant 0 : i32
        %dma_wait3A_166 = tpu.memref_slice %arg15[%dma_wait3A_164, %dma_wait3A_165] : memref<10240x128xf32, #tpu.memory_space<vmem_shared>> -> memref<10240x128xf32, #tpu.memory_space<vmem_shared>>
        tpu.wait_indirect_dma semaphore(%run_scoped3A_154 : memref<!tpu.dma_semaphore, #tpu.memory_space<semaphore_mem>>) src(%arg14 : memref<32x128xf32, #tpu.memory_space<vmem>>) dst(%dma_wait3A_166 : memref<10240x128xf32, #tpu.memory_space<vmem_shared>>)
        tpu.yield
      }) : () -> ()
    }
    %scan3A_48 = arith.constant 80 : i32
    %barrier3A_49 = arith.constant 0 : index
    tpu.barrier barrier_id(%barrier3A_49)
    %scan3A_50 = arith.constant 0 : i32
    %scan3A_51 = arith.constant 0 : i32
    %scan3A_52 = arith.constant 20 : i32
    %scan3A_53 = arith.addi %scan3A_51, %scan3A_52 : i32
    %scan3A_54 = arith.constant 1 : i32
    scf.for %scan3A_56 = %scan3A_51 to %scan3A_53 step %scan3A_54  : i32 {
      %mul3A_57 = arith.constant 640 : i32
      %mul3A_58 = arith.muli %arg1, %mul3A_57 : i32
      %mul3A_59 = arith.constant 32 : i32
      %mul3A_60 = arith.muli %scan3A_56, %mul3A_59 : i32
      %add3A_61 = arith.addi %mul3A_58, %mul3A_60 : i32
      %eq3A = arith.constant 0 : i32
      %eq3A_62 = arith.cmpi eq, %arg0, %eq3A : i32
      %convert_element_type3A = arith.extui %eq3A_62 : i1 to i32
      %cond3A = arith.constant 0 : i32
      %cond3A_63 = arith.cmpi ne, %convert_element_type3A, %cond3A : i32
      scf.if %cond3A_63 {
        "tpu.region"() ({
          %run_scoped3A_69 = tpu.sem_alloc : memref<!tpu.dma_semaphore, #tpu.memory_space<semaphore_mem>>
          %dma_start3A_70 = arith.constant 0 : i32
          %dma_start3A_71 = tpu.memref_slice %arg7[%add3A_61, %dma_start3A_70] : memref<10240x128xf32, #tpu.memory_space<hbm>> -> memref<32x128xf32, #tpu.memory_space<hbm>>
          %dma_start3A_72 = arith.constant 0 : i32
          %dma_start3A_73 = tpu.memref_slice %arg15[%add3A_61, %dma_start3A_72] : memref<10240x128xf32, #tpu.memory_space<vmem_shared>> -> memref<32x128xf32, #tpu.memory_space<vmem_shared>>
          tpu.enqueue_dma source(%dma_start3A_73 : memref<32x128xf32, #tpu.memory_space<vmem_shared>>) target(%dma_start3A_71 : memref<32x128xf32, #tpu.memory_space<hbm>>) target_semaphore(%run_scoped3A_69 : memref<!tpu.dma_semaphore, #tpu.memory_space<semaphore_mem>>)
          %dma_wait3A = arith.constant 0 : i32
          %dma_wait3A_74 = tpu.memref_slice %arg7[%add3A_61, %dma_wait3A] : memref<10240x128xf32, #tpu.memory_space<hbm>> -> memref<32x128xf32, #tpu.memory_space<hbm>>
          %dma_wait3A_75 = arith.constant 0 : i32
          %dma_wait3A_76 = tpu.memref_slice %arg15[%add3A_61, %dma_wait3A_75] : memref<10240x128xf32, #tpu.memory_space<vmem_shared>> -> memref<32x128xf32, #tpu.memory_space<vmem_shared>>
          tpu.wait_dma2 semaphore(%run_scoped3A_69 : memref<!tpu.dma_semaphore, #tpu.memory_space<semaphore_mem>>) src(%dma_wait3A_76 : memref<32x128xf32, #tpu.memory_space<vmem_shared>>) dst(%dma_wait3A_74 : memref<32x128xf32, #tpu.memory_space<hbm>>)
          tpu.yield
        }) : () -> ()
      } else {
      }
      %eq3A_64 = arith.constant 1 : i32
      %eq3A_65 = arith.cmpi eq, %arg0, %eq3A_64 : i32
      %convert_element_type3A_66 = arith.extui %eq3A_65 : i1 to i32
      %cond3A_67 = arith.constant 0 : i32
      %cond3A_68 = arith.cmpi ne, %convert_element_type3A_66, %cond3A_67 : i32
      scf.if %cond3A_68 {
        "tpu.region"() ({
          %run_scoped3A_69 = tpu.sem_alloc : memref<!tpu.dma_semaphore, #tpu.memory_space<semaphore_mem>>
          %dma_start3A_70 = arith.constant 0 : i32
          %dma_start3A_71 = tpu.memref_slice %arg8[%add3A_61, %dma_start3A_70] : memref<10240x128xf32, #tpu.memory_space<hbm>> -> memref<32x128xf32, #tpu.memory_space<hbm>>
          %dma_start3A_72 = arith.constant 0 : i32
          %dma_start3A_73 = tpu.memref_slice %arg15[%add3A_61, %dma_start3A_72] : memref<10240x128xf32, #tpu.memory_space<vmem_shared>> -> memref<32x128xf32, #tpu.memory_space<vmem_shared>>
          tpu.enqueue_dma source(%dma_start3A_73 : memref<32x128xf32, #tpu.memory_space<vmem_shared>>) target(%dma_start3A_71 : memref<32x128xf32, #tpu.memory_space<hbm>>) target_semaphore(%run_scoped3A_69 : memref<!tpu.dma_semaphore, #tpu.memory_space<semaphore_mem>>)
          %dma_wait3A = arith.constant 0 : i32
          %dma_wait3A_74 = tpu.memref_slice %arg8[%add3A_61, %dma_wait3A] : memref<10240x128xf32, #tpu.memory_space<hbm>> -> memref<32x128xf32, #tpu.memory_space<hbm>>
          %dma_wait3A_75 = arith.constant 0 : i32
          %dma_wait3A_76 = tpu.memref_slice %arg15[%add3A_61, %dma_wait3A_75] : memref<10240x128xf32, #tpu.memory_space<vmem_shared>> -> memref<32x128xf32, #tpu.memory_space<vmem_shared>>
          tpu.wait_dma2 semaphore(%run_scoped3A_69 : memref<!tpu.dma_semaphore, #tpu.memory_space<semaphore_mem>>) src(%dma_wait3A_76 : memref<32x128xf32, #tpu.memory_space<vmem_shared>>) dst(%dma_wait3A_74 : memref<32x128xf32, #tpu.memory_space<hbm>>)
          tpu.yield
        }) : () -> ()
      } else {
      }
    }
    %scan3A_55 = arith.constant 20 : i32
    return
  }
}

#map = affine_map<(d0, d1) -> (0, 0)>
module attributes {stable_mosaic.version = 14 : i64} {
  func.func @k(%arg0: i32, %arg1: i32, %arg2: memref<10000x128xbf16, #tpu.memory_space<hbm>>, %arg3: memref<1280x128xi32, #tpu.memory_space<hbm>>, %arg4: memref<1280x128xi32, #tpu.memory_space<hbm>>, %arg5: memref<163840x128xbf16, #tpu.memory_space<hbm>>, %arg6: memref<163840x128xbf16, #tpu.memory_space<hbm>>, %arg7: memref<40x128xi32, #tpu.memory_space<vmem>>, %arg8: memref<40x128xi32, #tpu.memory_space<vmem>>, %arg9: memref<2x128x128xbf16, #tpu.memory_space<vmem>>, %arg10: memref<2x128x128xbf16, #tpu.memory_space<vmem>>, %arg11: memref<!tpu.dma_semaphore, #tpu.memory_space<semaphore_mem>>, %arg12: memref<!tpu.dma_semaphore, #tpu.memory_space<semaphore_mem>>, %arg13: memref<!tpu.dma_semaphore, #tpu.memory_space<semaphore_mem>>, %arg14: memref<!tpu.dma_semaphore, #tpu.memory_space<semaphore_mem>>, %arg15: memref<!tpu.dma_semaphore, #tpu.memory_space<semaphore_mem>>, %arg16: memref<!tpu.dma_semaphore, #tpu.memory_space<semaphore_mem>>, %arg17: memref<!tpu.dma_semaphore, #tpu.memory_space<semaphore_mem>>, %arg18: memref<!tpu.dma_semaphore, #tpu.memory_space<semaphore_mem>>) attributes {dimension_semantics = [#tpu.dimension_semantics<core_parallel>, #tpu.dimension_semantics<subcore_parallel>], iteration_bounds = array<i64: 2, 16>, scalar_prefetch = 0 : i64, scratch_operands = 12 : i64, tpu.core_type = #tpu.core_type<sc_vector_subcore>, window_params = [{transform_indices = #map}, {transform_indices = #map}, {transform_indices = #map}, {transform_indices = #map}, {transform_indices = #map}]} {
    %mul3A = arith.constant 2 : i32
    %mul3A_0 = arith.muli %arg1, %mul3A : i32
    %add3A = arith.addi %mul3A_0, %arg0 : i32
    %mul3A_1 = arith.constant 40 : i32
    %mul3A_2 = arith.muli %add3A, %mul3A_1 : i32
    "tpu.region"() ({
      %run_scoped3A = tpu.sem_alloc : memref<!tpu.dma_semaphore, #tpu.memory_space<semaphore_mem>>
      %dma_start3A_112 = arith.constant 0 : i32
      %dma_start3A_113 = tpu.memref_slice %arg3[%mul3A_2, %dma_start3A_112] : memref<1280x128xi32, #tpu.memory_space<hbm>> -> memref<40x128xi32, #tpu.memory_space<hbm>>
      %dma_start3A_114 = arith.constant 0 : i32
      %dma_start3A_115 = tpu.memref_slice %arg3[%mul3A_2, %dma_start3A_114] : memref<1280x128xi32, #tpu.memory_space<hbm>> -> memref<40x128xi32, #tpu.memory_space<hbm>>
      tpu.enqueue_dma source(%dma_start3A_115 : memref<40x128xi32, #tpu.memory_space<hbm>>) target(%arg7 : memref<40x128xi32, #tpu.memory_space<vmem>>) target_semaphore(%run_scoped3A : memref<!tpu.dma_semaphore, #tpu.memory_space<semaphore_mem>>)
      %dma_wait3A_116 = arith.constant 0 : i32
      %dma_wait3A_117 = tpu.memref_slice %arg3[%mul3A_2, %dma_wait3A_116] : memref<1280x128xi32, #tpu.memory_space<hbm>> -> memref<40x128xi32, #tpu.memory_space<hbm>>
      %dma_wait3A_118 = arith.constant 0 : i32
      %dma_wait3A_119 = tpu.memref_slice %arg3[%mul3A_2, %dma_wait3A_118] : memref<1280x128xi32, #tpu.memory_space<hbm>> -> memref<40x128xi32, #tpu.memory_space<hbm>>
      tpu.wait_dma2 semaphore(%run_scoped3A : memref<!tpu.dma_semaphore, #tpu.memory_space<semaphore_mem>>) src(%dma_wait3A_119 : memref<40x128xi32, #tpu.memory_space<hbm>>) dst(%arg7 : memref<40x128xi32, #tpu.memory_space<vmem>>)
      tpu.yield
    }) : () -> ()
    %mul3A_3 = arith.constant 40 : i32
    %mul3A_4 = arith.muli %add3A, %mul3A_3 : i32
    "tpu.region"() ({
      %run_scoped3A = tpu.sem_alloc : memref<!tpu.dma_semaphore, #tpu.memory_space<semaphore_mem>>
      %dma_start3A_112 = arith.constant 0 : i32
      %dma_start3A_113 = tpu.memref_slice %arg4[%mul3A_4, %dma_start3A_112] : memref<1280x128xi32, #tpu.memory_space<hbm>> -> memref<40x128xi32, #tpu.memory_space<hbm>>
      %dma_start3A_114 = arith.constant 0 : i32
      %dma_start3A_115 = tpu.memref_slice %arg4[%mul3A_4, %dma_start3A_114] : memref<1280x128xi32, #tpu.memory_space<hbm>> -> memref<40x128xi32, #tpu.memory_space<hbm>>
      tpu.enqueue_dma source(%dma_start3A_115 : memref<40x128xi32, #tpu.memory_space<hbm>>) target(%arg8 : memref<40x128xi32, #tpu.memory_space<vmem>>) target_semaphore(%run_scoped3A : memref<!tpu.dma_semaphore, #tpu.memory_space<semaphore_mem>>)
      %dma_wait3A_116 = arith.constant 0 : i32
      %dma_wait3A_117 = tpu.memref_slice %arg4[%mul3A_4, %dma_wait3A_116] : memref<1280x128xi32, #tpu.memory_space<hbm>> -> memref<40x128xi32, #tpu.memory_space<hbm>>
      %dma_wait3A_118 = arith.constant 0 : i32
      %dma_wait3A_119 = tpu.memref_slice %arg4[%mul3A_4, %dma_wait3A_118] : memref<1280x128xi32, #tpu.memory_space<hbm>> -> memref<40x128xi32, #tpu.memory_space<hbm>>
      tpu.wait_dma2 semaphore(%run_scoped3A : memref<!tpu.dma_semaphore, #tpu.memory_space<semaphore_mem>>) src(%dma_wait3A_119 : memref<40x128xi32, #tpu.memory_space<hbm>>) dst(%arg8 : memref<40x128xi32, #tpu.memory_space<vmem>>)
      tpu.yield
    }) : () -> ()
    %dma_start3A = arith.constant 0 : i32
    %dma_start3A_5 = arith.constant 0 : i32
    %dma_start3A_6 = arith.constant 0 : i32
    %dma_start3A_7 = arith.constant 0 : i32
    %dma_start3A_8 = tpu.memref_slice %arg9[%dma_start3A_5, %dma_start3A_6, %dma_start3A_7] : memref<2x128x128xbf16, #tpu.memory_space<vmem>> -> memref<1x128x128xbf16, #tpu.memory_space<vmem>>
    %dma_start3A_9 = tpu.memref_squeeze %dma_start3A_8 : memref<1x128x128xbf16, #tpu.memory_space<vmem>> -> memref<128x128xbf16, #tpu.memory_space<vmem>>
    %dma_start3A_10 = arith.constant 0 : i32
    %dma_start3A_11 = tpu.memref_slice %arg7[%dma_start3A, %dma_start3A_10] : memref<40x128xi32, #tpu.memory_space<vmem>> -> memref<1x128xi32, #tpu.memory_space<vmem>>
    %dma_start3A_12 = tpu.memref_squeeze %dma_start3A_11 : memref<1x128xi32, #tpu.memory_space<vmem>> -> memref<128xi32, #tpu.memory_space<vmem>>
    %dma_start3A_13 = arith.constant 0 : i32
    %dma_start3A_14 = arith.constant 0 : i32
    %dma_start3A_15 = tpu.memref_slice %arg2[%dma_start3A_13, %dma_start3A_14] : memref<10000x128xbf16, #tpu.memory_space<hbm>> -> memref<10000x128xbf16, #tpu.memory_space<hbm>>
    tpu.enqueue_indirect_dma source(%dma_start3A_15 : memref<10000x128xbf16, #tpu.memory_space<hbm>>) target(%dma_start3A_9 : memref<128x128xbf16, #tpu.memory_space<vmem>>) offsets(%dma_start3A_12 : memref<128xi32, #tpu.memory_space<vmem>>) semaphore(%arg11 : memref<!tpu.dma_semaphore, #tpu.memory_space<semaphore_mem>>)
    %dma_start3A_16 = arith.constant 0 : i32
    %dma_start3A_17 = arith.constant 0 : i32
    %dma_start3A_18 = arith.constant 0 : i32
    %dma_start3A_19 = arith.constant 0 : i32
    %dma_start3A_20 = tpu.memref_slice %arg10[%dma_start3A_17, %dma_start3A_18, %dma_start3A_19] : memref<2x128x128xbf16, #tpu.memory_space<vmem>> -> memref<1x128x128xbf16, #tpu.memory_space<vmem>>
    %dma_start3A_21 = tpu.memref_squeeze %dma_start3A_20 : memref<1x128x128xbf16, #tpu.memory_space<vmem>> -> memref<128x128xbf16, #tpu.memory_space<vmem>>
    %dma_start3A_22 = arith.constant 0 : i32
    %dma_start3A_23 = tpu.memref_slice %arg8[%dma_start3A_16, %dma_start3A_22] : memref<40x128xi32, #tpu.memory_space<vmem>> -> memref<1x128xi32, #tpu.memory_space<vmem>>
    %dma_start3A_24 = tpu.memref_squeeze %dma_start3A_23 : memref<1x128xi32, #tpu.memory_space<vmem>> -> memref<128xi32, #tpu.memory_space<vmem>>
    %dma_start3A_25 = arith.constant 0 : i32
    %dma_start3A_26 = arith.constant 0 : i32
    %dma_start3A_27 = tpu.memref_slice %arg2[%dma_start3A_25, %dma_start3A_26] : memref<10000x128xbf16, #tpu.memory_space<hbm>> -> memref<10000x128xbf16, #tpu.memory_space<hbm>>
    tpu.enqueue_indirect_dma source(%dma_start3A_27 : memref<10000x128xbf16, #tpu.memory_space<hbm>>) target(%dma_start3A_21 : memref<128x128xbf16, #tpu.memory_space<vmem>>) offsets(%dma_start3A_24 : memref<128xi32, #tpu.memory_space<vmem>>) semaphore(%arg13 : memref<!tpu.dma_semaphore, #tpu.memory_space<semaphore_mem>>)
    %dma_start3A_28 = arith.constant 1 : i32
    %dma_start3A_29 = arith.constant 1 : i32
    %dma_start3A_30 = arith.constant 0 : i32
    %dma_start3A_31 = arith.constant 0 : i32
    %dma_start3A_32 = tpu.memref_slice %arg9[%dma_start3A_29, %dma_start3A_30, %dma_start3A_31] : memref<2x128x128xbf16, #tpu.memory_space<vmem>> -> memref<1x128x128xbf16, #tpu.memory_space<vmem>>
    %dma_start3A_33 = tpu.memref_squeeze %dma_start3A_32 : memref<1x128x128xbf16, #tpu.memory_space<vmem>> -> memref<128x128xbf16, #tpu.memory_space<vmem>>
    %dma_start3A_34 = arith.constant 0 : i32
    %dma_start3A_35 = tpu.memref_slice %arg7[%dma_start3A_28, %dma_start3A_34] : memref<40x128xi32, #tpu.memory_space<vmem>> -> memref<1x128xi32, #tpu.memory_space<vmem>>
    %dma_start3A_36 = tpu.memref_squeeze %dma_start3A_35 : memref<1x128xi32, #tpu.memory_space<vmem>> -> memref<128xi32, #tpu.memory_space<vmem>>
    %dma_start3A_37 = arith.constant 0 : i32
    %dma_start3A_38 = arith.constant 0 : i32
    %dma_start3A_39 = tpu.memref_slice %arg2[%dma_start3A_37, %dma_start3A_38] : memref<10000x128xbf16, #tpu.memory_space<hbm>> -> memref<10000x128xbf16, #tpu.memory_space<hbm>>
    tpu.enqueue_indirect_dma source(%dma_start3A_39 : memref<10000x128xbf16, #tpu.memory_space<hbm>>) target(%dma_start3A_33 : memref<128x128xbf16, #tpu.memory_space<vmem>>) offsets(%dma_start3A_36 : memref<128xi32, #tpu.memory_space<vmem>>) semaphore(%arg12 : memref<!tpu.dma_semaphore, #tpu.memory_space<semaphore_mem>>)
    %dma_start3A_40 = arith.constant 1 : i32
    %dma_start3A_41 = arith.constant 1 : i32
    %dma_start3A_42 = arith.constant 0 : i32
    %dma_start3A_43 = arith.constant 0 : i32
    %dma_start3A_44 = tpu.memref_slice %arg10[%dma_start3A_41, %dma_start3A_42, %dma_start3A_43] : memref<2x128x128xbf16, #tpu.memory_space<vmem>> -> memref<1x128x128xbf16, #tpu.memory_space<vmem>>
    %dma_start3A_45 = tpu.memref_squeeze %dma_start3A_44 : memref<1x128x128xbf16, #tpu.memory_space<vmem>> -> memref<128x128xbf16, #tpu.memory_space<vmem>>
    %dma_start3A_46 = arith.constant 0 : i32
    %dma_start3A_47 = tpu.memref_slice %arg8[%dma_start3A_40, %dma_start3A_46] : memref<40x128xi32, #tpu.memory_space<vmem>> -> memref<1x128xi32, #tpu.memory_space<vmem>>
    %dma_start3A_48 = tpu.memref_squeeze %dma_start3A_47 : memref<1x128xi32, #tpu.memory_space<vmem>> -> memref<128xi32, #tpu.memory_space<vmem>>
    %dma_start3A_49 = arith.constant 0 : i32
    %dma_start3A_50 = arith.constant 0 : i32
    %dma_start3A_51 = tpu.memref_slice %arg2[%dma_start3A_49, %dma_start3A_50] : memref<10000x128xbf16, #tpu.memory_space<hbm>> -> memref<10000x128xbf16, #tpu.memory_space<hbm>>
    tpu.enqueue_indirect_dma source(%dma_start3A_51 : memref<10000x128xbf16, #tpu.memory_space<hbm>>) target(%dma_start3A_45 : memref<128x128xbf16, #tpu.memory_space<vmem>>) offsets(%dma_start3A_48 : memref<128xi32, #tpu.memory_space<vmem>>) semaphore(%arg14 : memref<!tpu.dma_semaphore, #tpu.memory_space<semaphore_mem>>)
    %scan3A = arith.constant 0 : i32
    %scan3A_52 = arith.constant 0 : i32
    %scan3A_53 = arith.constant 20 : i32
    %scan3A_54 = arith.addi %scan3A_52, %scan3A_53 : i32
    %scan3A_55 = arith.constant 1 : i32
    scf.for %scan3A_112 = %scan3A_52 to %scan3A_54 step %scan3A_55  : i32 {
      %mul3A_113 = arith.constant 2 : i32
      %mul3A_114 = arith.muli %mul3A_113, %scan3A_112 : i32
      %mul3A_115 = arith.constant 5120 : i32
      %mul3A_116 = arith.muli %add3A, %mul3A_115 : i32
      %mul3A_117 = arith.constant 128 : i32
      %mul3A_118 = arith.muli %mul3A_114, %mul3A_117 : i32
      %add3A_119 = arith.addi %mul3A_116, %mul3A_118 : i32
      %dma_wait3A_120 = arith.constant 0 : i32
      %dma_wait3A_121 = arith.constant 0 : i32
      %dma_wait3A_122 = arith.constant 0 : i32
      %dma_wait3A_123 = tpu.memref_slice %arg9[%dma_wait3A_120, %dma_wait3A_121, %dma_wait3A_122] : memref<2x128x128xbf16, #tpu.memory_space<vmem>> -> memref<1x128x128xbf16, #tpu.memory_space<vmem>>
      %dma_wait3A_124 = tpu.memref_squeeze %dma_wait3A_123 : memref<1x128x128xbf16, #tpu.memory_space<vmem>> -> memref<128x128xbf16, #tpu.memory_space<vmem>>
      %dma_wait3A_125 = arith.constant 0 : i32
      %dma_wait3A_126 = tpu.memref_slice %arg7[%mul3A_114, %dma_wait3A_125] : memref<40x128xi32, #tpu.memory_space<vmem>> -> memref<1x128xi32, #tpu.memory_space<vmem>>
      %dma_wait3A_127 = tpu.memref_squeeze %dma_wait3A_126 : memref<1x128xi32, #tpu.memory_space<vmem>> -> memref<128xi32, #tpu.memory_space<vmem>>
      %dma_wait3A_128 = arith.constant 0 : i32
      %dma_wait3A_129 = arith.constant 0 : i32
      %dma_wait3A_130 = tpu.memref_slice %arg2[%dma_wait3A_128, %dma_wait3A_129] : memref<10000x128xbf16, #tpu.memory_space<hbm>> -> memref<10000x128xbf16, #tpu.memory_space<hbm>>
      tpu.wait_indirect_dma semaphore(%arg11 : memref<!tpu.dma_semaphore, #tpu.memory_space<semaphore_mem>>) src(%dma_wait3A_130 : memref<10000x128xbf16, #tpu.memory_space<hbm>>) dst(%dma_wait3A_124 : memref<128x128xbf16, #tpu.memory_space<vmem>>)
      %dma_wait3A_131 = arith.constant 0 : i32
      %dma_wait3A_132 = arith.constant 0 : i32
      %dma_wait3A_133 = arith.constant 0 : i32
      %dma_wait3A_134 = tpu.memref_slice %arg10[%dma_wait3A_131, %dma_wait3A_132, %dma_wait3A_133] : memref<2x128x128xbf16, #tpu.memory_space<vmem>> -> memref<1x128x128xbf16, #tpu.memory_space<vmem>>
      %dma_wait3A_135 = tpu.memref_squeeze %dma_wait3A_134 : memref<1x128x128xbf16, #tpu.memory_space<vmem>> -> memref<128x128xbf16, #tpu.memory_space<vmem>>
      %dma_wait3A_136 = arith.constant 0 : i32
      %dma_wait3A_137 = tpu.memref_slice %arg8[%mul3A_114, %dma_wait3A_136] : memref<40x128xi32, #tpu.memory_space<vmem>> -> memref<1x128xi32, #tpu.memory_space<vmem>>
      %dma_wait3A_138 = tpu.memref_squeeze %dma_wait3A_137 : memref<1x128xi32, #tpu.memory_space<vmem>> -> memref<128xi32, #tpu.memory_space<vmem>>
      %dma_wait3A_139 = arith.constant 0 : i32
      %dma_wait3A_140 = arith.constant 0 : i32
      %dma_wait3A_141 = tpu.memref_slice %arg2[%dma_wait3A_139, %dma_wait3A_140] : memref<10000x128xbf16, #tpu.memory_space<hbm>> -> memref<10000x128xbf16, #tpu.memory_space<hbm>>
      tpu.wait_indirect_dma semaphore(%arg13 : memref<!tpu.dma_semaphore, #tpu.memory_space<semaphore_mem>>) src(%dma_wait3A_141 : memref<10000x128xbf16, #tpu.memory_space<hbm>>) dst(%dma_wait3A_135 : memref<128x128xbf16, #tpu.memory_space<vmem>>)
      %dma_start3A_142 = arith.constant 0 : i32
      %dma_start3A_143 = arith.constant 0 : i32
      %dma_start3A_144 = arith.constant 0 : i32
      %dma_start3A_145 = tpu.memref_slice %arg9[%dma_start3A_142, %dma_start3A_143, %dma_start3A_144] : memref<2x128x128xbf16, #tpu.memory_space<vmem>> -> memref<1x128x128xbf16, #tpu.memory_space<vmem>>
      %dma_start3A_146 = tpu.memref_squeeze %dma_start3A_145 : memref<1x128x128xbf16, #tpu.memory_space<vmem>> -> memref<128x128xbf16, #tpu.memory_space<vmem>>
      %dma_start3A_147 = arith.constant 0 : i32
      %dma_start3A_148 = tpu.memref_slice %arg5[%add3A_119, %dma_start3A_147] : memref<163840x128xbf16, #tpu.memory_space<hbm>> -> memref<128x128xbf16, #tpu.memory_space<hbm>>
      %dma_start3A_149 = arith.constant 0 : i32
      %dma_start3A_150 = tpu.memref_slice %arg5[%add3A_119, %dma_start3A_149] : memref<163840x128xbf16, #tpu.memory_space<hbm>> -> memref<128x128xbf16, #tpu.memory_space<hbm>>
      %dma_start3A_151 = arith.constant 0 : i32
      %dma_start3A_152 = arith.constant 0 : i32
      %dma_start3A_153 = tpu.memref_slice %arg9[%dma_start3A_142, %dma_start3A_151, %dma_start3A_152] : memref<2x128x128xbf16, #tpu.memory_space<vmem>> -> memref<1x128x128xbf16, #tpu.memory_space<vmem>>
      %dma_start3A_154 = tpu.memref_squeeze %dma_start3A_153 : memref<1x128x128xbf16, #tpu.memory_space<vmem>> -> memref<128x128xbf16, #tpu.memory_space<vmem>>
      tpu.enqueue_dma source(%dma_start3A_154 : memref<128x128xbf16, #tpu.memory_space<vmem>>) target(%dma_start3A_150 : memref<128x128xbf16, #tpu.memory_space<hbm>>) target_semaphore(%arg15 : memref<!tpu.dma_semaphore, #tpu.memory_space<semaphore_mem>>)
      %dma_start3A_155 = arith.constant 0 : i32
      %dma_start3A_156 = arith.constant 0 : i32
      %dma_start3A_157 = arith.constant 0 : i32
      %dma_start3A_158 = tpu.memref_slice %arg10[%dma_start3A_155, %dma_start3A_156, %dma_start3A_157] : memref<2x128x128xbf16, #tpu.memory_space<vmem>> -> memref<1x128x128xbf16, #tpu.memory_space<vmem>>
      %dma_start3A_159 = tpu.memref_squeeze %dma_start3A_158 : memref<1x128x128xbf16, #tpu.memory_space<vmem>> -> memref<128x128xbf16, #tpu.memory_space<vmem>>
      %dma_start3A_160 = arith.constant 0 : i32
      %dma_start3A_161 = tpu.memref_slice %arg6[%add3A_119, %dma_start3A_160] : memref<163840x128xbf16, #tpu.memory_space<hbm>> -> memref<128x128xbf16, #tpu.memory_space<hbm>>
      %dma_start3A_162 = arith.constant 0 : i32
      %dma_start3A_163 = tpu.memref_slice %arg6[%add3A_119, %dma_start3A_162] : memref<163840x128xbf16, #tpu.memory_space<hbm>> -> memref<128x128xbf16, #tpu.memory_space<hbm>>
      %dma_start3A_164 = arith.constant 0 : i32
      %dma_start3A_165 = arith.constant 0 : i32
      %dma_start3A_166 = tpu.memref_slice %arg10[%dma_start3A_155, %dma_start3A_164, %dma_start3A_165] : memref<2x128x128xbf16, #tpu.memory_space<vmem>> -> memref<1x128x128xbf16, #tpu.memory_space<vmem>>
      %dma_start3A_167 = tpu.memref_squeeze %dma_start3A_166 : memref<1x128x128xbf16, #tpu.memory_space<vmem>> -> memref<128x128xbf16, #tpu.memory_space<vmem>>
      tpu.enqueue_dma source(%dma_start3A_167 : memref<128x128xbf16, #tpu.memory_space<vmem>>) target(%dma_start3A_163 : memref<128x128xbf16, #tpu.memory_space<hbm>>) target_semaphore(%arg17 : memref<!tpu.dma_semaphore, #tpu.memory_space<semaphore_mem>>)
      %add3A_168 = arith.constant 1 : i32
      %add3A_169 = arith.addi %scan3A_112, %add3A_168 : i32
      %lt3A = arith.constant 20 : i32
      %lt3A_170 = arith.cmpi slt, %add3A_169, %lt3A : i32
      %convert_element_type3A = arith.extui %lt3A_170 : i1 to i32
      %cond3A = arith.constant 0 : i32
      %cond3A_171 = arith.cmpi ne, %convert_element_type3A, %cond3A : i32
      scf.if %cond3A_171 {
        %mul3A_236 = arith.constant 5120 : i32
        %mul3A_237 = arith.muli %add3A, %mul3A_236 : i32
        %dma_wait3A_238 = arith.constant 0 : i32
        %dma_wait3A_239 = arith.constant 0 : i32
        %dma_wait3A_240 = arith.constant 0 : i32
        %dma_wait3A_241 = tpu.memref_slice %arg9[%dma_wait3A_238, %dma_wait3A_239, %dma_wait3A_240] : memref<2x128x128xbf16, #tpu.memory_space<vmem>> -> memref<1x128x128xbf16, #tpu.memory_space<vmem>>
        %dma_wait3A_242 = tpu.memref_squeeze %dma_wait3A_241 : memref<1x128x128xbf16, #tpu.memory_space<vmem>> -> memref<128x128xbf16, #tpu.memory_space<vmem>>
        %dma_wait3A_243 = arith.constant 0 : i32
        %dma_wait3A_244 = tpu.memref_slice %arg5[%mul3A_237, %dma_wait3A_243] : memref<163840x128xbf16, #tpu.memory_space<hbm>> -> memref<128x128xbf16, #tpu.memory_space<hbm>>
        %dma_wait3A_245 = arith.constant 0 : i32
        %dma_wait3A_246 = tpu.memref_slice %arg5[%mul3A_237, %dma_wait3A_245] : memref<163840x128xbf16, #tpu.memory_space<hbm>> -> memref<128x128xbf16, #tpu.memory_space<hbm>>
        %dma_wait3A_247 = arith.constant 0 : i32
        %dma_wait3A_248 = arith.constant 0 : i32
        %dma_wait3A_249 = tpu.memref_slice %arg9[%dma_wait3A_238, %dma_wait3A_247, %dma_wait3A_248] : memref<2x128x128xbf16, #tpu.memory_space<vmem>> -> memref<1x128x128xbf16, #tpu.memory_space<vmem>>
        %dma_wait3A_250 = tpu.memref_squeeze %dma_wait3A_249 : memref<1x128x128xbf16, #tpu.memory_space<vmem>> -> memref<128x128xbf16, #tpu.memory_space<vmem>>
        tpu.wait_dma2 semaphore(%arg15 : memref<!tpu.dma_semaphore, #tpu.memory_space<semaphore_mem>>) src(%dma_wait3A_250 : memref<128x128xbf16, #tpu.memory_space<vmem>>) dst(%dma_wait3A_246 : memref<128x128xbf16, #tpu.memory_space<hbm>>)
        %dma_wait3A_251 = arith.constant 0 : i32
        %dma_wait3A_252 = arith.constant 0 : i32
        %dma_wait3A_253 = arith.constant 0 : i32
        %dma_wait3A_254 = tpu.memref_slice %arg10[%dma_wait3A_251, %dma_wait3A_252, %dma_wait3A_253] : memref<2x128x128xbf16, #tpu.memory_space<vmem>> -> memref<1x128x128xbf16, #tpu.memory_space<vmem>>
        %dma_wait3A_255 = tpu.memref_squeeze %dma_wait3A_254 : memref<1x128x128xbf16, #tpu.memory_space<vmem>> -> memref<128x128xbf16, #tpu.memory_space<vmem>>
        %dma_wait3A_256 = arith.constant 0 : i32
        %dma_wait3A_257 = tpu.memref_slice %arg6[%mul3A_237, %dma_wait3A_256] : memref<163840x128xbf16, #tpu.memory_space<hbm>> -> memref<128x128xbf16, #tpu.memory_space<hbm>>
        %dma_wait3A_258 = arith.constant 0 : i32
        %dma_wait3A_259 = tpu.memref_slice %arg6[%mul3A_237, %dma_wait3A_258] : memref<163840x128xbf16, #tpu.memory_space<hbm>> -> memref<128x128xbf16, #tpu.memory_space<hbm>>
        %dma_wait3A_260 = arith.constant 0 : i32
        %dma_wait3A_261 = arith.constant 0 : i32
        %dma_wait3A_262 = tpu.memref_slice %arg10[%dma_wait3A_251, %dma_wait3A_260, %dma_wait3A_261] : memref<2x128x128xbf16, #tpu.memory_space<vmem>> -> memref<1x128x128xbf16, #tpu.memory_space<vmem>>
        %dma_wait3A_263 = tpu.memref_squeeze %dma_wait3A_262 : memref<1x128x128xbf16, #tpu.memory_space<vmem>> -> memref<128x128xbf16, #tpu.memory_space<vmem>>
        tpu.wait_dma2 semaphore(%arg17 : memref<!tpu.dma_semaphore, #tpu.memory_space<semaphore_mem>>) src(%dma_wait3A_263 : memref<128x128xbf16, #tpu.memory_space<vmem>>) dst(%dma_wait3A_259 : memref<128x128xbf16, #tpu.memory_space<hbm>>)
        %mul3A_264 = arith.constant 2 : i32
        %mul3A_265 = arith.muli %mul3A_264, %scan3A_112 : i32
        %add3A_266 = arith.constant 2 : i32
        %add3A_267 = arith.addi %mul3A_265, %add3A_266 : i32
        %dma_start3A_268 = arith.constant 0 : i32
        %dma_start3A_269 = arith.constant 0 : i32
        %dma_start3A_270 = arith.constant 0 : i32
        %dma_start3A_271 = tpu.memref_slice %arg9[%dma_start3A_268, %dma_start3A_269, %dma_start3A_270] : memref<2x128x128xbf16, #tpu.memory_space<vmem>> -> memref<1x128x128xbf16, #tpu.memory_space<vmem>>
        %dma_start3A_272 = tpu.memref_squeeze %dma_start3A_271 : memref<1x128x128xbf16, #tpu.memory_space<vmem>> -> memref<128x128xbf16, #tpu.memory_space<vmem>>
        %dma_start3A_273 = arith.constant 0 : i32
        %dma_start3A_274 = tpu.memref_slice %arg7[%add3A_267, %dma_start3A_273] : memref<40x128xi32, #tpu.memory_space<vmem>> -> memref<1x128xi32, #tpu.memory_space<vmem>>
        %dma_start3A_275 = tpu.memref_squeeze %dma_start3A_274 : memref<1x128xi32, #tpu.memory_space<vmem>> -> memref<128xi32, #tpu.memory_space<vmem>>
        %dma_start3A_276 = arith.constant 0 : i32
        %dma_start3A_277 = arith.constant 0 : i32
        %dma_start3A_278 = tpu.memref_slice %arg2[%dma_start3A_276, %dma_start3A_277] : memref<10000x128xbf16, #tpu.memory_space<hbm>> -> memref<10000x128xbf16, #tpu.memory_space<hbm>>
        tpu.enqueue_indirect_dma source(%dma_start3A_278 : memref<10000x128xbf16, #tpu.memory_space<hbm>>) target(%dma_start3A_272 : memref<128x128xbf16, #tpu.memory_space<vmem>>) offsets(%dma_start3A_275 : memref<128xi32, #tpu.memory_space<vmem>>) semaphore(%arg11 : memref<!tpu.dma_semaphore, #tpu.memory_space<semaphore_mem>>)
        %dma_start3A_279 = arith.constant 0 : i32
        %dma_start3A_280 = arith.constant 0 : i32
        %dma_start3A_281 = arith.constant 0 : i32
        %dma_start3A_282 = tpu.memref_slice %arg10[%dma_start3A_279, %dma_start3A_280, %dma_start3A_281] : memref<2x128x128xbf16, #tpu.memory_space<vmem>> -> memref<1x128x128xbf16, #tpu.memory_space<vmem>>
        %dma_start3A_283 = tpu.memref_squeeze %dma_start3A_282 : memref<1x128x128xbf16, #tpu.memory_space<vmem>> -> memref<128x128xbf16, #tpu.memory_space<vmem>>
        %dma_start3A_284 = arith.constant 0 : i32
        %dma_start3A_285 = tpu.memref_slice %arg8[%add3A_267, %dma_start3A_284] : memref<40x128xi32, #tpu.memory_space<vmem>> -> memref<1x128xi32, #tpu.memory_space<vmem>>
        %dma_start3A_286 = tpu.memref_squeeze %dma_start3A_285 : memref<1x128xi32, #tpu.memory_space<vmem>> -> memref<128xi32, #tpu.memory_space<vmem>>
        %dma_start3A_287 = arith.constant 0 : i32
        %dma_start3A_288 = arith.constant 0 : i32
        %dma_start3A_289 = tpu.memref_slice %arg2[%dma_start3A_287, %dma_start3A_288] : memref<10000x128xbf16, #tpu.memory_space<hbm>> -> memref<10000x128xbf16, #tpu.memory_space<hbm>>
        tpu.enqueue_indirect_dma source(%dma_start3A_289 : memref<10000x128xbf16, #tpu.memory_space<hbm>>) target(%dma_start3A_283 : memref<128x128xbf16, #tpu.memory_space<vmem>>) offsets(%dma_start3A_286 : memref<128xi32, #tpu.memory_space<vmem>>) semaphore(%arg13 : memref<!tpu.dma_semaphore, #tpu.memory_space<semaphore_mem>>)
      } else {
      }
      %mul3A_172 = arith.constant 2 : i32
      %mul3A_173 = arith.muli %mul3A_172, %scan3A_112 : i32
      %add3A_174 = arith.constant 1 : i32
      %add3A_175 = arith.addi %mul3A_173, %add3A_174 : i32
      %mul3A_176 = arith.constant 5120 : i32
      %mul3A_177 = arith.muli %add3A, %mul3A_176 : i32
      %mul3A_178 = arith.constant 128 : i32
      %mul3A_179 = arith.muli %add3A_175, %mul3A_178 : i32
      %add3A_180 = arith.addi %mul3A_177, %mul3A_179 : i32
      %dma_wait3A_181 = arith.constant 1 : i32
      %dma_wait3A_182 = arith.constant 0 : i32
      %dma_wait3A_183 = arith.constant 0 : i32
      %dma_wait3A_184 = tpu.memref_slice %arg9[%dma_wait3A_181, %dma_wait3A_182, %dma_wait3A_183] : memref<2x128x128xbf16, #tpu.memory_space<vmem>> -> memref<1x128x128xbf16, #tpu.memory_space<vmem>>
      %dma_wait3A_185 = tpu.memref_squeeze %dma_wait3A_184 : memref<1x128x128xbf16, #tpu.memory_space<vmem>> -> memref<128x128xbf16, #tpu.memory_space<vmem>>
      %dma_wait3A_186 = arith.constant 0 : i32
      %dma_wait3A_187 = tpu.memref_slice %arg7[%add3A_175, %dma_wait3A_186] : memref<40x128xi32, #tpu.memory_space<vmem>> -> memref<1x128xi32, #tpu.memory_space<vmem>>
      %dma_wait3A_188 = tpu.memref_squeeze %dma_wait3A_187 : memref<1x128xi32, #tpu.memory_space<vmem>> -> memref<128xi32, #tpu.memory_space<vmem>>
      %dma_wait3A_189 = arith.constant 0 : i32
      %dma_wait3A_190 = arith.constant 0 : i32
      %dma_wait3A_191 = tpu.memref_slice %arg2[%dma_wait3A_189, %dma_wait3A_190] : memref<10000x128xbf16, #tpu.memory_space<hbm>> -> memref<10000x128xbf16, #tpu.memory_space<hbm>>
      tpu.wait_indirect_dma semaphore(%arg12 : memref<!tpu.dma_semaphore, #tpu.memory_space<semaphore_mem>>) src(%dma_wait3A_191 : memref<10000x128xbf16, #tpu.memory_space<hbm>>) dst(%dma_wait3A_185 : memref<128x128xbf16, #tpu.memory_space<vmem>>)
      %dma_wait3A_192 = arith.constant 1 : i32
      %dma_wait3A_193 = arith.constant 0 : i32
      %dma_wait3A_194 = arith.constant 0 : i32
      %dma_wait3A_195 = tpu.memref_slice %arg10[%dma_wait3A_192, %dma_wait3A_193, %dma_wait3A_194] : memref<2x128x128xbf16, #tpu.memory_space<vmem>> -> memref<1x128x128xbf16, #tpu.memory_space<vmem>>
      %dma_wait3A_196 = tpu.memref_squeeze %dma_wait3A_195 : memref<1x128x128xbf16, #tpu.memory_space<vmem>> -> memref<128x128xbf16, #tpu.memory_space<vmem>>
      %dma_wait3A_197 = arith.constant 0 : i32
      %dma_wait3A_198 = tpu.memref_slice %arg8[%add3A_175, %dma_wait3A_197] : memref<40x128xi32, #tpu.memory_space<vmem>> -> memref<1x128xi32, #tpu.memory_space<vmem>>
      %dma_wait3A_199 = tpu.memref_squeeze %dma_wait3A_198 : memref<1x128xi32, #tpu.memory_space<vmem>> -> memref<128xi32, #tpu.memory_space<vmem>>
      %dma_wait3A_200 = arith.constant 0 : i32
      %dma_wait3A_201 = arith.constant 0 : i32
      %dma_wait3A_202 = tpu.memref_slice %arg2[%dma_wait3A_200, %dma_wait3A_201] : memref<10000x128xbf16, #tpu.memory_space<hbm>> -> memref<10000x128xbf16, #tpu.memory_space<hbm>>
      tpu.wait_indirect_dma semaphore(%arg14 : memref<!tpu.dma_semaphore, #tpu.memory_space<semaphore_mem>>) src(%dma_wait3A_202 : memref<10000x128xbf16, #tpu.memory_space<hbm>>) dst(%dma_wait3A_196 : memref<128x128xbf16, #tpu.memory_space<vmem>>)
      %dma_start3A_203 = arith.constant 1 : i32
      %dma_start3A_204 = arith.constant 0 : i32
      %dma_start3A_205 = arith.constant 0 : i32
      %dma_start3A_206 = tpu.memref_slice %arg9[%dma_start3A_203, %dma_start3A_204, %dma_start3A_205] : memref<2x128x128xbf16, #tpu.memory_space<vmem>> -> memref<1x128x128xbf16, #tpu.memory_space<vmem>>
      %dma_start3A_207 = tpu.memref_squeeze %dma_start3A_206 : memref<1x128x128xbf16, #tpu.memory_space<vmem>> -> memref<128x128xbf16, #tpu.memory_space<vmem>>
      %dma_start3A_208 = arith.constant 0 : i32
      %dma_start3A_209 = tpu.memref_slice %arg5[%add3A_180, %dma_start3A_208] : memref<163840x128xbf16, #tpu.memory_space<hbm>> -> memref<128x128xbf16, #tpu.memory_space<hbm>>
      %dma_start3A_210 = arith.constant 0 : i32
      %dma_start3A_211 = tpu.memref_slice %arg5[%add3A_180, %dma_start3A_210] : memref<163840x128xbf16, #tpu.memory_space<hbm>> -> memref<128x128xbf16, #tpu.memory_space<hbm>>
      %dma_start3A_212 = arith.constant 0 : i32
      %dma_start3A_213 = arith.constant 0 : i32
      %dma_start3A_214 = tpu.memref_slice %arg9[%dma_start3A_203, %dma_start3A_212, %dma_start3A_213] : memref<2x128x128xbf16, #tpu.memory_space<vmem>> -> memref<1x128x128xbf16, #tpu.memory_space<vmem>>
      %dma_start3A_215 = tpu.memref_squeeze %dma_start3A_214 : memref<1x128x128xbf16, #tpu.memory_space<vmem>> -> memref<128x128xbf16, #tpu.memory_space<vmem>>
      tpu.enqueue_dma source(%dma_start3A_215 : memref<128x128xbf16, #tpu.memory_space<vmem>>) target(%dma_start3A_211 : memref<128x128xbf16, #tpu.memory_space<hbm>>) target_semaphore(%arg16 : memref<!tpu.dma_semaphore, #tpu.memory_space<semaphore_mem>>)
      %dma_start3A_216 = arith.constant 1 : i32
      %dma_start3A_217 = arith.constant 0 : i32
      %dma_start3A_218 = arith.constant 0 : i32
      %dma_start3A_219 = tpu.memref_slice %arg10[%dma_start3A_216, %dma_start3A_217, %dma_start3A_218] : memref<2x128x128xbf16, #tpu.memory_space<vmem>> -> memref<1x128x128xbf16, #tpu.memory_space<vmem>>
      %dma_start3A_220 = tpu.memref_squeeze %dma_start3A_219 : memref<1x128x128xbf16, #tpu.memory_space<vmem>> -> memref<128x128xbf16, #tpu.memory_space<vmem>>
      %dma_start3A_221 = arith.constant 0 : i32
      %dma_start3A_222 = tpu.memref_slice %arg6[%add3A_180, %dma_start3A_221] : memref<163840x128xbf16, #tpu.memory_space<hbm>> -> memref<128x128xbf16, #tpu.memory_space<hbm>>
      %dma_start3A_223 = arith.constant 0 : i32
      %dma_start3A_224 = tpu.memref_slice %arg6[%add3A_180, %dma_start3A_223] : memref<163840x128xbf16, #tpu.memory_space<hbm>> -> memref<128x128xbf16, #tpu.memory_space<hbm>>
      %dma_start3A_225 = arith.constant 0 : i32
      %dma_start3A_226 = arith.constant 0 : i32
      %dma_start3A_227 = tpu.memref_slice %arg10[%dma_start3A_216, %dma_start3A_225, %dma_start3A_226] : memref<2x128x128xbf16, #tpu.memory_space<vmem>> -> memref<1x128x128xbf16, #tpu.memory_space<vmem>>
      %dma_start3A_228 = tpu.memref_squeeze %dma_start3A_227 : memref<1x128x128xbf16, #tpu.memory_space<vmem>> -> memref<128x128xbf16, #tpu.memory_space<vmem>>
      tpu.enqueue_dma source(%dma_start3A_228 : memref<128x128xbf16, #tpu.memory_space<vmem>>) target(%dma_start3A_224 : memref<128x128xbf16, #tpu.memory_space<hbm>>) target_semaphore(%arg18 : memref<!tpu.dma_semaphore, #tpu.memory_space<semaphore_mem>>)
      %add3A_229 = arith.constant 1 : i32
      %add3A_230 = arith.addi %scan3A_112, %add3A_229 : i32
      %lt3A_231 = arith.constant 20 : i32
      %lt3A_232 = arith.cmpi slt, %add3A_230, %lt3A_231 : i32
      %convert_element_type3A_233 = arith.extui %lt3A_232 : i1 to i32
      %cond3A_234 = arith.constant 0 : i32
      %cond3A_235 = arith.cmpi ne, %convert_element_type3A_233, %cond3A_234 : i32
      scf.if %cond3A_235 {
        %mul3A_236 = arith.constant 5120 : i32
        %mul3A_237 = arith.muli %add3A, %mul3A_236 : i32
        %dma_wait3A_238 = arith.constant 1 : i32
        %dma_wait3A_239 = arith.constant 0 : i32
        %dma_wait3A_240 = arith.constant 0 : i32
        %dma_wait3A_241 = tpu.memref_slice %arg9[%dma_wait3A_238, %dma_wait3A_239, %dma_wait3A_240] : memref<2x128x128xbf16, #tpu.memory_space<vmem>> -> memref<1x128x128xbf16, #tpu.memory_space<vmem>>
        %dma_wait3A_242 = tpu.memref_squeeze %dma_wait3A_241 : memref<1x128x128xbf16, #tpu.memory_space<vmem>> -> memref<128x128xbf16, #tpu.memory_space<vmem>>
        %dma_wait3A_243 = arith.constant 0 : i32
        %dma_wait3A_244 = tpu.memref_slice %arg5[%mul3A_237, %dma_wait3A_243] : memref<163840x128xbf16, #tpu.memory_space<hbm>> -> memref<128x128xbf16, #tpu.memory_space<hbm>>
        %dma_wait3A_245 = arith.constant 0 : i32
        %dma_wait3A_246 = tpu.memref_slice %arg5[%mul3A_237, %dma_wait3A_245] : memref<163840x128xbf16, #tpu.memory_space<hbm>> -> memref<128x128xbf16, #tpu.memory_space<hbm>>
        %dma_wait3A_247 = arith.constant 0 : i32
        %dma_wait3A_248 = arith.constant 0 : i32
        %dma_wait3A_249 = tpu.memref_slice %arg9[%dma_wait3A_238, %dma_wait3A_247, %dma_wait3A_248] : memref<2x128x128xbf16, #tpu.memory_space<vmem>> -> memref<1x128x128xbf16, #tpu.memory_space<vmem>>
        %dma_wait3A_250 = tpu.memref_squeeze %dma_wait3A_249 : memref<1x128x128xbf16, #tpu.memory_space<vmem>> -> memref<128x128xbf16, #tpu.memory_space<vmem>>
        tpu.wait_dma2 semaphore(%arg16 : memref<!tpu.dma_semaphore, #tpu.memory_space<semaphore_mem>>) src(%dma_wait3A_250 : memref<128x128xbf16, #tpu.memory_space<vmem>>) dst(%dma_wait3A_246 : memref<128x128xbf16, #tpu.memory_space<hbm>>)
        %dma_wait3A_251 = arith.constant 1 : i32
        %dma_wait3A_252 = arith.constant 0 : i32
        %dma_wait3A_253 = arith.constant 0 : i32
        %dma_wait3A_254 = tpu.memref_slice %arg10[%dma_wait3A_251, %dma_wait3A_252, %dma_wait3A_253] : memref<2x128x128xbf16, #tpu.memory_space<vmem>> -> memref<1x128x128xbf16, #tpu.memory_space<vmem>>
        %dma_wait3A_255 = tpu.memref_squeeze %dma_wait3A_254 : memref<1x128x128xbf16, #tpu.memory_space<vmem>> -> memref<128x128xbf16, #tpu.memory_space<vmem>>
        %dma_wait3A_256 = arith.constant 0 : i32
        %dma_wait3A_257 = tpu.memref_slice %arg6[%mul3A_237, %dma_wait3A_256] : memref<163840x128xbf16, #tpu.memory_space<hbm>> -> memref<128x128xbf16, #tpu.memory_space<hbm>>
        %dma_wait3A_258 = arith.constant 0 : i32
        %dma_wait3A_259 = tpu.memref_slice %arg6[%mul3A_237, %dma_wait3A_258] : memref<163840x128xbf16, #tpu.memory_space<hbm>> -> memref<128x128xbf16, #tpu.memory_space<hbm>>
        %dma_wait3A_260 = arith.constant 0 : i32
        %dma_wait3A_261 = arith.constant 0 : i32
        %dma_wait3A_262 = tpu.memref_slice %arg10[%dma_wait3A_251, %dma_wait3A_260, %dma_wait3A_261] : memref<2x128x128xbf16, #tpu.memory_space<vmem>> -> memref<1x128x128xbf16, #tpu.memory_space<vmem>>
        %dma_wait3A_263 = tpu.memref_squeeze %dma_wait3A_262 : memref<1x128x128xbf16, #tpu.memory_space<vmem>> -> memref<128x128xbf16, #tpu.memory_space<vmem>>
        tpu.wait_dma2 semaphore(%arg18 : memref<!tpu.dma_semaphore, #tpu.memory_space<semaphore_mem>>) src(%dma_wait3A_263 : memref<128x128xbf16, #tpu.memory_space<vmem>>) dst(%dma_wait3A_259 : memref<128x128xbf16, #tpu.memory_space<hbm>>)
        %mul3A_264 = arith.constant 2 : i32
        %mul3A_265 = arith.muli %mul3A_264, %scan3A_112 : i32
        %add3A_266 = arith.constant 3 : i32
        %add3A_267 = arith.addi %mul3A_265, %add3A_266 : i32
        %dma_start3A_268 = arith.constant 1 : i32
        %dma_start3A_269 = arith.constant 0 : i32
        %dma_start3A_270 = arith.constant 0 : i32
        %dma_start3A_271 = tpu.memref_slice %arg9[%dma_start3A_268, %dma_start3A_269, %dma_start3A_270] : memref<2x128x128xbf16, #tpu.memory_space<vmem>> -> memref<1x128x128xbf16, #tpu.memory_space<vmem>>
        %dma_start3A_272 = tpu.memref_squeeze %dma_start3A_271 : memref<1x128x128xbf16, #tpu.memory_space<vmem>> -> memref<128x128xbf16, #tpu.memory_space<vmem>>
        %dma_start3A_273 = arith.constant 0 : i32
        %dma_start3A_274 = tpu.memref_slice %arg7[%add3A_267, %dma_start3A_273] : memref<40x128xi32, #tpu.memory_space<vmem>> -> memref<1x128xi32, #tpu.memory_space<vmem>>
        %dma_start3A_275 = tpu.memref_squeeze %dma_start3A_274 : memref<1x128xi32, #tpu.memory_space<vmem>> -> memref<128xi32, #tpu.memory_space<vmem>>
        %dma_start3A_276 = arith.constant 0 : i32
        %dma_start3A_277 = arith.constant 0 : i32
        %dma_start3A_278 = tpu.memref_slice %arg2[%dma_start3A_276, %dma_start3A_277] : memref<10000x128xbf16, #tpu.memory_space<hbm>> -> memref<10000x128xbf16, #tpu.memory_space<hbm>>
        tpu.enqueue_indirect_dma source(%dma_start3A_278 : memref<10000x128xbf16, #tpu.memory_space<hbm>>) target(%dma_start3A_272 : memref<128x128xbf16, #tpu.memory_space<vmem>>) offsets(%dma_start3A_275 : memref<128xi32, #tpu.memory_space<vmem>>) semaphore(%arg12 : memref<!tpu.dma_semaphore, #tpu.memory_space<semaphore_mem>>)
        %dma_start3A_279 = arith.constant 1 : i32
        %dma_start3A_280 = arith.constant 0 : i32
        %dma_start3A_281 = arith.constant 0 : i32
        %dma_start3A_282 = tpu.memref_slice %arg10[%dma_start3A_279, %dma_start3A_280, %dma_start3A_281] : memref<2x128x128xbf16, #tpu.memory_space<vmem>> -> memref<1x128x128xbf16, #tpu.memory_space<vmem>>
        %dma_start3A_283 = tpu.memref_squeeze %dma_start3A_282 : memref<1x128x128xbf16, #tpu.memory_space<vmem>> -> memref<128x128xbf16, #tpu.memory_space<vmem>>
        %dma_start3A_284 = arith.constant 0 : i32
        %dma_start3A_285 = tpu.memref_slice %arg8[%add3A_267, %dma_start3A_284] : memref<40x128xi32, #tpu.memory_space<vmem>> -> memref<1x128xi32, #tpu.memory_space<vmem>>
        %dma_start3A_286 = tpu.memref_squeeze %dma_start3A_285 : memref<1x128xi32, #tpu.memory_space<vmem>> -> memref<128xi32, #tpu.memory_space<vmem>>
        %dma_start3A_287 = arith.constant 0 : i32
        %dma_start3A_288 = arith.constant 0 : i32
        %dma_start3A_289 = tpu.memref_slice %arg2[%dma_start3A_287, %dma_start3A_288] : memref<10000x128xbf16, #tpu.memory_space<hbm>> -> memref<10000x128xbf16, #tpu.memory_space<hbm>>
        tpu.enqueue_indirect_dma source(%dma_start3A_289 : memref<10000x128xbf16, #tpu.memory_space<hbm>>) target(%dma_start3A_283 : memref<128x128xbf16, #tpu.memory_space<vmem>>) offsets(%dma_start3A_286 : memref<128xi32, #tpu.memory_space<vmem>>) semaphore(%arg14 : memref<!tpu.dma_semaphore, #tpu.memory_space<semaphore_mem>>)
      } else {
      }
    }
    %scan3A_56 = arith.constant 20 : i32
    %mul3A_57 = arith.constant 5120 : i32
    %mul3A_58 = arith.muli %add3A, %mul3A_57 : i32
    %dma_wait3A = arith.constant 0 : i32
    %dma_wait3A_59 = arith.constant 0 : i32
    %dma_wait3A_60 = arith.constant 0 : i32
    %dma_wait3A_61 = tpu.memref_slice %arg9[%dma_wait3A, %dma_wait3A_59, %dma_wait3A_60] : memref<2x128x128xbf16, #tpu.memory_space<vmem>> -> memref<1x128x128xbf16, #tpu.memory_space<vmem>>
    %dma_wait3A_62 = tpu.memref_squeeze %dma_wait3A_61 : memref<1x128x128xbf16, #tpu.memory_space<vmem>> -> memref<128x128xbf16, #tpu.memory_space<vmem>>
    %dma_wait3A_63 = arith.constant 0 : i32
    %dma_wait3A_64 = tpu.memref_slice %arg5[%mul3A_58, %dma_wait3A_63] : memref<163840x128xbf16, #tpu.memory_space<hbm>> -> memref<128x128xbf16, #tpu.memory_space<hbm>>
    %dma_wait3A_65 = arith.constant 0 : i32
    %dma_wait3A_66 = tpu.memref_slice %arg5[%mul3A_58, %dma_wait3A_65] : memref<163840x128xbf16, #tpu.memory_space<hbm>> -> memref<128x128xbf16, #tpu.memory_space<hbm>>
    %dma_wait3A_67 = arith.constant 0 : i32
    %dma_wait3A_68 = arith.constant 0 : i32
    %dma_wait3A_69 = tpu.memref_slice %arg9[%dma_wait3A, %dma_wait3A_67, %dma_wait3A_68] : memref<2x128x128xbf16, #tpu.memory_space<vmem>> -> memref<1x128x128xbf16, #tpu.memory_space<vmem>>
    %dma_wait3A_70 = tpu.memref_squeeze %dma_wait3A_69 : memref<1x128x128xbf16, #tpu.memory_space<vmem>> -> memref<128x128xbf16, #tpu.memory_space<vmem>>
    tpu.wait_dma2 semaphore(%arg15 : memref<!tpu.dma_semaphore, #tpu.memory_space<semaphore_mem>>) src(%dma_wait3A_70 : memref<128x128xbf16, #tpu.memory_space<vmem>>) dst(%dma_wait3A_66 : memref<128x128xbf16, #tpu.memory_space<hbm>>)
    %dma_wait3A_71 = arith.constant 0 : i32
    %dma_wait3A_72 = arith.constant 0 : i32
    %dma_wait3A_73 = arith.constant 0 : i32
    %dma_wait3A_74 = tpu.memref_slice %arg10[%dma_wait3A_71, %dma_wait3A_72, %dma_wait3A_73] : memref<2x128x128xbf16, #tpu.memory_space<vmem>> -> memref<1x128x128xbf16, #tpu.memory_space<vmem>>
    %dma_wait3A_75 = tpu.memref_squeeze %dma_wait3A_74 : memref<1x128x128xbf16, #tpu.memory_space<vmem>> -> memref<128x128xbf16, #tpu.memory_space<vmem>>
    %dma_wait3A_76 = arith.constant 0 : i32
    %dma_wait3A_77 = tpu.memref_slice %arg6[%mul3A_58, %dma_wait3A_76] : memref<163840x128xbf16, #tpu.memory_space<hbm>> -> memref<128x128xbf16, #tpu.memory_space<hbm>>
    %dma_wait3A_78 = arith.constant 0 : i32
    %dma_wait3A_79 = tpu.memref_slice %arg6[%mul3A_58, %dma_wait3A_78] : memref<163840x128xbf16, #tpu.memory_space<hbm>> -> memref<128x128xbf16, #tpu.memory_space<hbm>>
    %dma_wait3A_80 = arith.constant 0 : i32
    %dma_wait3A_81 = arith.constant 0 : i32
    %dma_wait3A_82 = tpu.memref_slice %arg10[%dma_wait3A_71, %dma_wait3A_80, %dma_wait3A_81] : memref<2x128x128xbf16, #tpu.memory_space<vmem>> -> memref<1x128x128xbf16, #tpu.memory_space<vmem>>
    %dma_wait3A_83 = tpu.memref_squeeze %dma_wait3A_82 : memref<1x128x128xbf16, #tpu.memory_space<vmem>> -> memref<128x128xbf16, #tpu.memory_space<vmem>>
    tpu.wait_dma2 semaphore(%arg17 : memref<!tpu.dma_semaphore, #tpu.memory_space<semaphore_mem>>) src(%dma_wait3A_83 : memref<128x128xbf16, #tpu.memory_space<vmem>>) dst(%dma_wait3A_79 : memref<128x128xbf16, #tpu.memory_space<hbm>>)
    %mul3A_84 = arith.constant 5120 : i32
    %mul3A_85 = arith.muli %add3A, %mul3A_84 : i32
    %dma_wait3A_86 = arith.constant 1 : i32
    %dma_wait3A_87 = arith.constant 0 : i32
    %dma_wait3A_88 = arith.constant 0 : i32
    %dma_wait3A_89 = tpu.memref_slice %arg9[%dma_wait3A_86, %dma_wait3A_87, %dma_wait3A_88] : memref<2x128x128xbf16, #tpu.memory_space<vmem>> -> memref<1x128x128xbf16, #tpu.memory_space<vmem>>
    %dma_wait3A_90 = tpu.memref_squeeze %dma_wait3A_89 : memref<1x128x128xbf16, #tpu.memory_space<vmem>> -> memref<128x128xbf16, #tpu.memory_space<vmem>>
    %dma_wait3A_91 = arith.constant 0 : i32
    %dma_wait3A_92 = tpu.memref_slice %arg5[%mul3A_85, %dma_wait3A_91] : memref<163840x128xbf16, #tpu.memory_space<hbm>> -> memref<128x128xbf16, #tpu.memory_space<hbm>>
    %dma_wait3A_93 = arith.constant 0 : i32
    %dma_wait3A_94 = tpu.memref_slice %arg5[%mul3A_85, %dma_wait3A_93] : memref<163840x128xbf16, #tpu.memory_space<hbm>> -> memref<128x128xbf16, #tpu.memory_space<hbm>>
    %dma_wait3A_95 = arith.constant 0 : i32
    %dma_wait3A_96 = arith.constant 0 : i32
    %dma_wait3A_97 = tpu.memref_slice %arg9[%dma_wait3A_86, %dma_wait3A_95, %dma_wait3A_96] : memref<2x128x128xbf16, #tpu.memory_space<vmem>> -> memref<1x128x128xbf16, #tpu.memory_space<vmem>>
    %dma_wait3A_98 = tpu.memref_squeeze %dma_wait3A_97 : memref<1x128x128xbf16, #tpu.memory_space<vmem>> -> memref<128x128xbf16, #tpu.memory_space<vmem>>
    tpu.wait_dma2 semaphore(%arg16 : memref<!tpu.dma_semaphore, #tpu.memory_space<semaphore_mem>>) src(%dma_wait3A_98 : memref<128x128xbf16, #tpu.memory_space<vmem>>) dst(%dma_wait3A_94 : memref<128x128xbf16, #tpu.memory_space<hbm>>)
    %dma_wait3A_99 = arith.constant 1 : i32
    %dma_wait3A_100 = arith.constant 0 : i32
    %dma_wait3A_101 = arith.constant 0 : i32
    %dma_wait3A_102 = tpu.memref_slice %arg10[%dma_wait3A_99, %dma_wait3A_100, %dma_wait3A_101] : memref<2x128x128xbf16, #tpu.memory_space<vmem>> -> memref<1x128x128xbf16, #tpu.memory_space<vmem>>
    %dma_wait3A_103 = tpu.memref_squeeze %dma_wait3A_102 : memref<1x128x128xbf16, #tpu.memory_space<vmem>> -> memref<128x128xbf16, #tpu.memory_space<vmem>>
    %dma_wait3A_104 = arith.constant 0 : i32
    %dma_wait3A_105 = tpu.memref_slice %arg6[%mul3A_85, %dma_wait3A_104] : memref<163840x128xbf16, #tpu.memory_space<hbm>> -> memref<128x128xbf16, #tpu.memory_space<hbm>>
    %dma_wait3A_106 = arith.constant 0 : i32
    %dma_wait3A_107 = tpu.memref_slice %arg6[%mul3A_85, %dma_wait3A_106] : memref<163840x128xbf16, #tpu.memory_space<hbm>> -> memref<128x128xbf16, #tpu.memory_space<hbm>>
    %dma_wait3A_108 = arith.constant 0 : i32
    %dma_wait3A_109 = arith.constant 0 : i32
    %dma_wait3A_110 = tpu.memref_slice %arg10[%dma_wait3A_99, %dma_wait3A_108, %dma_wait3A_109] : memref<2x128x128xbf16, #tpu.memory_space<vmem>> -> memref<1x128x128xbf16, #tpu.memory_space<vmem>>
    %dma_wait3A_111 = tpu.memref_squeeze %dma_wait3A_110 : memref<1x128x128xbf16, #tpu.memory_space<vmem>> -> memref<128x128xbf16, #tpu.memory_space<vmem>>
    tpu.wait_dma2 semaphore(%arg18 : memref<!tpu.dma_semaphore, #tpu.memory_space<semaphore_mem>>) src(%dma_wait3A_111 : memref<128x128xbf16, #tpu.memory_space<vmem>>) dst(%dma_wait3A_107 : memref<128x128xbf16, #tpu.memory_space<hbm>>)
    return
  }
}

#map = affine_map<(d0, d1) -> (0, 0)>
module attributes {stable_mosaic.version = 14 : i64} {
  func.func @k(%arg0: i32, %arg1: i32, %arg2: memref<163840x16xf32, #tpu.memory_space<hbm>>, %arg3: memref<163840x16xf32, #tpu.memory_space<hbm>>, %arg4: memref<2560x64xi32, #tpu.memory_space<hbm>>, %arg5: memref<10240x144xf32, #tpu.memory_space<hbm>>, %arg6: memref<10240x144xf32, #tpu.memory_space<hbm>>, %arg7: memref<2x64x16xf32, #tpu.memory_space<vmem>>, %arg8: memref<2x64x16xf32, #tpu.memory_space<vmem>>, %arg9: memref<80x64xi32, #tpu.memory_space<vmem>>, %arg10: memref<2x64x144xf32, #tpu.memory_space<vmem>>, %arg11: memref<10240x144xf32, #tpu.memory_space<vmem_shared>>, %arg12: memref<!tpu.dma_semaphore, #tpu.memory_space<semaphore_mem>>, %arg13: memref<!tpu.dma_semaphore, #tpu.memory_space<semaphore_mem>>, %arg14: memref<!tpu.dma_semaphore, #tpu.memory_space<semaphore_mem>>, %arg15: memref<!tpu.dma_semaphore, #tpu.memory_space<semaphore_mem>>, %arg16: memref<!tpu.dma_semaphore, #tpu.memory_space<semaphore_mem>>, %arg17: memref<!tpu.dma_semaphore, #tpu.memory_space<semaphore_mem>>) attributes {dimension_semantics = [#tpu.dimension_semantics<core_parallel>, #tpu.dimension_semantics<subcore_parallel>], iteration_bounds = array<i64: 2, 16>, scalar_prefetch = 0 : i64, scratch_operands = 11 : i64, tpu.core_type = #tpu.core_type<sc_vector_subcore>, window_params = [{transform_indices = #map}, {transform_indices = #map}, {transform_indices = #map}, {transform_indices = #map}, {transform_indices = #map}]} {
    %mul3A = arith.constant 2 : i32
    %mul3A_0 = arith.muli %arg1, %mul3A : i32
    %add3A = arith.addi %mul3A_0, %arg0 : i32
    %mul3A_1 = arith.constant 80 : i32
    %mul3A_2 = arith.muli %add3A, %mul3A_1 : i32
    "tpu.region"() ({
      %run_scoped3A = tpu.sem_alloc : memref<!tpu.dma_semaphore, #tpu.memory_space<semaphore_mem>>
      %dma_start3A_109 = arith.constant 0 : i32
      %dma_start3A_110 = tpu.memref_slice %arg4[%mul3A_2, %dma_start3A_109] : memref<2560x64xi32, #tpu.memory_space<hbm>> -> memref<80x64xi32, #tpu.memory_space<hbm>>
      %dma_start3A_111 = arith.constant 0 : i32
      %dma_start3A_112 = tpu.memref_slice %arg4[%mul3A_2, %dma_start3A_111] : memref<2560x64xi32, #tpu.memory_space<hbm>> -> memref<80x64xi32, #tpu.memory_space<hbm>>
      tpu.enqueue_dma source(%dma_start3A_112 : memref<80x64xi32, #tpu.memory_space<hbm>>) target(%arg9 : memref<80x64xi32, #tpu.memory_space<vmem>>) target_semaphore(%run_scoped3A : memref<!tpu.dma_semaphore, #tpu.memory_space<semaphore_mem>>)
      %dma_wait3A_113 = arith.constant 0 : i32
      %dma_wait3A_114 = tpu.memref_slice %arg4[%mul3A_2, %dma_wait3A_113] : memref<2560x64xi32, #tpu.memory_space<hbm>> -> memref<80x64xi32, #tpu.memory_space<hbm>>
      %dma_wait3A_115 = arith.constant 0 : i32
      %dma_wait3A_116 = tpu.memref_slice %arg4[%mul3A_2, %dma_wait3A_115] : memref<2560x64xi32, #tpu.memory_space<hbm>> -> memref<80x64xi32, #tpu.memory_space<hbm>>
      tpu.wait_dma2 semaphore(%run_scoped3A : memref<!tpu.dma_semaphore, #tpu.memory_space<semaphore_mem>>) src(%dma_wait3A_116 : memref<80x64xi32, #tpu.memory_space<hbm>>) dst(%arg9 : memref<80x64xi32, #tpu.memory_space<vmem>>)
      tpu.yield
    }) : () -> ()
    %scan3A = arith.constant 0 : i32
    %scan3A_3 = arith.constant 0 : i32
    %scan3A_4 = arith.constant 64 : i32
    %scan3A_5 = arith.addi %scan3A_3, %scan3A_4 : i32
    %scan3A_6 = arith.constant 1 : i32
    scf.for %scan3A_109 = %scan3A_3 to %scan3A_5 step %scan3A_6  : i32 {
      %broadcast_in_dim3A = arith.constant 0.000000e+00 : f32
      %broadcast_in_dim3A_110 = vector.broadcast %broadcast_in_dim3A : f32 to vector<16xf32>
      %swap3A = arith.constant 0 : i32
      %swap3A_111 = arith.index_cast %swap3A : i32 to index
      %swap3A_112 = arith.index_cast %scan3A_109 : i32 to index
      %swap3A_113 = arith.constant 0 : index
      %swap3A_114 = tpu.vector_load %arg10[%swap3A_111, %swap3A_112, %swap3A_113] {strides = array<i32>} : memref<2x64x144xf32, #tpu.memory_space<vmem>>, vector<16xf32>,
      tpu.vector_store %arg10[%swap3A_111, %swap3A_112, %swap3A_113], %broadcast_in_dim3A_110 {strides = array<i32>} : memref<2x64x144xf32, #tpu.memory_space<vmem>>, vector<16xf32>,
      %broadcast_in_dim3A_115 = arith.constant 0.000000e+00 : f32
      %broadcast_in_dim3A_116 = vector.broadcast %broadcast_in_dim3A_115 : f32 to vector<16xf32>
      %swap3A_117 = arith.constant 0 : i32
      %swap3A_118 = arith.index_cast %swap3A_117 : i32 to index
      %swap3A_119 = arith.index_cast %scan3A_109 : i32 to index
      %swap3A_120 = arith.constant 16 : index
      %swap3A_121 = tpu.vector_load %arg10[%swap3A_118, %swap3A_119, %swap3A_120] {strides = array<i32>} : memref<2x64x144xf32, #tpu.memory_space<vmem>>, vector<16xf32>,
      tpu.vector_store %arg10[%swap3A_118, %swap3A_119, %swap3A_120], %broadcast_in_dim3A_116 {strides = array<i32>} : memref<2x64x144xf32, #tpu.memory_space<vmem>>, vector<16xf32>,
      %broadcast_in_dim3A_122 = arith.constant 0.000000e+00 : f32
      %broadcast_in_dim3A_123 = vector.broadcast %broadcast_in_dim3A_122 : f32 to vector<16xf32>
      %swap3A_124 = arith.constant 0 : i32
      %swap3A_125 = arith.index_cast %swap3A_124 : i32 to index
      %swap3A_126 = arith.index_cast %scan3A_109 : i32 to index
      %swap3A_127 = arith.constant 32 : index
      %swap3A_128 = tpu.vector_load %arg10[%swap3A_125, %swap3A_126, %swap3A_127] {strides = array<i32>} : memref<2x64x144xf32, #tpu.memory_space<vmem>>, vector<16xf32>,
      tpu.vector_store %arg10[%swap3A_125, %swap3A_126, %swap3A_127], %broadcast_in_dim3A_123 {strides = array<i32>} : memref<2x64x144xf32, #tpu.memory_space<vmem>>, vector<16xf32>,
      %broadcast_in_dim3A_129 = arith.constant 0.000000e+00 : f32
      %broadcast_in_dim3A_130 = vector.broadcast %broadcast_in_dim3A_129 : f32 to vector<16xf32>
      %swap3A_131 = arith.constant 0 : i32
      %swap3A_132 = arith.index_cast %swap3A_131 : i32 to index
      %swap3A_133 = arith.index_cast %scan3A_109 : i32 to index
      %swap3A_134 = arith.constant 48 : index
      %swap3A_135 = tpu.vector_load %arg10[%swap3A_132, %swap3A_133, %swap3A_134] {strides = array<i32>} : memref<2x64x144xf32, #tpu.memory_space<vmem>>, vector<16xf32>,
      tpu.vector_store %arg10[%swap3A_132, %swap3A_133, %swap3A_134], %broadcast_in_dim3A_130 {strides = array<i32>} : memref<2x64x144xf32, #tpu.memory_space<vmem>>, vector<16xf32>,
      %broadcast_in_dim3A_136 = arith.constant 0.000000e+00 : f32
      %broadcast_in_dim3A_137 = vector.broadcast %broadcast_in_dim3A_136 : f32 to vector<16xf32>
      %swap3A_138 = arith.constant 0 : i32
      %swap3A_139 = arith.index_cast %swap3A_138 : i32 to index
      %swap3A_140 = arith.index_cast %scan3A_109 : i32 to index
      %swap3A_141 = arith.constant 64 : index
      %swap3A_142 = tpu.vector_load %arg10[%swap3A_139, %swap3A_140, %swap3A_141] {strides = array<i32>} : memref<2x64x144xf32, #tpu.memory_space<vmem>>, vector<16xf32>,
      tpu.vector_store %arg10[%swap3A_139, %swap3A_140, %swap3A_141], %broadcast_in_dim3A_137 {strides = array<i32>} : memref<2x64x144xf32, #tpu.memory_space<vmem>>, vector<16xf32>,
      %broadcast_in_dim3A_143 = arith.constant 0.000000e+00 : f32
      %broadcast_in_dim3A_144 = vector.broadcast %broadcast_in_dim3A_143 : f32 to vector<16xf32>
      %swap3A_145 = arith.constant 0 : i32
      %swap3A_146 = arith.index_cast %swap3A_145 : i32 to index
      %swap3A_147 = arith.index_cast %scan3A_109 : i32 to index
      %swap3A_148 = arith.constant 80 : index
      %swap3A_149 = tpu.vector_load %arg10[%swap3A_146, %swap3A_147, %swap3A_148] {strides = array<i32>} : memref<2x64x144xf32, #tpu.memory_space<vmem>>, vector<16xf32>,
      tpu.vector_store %arg10[%swap3A_146, %swap3A_147, %swap3A_148], %broadcast_in_dim3A_144 {strides = array<i32>} : memref<2x64x144xf32, #tpu.memory_space<vmem>>, vector<16xf32>,
      %broadcast_in_dim3A_150 = arith.constant 0.000000e+00 : f32
      %broadcast_in_dim3A_151 = vector.broadcast %broadcast_in_dim3A_150 : f32 to vector<16xf32>
      %swap3A_152 = arith.constant 0 : i32
      %swap3A_153 = arith.index_cast %swap3A_152 : i32 to index
      %swap3A_154 = arith.index_cast %scan3A_109 : i32 to index
      %swap3A_155 = arith.constant 96 : index
      %swap3A_156 = tpu.vector_load %arg10[%swap3A_153, %swap3A_154, %swap3A_155] {strides = array<i32>} : memref<2x64x144xf32, #tpu.memory_space<vmem>>, vector<16xf32>,
      tpu.vector_store %arg10[%swap3A_153, %swap3A_154, %swap3A_155], %broadcast_in_dim3A_151 {strides = array<i32>} : memref<2x64x144xf32, #tpu.memory_space<vmem>>, vector<16xf32>,
      %broadcast_in_dim3A_157 = arith.constant 0.000000e+00 : f32
      %broadcast_in_dim3A_158 = vector.broadcast %broadcast_in_dim3A_157 : f32 to vector<16xf32>
      %swap3A_159 = arith.constant 0 : i32
      %swap3A_160 = arith.index_cast %swap3A_159 : i32 to index
      %swap3A_161 = arith.index_cast %scan3A_109 : i32 to index
      %swap3A_162 = arith.constant 112 : index
      %swap3A_163 = tpu.vector_load %arg10[%swap3A_160, %swap3A_161, %swap3A_162] {strides = array<i32>} : memref<2x64x144xf32, #tpu.memory_space<vmem>>, vector<16xf32>,
      tpu.vector_store %arg10[%swap3A_160, %swap3A_161, %swap3A_162], %broadcast_in_dim3A_158 {strides = array<i32>} : memref<2x64x144xf32, #tpu.memory_space<vmem>>, vector<16xf32>,
      %broadcast_in_dim3A_164 = arith.constant 0.000000e+00 : f32
      %broadcast_in_dim3A_165 = vector.broadcast %broadcast_in_dim3A_164 : f32 to vector<16xf32>
      %swap3A_166 = arith.constant 0 : i32
      %swap3A_167 = arith.index_cast %swap3A_166 : i32 to index
      %swap3A_168 = arith.index_cast %scan3A_109 : i32 to index
      %swap3A_169 = arith.constant 128 : index
      %swap3A_170 = tpu.vector_load %arg10[%swap3A_167, %swap3A_168, %swap3A_169] {strides = array<i32>} : memref<2x64x144xf32, #tpu.memory_space<vmem>>, vector<16xf32>,
      tpu.vector_store %arg10[%swap3A_167, %swap3A_168, %swap3A_169], %broadcast_in_dim3A_165 {strides = array<i32>} : memref<2x64x144xf32, #tpu.memory_space<vmem>>, vector<16xf32>,
      %broadcast_in_dim3A_171 = arith.constant 0.000000e+00 : f32
      %broadcast_in_dim3A_172 = vector.broadcast %broadcast_in_dim3A_171 : f32 to vector<16xf32>
      %swap3A_173 = arith.constant 1 : i32
      %swap3A_174 = arith.index_cast %swap3A_173 : i32 to index
      %swap3A_175 = arith.index_cast %scan3A_109 : i32 to index
      %swap3A_176 = arith.constant 0 : index
      %swap3A_177 = tpu.vector_load %arg10[%swap3A_174, %swap3A_175, %swap3A_176] {strides = array<i32>} : memref<2x64x144xf32, #tpu.memory_space<vmem>>, vector<16xf32>,
      tpu.vector_store %arg10[%swap3A_174, %swap3A_175, %swap3A_176], %broadcast_in_dim3A_172 {strides = array<i32>} : memref<2x64x144xf32, #tpu.memory_space<vmem>>, vector<16xf32>,
      %broadcast_in_dim3A_178 = arith.constant 0.000000e+00 : f32
      %broadcast_in_dim3A_179 = vector.broadcast %broadcast_in_dim3A_178 : f32 to vector<16xf32>
      %swap3A_180 = arith.constant 1 : i32
      %swap3A_181 = arith.index_cast %swap3A_180 : i32 to index
      %swap3A_182 = arith.index_cast %scan3A_109 : i32 to index
      %swap3A_183 = arith.constant 16 : index
      %swap3A_184 = tpu.vector_load %arg10[%swap3A_181, %swap3A_182, %swap3A_183] {strides = array<i32>} : memref<2x64x144xf32, #tpu.memory_space<vmem>>, vector<16xf32>,
      tpu.vector_store %arg10[%swap3A_181, %swap3A_182, %swap3A_183], %broadcast_in_dim3A_179 {strides = array<i32>} : memref<2x64x144xf32, #tpu.memory_space<vmem>>, vector<16xf32>,
      %broadcast_in_dim3A_185 = arith.constant 0.000000e+00 : f32
      %broadcast_in_dim3A_186 = vector.broadcast %broadcast_in_dim3A_185 : f32 to vector<16xf32>
      %swap3A_187 = arith.constant 1 : i32
      %swap3A_188 = arith.index_cast %swap3A_187 : i32 to index
      %swap3A_189 = arith.index_cast %scan3A_109 : i32 to index
      %swap3A_190 = arith.constant 32 : index
      %swap3A_191 = tpu.vector_load %arg10[%swap3A_188, %swap3A_189, %swap3A_190] {strides = array<i32>} : memref<2x64x144xf32, #tpu.memory_space<vmem>>, vector<16xf32>,
      tpu.vector_store %arg10[%swap3A_188, %swap3A_189, %swap3A_190], %broadcast_in_dim3A_186 {strides = array<i32>} : memref<2x64x144xf32, #tpu.memory_space<vmem>>, vector<16xf32>,
      %broadcast_in_dim3A_192 = arith.constant 0.000000e+00 : f32
      %broadcast_in_dim3A_193 = vector.broadcast %broadcast_in_dim3A_192 : f32 to vector<16xf32>
      %swap3A_194 = arith.constant 1 : i32
      %swap3A_195 = arith.index_cast %swap3A_194 : i32 to index
      %swap3A_196 = arith.index_cast %scan3A_109 : i32 to index
      %swap3A_197 = arith.constant 48 : index
      %swap3A_198 = tpu.vector_load %arg10[%swap3A_195, %swap3A_196, %swap3A_197] {strides = array<i32>} : memref<2x64x144xf32, #tpu.memory_space<vmem>>, vector<16xf32>,
      tpu.vector_store %arg10[%swap3A_195, %swap3A_196, %swap3A_197], %broadcast_in_dim3A_193 {strides = array<i32>} : memref<2x64x144xf32, #tpu.memory_space<vmem>>, vector<16xf32>,
      %broadcast_in_dim3A_199 = arith.constant 0.000000e+00 : f32
      %broadcast_in_dim3A_200 = vector.broadcast %broadcast_in_dim3A_199 : f32 to vector<16xf32>
      %swap3A_201 = arith.constant 1 : i32
      %swap3A_202 = arith.index_cast %swap3A_201 : i32 to index
      %swap3A_203 = arith.index_cast %scan3A_109 : i32 to index
      %swap3A_204 = arith.constant 64 : index
      %swap3A_205 = tpu.vector_load %arg10[%swap3A_202, %swap3A_203, %swap3A_204] {strides = array<i32>} : memref<2x64x144xf32, #tpu.memory_space<vmem>>, vector<16xf32>,
      tpu.vector_store %arg10[%swap3A_202, %swap3A_203, %swap3A_204], %broadcast_in_dim3A_200 {strides = array<i32>} : memref<2x64x144xf32, #tpu.memory_space<vmem>>, vector<16xf32>,
      %broadcast_in_dim3A_206 = arith.constant 0.000000e+00 : f32
      %broadcast_in_dim3A_207 = vector.broadcast %broadcast_in_dim3A_206 : f32 to vector<16xf32>
      %swap3A_208 = arith.constant 1 : i32
      %swap3A_209 = arith.index_cast %swap3A_208 : i32 to index
      %swap3A_210 = arith.index_cast %scan3A_109 : i32 to index
      %swap3A_211 = arith.constant 80 : index
      %swap3A_212 = tpu.vector_load %arg10[%swap3A_209, %swap3A_210, %swap3A_211] {strides = array<i32>} : memref<2x64x144xf32, #tpu.memory_space<vmem>>, vector<16xf32>,
      tpu.vector_store %arg10[%swap3A_209, %swap3A_210, %swap3A_211], %broadcast_in_dim3A_207 {strides = array<i32>} : memref<2x64x144xf32, #tpu.memory_space<vmem>>, vector<16xf32>,
      %broadcast_in_dim3A_213 = arith.constant 0.000000e+00 : f32
      %broadcast_in_dim3A_214 = vector.broadcast %broadcast_in_dim3A_213 : f32 to vector<16xf32>
      %swap3A_215 = arith.constant 1 : i32
      %swap3A_216 = arith.index_cast %swap3A_215 : i32 to index
      %swap3A_217 = arith.index_cast %scan3A_109 : i32 to index
      %swap3A_218 = arith.constant 96 : index
      %swap3A_219 = tpu.vector_load %arg10[%swap3A_216, %swap3A_217, %swap3A_218] {strides = array<i32>} : memref<2x64x144xf32, #tpu.memory_space<vmem>>, vector<16xf32>,
      tpu.vector_store %arg10[%swap3A_216, %swap3A_217, %swap3A_218], %broadcast_in_dim3A_214 {strides = array<i32>} : memref<2x64x144xf32, #tpu.memory_space<vmem>>, vector<16xf32>,
      %broadcast_in_dim3A_220 = arith.constant 0.000000e+00 : f32
      %broadcast_in_dim3A_221 = vector.broadcast %broadcast_in_dim3A_220 : f32 to vector<16xf32>
      %swap3A_222 = arith.constant 1 : i32
      %swap3A_223 = arith.index_cast %swap3A_222 : i32 to index
      %swap3A_224 = arith.index_cast %scan3A_109 : i32 to index
      %swap3A_225 = arith.constant 112 : index
      %swap3A_226 = tpu.vector_load %arg10[%swap3A_223, %swap3A_224, %swap3A_225] {strides = array<i32>} : memref<2x64x144xf32, #tpu.memory_space<vmem>>, vector<16xf32>,
      tpu.vector_store %arg10[%swap3A_223, %swap3A_224, %swap3A_225], %broadcast_in_dim3A_221 {strides = array<i32>} : memref<2x64x144xf32, #tpu.memory_space<vmem>>, vector<16xf32>,
      %broadcast_in_dim3A_227 = arith.constant 0.000000e+00 : f32
      %broadcast_in_dim3A_228 = vector.broadcast %broadcast_in_dim3A_227 : f32 to vector<16xf32>
      %swap3A_229 = arith.constant 1 : i32
      %swap3A_230 = arith.index_cast %swap3A_229 : i32 to index
      %swap3A_231 = arith.index_cast %scan3A_109 : i32 to index
      %swap3A_232 = arith.constant 128 : index
      %swap3A_233 = tpu.vector_load %arg10[%swap3A_230, %swap3A_231, %swap3A_232] {strides = array<i32>} : memref<2x64x144xf32, #tpu.memory_space<vmem>>, vector<16xf32>,
      tpu.vector_store %arg10[%swap3A_230, %swap3A_231, %swap3A_232], %broadcast_in_dim3A_228 {strides = array<i32>} : memref<2x64x144xf32, #tpu.memory_space<vmem>>, vector<16xf32>,
    }
    %scan3A_7 = arith.constant 64 : i32
    %scan3A_8 = arith.constant 0 : i32
    %scan3A_9 = arith.constant 0 : i32
    %scan3A_10 = arith.constant 10 : i32
    %scan3A_11 = arith.addi %scan3A_9, %scan3A_10 : i32
    %scan3A_12 = arith.constant 1 : i32
    scf.for %scan3A_109 = %scan3A_9 to %scan3A_11 step %scan3A_12  : i32 {
      %mul3A_110 = arith.constant 640 : i32
      %mul3A_111 = arith.muli %arg1, %mul3A_110 : i32
      %mul3A_112 = arith.constant 64 : i32
      %mul3A_113 = arith.muli %scan3A_109, %mul3A_112 : i32
      %add3A_114 = arith.addi %mul3A_111, %mul3A_113 : i32
      %run_scoped3A = arith.constant 0 : i32
      "tpu.region"() ({
        %run_scoped3A_115 = tpu.sem_alloc : memref<!tpu.dma_semaphore, #tpu.memory_space<semaphore_mem>>
        %dma_start3A_116 = arith.constant 0 : i32
        %dma_start3A_117 = arith.constant 0 : i32
        %dma_start3A_118 = tpu.memref_slice %arg10[%run_scoped3A, %dma_start3A_116, %dma_start3A_117] : memref<2x64x144xf32, #tpu.memory_space<vmem>> -> memref<1x64x144xf32, #tpu.memory_space<vmem>>
        %dma_start3A_119 = tpu.memref_squeeze %dma_start3A_118 : memref<1x64x144xf32, #tpu.memory_space<vmem>> -> memref<64x144xf32, #tpu.memory_space<vmem>>
        %dma_start3A_120 = arith.constant 0 : i32
        %dma_start3A_121 = tpu.memref_slice %arg11[%add3A_114, %dma_start3A_120] : memref<10240x144xf32, #tpu.memory_space<vmem_shared>> -> memref<64x144xf32, #tpu.memory_space<vmem_shared>>
        %dma_start3A_122 = arith.constant 0 : i32
        %dma_start3A_123 = tpu.memref_slice %arg11[%add3A_114, %dma_start3A_122] : memref<10240x144xf32, #tpu.memory_space<vmem_shared>> -> memref<64x144xf32, #tpu.memory_space<vmem_shared>>
        %dma_start3A_124 = arith.constant 0 : i32
        %dma_start3A_125 = arith.constant 0 : i32
        %dma_start3A_126 = tpu.memref_slice %arg10[%run_scoped3A, %dma_start3A_124, %dma_start3A_125] : memref<2x64x144xf32, #tpu.memory_space<vmem>> -> memref<1x64x144xf32, #tpu.memory_space<vmem>>
        %dma_start3A_127 = tpu.memref_squeeze %dma_start3A_126 : memref<1x64x144xf32, #tpu.memory_space<vmem>> -> memref<64x144xf32, #tpu.memory_space<vmem>>
        tpu.enqueue_dma source(%dma_start3A_127 : memref<64x144xf32, #tpu.memory_space<vmem>>) target(%dma_start3A_123 : memref<64x144xf32, #tpu.memory_space<vmem_shared>>) target_semaphore(%run_scoped3A_115 : memref<!tpu.dma_semaphore, #tpu.memory_space<semaphore_mem>>)
        %dma_wait3A_128 = arith.constant 0 : i32
        %dma_wait3A_129 = arith.constant 0 : i32
        %dma_wait3A_130 = tpu.memref_slice %arg10[%run_scoped3A, %dma_wait3A_128, %dma_wait3A_129] : memref<2x64x144xf32, #tpu.memory_space<vmem>> -> memref<1x64x144xf32, #tpu.memory_space<vmem>>
        %dma_wait3A_131 = tpu.memref_squeeze %dma_wait3A_130 : memref<1x64x144xf32, #tpu.memory_space<vmem>> -> memref<64x144xf32, #tpu.memory_space<vmem>>
        %dma_wait3A_132 = arith.constant 0 : i32
        %dma_wait3A_133 = tpu.memref_slice %arg11[%add3A_114, %dma_wait3A_132] : memref<10240x144xf32, #tpu.memory_space<vmem_shared>> -> memref<64x144xf32, #tpu.memory_space<vmem_shared>>
        %dma_wait3A_134 = arith.constant 0 : i32
        %dma_wait3A_135 = tpu.memref_slice %arg11[%add3A_114, %dma_wait3A_134] : memref<10240x144xf32, #tpu.memory_space<vmem_shared>> -> memref<64x144xf32, #tpu.memory_space<vmem_shared>>
        %dma_wait3A_136 = arith.constant 0 : i32
        %dma_wait3A_137 = arith.constant 0 : i32
        %dma_wait3A_138 = tpu.memref_slice %arg10[%run_scoped3A, %dma_wait3A_136, %dma_wait3A_137] : memref<2x64x144xf32, #tpu.memory_space<vmem>> -> memref<1x64x144xf32, #tpu.memory_space<vmem>>
        %dma_wait3A_139 = tpu.memref_squeeze %dma_wait3A_138 : memref<1x64x144xf32, #tpu.memory_space<vmem>> -> memref<64x144xf32, #tpu.memory_space<vmem>>
        tpu.wait_dma2 semaphore(%run_scoped3A_115 : memref<!tpu.dma_semaphore, #tpu.memory_space<semaphore_mem>>) src(%dma_wait3A_139 : memref<64x144xf32, #tpu.memory_space<vmem>>) dst(%dma_wait3A_135 : memref<64x144xf32, #tpu.memory_space<vmem_shared>>)
        tpu.yield
      }) : () -> ()
    }
    %scan3A_13 = arith.constant 10 : i32
    %barrier3A = arith.constant 0 : index
    tpu.barrier barrier_id(%barrier3A)
    %mul3A_14 = arith.constant 5120 : i32
    %mul3A_15 = arith.muli %add3A, %mul3A_14 : i32
    %add3A_16 = arith.constant 0 : i32
    %add3A_17 = arith.addi %mul3A_15, %add3A_16 : i32
    %dma_start3A = arith.constant 0 : i32
    %dma_start3A_18 = arith.constant 0 : i32
    %dma_start3A_19 = arith.constant 0 : i32
    %dma_start3A_20 = tpu.memref_slice %arg7[%dma_start3A, %dma_start3A_18, %dma_start3A_19] : memref<2x64x16xf32, #tpu.memory_space<vmem>> -> memref<1x64x16xf32, #tpu.memory_space<vmem>>
    %dma_start3A_21 = tpu.memref_squeeze %dma_start3A_20 : memref<1x64x16xf32, #tpu.memory_space<vmem>> -> memref<64x16xf32, #tpu.memory_space<vmem>>
    %dma_start3A_22 = arith.constant 0 : i32
    %dma_start3A_23 = tpu.memref_slice %arg2[%add3A_17, %dma_start3A_22] : memref<163840x16xf32, #tpu.memory_space<hbm>> -> memref<64x16xf32, #tpu.memory_space<hbm>>
    %dma_start3A_24 = arith.constant 0 : i32
    %dma_start3A_25 = arith.constant 0 : i32
    %dma_start3A_26 = tpu.memref_slice %arg7[%dma_start3A, %dma_start3A_24, %dma_start3A_25] : memref<2x64x16xf32, #tpu.memory_space<vmem>> -> memref<1x64x16xf32, #tpu.memory_space<vmem>>
    %dma_start3A_27 = tpu.memref_squeeze %dma_start3A_26 : memref<1x64x16xf32, #tpu.memory_space<vmem>> -> memref<64x16xf32, #tpu.memory_space<vmem>>
    %dma_start3A_28 = arith.constant 0 : i32
    %dma_start3A_29 = tpu.memref_slice %arg2[%add3A_17, %dma_start3A_28] : memref<163840x16xf32, #tpu.memory_space<hbm>> -> memref<64x16xf32, #tpu.memory_space<hbm>>
    tpu.enqueue_dma source(%dma_start3A_29 : memref<64x16xf32, #tpu.memory_space<hbm>>) target(%dma_start3A_27 : memref<64x16xf32, #tpu.memory_space<vmem>>) target_semaphore(%arg12 : memref<!tpu.dma_semaphore, #tpu.memory_space<semaphore_mem>>)
    %dma_start3A_30 = arith.constant 0 : i32
    %dma_start3A_31 = arith.constant 0 : i32
    %dma_start3A_32 = arith.constant 0 : i32
    %dma_start3A_33 = tpu.memref_slice %arg8[%dma_start3A_30, %dma_start3A_31, %dma_start3A_32] : memref<2x64x16xf32, #tpu.memory_space<vmem>> -> memref<1x64x16xf32, #tpu.memory_space<vmem>>
    %dma_start3A_34 = tpu.memref_squeeze %dma_start3A_33 : memref<1x64x16xf32, #tpu.memory_space<vmem>> -> memref<64x16xf32, #tpu.memory_space<vmem>>
    %dma_start3A_35 = arith.constant 0 : i32
    %dma_start3A_36 = tpu.memref_slice %arg3[%add3A_17, %dma_start3A_35] : memref<163840x16xf32, #tpu.memory_space<hbm>> -> memref<64x16xf32, #tpu.memory_space<hbm>>
    %dma_start3A_37 = arith.constant 0 : i32
    %dma_start3A_38 = arith.constant 0 : i32
    %dma_start3A_39 = tpu.memref_slice %arg8[%dma_start3A_30, %dma_start3A_37, %dma_start3A_38] : memref<2x64x16xf32, #tpu.memory_space<vmem>> -> memref<1x64x16xf32, #tpu.memory_space<vmem>>
    %dma_start3A_40 = tpu.memref_squeeze %dma_start3A_39 : memref<1x64x16xf32, #tpu.memory_space<vmem>> -> memref<64x16xf32, #tpu.memory_space<vmem>>
    %dma_start3A_41 = arith.constant 0 : i32
    %dma_start3A_42 = tpu.memref_slice %arg3[%add3A_17, %dma_start3A_41] : memref<163840x16xf32, #tpu.memory_space<hbm>> -> memref<64x16xf32, #tpu.memory_space<hbm>>
    tpu.enqueue_dma source(%dma_start3A_42 : memref<64x16xf32, #tpu.memory_space<hbm>>) target(%dma_start3A_40 : memref<64x16xf32, #tpu.memory_space<vmem>>) target_semaphore(%arg14 : memref<!tpu.dma_semaphore, #tpu.memory_space<semaphore_mem>>)
    %mul3A_43 = arith.constant 5120 : i32
    %mul3A_44 = arith.muli %add3A, %mul3A_43 : i32
    %add3A_45 = arith.constant 64 : i32
    %add3A_46 = arith.addi %mul3A_44, %add3A_45 : i32
    %dma_start3A_47 = arith.constant 1 : i32
    %dma_start3A_48 = arith.constant 0 : i32
    %dma_start3A_49 = arith.constant 0 : i32
    %dma_start3A_50 = tpu.memref_slice %arg7[%dma_start3A_47, %dma_start3A_48, %dma_start3A_49] : memref<2x64x16xf32, #tpu.memory_space<vmem>> -> memref<1x64x16xf32, #tpu.memory_space<vmem>>
    %dma_start3A_51 = tpu.memref_squeeze %dma_start3A_50 : memref<1x64x16xf32, #tpu.memory_space<vmem>> -> memref<64x16xf32, #tpu.memory_space<vmem>>
    %dma_start3A_52 = arith.constant 0 : i32
    %dma_start3A_53 = tpu.memref_slice %arg2[%add3A_46, %dma_start3A_52] : memref<163840x16xf32, #tpu.memory_space<hbm>> -> memref<64x16xf32, #tpu.memory_space<hbm>>
    %dma_start3A_54 = arith.constant 0 : i32
    %dma_start3A_55 = arith.constant 0 : i32
    %dma_start3A_56 = tpu.memref_slice %arg7[%dma_start3A_47, %dma_start3A_54, %dma_start3A_55] : memref<2x64x16xf32, #tpu.memory_space<vmem>> -> memref<1x64x16xf32, #tpu.memory_space<vmem>>
    %dma_start3A_57 = tpu.memref_squeeze %dma_start3A_56 : memref<1x64x16xf32, #tpu.memory_space<vmem>> -> memref<64x16xf32, #tpu.memory_space<vmem>>
    %dma_start3A_58 = arith.constant 0 : i32
    %dma_start3A_59 = tpu.memref_slice %arg2[%add3A_46, %dma_start3A_58] : memref<163840x16xf32, #tpu.memory_space<hbm>> -> memref<64x16xf32, #tpu.memory_space<hbm>>
    tpu.enqueue_dma source(%dma_start3A_59 : memref<64x16xf32, #tpu.memory_space<hbm>>) target(%dma_start3A_57 : memref<64x16xf32, #tpu.memory_space<vmem>>) target_semaphore(%arg13 : memref<!tpu.dma_semaphore, #tpu.memory_space<semaphore_mem>>)
    %dma_start3A_60 = arith.constant 1 : i32
    %dma_start3A_61 = arith.constant 0 : i32
    %dma_start3A_62 = arith.constant 0 : i32
    %dma_start3A_63 = tpu.memref_slice %arg8[%dma_start3A_60, %dma_start3A_61, %dma_start3A_62] : memref<2x64x16xf32, #tpu.memory_space<vmem>> -> memref<1x64x16xf32, #tpu.memory_space<vmem>>
    %dma_start3A_64 = tpu.memref_squeeze %dma_start3A_63 : memref<1x64x16xf32, #tpu.memory_space<vmem>> -> memref<64x16xf32, #tpu.memory_space<vmem>>
    %dma_start3A_65 = arith.constant 0 : i32
    %dma_start3A_66 = tpu.memref_slice %arg3[%add3A_46, %dma_start3A_65] : memref<163840x16xf32, #tpu.memory_space<hbm>> -> memref<64x16xf32, #tpu.memory_space<hbm>>
    %dma_start3A_67 = arith.constant 0 : i32
    %dma_start3A_68 = arith.constant 0 : i32
    %dma_start3A_69 = tpu.memref_slice %arg8[%dma_start3A_60, %dma_start3A_67, %dma_start3A_68] : memref<2x64x16xf32, #tpu.memory_space<vmem>> -> memref<1x64x16xf32, #tpu.memory_space<vmem>>
    %dma_start3A_70 = tpu.memref_squeeze %dma_start3A_69 : memref<1x64x16xf32, #tpu.memory_space<vmem>> -> memref<64x16xf32, #tpu.memory_space<vmem>>
    %dma_start3A_71 = arith.constant 0 : i32
    %dma_start3A_72 = tpu.memref_slice %arg3[%add3A_46, %dma_start3A_71] : memref<163840x16xf32, #tpu.memory_space<hbm>> -> memref<64x16xf32, #tpu.memory_space<hbm>>
    tpu.enqueue_dma source(%dma_start3A_72 : memref<64x16xf32, #tpu.memory_space<hbm>>) target(%dma_start3A_70 : memref<64x16xf32, #tpu.memory_space<vmem>>) target_semaphore(%arg15 : memref<!tpu.dma_semaphore, #tpu.memory_space<semaphore_mem>>)
    %scan3A_73 = arith.constant 0 : i32
    %scan3A_74 = arith.constant 0 : i32
    %scan3A_75 = arith.constant 40 : i32
    %scan3A_76 = arith.addi %scan3A_74, %scan3A_75 : i32
    %scan3A_77 = arith.constant 1 : i32
    scf.for %scan3A_109 = %scan3A_74 to %scan3A_76 step %scan3A_77  : i32 {
      %mul3A_110 = arith.constant 2 : i32
      %mul3A_111 = arith.muli %mul3A_110, %scan3A_109 : i32
      %mul3A_112 = arith.constant 5120 : i32
      %mul3A_113 = arith.muli %add3A, %mul3A_112 : i32
      %mul3A_114 = arith.constant 64 : i32
      %mul3A_115 = arith.muli %mul3A_111, %mul3A_114 : i32
      %add3A_116 = arith.addi %mul3A_113, %mul3A_115 : i32
      %dma_wait3A_117 = arith.constant 0 : i32
      %dma_wait3A_118 = arith.constant 0 : i32
      %dma_wait3A_119 = arith.constant 0 : i32
      %dma_wait3A_120 = tpu.memref_slice %arg7[%dma_wait3A_117, %dma_wait3A_118, %dma_wait3A_119] : memref<2x64x16xf32, #tpu.memory_space<vmem>> -> memref<1x64x16xf32, #tpu.memory_space<vmem>>
      %dma_wait3A_121 = tpu.memref_squeeze %dma_wait3A_120 : memref<1x64x16xf32, #tpu.memory_space<vmem>> -> memref<64x16xf32, #tpu.memory_space<vmem>>
      %dma_wait3A_122 = arith.constant 0 : i32
      %dma_wait3A_123 = tpu.memref_slice %arg2[%add3A_116, %dma_wait3A_122] : memref<163840x16xf32, #tpu.memory_space<hbm>> -> memref<64x16xf32, #tpu.memory_space<hbm>>
      %dma_wait3A_124 = arith.constant 0 : i32
      %dma_wait3A_125 = arith.constant 0 : i32
      %dma_wait3A_126 = tpu.memref_slice %arg7[%dma_wait3A_117, %dma_wait3A_124, %dma_wait3A_125] : memref<2x64x16xf32, #tpu.memory_space<vmem>> -> memref<1x64x16xf32, #tpu.memory_space<vmem>>
      %dma_wait3A_127 = tpu.memref_squeeze %dma_wait3A_126 : memref<1x64x16xf32, #tpu.memory_space<vmem>> -> memref<64x16xf32, #tpu.memory_space<vmem>>
      %dma_wait3A_128 = arith.constant 0 : i32
      %dma_wait3A_129 = tpu.memref_slice %arg2[%add3A_116, %dma_wait3A_128] : memref<163840x16xf32, #tpu.memory_space<hbm>> -> memref<64x16xf32, #tpu.memory_space<hbm>>
      tpu.wait_dma2 semaphore(%arg12 : memref<!tpu.dma_semaphore, #tpu.memory_space<semaphore_mem>>) src(%dma_wait3A_129 : memref<64x16xf32, #tpu.memory_space<hbm>>) dst(%dma_wait3A_127 : memref<64x16xf32, #tpu.memory_space<vmem>>)
      %dma_wait3A_130 = arith.constant 0 : i32
      %dma_wait3A_131 = arith.constant 0 : i32
      %dma_wait3A_132 = arith.constant 0 : i32
      %dma_wait3A_133 = tpu.memref_slice %arg8[%dma_wait3A_130, %dma_wait3A_131, %dma_wait3A_132] : memref<2x64x16xf32, #tpu.memory_space<vmem>> -> memref<1x64x16xf32, #tpu.memory_space<vmem>>
      %dma_wait3A_134 = tpu.memref_squeeze %dma_wait3A_133 : memref<1x64x16xf32, #tpu.memory_space<vmem>> -> memref<64x16xf32, #tpu.memory_space<vmem>>
      %dma_wait3A_135 = arith.constant 0 : i32
      %dma_wait3A_136 = tpu.memref_slice %arg3[%add3A_116, %dma_wait3A_135] : memref<163840x16xf32, #tpu.memory_space<hbm>> -> memref<64x16xf32, #tpu.memory_space<hbm>>
      %dma_wait3A_137 = arith.constant 0 : i32
      %dma_wait3A_138 = arith.constant 0 : i32
      %dma_wait3A_139 = tpu.memref_slice %arg8[%dma_wait3A_130, %dma_wait3A_137, %dma_wait3A_138] : memref<2x64x16xf32, #tpu.memory_space<vmem>> -> memref<1x64x16xf32, #tpu.memory_space<vmem>>
      %dma_wait3A_140 = tpu.memref_squeeze %dma_wait3A_139 : memref<1x64x16xf32, #tpu.memory_space<vmem>> -> memref<64x16xf32, #tpu.memory_space<vmem>>
      %dma_wait3A_141 = arith.constant 0 : i32
      %dma_wait3A_142 = tpu.memref_slice %arg3[%add3A_116, %dma_wait3A_141] : memref<163840x16xf32, #tpu.memory_space<hbm>> -> memref<64x16xf32, #tpu.memory_space<hbm>>
      tpu.wait_dma2 semaphore(%arg14 : memref<!tpu.dma_semaphore, #tpu.memory_space<semaphore_mem>>) src(%dma_wait3A_142 : memref<64x16xf32, #tpu.memory_space<hbm>>) dst(%dma_wait3A_140 : memref<64x16xf32, #tpu.memory_space<vmem>>)
      %scan3A_143 = arith.constant 0 : i32
      %scan3A_144 = arith.constant 0 : i32
      %scan3A_145 = arith.constant 64 : i32
      %scan3A_146 = arith.addi %scan3A_144, %scan3A_145 : i32
      %scan3A_147 = arith.constant 1 : i32
      scf.for %scan3A_230 = %scan3A_144 to %scan3A_146 step %scan3A_147  : i32 {
        %get3A = arith.constant 0 : i32
        %get3A_231 = arith.index_cast %get3A : i32 to index
        %get3A_232 = arith.index_cast %scan3A_230 : i32 to index
        %get3A_233 = arith.constant 0 : index
        %get3A_234 = tpu.vector_load %arg7[%get3A_231, %get3A_232, %get3A_233] {strides = array<i32>} : memref<2x64x16xf32, #tpu.memory_space<vmem>>, vector<16xf32>,
        %exp3A = math.exp %get3A_234 : vector<16xf32>
        %swap3A = arith.constant 0 : i32
        %swap3A_235 = arith.index_cast %swap3A : i32 to index
        %swap3A_236 = arith.index_cast %scan3A_230 : i32 to index
        %swap3A_237 = arith.constant 128 : index
        %swap3A_238 = tpu.vector_load %arg10[%swap3A_235, %swap3A_236, %swap3A_237] {strides = array<i32>} : memref<2x64x144xf32, #tpu.memory_space<vmem>>, vector<16xf32>,
        tpu.vector_store %arg10[%swap3A_235, %swap3A_236, %swap3A_237], %exp3A {strides = array<i32>} : memref<2x64x144xf32, #tpu.memory_space<vmem>>, vector<16xf32>,
        %get3A_239 = arith.constant 0 : i32
        %get3A_240 = arith.index_cast %get3A_239 : i32 to index
        %get3A_241 = arith.index_cast %scan3A_230 : i32 to index
        %get3A_242 = arith.constant 0 : index
        %get3A_243 = tpu.vector_load %arg8[%get3A_240, %get3A_241, %get3A_242] {strides = array<i32>} : memref<2x64x16xf32, #tpu.memory_space<vmem>>, vector<16xf32>,
        %slice3A = vector.extract_strided_slice %exp3A {offsets = [0], sizes = [1], strides = [1]} : vector<16xf32> to vector<1xf32>
        %squeeze3A = vector.extract %slice3A[0] : f32 from vector<1xf32>
        %broadcast_in_dim3A = vector.broadcast %squeeze3A : f32 to vector<16xf32>
        %mul3A_244 = arith.mulf %broadcast_in_dim3A, %get3A_243 : vector<16xf32>
        %swap3A_245 = arith.constant 0 : i32
        %swap3A_246 = arith.index_cast %swap3A_245 : i32 to index
        %swap3A_247 = arith.index_cast %scan3A_230 : i32 to index
        %swap3A_248 = arith.constant 0 : index
        %swap3A_249 = tpu.vector_load %arg10[%swap3A_246, %swap3A_247, %swap3A_248] {strides = array<i32>} : memref<2x64x144xf32, #tpu.memory_space<vmem>>, vector<16xf32>,
        tpu.vector_store %arg10[%swap3A_246, %swap3A_247, %swap3A_248], %mul3A_244 {strides = array<i32>} : memref<2x64x144xf32, #tpu.memory_space<vmem>>, vector<16xf32>,
        %slice3A_250 = vector.extract_strided_slice %exp3A {offsets = [1], sizes = [1], strides = [1]} : vector<16xf32> to vector<1xf32>
        %squeeze3A_251 = vector.extract %slice3A_250[0] : f32 from vector<1xf32>
        %broadcast_in_dim3A_252 = vector.broadcast %squeeze3A_251 : f32 to vector<16xf32>
        %mul3A_253 = arith.mulf %broadcast_in_dim3A_252, %get3A_243 : vector<16xf32>
        %swap3A_254 = arith.constant 0 : i32
        %swap3A_255 = arith.index_cast %swap3A_254 : i32 to index
        %swap3A_256 = arith.index_cast %scan3A_230 : i32 to index
        %swap3A_257 = arith.constant 16 : index
        %swap3A_258 = tpu.vector_load %arg10[%swap3A_255, %swap3A_256, %swap3A_257] {strides = array<i32>} : memref<2x64x144xf32, #tpu.memory_space<vmem>>, vector<16xf32>,
        tpu.vector_store %arg10[%swap3A_255, %swap3A_256, %swap3A_257], %mul3A_253 {strides = array<i32>} : memref<2x64x144xf32, #tpu.memory_space<vmem>>, vector<16xf32>,
        %slice3A_259 = vector.extract_strided_slice %exp3A {offsets = [2], sizes = [1], strides = [1]} : vector<16xf32> to vector<1xf32>
        %squeeze3A_260 = vector.extract %slice3A_259[0] : f32 from vector<1xf32>
        %broadcast_in_dim3A_261 = vector.broadcast %squeeze3A_260 : f32 to vector<16xf32>
        %mul3A_262 = arith.mulf %broadcast_in_dim3A_261, %get3A_243 : vector<16xf32>
        %swap3A_263 = arith.constant 0 : i32
        %swap3A_264 = arith.index_cast %swap3A_263 : i32 to index
        %swap3A_265 = arith.index_cast %scan3A_230 : i32 to index
        %swap3A_266 = arith.constant 32 : index
        %swap3A_267 = tpu.vector_load %arg10[%swap3A_264, %swap3A_265, %swap3A_266] {strides = array<i32>} : memref<2x64x144xf32, #tpu.memory_space<vmem>>, vector<16xf32>,
        tpu.vector_store %arg10[%swap3A_264, %swap3A_265, %swap3A_266], %mul3A_262 {strides = array<i32>} : memref<2x64x144xf32, #tpu.memory_space<vmem>>, vector<16xf32>,
        %slice3A_268 = vector.extract_strided_slice %exp3A {offsets = [3], sizes = [1], strides = [1]} : vector<16xf32> to vector<1xf32>
        %squeeze3A_269 = vector.extract %slice3A_268[0] : f32 from vector<1xf32>
        %broadcast_in_dim3A_270 = vector.broadcast %squeeze3A_269 : f32 to vector<16xf32>
        %mul3A_271 = arith.mulf %broadcast_in_dim3A_270, %get3A_243 : vector<16xf32>
        %swap3A_272 = arith.constant 0 : i32
        %swap3A_273 = arith.index_cast %swap3A_272 : i32 to index
        %swap3A_274 = arith.index_cast %scan3A_230 : i32 to index
        %swap3A_275 = arith.constant 48 : index
        %swap3A_276 = tpu.vector_load %arg10[%swap3A_273, %swap3A_274, %swap3A_275] {strides = array<i32>} : memref<2x64x144xf32, #tpu.memory_space<vmem>>, vector<16xf32>,
        tpu.vector_store %arg10[%swap3A_273, %swap3A_274, %swap3A_275], %mul3A_271 {strides = array<i32>} : memref<2x64x144xf32, #tpu.memory_space<vmem>>, vector<16xf32>,
        %slice3A_277 = vector.extract_strided_slice %exp3A {offsets = [4], sizes = [1], strides = [1]} : vector<16xf32> to vector<1xf32>
        %squeeze3A_278 = vector.extract %slice3A_277[0] : f32 from vector<1xf32>
        %broadcast_in_dim3A_279 = vector.broadcast %squeeze3A_278 : f32 to vector<16xf32>
        %mul3A_280 = arith.mulf %broadcast_in_dim3A_279, %get3A_243 : vector<16xf32>
        %swap3A_281 = arith.constant 0 : i32
        %swap3A_282 = arith.index_cast %swap3A_281 : i32 to index
        %swap3A_283 = arith.index_cast %scan3A_230 : i32 to index
        %swap3A_284 = arith.constant 64 : index
        %swap3A_285 = tpu.vector_load %arg10[%swap3A_282, %swap3A_283, %swap3A_284] {strides = array<i32>} : memref<2x64x144xf32, #tpu.memory_space<vmem>>, vector<16xf32>,
        tpu.vector_store %arg10[%swap3A_282, %swap3A_283, %swap3A_284], %mul3A_280 {strides = array<i32>} : memref<2x64x144xf32, #tpu.memory_space<vmem>>, vector<16xf32>,
        %slice3A_286 = vector.extract_strided_slice %exp3A {offsets = [5], sizes = [1], strides = [1]} : vector<16xf32> to vector<1xf32>
        %squeeze3A_287 = vector.extract %slice3A_286[0] : f32 from vector<1xf32>
        %broadcast_in_dim3A_288 = vector.broadcast %squeeze3A_287 : f32 to vector<16xf32>
        %mul3A_289 = arith.mulf %broadcast_in_dim3A_288, %get3A_243 : vector<16xf32>
        %swap3A_290 = arith.constant 0 : i32
        %swap3A_291 = arith.index_cast %swap3A_290 : i32 to index
        %swap3A_292 = arith.index_cast %scan3A_230 : i32 to index
        %swap3A_293 = arith.constant 80 : index
        %swap3A_294 = tpu.vector_load %arg10[%swap3A_291, %swap3A_292, %swap3A_293] {strides = array<i32>} : memref<2x64x144xf32, #tpu.memory_space<vmem>>, vector<16xf32>,
        tpu.vector_store %arg10[%swap3A_291, %swap3A_292, %swap3A_293], %mul3A_289 {strides = array<i32>} : memref<2x64x144xf32, #tpu.memory_space<vmem>>, vector<16xf32>,
        %slice3A_295 = vector.extract_strided_slice %exp3A {offsets = [6], sizes = [1], strides = [1]} : vector<16xf32> to vector<1xf32>
        %squeeze3A_296 = vector.extract %slice3A_295[0] : f32 from vector<1xf32>
        %broadcast_in_dim3A_297 = vector.broadcast %squeeze3A_296 : f32 to vector<16xf32>
        %mul3A_298 = arith.mulf %broadcast_in_dim3A_297, %get3A_243 : vector<16xf32>
        %swap3A_299 = arith.constant 0 : i32
        %swap3A_300 = arith.index_cast %swap3A_299 : i32 to index
        %swap3A_301 = arith.index_cast %scan3A_230 : i32 to index
        %swap3A_302 = arith.constant 96 : index
        %swap3A_303 = tpu.vector_load %arg10[%swap3A_300, %swap3A_301, %swap3A_302] {strides = array<i32>} : memref<2x64x144xf32, #tpu.memory_space<vmem>>, vector<16xf32>,
        tpu.vector_store %arg10[%swap3A_300, %swap3A_301, %swap3A_302], %mul3A_298 {strides = array<i32>} : memref<2x64x144xf32, #tpu.memory_space<vmem>>, vector<16xf32>,
        %slice3A_304 = vector.extract_strided_slice %exp3A {offsets = [7], sizes = [1], strides = [1]} : vector<16xf32> to vector<1xf32>
        %squeeze3A_305 = vector.extract %slice3A_304[0] : f32 from vector<1xf32>
        %broadcast_in_dim3A_306 = vector.broadcast %squeeze3A_305 : f32 to vector<16xf32>
        %mul3A_307 = arith.mulf %broadcast_in_dim3A_306, %get3A_243 : vector<16xf32>
        %swap3A_308 = arith.constant 0 : i32
        %swap3A_309 = arith.index_cast %swap3A_308 : i32 to index
        %swap3A_310 = arith.index_cast %scan3A_230 : i32 to index
        %swap3A_311 = arith.constant 112 : index
        %swap3A_312 = tpu.vector_load %arg10[%swap3A_309, %swap3A_310, %swap3A_311] {strides = array<i32>} : memref<2x64x144xf32, #tpu.memory_space<vmem>>, vector<16xf32>,
        tpu.vector_store %arg10[%swap3A_309, %swap3A_310, %swap3A_311], %mul3A_307 {strides = array<i32>} : memref<2x64x144xf32, #tpu.memory_space<vmem>>, vector<16xf32>,
      }
      %scan3A_148 = arith.constant 64 : i32
      %dma_start3A_149 = arith.constant 0 : i32
      %dma_start3A_150 = arith.constant 0 : i32
      %dma_start3A_151 = arith.constant 0 : i32
      %dma_start3A_152 = tpu.memref_slice %arg10[%dma_start3A_149, %dma_start3A_150, %dma_start3A_151] : memref<2x64x144xf32, #tpu.memory_space<vmem>> -> memref<1x64x144xf32, #tpu.memory_space<vmem>>
      %dma_start3A_153 = tpu.memref_squeeze %dma_start3A_152 : memref<1x64x144xf32, #tpu.memory_space<vmem>> -> memref<64x144xf32, #tpu.memory_space<vmem>>
      %dma_start3A_154 = arith.constant 0 : i32
      %dma_start3A_155 = tpu.memref_slice %arg9[%mul3A_111, %dma_start3A_154] : memref<80x64xi32, #tpu.memory_space<vmem>> -> memref<1x64xi32, #tpu.memory_space<vmem>>
      %dma_start3A_156 = tpu.memref_squeeze %dma_start3A_155 : memref<1x64xi32, #tpu.memory_space<vmem>> -> memref<64xi32, #tpu.memory_space<vmem>>
      %dma_start3A_157 = arith.constant 0 : i32
      %dma_start3A_158 = arith.constant 0 : i32
      %dma_start3A_159 = tpu.memref_slice %arg11[%dma_start3A_157, %dma_start3A_158] : memref<10240x144xf32, #tpu.memory_space<vmem_shared>> -> memref<10240x144xf32, #tpu.memory_space<vmem_shared>>
      tpu.enqueue_indirect_dma source(%dma_start3A_153 : memref<64x144xf32, #tpu.memory_space<vmem>>) target(%dma_start3A_159 : memref<10240x144xf32, #tpu.memory_space<vmem_shared>>) offsets(%dma_start3A_156 : memref<64xi32, #tpu.memory_space<vmem>>) semaphore(%arg16 : memref<!tpu.dma_semaphore, #tpu.memory_space<semaphore_mem>>) {add = true}
      %add3A_160 = arith.constant 1 : i32
      %add3A_161 = arith.addi %scan3A_109, %add3A_160 : i32
      %lt3A = arith.constant 40 : i32
      %lt3A_162 = arith.cmpi slt, %add3A_161, %lt3A : i32
      %convert_element_type3A = arith.extui %lt3A_162 : i1 to i32
      %cond3A = arith.constant 0 : i32
      %cond3A_163 = arith.cmpi ne, %convert_element_type3A, %cond3A : i32
      scf.if %cond3A_163 {
        %mul3A_230 = arith.constant 2 : i32
        %mul3A_231 = arith.muli %mul3A_230, %scan3A_109 : i32
        %add3A_232 = arith.constant 2 : i32
        %add3A_233 = arith.addi %mul3A_231, %add3A_232 : i32
        %mul3A_234 = arith.constant 5120 : i32
        %mul3A_235 = arith.muli %add3A, %mul3A_234 : i32
        %mul3A_236 = arith.constant 64 : i32
        %mul3A_237 = arith.muli %add3A_233, %mul3A_236 : i32
        %add3A_238 = arith.addi %mul3A_235, %mul3A_237 : i32
        %dma_start3A_239 = arith.constant 0 : i32
        %dma_start3A_240 = arith.constant 0 : i32
        %dma_start3A_241 = arith.constant 0 : i32
        %dma_start3A_242 = tpu.memref_slice %arg7[%dma_start3A_239, %dma_start3A_240, %dma_start3A_241] : memref<2x64x16xf32, #tpu.memory_space<vmem>> -> memref<1x64x16xf32, #tpu.memory_space<vmem>>
        %dma_start3A_243 = tpu.memref_squeeze %dma_start3A_242 : memref<1x64x16xf32, #tpu.memory_space<vmem>> -> memref<64x16xf32, #tpu.memory_space<vmem>>
        %dma_start3A_244 = arith.constant 0 : i32
        %dma_start3A_245 = tpu.memref_slice %arg2[%add3A_238, %dma_start3A_244] : memref<163840x16xf32, #tpu.memory_space<hbm>> -> memref<64x16xf32, #tpu.memory_space<hbm>>
        %dma_start3A_246 = arith.constant 0 : i32
        %dma_start3A_247 = arith.constant 0 : i32
        %dma_start3A_248 = tpu.memref_slice %arg7[%dma_start3A_239, %dma_start3A_246, %dma_start3A_247] : memref<2x64x16xf32, #tpu.memory_space<vmem>> -> memref<1x64x16xf32, #tpu.memory_space<vmem>>
        %dma_start3A_249 = tpu.memref_squeeze %dma_start3A_248 : memref<1x64x16xf32, #tpu.memory_space<vmem>> -> memref<64x16xf32, #tpu.memory_space<vmem>>
        %dma_start3A_250 = arith.constant 0 : i32
        %dma_start3A_251 = tpu.memref_slice %arg2[%add3A_238, %dma_start3A_250] : memref<163840x16xf32, #tpu.memory_space<hbm>> -> memref<64x16xf32, #tpu.memory_space<hbm>>
        tpu.enqueue_dma source(%dma_start3A_251 : memref<64x16xf32, #tpu.memory_space<hbm>>) target(%dma_start3A_249 : memref<64x16xf32, #tpu.memory_space<vmem>>) target_semaphore(%arg12 : memref<!tpu.dma_semaphore, #tpu.memory_space<semaphore_mem>>)
        %dma_start3A_252 = arith.constant 0 : i32
        %dma_start3A_253 = arith.constant 0 : i32
        %dma_start3A_254 = arith.constant 0 : i32
        %dma_start3A_255 = tpu.memref_slice %arg8[%dma_start3A_252, %dma_start3A_253, %dma_start3A_254] : memref<2x64x16xf32, #tpu.memory_space<vmem>> -> memref<1x64x16xf32, #tpu.memory_space<vmem>>
        %dma_start3A_256 = tpu.memref_squeeze %dma_start3A_255 : memref<1x64x16xf32, #tpu.memory_space<vmem>> -> memref<64x16xf32, #tpu.memory_space<vmem>>
        %dma_start3A_257 = arith.constant 0 : i32
        %dma_start3A_258 = tpu.memref_slice %arg3[%add3A_238, %dma_start3A_257] : memref<163840x16xf32, #tpu.memory_space<hbm>> -> memref<64x16xf32, #tpu.memory_space<hbm>>
        %dma_start3A_259 = arith.constant 0 : i32
        %dma_start3A_260 = arith.constant 0 : i32
        %dma_start3A_261 = tpu.memref_slice %arg8[%dma_start3A_252, %dma_start3A_259, %dma_start3A_260] : memref<2x64x16xf32, #tpu.memory_space<vmem>> -> memref<1x64x16xf32, #tpu.memory_space<vmem>>
        %dma_start3A_262 = tpu.memref_squeeze %dma_start3A_261 : memref<1x64x16xf32, #tpu.memory_space<vmem>> -> memref<64x16xf32, #tpu.memory_space<vmem>>
        %dma_start3A_263 = arith.constant 0 : i32
        %dma_start3A_264 = tpu.memref_slice %arg3[%add3A_238, %dma_start3A_263] : memref<163840x16xf32, #tpu.memory_space<hbm>> -> memref<64x16xf32, #tpu.memory_space<hbm>>
        tpu.enqueue_dma source(%dma_start3A_264 : memref<64x16xf32, #tpu.memory_space<hbm>>) target(%dma_start3A_262 : memref<64x16xf32, #tpu.memory_space<vmem>>) target_semaphore(%arg14 : memref<!tpu.dma_semaphore, #tpu.memory_space<semaphore_mem>>)
      } else {
      }
      %mul3A_164 = arith.constant 2 : i32
      %mul3A_165 = arith.muli %mul3A_164, %scan3A_109 : i32
      %add3A_166 = arith.constant 1 : i32
      %add3A_167 = arith.addi %mul3A_165, %add3A_166 : i32
      %mul3A_168 = arith.constant 5120 : i32
      %mul3A_169 = arith.muli %add3A, %mul3A_168 : i32
      %mul3A_170 = arith.constant 64 : i32
      %mul3A_171 = arith.muli %add3A_167, %mul3A_170 : i32
      %add3A_172 = arith.addi %mul3A_169, %mul3A_171 : i32
      %dma_wait3A_173 = arith.constant 1 : i32
      %dma_wait3A_174 = arith.constant 0 : i32
      %dma_wait3A_175 = arith.constant 0 : i32
      %dma_wait3A_176 = tpu.memref_slice %arg7[%dma_wait3A_173, %dma_wait3A_174, %dma_wait3A_175] : memref<2x64x16xf32, #tpu.memory_space<vmem>> -> memref<1x64x16xf32, #tpu.memory_space<vmem>>
      %dma_wait3A_177 = tpu.memref_squeeze %dma_wait3A_176 : memref<1x64x16xf32, #tpu.memory_space<vmem>> -> memref<64x16xf32, #tpu.memory_space<vmem>>
      %dma_wait3A_178 = arith.constant 0 : i32
      %dma_wait3A_179 = tpu.memref_slice %arg2[%add3A_172, %dma_wait3A_178] : memref<163840x16xf32, #tpu.memory_space<hbm>> -> memref<64x16xf32, #tpu.memory_space<hbm>>
      %dma_wait3A_180 = arith.constant 0 : i32
      %dma_wait3A_181 = arith.constant 0 : i32
      %dma_wait3A_182 = tpu.memref_slice %arg7[%dma_wait3A_173, %dma_wait3A_180, %dma_wait3A_181] : memref<2x64x16xf32, #tpu.memory_space<vmem>> -> memref<1x64x16xf32, #tpu.memory_space<vmem>>
      %dma_wait3A_183 = tpu.memref_squeeze %dma_wait3A_182 : memref<1x64x16xf32, #tpu.memory_space<vmem>> -> memref<64x16xf32, #tpu.memory_space<vmem>>
      %dma_wait3A_184 = arith.constant 0 : i32
      %dma_wait3A_185 = tpu.memref_slice %arg2[%add3A_172, %dma_wait3A_184] : memref<163840x16xf32, #tpu.memory_space<hbm>> -> memref<64x16xf32, #tpu.memory_space<hbm>>
      tpu.wait_dma2 semaphore(%arg13 : memref<!tpu.dma_semaphore, #tpu.memory_space<semaphore_mem>>) src(%dma_wait3A_185 : memref<64x16xf32, #tpu.memory_space<hbm>>) dst(%dma_wait3A_183 : memref<64x16xf32, #tpu.memory_space<vmem>>)
      %dma_wait3A_186 = arith.constant 1 : i32
      %dma_wait3A_187 = arith.constant 0 : i32
      %dma_wait3A_188 = arith.constant 0 : i32
      %dma_wait3A_189 = tpu.memref_slice %arg8[%dma_wait3A_186, %dma_wait3A_187, %dma_wait3A_188] : memref<2x64x16xf32, #tpu.memory_space<vmem>> -> memref<1x64x16xf32, #tpu.memory_space<vmem>>
      %dma_wait3A_190 = tpu.memref_squeeze %dma_wait3A_189 : memref<1x64x16xf32, #tpu.memory_space<vmem>> -> memref<64x16xf32, #tpu.memory_space<vmem>>
      %dma_wait3A_191 = arith.constant 0 : i32
      %dma_wait3A_192 = tpu.memref_slice %arg3[%add3A_172, %dma_wait3A_191] : memref<163840x16xf32, #tpu.memory_space<hbm>> -> memref<64x16xf32, #tpu.memory_space<hbm>>
      %dma_wait3A_193 = arith.constant 0 : i32
      %dma_wait3A_194 = arith.constant 0 : i32
      %dma_wait3A_195 = tpu.memref_slice %arg8[%dma_wait3A_186, %dma_wait3A_193, %dma_wait3A_194] : memref<2x64x16xf32, #tpu.memory_space<vmem>> -> memref<1x64x16xf32, #tpu.memory_space<vmem>>
      %dma_wait3A_196 = tpu.memref_squeeze %dma_wait3A_195 : memref<1x64x16xf32, #tpu.memory_space<vmem>> -> memref<64x16xf32, #tpu.memory_space<vmem>>
      %dma_wait3A_197 = arith.constant 0 : i32
      %dma_wait3A_198 = tpu.memref_slice %arg3[%add3A_172, %dma_wait3A_197] : memref<163840x16xf32, #tpu.memory_space<hbm>> -> memref<64x16xf32, #tpu.memory_space<hbm>>
      tpu.wait_dma2 semaphore(%arg15 : memref<!tpu.dma_semaphore, #tpu.memory_space<semaphore_mem>>) src(%dma_wait3A_198 : memref<64x16xf32, #tpu.memory_space<hbm>>) dst(%dma_wait3A_196 : memref<64x16xf32, #tpu.memory_space<vmem>>)
      %scan3A_199 = arith.constant 0 : i32
      %scan3A_200 = arith.constant 0 : i32
      %scan3A_201 = arith.constant 64 : i32
      %scan3A_202 = arith.addi %scan3A_200, %scan3A_201 : i32
      %scan3A_203 = arith.constant 1 : i32
      scf.for %scan3A_230 = %scan3A_200 to %scan3A_202 step %scan3A_203  : i32 {
        %get3A = arith.constant 1 : i32
        %get3A_231 = arith.index_cast %get3A : i32 to index
        %get3A_232 = arith.index_cast %scan3A_230 : i32 to index
        %get3A_233 = arith.constant 0 : index
        %get3A_234 = tpu.vector_load %arg7[%get3A_231, %get3A_232, %get3A_233] {strides = array<i32>} : memref<2x64x16xf32, #tpu.memory_space<vmem>>, vector<16xf32>,
        %exp3A = math.exp %get3A_234 : vector<16xf32>
        %swap3A = arith.constant 1 : i32
        %swap3A_235 = arith.index_cast %swap3A : i32 to index
        %swap3A_236 = arith.index_cast %scan3A_230 : i32 to index
        %swap3A_237 = arith.constant 128 : index
        %swap3A_238 = tpu.vector_load %arg10[%swap3A_235, %swap3A_236, %swap3A_237] {strides = array<i32>} : memref<2x64x144xf32, #tpu.memory_space<vmem>>, vector<16xf32>,
        tpu.vector_store %arg10[%swap3A_235, %swap3A_236, %swap3A_237], %exp3A {strides = array<i32>} : memref<2x64x144xf32, #tpu.memory_space<vmem>>, vector<16xf32>,
        %get3A_239 = arith.constant 1 : i32
        %get3A_240 = arith.index_cast %get3A_239 : i32 to index
        %get3A_241 = arith.index_cast %scan3A_230 : i32 to index
        %get3A_242 = arith.constant 0 : index
        %get3A_243 = tpu.vector_load %arg8[%get3A_240, %get3A_241, %get3A_242] {strides = array<i32>} : memref<2x64x16xf32, #tpu.memory_space<vmem>>, vector<16xf32>,
        %slice3A = vector.extract_strided_slice %exp3A {offsets = [0], sizes = [1], strides = [1]} : vector<16xf32> to vector<1xf32>
        %squeeze3A = vector.extract %slice3A[0] : f32 from vector<1xf32>
        %broadcast_in_dim3A = vector.broadcast %squeeze3A : f32 to vector<16xf32>
        %mul3A_244 = arith.mulf %broadcast_in_dim3A, %get3A_243 : vector<16xf32>
        %swap3A_245 = arith.constant 1 : i32
        %swap3A_246 = arith.index_cast %swap3A_245 : i32 to index
        %swap3A_247 = arith.index_cast %scan3A_230 : i32 to index
        %swap3A_248 = arith.constant 0 : index
        %swap3A_249 = tpu.vector_load %arg10[%swap3A_246, %swap3A_247, %swap3A_248] {strides = array<i32>} : memref<2x64x144xf32, #tpu.memory_space<vmem>>, vector<16xf32>,
        tpu.vector_store %arg10[%swap3A_246, %swap3A_247, %swap3A_248], %mul3A_244 {strides = array<i32>} : memref<2x64x144xf32, #tpu.memory_space<vmem>>, vector<16xf32>,
        %slice3A_250 = vector.extract_strided_slice %exp3A {offsets = [1], sizes = [1], strides = [1]} : vector<16xf32> to vector<1xf32>
        %squeeze3A_251 = vector.extract %slice3A_250[0] : f32 from vector<1xf32>
        %broadcast_in_dim3A_252 = vector.broadcast %squeeze3A_251 : f32 to vector<16xf32>
        %mul3A_253 = arith.mulf %broadcast_in_dim3A_252, %get3A_243 : vector<16xf32>
        %swap3A_254 = arith.constant 1 : i32
        %swap3A_255 = arith.index_cast %swap3A_254 : i32 to index
        %swap3A_256 = arith.index_cast %scan3A_230 : i32 to index
        %swap3A_257 = arith.constant 16 : index
        %swap3A_258 = tpu.vector_load %arg10[%swap3A_255, %swap3A_256, %swap3A_257] {strides = array<i32>} : memref<2x64x144xf32, #tpu.memory_space<vmem>>, vector<16xf32>,
        tpu.vector_store %arg10[%swap3A_255, %swap3A_256, %swap3A_257], %mul3A_253 {strides = array<i32>} : memref<2x64x144xf32, #tpu.memory_space<vmem>>, vector<16xf32>,
        %slice3A_259 = vector.extract_strided_slice %exp3A {offsets = [2], sizes = [1], strides = [1]} : vector<16xf32> to vector<1xf32>
        %squeeze3A_260 = vector.extract %slice3A_259[0] : f32 from vector<1xf32>
        %broadcast_in_dim3A_261 = vector.broadcast %squeeze3A_260 : f32 to vector<16xf32>
        %mul3A_262 = arith.mulf %broadcast_in_dim3A_261, %get3A_243 : vector<16xf32>
        %swap3A_263 = arith.constant 1 : i32
        %swap3A_264 = arith.index_cast %swap3A_263 : i32 to index
        %swap3A_265 = arith.index_cast %scan3A_230 : i32 to index
        %swap3A_266 = arith.constant 32 : index
        %swap3A_267 = tpu.vector_load %arg10[%swap3A_264, %swap3A_265, %swap3A_266] {strides = array<i32>} : memref<2x64x144xf32, #tpu.memory_space<vmem>>, vector<16xf32>,
        tpu.vector_store %arg10[%swap3A_264, %swap3A_265, %swap3A_266], %mul3A_262 {strides = array<i32>} : memref<2x64x144xf32, #tpu.memory_space<vmem>>, vector<16xf32>,
        %slice3A_268 = vector.extract_strided_slice %exp3A {offsets = [3], sizes = [1], strides = [1]} : vector<16xf32> to vector<1xf32>
        %squeeze3A_269 = vector.extract %slice3A_268[0] : f32 from vector<1xf32>
        %broadcast_in_dim3A_270 = vector.broadcast %squeeze3A_269 : f32 to vector<16xf32>
        %mul3A_271 = arith.mulf %broadcast_in_dim3A_270, %get3A_243 : vector<16xf32>
        %swap3A_272 = arith.constant 1 : i32
        %swap3A_273 = arith.index_cast %swap3A_272 : i32 to index
        %swap3A_274 = arith.index_cast %scan3A_230 : i32 to index
        %swap3A_275 = arith.constant 48 : index
        %swap3A_276 = tpu.vector_load %arg10[%swap3A_273, %swap3A_274, %swap3A_275] {strides = array<i32>} : memref<2x64x144xf32, #tpu.memory_space<vmem>>, vector<16xf32>,
        tpu.vector_store %arg10[%swap3A_273, %swap3A_274, %swap3A_275], %mul3A_271 {strides = array<i32>} : memref<2x64x144xf32, #tpu.memory_space<vmem>>, vector<16xf32>,
        %slice3A_277 = vector.extract_strided_slice %exp3A {offsets = [4], sizes = [1], strides = [1]} : vector<16xf32> to vector<1xf32>
        %squeeze3A_278 = vector.extract %slice3A_277[0] : f32 from vector<1xf32>
        %broadcast_in_dim3A_279 = vector.broadcast %squeeze3A_278 : f32 to vector<16xf32>
        %mul3A_280 = arith.mulf %broadcast_in_dim3A_279, %get3A_243 : vector<16xf32>
        %swap3A_281 = arith.constant 1 : i32
        %swap3A_282 = arith.index_cast %swap3A_281 : i32 to index
        %swap3A_283 = arith.index_cast %scan3A_230 : i32 to index
        %swap3A_284 = arith.constant 64 : index
        %swap3A_285 = tpu.vector_load %arg10[%swap3A_282, %swap3A_283, %swap3A_284] {strides = array<i32>} : memref<2x64x144xf32, #tpu.memory_space<vmem>>, vector<16xf32>,
        tpu.vector_store %arg10[%swap3A_282, %swap3A_283, %swap3A_284], %mul3A_280 {strides = array<i32>} : memref<2x64x144xf32, #tpu.memory_space<vmem>>, vector<16xf32>,
        %slice3A_286 = vector.extract_strided_slice %exp3A {offsets = [5], sizes = [1], strides = [1]} : vector<16xf32> to vector<1xf32>
        %squeeze3A_287 = vector.extract %slice3A_286[0] : f32 from vector<1xf32>
        %broadcast_in_dim3A_288 = vector.broadcast %squeeze3A_287 : f32 to vector<16xf32>
        %mul3A_289 = arith.mulf %broadcast_in_dim3A_288, %get3A_243 : vector<16xf32>
        %swap3A_290 = arith.constant 1 : i32
        %swap3A_291 = arith.index_cast %swap3A_290 : i32 to index
        %swap3A_292 = arith.index_cast %scan3A_230 : i32 to index
        %swap3A_293 = arith.constant 80 : index
        %swap3A_294 = tpu.vector_load %arg10[%swap3A_291, %swap3A_292, %swap3A_293] {strides = array<i32>} : memref<2x64x144xf32, #tpu.memory_space<vmem>>, vector<16xf32>,
        tpu.vector_store %arg10[%swap3A_291, %swap3A_292, %swap3A_293], %mul3A_289 {strides = array<i32>} : memref<2x64x144xf32, #tpu.memory_space<vmem>>, vector<16xf32>,
        %slice3A_295 = vector.extract_strided_slice %exp3A {offsets = [6], sizes = [1], strides = [1]} : vector<16xf32> to vector<1xf32>
        %squeeze3A_296 = vector.extract %slice3A_295[0] : f32 from vector<1xf32>
        %broadcast_in_dim3A_297 = vector.broadcast %squeeze3A_296 : f32 to vector<16xf32>
        %mul3A_298 = arith.mulf %broadcast_in_dim3A_297, %get3A_243 : vector<16xf32>
        %swap3A_299 = arith.constant 1 : i32
        %swap3A_300 = arith.index_cast %swap3A_299 : i32 to index
        %swap3A_301 = arith.index_cast %scan3A_230 : i32 to index
        %swap3A_302 = arith.constant 96 : index
        %swap3A_303 = tpu.vector_load %arg10[%swap3A_300, %swap3A_301, %swap3A_302] {strides = array<i32>} : memref<2x64x144xf32, #tpu.memory_space<vmem>>, vector<16xf32>,
        tpu.vector_store %arg10[%swap3A_300, %swap3A_301, %swap3A_302], %mul3A_298 {strides = array<i32>} : memref<2x64x144xf32, #tpu.memory_space<vmem>>, vector<16xf32>,
        %slice3A_304 = vector.extract_strided_slice %exp3A {offsets = [7], sizes = [1], strides = [1]} : vector<16xf32> to vector<1xf32>
        %squeeze3A_305 = vector.extract %slice3A_304[0] : f32 from vector<1xf32>
        %broadcast_in_dim3A_306 = vector.broadcast %squeeze3A_305 : f32 to vector<16xf32>
        %mul3A_307 = arith.mulf %broadcast_in_dim3A_306, %get3A_243 : vector<16xf32>
        %swap3A_308 = arith.constant 1 : i32
        %swap3A_309 = arith.index_cast %swap3A_308 : i32 to index
        %swap3A_310 = arith.index_cast %scan3A_230 : i32 to index
        %swap3A_311 = arith.constant 112 : index
        %swap3A_312 = tpu.vector_load %arg10[%swap3A_309, %swap3A_310, %swap3A_311] {strides = array<i32>} : memref<2x64x144xf32, #tpu.memory_space<vmem>>, vector<16xf32>,
        tpu.vector_store %arg10[%swap3A_309, %swap3A_310, %swap3A_311], %mul3A_307 {strides = array<i32>} : memref<2x64x144xf32, #tpu.memory_space<vmem>>, vector<16xf32>,
      }
      %scan3A_204 = arith.constant 64 : i32
      %dma_start3A_205 = arith.constant 1 : i32
      %dma_start3A_206 = arith.constant 0 : i32
      %dma_start3A_207 = arith.constant 0 : i32
      %dma_start3A_208 = tpu.memref_slice %arg10[%dma_start3A_205, %dma_start3A_206, %dma_start3A_207] : memref<2x64x144xf32, #tpu.memory_space<vmem>> -> memref<1x64x144xf32, #tpu.memory_space<vmem>>
      %dma_start3A_209 = tpu.memref_squeeze %dma_start3A_208 : memref<1x64x144xf32, #tpu.memory_space<vmem>> -> memref<64x144xf32, #tpu.memory_space<vmem>>
      %dma_start3A_210 = arith.constant 0 : i32
      %dma_start3A_211 = tpu.memref_slice %arg9[%add3A_167, %dma_start3A_210] : memref<80x64xi32, #tpu.memory_space<vmem>> -> memref<1x64xi32, #tpu.memory_space<vmem>>
      %dma_start3A_212 = tpu.memref_squeeze %dma_start3A_211 : memref<1x64xi32, #tpu.memory_space<vmem>> -> memref<64xi32, #tpu.memory_space<vmem>>
      %dma_start3A_213 = arith.constant 0 : i32
      %dma_start3A_214 = arith.constant 0 : i32
      %dma_start3A_215 = tpu.memref_slice %arg11[%dma_start3A_213, %dma_start3A_214] : memref<10240x144xf32, #tpu.memory_space<vmem_shared>> -> memref<10240x144xf32, #tpu.memory_space<vmem_shared>>
      tpu.enqueue_indirect_dma source(%dma_start3A_209 : memref<64x144xf32, #tpu.memory_space<vmem>>) target(%dma_start3A_215 : memref<10240x144xf32, #tpu.memory_space<vmem_shared>>) offsets(%dma_start3A_212 : memref<64xi32, #tpu.memory_space<vmem>>) semaphore(%arg17 : memref<!tpu.dma_semaphore, #tpu.memory_space<semaphore_mem>>) {add = true}
      %add3A_216 = arith.constant 1 : i32
      %add3A_217 = arith.addi %scan3A_109, %add3A_216 : i32
      %lt3A_218 = arith.constant 40 : i32
      %lt3A_219 = arith.cmpi slt, %add3A_217, %lt3A_218 : i32
      %convert_element_type3A_220 = arith.extui %lt3A_219 : i1 to i32
      %cond3A_221 = arith.constant 0 : i32
      %cond3A_222 = arith.cmpi ne, %convert_element_type3A_220, %cond3A_221 : i32
      scf.if %cond3A_222 {
        %mul3A_230 = arith.constant 2 : i32
        %mul3A_231 = arith.muli %mul3A_230, %scan3A_109 : i32
        %add3A_232 = arith.constant 3 : i32
        %add3A_233 = arith.addi %mul3A_231, %add3A_232 : i32
        %mul3A_234 = arith.constant 5120 : i32
        %mul3A_235 = arith.muli %add3A, %mul3A_234 : i32
        %mul3A_236 = arith.constant 64 : i32
        %mul3A_237 = arith.muli %add3A_233, %mul3A_236 : i32
        %add3A_238 = arith.addi %mul3A_235, %mul3A_237 : i32
        %dma_start3A_239 = arith.constant 1 : i32
        %dma_start3A_240 = arith.constant 0 : i32
        %dma_start3A_241 = arith.constant 0 : i32
        %dma_start3A_242 = tpu.memref_slice %arg7[%dma_start3A_239, %dma_start3A_240, %dma_start3A_241] : memref<2x64x16xf32, #tpu.memory_space<vmem>> -> memref<1x64x16xf32, #tpu.memory_space<vmem>>
        %dma_start3A_243 = tpu.memref_squeeze %dma_start3A_242 : memref<1x64x16xf32, #tpu.memory_space<vmem>> -> memref<64x16xf32, #tpu.memory_space<vmem>>
        %dma_start3A_244 = arith.constant 0 : i32
        %dma_start3A_245 = tpu.memref_slice %arg2[%add3A_238, %dma_start3A_244] : memref<163840x16xf32, #tpu.memory_space<hbm>> -> memref<64x16xf32, #tpu.memory_space<hbm>>
        %dma_start3A_246 = arith.constant 0 : i32
        %dma_start3A_247 = arith.constant 0 : i32
        %dma_start3A_248 = tpu.memref_slice %arg7[%dma_start3A_239, %dma_start3A_246, %dma_start3A_247] : memref<2x64x16xf32, #tpu.memory_space<vmem>> -> memref<1x64x16xf32, #tpu.memory_space<vmem>>
        %dma_start3A_249 = tpu.memref_squeeze %dma_start3A_248 : memref<1x64x16xf32, #tpu.memory_space<vmem>> -> memref<64x16xf32, #tpu.memory_space<vmem>>
        %dma_start3A_250 = arith.constant 0 : i32
        %dma_start3A_251 = tpu.memref_slice %arg2[%add3A_238, %dma_start3A_250] : memref<163840x16xf32, #tpu.memory_space<hbm>> -> memref<64x16xf32, #tpu.memory_space<hbm>>
        tpu.enqueue_dma source(%dma_start3A_251 : memref<64x16xf32, #tpu.memory_space<hbm>>) target(%dma_start3A_249 : memref<64x16xf32, #tpu.memory_space<vmem>>) target_semaphore(%arg13 : memref<!tpu.dma_semaphore, #tpu.memory_space<semaphore_mem>>)
        %dma_start3A_252 = arith.constant 1 : i32
        %dma_start3A_253 = arith.constant 0 : i32
        %dma_start3A_254 = arith.constant 0 : i32
        %dma_start3A_255 = tpu.memref_slice %arg8[%dma_start3A_252, %dma_start3A_253, %dma_start3A_254] : memref<2x64x16xf32, #tpu.memory_space<vmem>> -> memref<1x64x16xf32, #tpu.memory_space<vmem>>
        %dma_start3A_256 = tpu.memref_squeeze %dma_start3A_255 : memref<1x64x16xf32, #tpu.memory_space<vmem>> -> memref<64x16xf32, #tpu.memory_space<vmem>>
        %dma_start3A_257 = arith.constant 0 : i32
        %dma_start3A_258 = tpu.memref_slice %arg3[%add3A_238, %dma_start3A_257] : memref<163840x16xf32, #tpu.memory_space<hbm>> -> memref<64x16xf32, #tpu.memory_space<hbm>>
        %dma_start3A_259 = arith.constant 0 : i32
        %dma_start3A_260 = arith.constant 0 : i32
        %dma_start3A_261 = tpu.memref_slice %arg8[%dma_start3A_252, %dma_start3A_259, %dma_start3A_260] : memref<2x64x16xf32, #tpu.memory_space<vmem>> -> memref<1x64x16xf32, #tpu.memory_space<vmem>>
        %dma_start3A_262 = tpu.memref_squeeze %dma_start3A_261 : memref<1x64x16xf32, #tpu.memory_space<vmem>> -> memref<64x16xf32, #tpu.memory_space<vmem>>
        %dma_start3A_263 = arith.constant 0 : i32
        %dma_start3A_264 = tpu.memref_slice %arg3[%add3A_238, %dma_start3A_263] : memref<163840x16xf32, #tpu.memory_space<hbm>> -> memref<64x16xf32, #tpu.memory_space<hbm>>
        tpu.enqueue_dma source(%dma_start3A_264 : memref<64x16xf32, #tpu.memory_space<hbm>>) target(%dma_start3A_262 : memref<64x16xf32, #tpu.memory_space<vmem>>) target_semaphore(%arg15 : memref<!tpu.dma_semaphore, #tpu.memory_space<semaphore_mem>>)
      } else {
      }
      %add3A_223 = arith.constant 1 : i32
      %add3A_224 = arith.addi %scan3A_109, %add3A_223 : i32
      %lt3A_225 = arith.constant 40 : i32
      %lt3A_226 = arith.cmpi slt, %add3A_224, %lt3A_225 : i32
      %convert_element_type3A_227 = arith.extui %lt3A_226 : i1 to i32
      %cond3A_228 = arith.constant 0 : i32
      %cond3A_229 = arith.cmpi ne, %convert_element_type3A_227, %cond3A_228 : i32
      scf.if %cond3A_229 {
        %mul3A_230 = arith.constant 2 : i32
        %mul3A_231 = arith.muli %mul3A_230, %scan3A_109 : i32
        %dma_wait3A_232 = arith.constant 0 : i32
        %dma_wait3A_233 = arith.constant 0 : i32
        %dma_wait3A_234 = arith.constant 0 : i32
        %dma_wait3A_235 = tpu.memref_slice %arg10[%dma_wait3A_232, %dma_wait3A_233, %dma_wait3A_234] : memref<2x64x144xf32, #tpu.memory_space<vmem>> -> memref<1x64x144xf32, #tpu.memory_space<vmem>>
        %dma_wait3A_236 = tpu.memref_squeeze %dma_wait3A_235 : memref<1x64x144xf32, #tpu.memory_space<vmem>> -> memref<64x144xf32, #tpu.memory_space<vmem>>
        %dma_wait3A_237 = arith.constant 0 : i32
        %dma_wait3A_238 = tpu.memref_slice %arg9[%mul3A_231, %dma_wait3A_237] : memref<80x64xi32, #tpu.memory_space<vmem>> -> memref<1x64xi32, #tpu.memory_space<vmem>>
        %dma_wait3A_239 = tpu.memref_squeeze %dma_wait3A_238 : memref<1x64xi32, #tpu.memory_space<vmem>> -> memref<64xi32, #tpu.memory_space<vmem>>
        %dma_wait3A_240 = arith.constant 0 : i32
        %dma_wait3A_241 = arith.constant 0 : i32
        %dma_wait3A_242 = tpu.memref_slice %arg11[%dma_wait3A_240, %dma_wait3A_241] : memref<10240x144xf32, #tpu.memory_space<vmem_shared>> -> memref<10240x144xf32, #tpu.memory_space<vmem_shared>>
        tpu.wait_indirect_dma semaphore(%arg16 : memref<!tpu.dma_semaphore, #tpu.memory_space<semaphore_mem>>) src(%dma_wait3A_236 : memref<64x144xf32, #tpu.memory_space<vmem>>) dst(%dma_wait3A_242 : memref<10240x144xf32, #tpu.memory_space<vmem_shared>>)
        %mul3A_243 = arith.constant 2 : i32
        %mul3A_244 = arith.muli %mul3A_243, %scan3A_109 : i32
        %add3A_245 = arith.constant 1 : i32
        %add3A_246 = arith.addi %mul3A_244, %add3A_245 : i32
        %dma_wait3A_247 = arith.constant 1 : i32
        %dma_wait3A_248 = arith.constant 0 : i32
        %dma_wait3A_249 = arith.constant 0 : i32
        %dma_wait3A_250 = tpu.memref_slice %arg10[%dma_wait3A_247, %dma_wait3A_248, %dma_wait3A_249] : memref<2x64x144xf32, #tpu.memory_space<vmem>> -> memref<1x64x144xf32, #tpu.memory_space<vmem>>
        %dma_wait3A_251 = tpu.memref_squeeze %dma_wait3A_250 : memref<1x64x144xf32, #tpu.memory_space<vmem>> -> memref<64x144xf32, #tpu.memory_space<vmem>>
        %dma_wait3A_252 = arith.constant 0 : i32
        %dma_wait3A_253 = tpu.memref_slice %arg9[%add3A_246, %dma_wait3A_252] : memref<80x64xi32, #tpu.memory_space<vmem>> -> memref<1x64xi32, #tpu.memory_space<vmem>>
        %dma_wait3A_254 = tpu.memref_squeeze %dma_wait3A_253 : memref<1x64xi32, #tpu.memory_space<vmem>> -> memref<64xi32, #tpu.memory_space<vmem>>
        %dma_wait3A_255 = arith.constant 0 : i32
        %dma_wait3A_256 = arith.constant 0 : i32
        %dma_wait3A_257 = tpu.memref_slice %arg11[%dma_wait3A_255, %dma_wait3A_256] : memref<10240x144xf32, #tpu.memory_space<vmem_shared>> -> memref<10240x144xf32, #tpu.memory_space<vmem_shared>>
        tpu.wait_indirect_dma semaphore(%arg17 : memref<!tpu.dma_semaphore, #tpu.memory_space<semaphore_mem>>) src(%dma_wait3A_251 : memref<64x144xf32, #tpu.memory_space<vmem>>) dst(%dma_wait3A_257 : memref<10240x144xf32, #tpu.memory_space<vmem_shared>>)
      } else {
      }
    }
    %scan3A_78 = arith.constant 40 : i32
    %dma_wait3A = arith.constant 0 : i32
    %dma_wait3A_79 = arith.constant 78 : i32
    %dma_wait3A_80 = arith.constant 0 : i32
    %dma_wait3A_81 = arith.constant 0 : i32
    %dma_wait3A_82 = tpu.memref_slice %arg10[%dma_wait3A, %dma_wait3A_80, %dma_wait3A_81] : memref<2x64x144xf32, #tpu.memory_space<vmem>> -> memref<1x64x144xf32, #tpu.memory_space<vmem>>
    %dma_wait3A_83 = tpu.memref_squeeze %dma_wait3A_82 : memref<1x64x144xf32, #tpu.memory_space<vmem>> -> memref<64x144xf32, #tpu.memory_space<vmem>>
    %dma_wait3A_84 = arith.constant 0 : i32
    %dma_wait3A_85 = tpu.memref_slice %arg9[%dma_wait3A_79, %dma_wait3A_84] : memref<80x64xi32, #tpu.memory_space<vmem>> -> memref<1x64xi32, #tpu.memory_space<vmem>>
    %dma_wait3A_86 = tpu.memref_squeeze %dma_wait3A_85 : memref<1x64xi32, #tpu.memory_space<vmem>> -> memref<64xi32, #tpu.memory_space<vmem>>
    %dma_wait3A_87 = arith.constant 0 : i32
    %dma_wait3A_88 = arith.constant 0 : i32
    %dma_wait3A_89 = tpu.memref_slice %arg11[%dma_wait3A_87, %dma_wait3A_88] : memref<10240x144xf32, #tpu.memory_space<vmem_shared>> -> memref<10240x144xf32, #tpu.memory_space<vmem_shared>>
    tpu.wait_indirect_dma semaphore(%arg16 : memref<!tpu.dma_semaphore, #tpu.memory_space<semaphore_mem>>) src(%dma_wait3A_83 : memref<64x144xf32, #tpu.memory_space<vmem>>) dst(%dma_wait3A_89 : memref<10240x144xf32, #tpu.memory_space<vmem_shared>>)
    %dma_wait3A_90 = arith.constant 1 : i32
    %dma_wait3A_91 = arith.constant 79 : i32
    %dma_wait3A_92 = arith.constant 0 : i32
    %dma_wait3A_93 = arith.constant 0 : i32
    %dma_wait3A_94 = tpu.memref_slice %arg10[%dma_wait3A_90, %dma_wait3A_92, %dma_wait3A_93] : memref<2x64x144xf32, #tpu.memory_space<vmem>> -> memref<1x64x144xf32, #tpu.memory_space<vmem>>
    %dma_wait3A_95 = tpu.memref_squeeze %dma_wait3A_94 : memref<1x64x144xf32, #tpu.memory_space<vmem>> -> memref<64x144xf32, #tpu.memory_space<vmem>>
    %dma_wait3A_96 = arith.constant 0 : i32
    %dma_wait3A_97 = tpu.memref_slice %arg9[%dma_wait3A_91, %dma_wait3A_96] : memref<80x64xi32, #tpu.memory_space<vmem>> -> memref<1x64xi32, #tpu.memory_space<vmem>>
    %dma_wait3A_98 = tpu.memref_squeeze %dma_wait3A_97 : memref<1x64xi32, #tpu.memory_space<vmem>> -> memref<64xi32, #tpu.memory_space<vmem>>
    %dma_wait3A_99 = arith.constant 0 : i32
    %dma_wait3A_100 = arith.constant 0 : i32
    %dma_wait3A_101 = tpu.memref_slice %arg11[%dma_wait3A_99, %dma_wait3A_100] : memref<10240x144xf32, #tpu.memory_space<vmem_shared>> -> memref<10240x144xf32, #tpu.memory_space<vmem_shared>>
    tpu.wait_indirect_dma semaphore(%arg17 : memref<!tpu.dma_semaphore, #tpu.memory_space<semaphore_mem>>) src(%dma_wait3A_95 : memref<64x144xf32, #tpu.memory_space<vmem>>) dst(%dma_wait3A_101 : memref<10240x144xf32, #tpu.memory_space<vmem_shared>>)
    %barrier3A_102 = arith.constant 0 : index
    tpu.barrier barrier_id(%barrier3A_102)
    %scan3A_103 = arith.constant 0 : i32
    %scan3A_104 = arith.constant 0 : i32
    %scan3A_105 = arith.constant 10 : i32
    %scan3A_106 = arith.addi %scan3A_104, %scan3A_105 : i32
    %scan3A_107 = arith.constant 1 : i32
    scf.for %scan3A_109 = %scan3A_104 to %scan3A_106 step %scan3A_107  : i32 {
      %mul3A_110 = arith.constant 640 : i32
      %mul3A_111 = arith.muli %arg1, %mul3A_110 : i32
      %mul3A_112 = arith.constant 64 : i32
      %mul3A_113 = arith.muli %scan3A_109, %mul3A_112 : i32
      %add3A_114 = arith.addi %mul3A_111, %mul3A_113 : i32
      %eq3A = arith.constant 0 : i32
      %eq3A_115 = arith.cmpi eq, %arg0, %eq3A : i32
      %convert_element_type3A = arith.extui %eq3A_115 : i1 to i32
      %cond3A = arith.constant 0 : i32
      %cond3A_116 = arith.cmpi ne, %convert_element_type3A, %cond3A : i32
      scf.if %cond3A_116 {
        "tpu.region"() ({
          %run_scoped3A = tpu.sem_alloc : memref<!tpu.dma_semaphore, #tpu.memory_space<semaphore_mem>>
          %dma_start3A_122 = arith.constant 0 : i32
          %dma_start3A_123 = tpu.memref_slice %arg5[%add3A_114, %dma_start3A_122] : memref<10240x144xf32, #tpu.memory_space<hbm>> -> memref<64x144xf32, #tpu.memory_space<hbm>>
          %dma_start3A_124 = arith.constant 0 : i32
          %dma_start3A_125 = tpu.memref_slice %arg11[%add3A_114, %dma_start3A_124] : memref<10240x144xf32, #tpu.memory_space<vmem_shared>> -> memref<64x144xf32, #tpu.memory_space<vmem_shared>>
          tpu.enqueue_dma source(%dma_start3A_125 : memref<64x144xf32, #tpu.memory_space<vmem_shared>>) target(%dma_start3A_123 : memref<64x144xf32, #tpu.memory_space<hbm>>) target_semaphore(%run_scoped3A : memref<!tpu.dma_semaphore, #tpu.memory_space<semaphore_mem>>)
          %dma_wait3A_126 = arith.constant 0 : i32
          %dma_wait3A_127 = tpu.memref_slice %arg5[%add3A_114, %dma_wait3A_126] : memref<10240x144xf32, #tpu.memory_space<hbm>> -> memref<64x144xf32, #tpu.memory_space<hbm>>
          %dma_wait3A_128 = arith.constant 0 : i32
          %dma_wait3A_129 = tpu.memref_slice %arg11[%add3A_114, %dma_wait3A_128] : memref<10240x144xf32, #tpu.memory_space<vmem_shared>> -> memref<64x144xf32, #tpu.memory_space<vmem_shared>>
          tpu.wait_dma2 semaphore(%run_scoped3A : memref<!tpu.dma_semaphore, #tpu.memory_space<semaphore_mem>>) src(%dma_wait3A_129 : memref<64x144xf32, #tpu.memory_space<vmem_shared>>) dst(%dma_wait3A_127 : memref<64x144xf32, #tpu.memory_space<hbm>>)
          tpu.yield
        }) : () -> ()
      } else {
      }
      %eq3A_117 = arith.constant 1 : i32
      %eq3A_118 = arith.cmpi eq, %arg0, %eq3A_117 : i32
      %convert_element_type3A_119 = arith.extui %eq3A_118 : i1 to i32
      %cond3A_120 = arith.constant 0 : i32
      %cond3A_121 = arith.cmpi ne, %convert_element_type3A_119, %cond3A_120 : i32
      scf.if %cond3A_121 {
        "tpu.region"() ({
          %run_scoped3A = tpu.sem_alloc : memref<!tpu.dma_semaphore, #tpu.memory_space<semaphore_mem>>
          %dma_start3A_122 = arith.constant 0 : i32
          %dma_start3A_123 = tpu.memref_slice %arg6[%add3A_114, %dma_start3A_122] : memref<10240x144xf32, #tpu.memory_space<hbm>> -> memref<64x144xf32, #tpu.memory_space<hbm>>
          %dma_start3A_124 = arith.constant 0 : i32
          %dma_start3A_125 = tpu.memref_slice %arg11[%add3A_114, %dma_start3A_124] : memref<10240x144xf32, #tpu.memory_space<vmem_shared>> -> memref<64x144xf32, #tpu.memory_space<vmem_shared>>
          tpu.enqueue_dma source(%dma_start3A_125 : memref<64x144xf32, #tpu.memory_space<vmem_shared>>) target(%dma_start3A_123 : memref<64x144xf32, #tpu.memory_space<hbm>>) target_semaphore(%run_scoped3A : memref<!tpu.dma_semaphore, #tpu.memory_space<semaphore_mem>>)
          %dma_wait3A_126 = arith.constant 0 : i32
          %dma_wait3A_127 = tpu.memref_slice %arg6[%add3A_114, %dma_wait3A_126] : memref<10240x144xf32, #tpu.memory_space<hbm>> -> memref<64x144xf32, #tpu.memory_space<hbm>>
          %dma_wait3A_128 = arith.constant 0 : i32
          %dma_wait3A_129 = tpu.memref_slice %arg11[%add3A_114, %dma_wait3A_128] : memref<10240x144xf32, #tpu.memory_space<vmem_shared>> -> memref<64x144xf32, #tpu.memory_space<vmem_shared>>
          tpu.wait_dma2 semaphore(%run_scoped3A : memref<!tpu.dma_semaphore, #tpu.memory_space<semaphore_mem>>) src(%dma_wait3A_129 : memref<64x144xf32, #tpu.memory_space<vmem_shared>>) dst(%dma_wait3A_127 : memref<64x144xf32, #tpu.memory_space<hbm>>)
          tpu.yield
        }) : () -> ()
      } else {
      }
    }
    %scan3A_108 = arith.constant 10 : i32
    return
  }
}

module attributes {stable_mosaic.version = 14 : i64} {
  func.func @_hnv_body(%arg0: i32, %arg1: memref<400x128xf32, #tpu.memory_space<vmem>>, %arg2: memref<1x128xf32, #tpu.memory_space<vmem>>, %arg3: memref<1x128xf32, #tpu.memory_space<vmem>>, %arg4: memref<128x1024xf32, #tpu.memory_space<vmem>>, %arg5: memref<1x1024xf32, #tpu.memory_space<vmem>>, %arg6: memref<128x1024xf32, #tpu.memory_space<vmem>>, %arg7: memref<128x1024xf32, #tpu.memory_space<vmem>>, %arg8: memref<16x1024xf32, #tpu.memory_space<vmem>>, %arg9: memref<1x1024xf32, #tpu.memory_space<vmem>>, %arg10: memref<1x1024xf32, #tpu.memory_space<vmem>>, %arg11: memref<400x128xf32, #tpu.memory_space<vmem>>, %arg12: memref<400x128xbf16, #tpu.memory_space<vmem>>, %arg13: memref<400x1024xbf16, #tpu.memory_space<vmem>>, %arg14: memref<128x1024xbf16, #tpu.memory_space<vmem>>, %arg15: memref<128x128xbf16, #tpu.memory_space<vmem>>, %arg16: memref<128x128xf32, #tpu.memory_space<vmem>>, %arg17: memref<128x8xf32, #tpu.memory_space<vmem>>, %arg18: memref<128x8xf32, #tpu.memory_space<vmem>>, %arg19: memref<16x8xf32, #tpu.memory_space<vmem>>, %arg20: memref<1x8xf32, #tpu.memory_space<vmem>>) attributes {dimension_semantics = [#tpu.dimension_semantics<arbitrary>], iteration_bounds = array<i64: 25>, scalar_prefetch = 0 : i64, scratch_operands = 0 : i64, tpu.core_type = #tpu.core_type<tc>, window_params = [{transform_indices = @transform_0, window_bounds = array<i64: 400, 128>}, {pipeline_mode = #tpu.pipeline_mode<synchronous>, transform_indices = @transform_1, window_bounds = array<i64: 1, 128>}, {pipeline_mode = #tpu.pipeline_mode<synchronous>, transform_indices = @transform_2, window_bounds = array<i64: 1, 128>}, {pipeline_mode = #tpu.pipeline_mode<synchronous>, transform_indices = @transform_3, window_bounds = array<i64: 128, 1024>}, {pipeline_mode = #tpu.pipeline_mode<synchronous>, transform_indices = @transform_4, window_bounds = array<i64: 1, 1024>}, {pipeline_mode = #tpu.pipeline_mode<synchronous>, transform_indices = @transform_5, window_bounds = array<i64: 128, 1024>}, {pipeline_mode = #tpu.pipeline_mode<synchronous>, transform_indices = @transform_6, window_bounds = array<i64: 128, 1024>}, {pipeline_mode = #tpu.pipeline_mode<synchronous>, transform_indices = @transform_7, window_bounds = array<i64: 16, 1024>}, {pipeline_mode = #tpu.pipeline_mode<synchronous>, transform_indices = @transform_8, window_bounds = array<i64: 1, 1024>}, {pipeline_mode = #tpu.pipeline_mode<synchronous>, transform_indices = @transform_9, window_bounds = array<i64: 1, 1024>}, {transform_indices = @transform_10, window_bounds = array<i64: 400, 128>}, {transform_indices = @transform_11, window_bounds = array<i64: 400, 128>}, {transform_indices = @transform_12, window_bounds = array<i64: 400, 1024>}, {pipeline_mode = #tpu.pipeline_mode<synchronous>, transform_indices = @transform_13, window_bounds = array<i64: 128, 1024>}, {pipeline_mode = #tpu.pipeline_mode<synchronous>, transform_indices = @transform_14, window_bounds = array<i64: 128, 128>}, {pipeline_mode = #tpu.pipeline_mode<synchronous>, transform_indices = @transform_15, window_bounds = array<i64: 128, 128>}, {pipeline_mode = #tpu.pipeline_mode<synchronous>, transform_indices = @transform_16, window_bounds = array<i64: 128, 8>}, {pipeline_mode = #tpu.pipeline_mode<synchronous>, transform_indices = @transform_17, window_bounds = array<i64: 128, 8>}, {pipeline_mode = #tpu.pipeline_mode<synchronous>, transform_indices = @transform_18, window_bounds = array<i64: 16, 8>}, {pipeline_mode = #tpu.pipeline_mode<synchronous>, transform_indices = @transform_19, window_bounds = array<i64: 1, 8>}]} {
    %eq3A = arith.constant 0 : i32
    %eq3A_0 = arith.cmpi eq, %arg0, %eq3A : i32
    %convert_element_type3A = arith.extui %eq3A_0 : i1 to i32
    %cond3A = arith.constant 0 : i32
    %cond3A_1 = arith.cmpi ne, %convert_element_type3A, %cond3A : i32
    scf.if %cond3A_1 {
      %get3A_48 = arith.constant 0 : index
      %get3A_49 = arith.constant 0 : index
      %get3A_50 = vector.load %arg6[%get3A_48, %get3A_49] : memref<128x1024xf32, #tpu.memory_space<vmem>>, vector<128x128xf32>
      %get3A_51 = arith.constant 0 : index
      %get3A_52 = arith.constant 0 : index
      %get3A_53 = vector.load %arg7[%get3A_51, %get3A_52] : memref<128x1024xf32, #tpu.memory_space<vmem>>, vector<128x128xf32>
      %get3A_54 = arith.constant 0 : index
      %get3A_55 = arith.constant 0 : index
      %get3A_56 = vector.load %arg8[%get3A_54, %get3A_55] : memref<16x1024xf32, #tpu.memory_space<vmem>>, vector<16x128xf32>
      %get3A_57 = arith.constant 0 : index
      %get3A_58 = arith.constant 0 : index
      %get3A_59 = vector.load %arg9[%get3A_57, %get3A_58] : memref<1x1024xf32, #tpu.memory_space<vmem>>, vector<1x128xf32>
      %get3A_60 = arith.constant 0 : index
      %get3A_61 = arith.constant 0 : index
      %get3A_62 = vector.load %arg10[%get3A_60, %get3A_61] : memref<1x1024xf32, #tpu.memory_space<vmem>>, vector<1x128xf32>
      %dot_general3A_63 = arith.constant dense<0.000000e+00> : vector<128x128xf32>
      %dot_general3A_64 = tpu.matmul %get3A_50, %get3A_53, %dot_general3A_63 {dimension_numbers = #tpu.dot_dimension_numbers<[1], [1], [0], [0], [0, 0, 1, 0], [], []>, transpose_lhs_hint = false} : vector<128x128xf32>, vector<128x128xf32>, vector<128x128xf32> -> vector<128x128xf32>
      %convert_element_type3A_65 = arith.truncf %dot_general3A_64 : vector<128x128xf32> to vector<128x128xbf16>
      %swap3A_66 = arith.constant 0 : index
      %swap3A_67 = arith.constant 0 : index
      %swap3A_68 = vector.load %arg14[%swap3A_66, %swap3A_67] : memref<128x1024xbf16, #tpu.memory_space<vmem>>, vector<128x128xbf16>
      tpu.vector_store %arg14[%swap3A_66, %swap3A_67], %convert_element_type3A_65 {strides = array<i32>} : memref<128x1024xbf16, #tpu.memory_space<vmem>>, vector<128x128xbf16>,
      %dot_general3A_69 = arith.constant dense<0.000000e+00> : vector<128x16xf32>
      %dot_general3A_70 = tpu.matmul %get3A_50, %get3A_56, %dot_general3A_69 {dimension_numbers = #tpu.dot_dimension_numbers<[1], [1], [0], [0], [0, 0, 1, 0], [], []>, transpose_lhs_hint = false} : vector<128x128xf32>, vector<16x128xf32>, vector<128x16xf32> -> vector<128x16xf32>
      %convert_element_type3A_71 = arith.truncf %dot_general3A_70 : vector<128x16xf32> to vector<128x16xbf16>
      %swap3A_72 = arith.constant 0 : index
      %swap3A_73 = arith.constant 0 : index
      %swap3A_74 = vector.load %arg15[%swap3A_72, %swap3A_73] : memref<128x128xbf16, #tpu.memory_space<vmem>>, vector<128x16xbf16>
      tpu.vector_store %arg15[%swap3A_72, %swap3A_73], %convert_element_type3A_71 {strides = array<i32>} : memref<128x128xbf16, #tpu.memory_space<vmem>>, vector<128x16xbf16>,
      %swap3A_75 = arith.constant 0 : index
      %swap3A_76 = arith.constant 0 : index
      %swap3A_77 = vector.load %arg16[%swap3A_75, %swap3A_76] : memref<128x128xf32, #tpu.memory_space<vmem>>, vector<16x128xf32>
      tpu.vector_store %arg16[%swap3A_75, %swap3A_76], %get3A_56 {strides = array<i32>} : memref<128x128xf32, #tpu.memory_space<vmem>>, vector<16x128xf32>,
      %dot_general3A_78 = arith.constant dense<0.000000e+00> : vector<128x1xf32>
      %dot_general3A_79 = tpu.matmul %get3A_50, %get3A_62, %dot_general3A_78 {dimension_numbers = #tpu.dot_dimension_numbers<[1], [1], [0], [0], [0, 0, 1, 0], [], []>, transpose_lhs_hint = false} : vector<128x128xf32>, vector<1x128xf32>, vector<128x1xf32> -> vector<128x1xf32>
      %swap3A_80 = arith.constant 0 : index
      %swap3A_81 = arith.constant 0 : index
      %swap3A_82 = vector.load %arg17[%swap3A_80, %swap3A_81] : memref<128x8xf32, #tpu.memory_space<vmem>>, vector<128x1xf32>
      tpu.vector_store %arg17[%swap3A_80, %swap3A_81], %dot_general3A_79 {strides = array<i32>} : memref<128x8xf32, #tpu.memory_space<vmem>>, vector<128x1xf32>,
      %dot_general3A_83 = arith.constant dense<0.000000e+00> : vector<128x1xf32>
      %dot_general3A_84 = tpu.matmul %get3A_53, %get3A_59, %dot_general3A_83 {dimension_numbers = #tpu.dot_dimension_numbers<[1], [1], [0], [0], [0, 0, 1, 0], [], []>, transpose_lhs_hint = false} : vector<128x128xf32>, vector<1x128xf32>, vector<128x1xf32> -> vector<128x1xf32>
      %swap3A_85 = arith.constant 0 : index
      %swap3A_86 = arith.constant 0 : index
      %swap3A_87 = vector.load %arg18[%swap3A_85, %swap3A_86] : memref<128x8xf32, #tpu.memory_space<vmem>>, vector<128x1xf32>
      tpu.vector_store %arg18[%swap3A_85, %swap3A_86], %dot_general3A_84 {strides = array<i32>} : memref<128x8xf32, #tpu.memory_space<vmem>>, vector<128x1xf32>,
      %dot_general3A_88 = arith.constant dense<0.000000e+00> : vector<16x1xf32>
      %dot_general3A_89 = tpu.matmul %get3A_56, %get3A_59, %dot_general3A_88 {dimension_numbers = #tpu.dot_dimension_numbers<[1], [1], [0], [0], [0, 0, 1, 0], [], []>, transpose_lhs_hint = false} : vector<16x128xf32>, vector<1x128xf32>, vector<16x1xf32> -> vector<16x1xf32>
      %swap3A_90 = arith.constant 0 : index
      %swap3A_91 = arith.constant 0 : index
      %swap3A_92 = vector.load %arg19[%swap3A_90, %swap3A_91] : memref<16x8xf32, #tpu.memory_space<vmem>>, vector<16x1xf32>
      tpu.vector_store %arg19[%swap3A_90, %swap3A_91], %dot_general3A_89 {strides = array<i32>} : memref<16x8xf32, #tpu.memory_space<vmem>>, vector<16x1xf32>,
      %mul3A_93 = arith.mulf %get3A_59, %get3A_62 : vector<1x128xf32>
      %reduce_sum3A_94 = arith.constant dense<0.000000e+00> : vector<1xf32>
      %reduce_sum3A_95 = vector.multi_reduction <add>, %mul3A_93, %reduce_sum3A_94 [1] : vector<1x128xf32> to vector<1xf32>
      %broadcast_in_dim3A_96 = vector.shape_cast %reduce_sum3A_95 : vector<1xf32> to vector<1x1xf32>
      %swap3A_97 = arith.constant 0 : index
      %swap3A_98 = arith.constant 0 : index
      %swap3A_99 = vector.load %arg20[%swap3A_97, %swap3A_98] : memref<1x8xf32, #tpu.memory_space<vmem>>, vector<1x1xf32>
      tpu.vector_store %arg20[%swap3A_97, %swap3A_98], %broadcast_in_dim3A_96 {strides = array<i32>} : memref<1x8xf32, #tpu.memory_space<vmem>>, vector<1x1xf32>,
      %get3A_100 = arith.constant 0 : index
      %get3A_101 = arith.constant 128 : index
      %get3A_102 = vector.load %arg6[%get3A_100, %get3A_101] : memref<128x1024xf32, #tpu.memory_space<vmem>>, vector<128x128xf32>
      %get3A_103 = arith.constant 0 : index
      %get3A_104 = arith.constant 128 : index
      %get3A_105 = vector.load %arg7[%get3A_103, %get3A_104] : memref<128x1024xf32, #tpu.memory_space<vmem>>, vector<128x128xf32>
      %get3A_106 = arith.constant 0 : index
      %get3A_107 = arith.constant 128 : index
      %get3A_108 = vector.load %arg8[%get3A_106, %get3A_107] : memref<16x1024xf32, #tpu.memory_space<vmem>>, vector<16x128xf32>
      %get3A_109 = arith.constant 0 : index
      %get3A_110 = arith.constant 128 : index
      %get3A_111 = vector.load %arg9[%get3A_109, %get3A_110] : memref<1x1024xf32, #tpu.memory_space<vmem>>, vector<1x128xf32>
      %get3A_112 = arith.constant 0 : index
      %get3A_113 = arith.constant 128 : index
      %get3A_114 = vector.load %arg10[%get3A_112, %get3A_113] : memref<1x1024xf32, #tpu.memory_space<vmem>>, vector<1x128xf32>
      %dot_general3A_115 = arith.constant dense<0.000000e+00> : vector<128x128xf32>
      %dot_general3A_116 = tpu.matmul %get3A_102, %get3A_105, %dot_general3A_115 {dimension_numbers = #tpu.dot_dimension_numbers<[1], [1], [0], [0], [0, 0, 1, 0], [], []>, transpose_lhs_hint = false} : vector<128x128xf32>, vector<128x128xf32>, vector<128x128xf32> -> vector<128x128xf32>
      %convert_element_type3A_117 = arith.truncf %dot_general3A_116 : vector<128x128xf32> to vector<128x128xbf16>
      %swap3A_118 = arith.constant 0 : index
      %swap3A_119 = arith.constant 128 : index
      %swap3A_120 = vector.load %arg14[%swap3A_118, %swap3A_119] : memref<128x1024xbf16, #tpu.memory_space<vmem>>, vector<128x128xbf16>
      tpu.vector_store %arg14[%swap3A_118, %swap3A_119], %convert_element_type3A_117 {strides = array<i32>} : memref<128x1024xbf16, #tpu.memory_space<vmem>>, vector<128x128xbf16>,
      %dot_general3A_121 = arith.constant dense<0.000000e+00> : vector<128x16xf32>
      %dot_general3A_122 = tpu.matmul %get3A_102, %get3A_108, %dot_general3A_121 {dimension_numbers = #tpu.dot_dimension_numbers<[1], [1], [0], [0], [0, 0, 1, 0], [], []>, transpose_lhs_hint = false} : vector<128x128xf32>, vector<16x128xf32>, vector<128x16xf32> -> vector<128x16xf32>
      %convert_element_type3A_123 = arith.truncf %dot_general3A_122 : vector<128x16xf32> to vector<128x16xbf16>
      %swap3A_124 = arith.constant 0 : index
      %swap3A_125 = arith.constant 16 : index
      %swap3A_126 = vector.load %arg15[%swap3A_124, %swap3A_125] : memref<128x128xbf16, #tpu.memory_space<vmem>>, vector<128x16xbf16>
      tpu.vector_store %arg15[%swap3A_124, %swap3A_125], %convert_element_type3A_123 {strides = array<i32>} : memref<128x128xbf16, #tpu.memory_space<vmem>>, vector<128x16xbf16>,
      %swap3A_127 = arith.constant 16 : index
      %swap3A_128 = arith.constant 0 : index
      %swap3A_129 = vector.load %arg16[%swap3A_127, %swap3A_128] : memref<128x128xf32, #tpu.memory_space<vmem>>, vector<16x128xf32>
      tpu.vector_store %arg16[%swap3A_127, %swap3A_128], %get3A_108 {strides = array<i32>} : memref<128x128xf32, #tpu.memory_space<vmem>>, vector<16x128xf32>,
      %dot_general3A_130 = arith.constant dense<0.000000e+00> : vector<128x1xf32>
      %dot_general3A_131 = tpu.matmul %get3A_102, %get3A_114, %dot_general3A_130 {dimension_numbers = #tpu.dot_dimension_numbers<[1], [1], [0], [0], [0, 0, 1, 0], [], []>, transpose_lhs_hint = false} : vector<128x128xf32>, vector<1x128xf32>, vector<128x1xf32> -> vector<128x1xf32>
      %swap3A_132 = arith.constant 0 : index
      %swap3A_133 = arith.constant 1 : index
      %swap3A_134 = vector.load %arg17[%swap3A_132, %swap3A_133] : memref<128x8xf32, #tpu.memory_space<vmem>>, vector<128x1xf32>
      tpu.vector_store %arg17[%swap3A_132, %swap3A_133], %dot_general3A_131 {strides = array<i32>} : memref<128x8xf32, #tpu.memory_space<vmem>>, vector<128x1xf32>,
      %dot_general3A_135 = arith.constant dense<0.000000e+00> : vector<128x1xf32>
      %dot_general3A_136 = tpu.matmul %get3A_105, %get3A_111, %dot_general3A_135 {dimension_numbers = #tpu.dot_dimension_numbers<[1], [1], [0], [0], [0, 0, 1, 0], [], []>, transpose_lhs_hint = false} : vector<128x128xf32>, vector<1x128xf32>, vector<128x1xf32> -> vector<128x1xf32>
      %swap3A_137 = arith.constant 0 : index
      %swap3A_138 = arith.constant 1 : index
      %swap3A_139 = vector.load %arg18[%swap3A_137, %swap3A_138] : memref<128x8xf32, #tpu.memory_space<vmem>>, vector<128x1xf32>
      tpu.vector_store %arg18[%swap3A_137, %swap3A_138], %dot_general3A_136 {strides = array<i32>} : memref<128x8xf32, #tpu.memory_space<vmem>>, vector<128x1xf32>,
      %dot_general3A_140 = arith.constant dense<0.000000e+00> : vector<16x1xf32>
      %dot_general3A_141 = tpu.matmul %get3A_108, %get3A_111, %dot_general3A_140 {dimension_numbers = #tpu.dot_dimension_numbers<[1], [1], [0], [0], [0, 0, 1, 0], [], []>, transpose_lhs_hint = false} : vector<16x128xf32>, vector<1x128xf32>, vector<16x1xf32> -> vector<16x1xf32>
      %swap3A_142 = arith.constant 0 : index
      %swap3A_143 = arith.constant 1 : index
      %swap3A_144 = vector.load %arg19[%swap3A_142, %swap3A_143] : memref<16x8xf32, #tpu.memory_space<vmem>>, vector<16x1xf32>
      tpu.vector_store %arg19[%swap3A_142, %swap3A_143], %dot_general3A_141 {strides = array<i32>} : memref<16x8xf32, #tpu.memory_space<vmem>>, vector<16x1xf32>,
      %mul3A_145 = arith.mulf %get3A_111, %get3A_114 : vector<1x128xf32>
      %reduce_sum3A_146 = arith.constant dense<0.000000e+00> : vector<1xf32>
      %reduce_sum3A_147 = vector.multi_reduction <add>, %mul3A_145, %reduce_sum3A_146 [1] : vector<1x128xf32> to vector<1xf32>
      %broadcast_in_dim3A_148 = vector.shape_cast %reduce_sum3A_147 : vector<1xf32> to vector<1x1xf32>
      %swap3A_149 = arith.constant 0 : index
      %swap3A_150 = arith.constant 1 : index
      %swap3A_151 = vector.load %arg20[%swap3A_149, %swap3A_150] : memref<1x8xf32, #tpu.memory_space<vmem>>, vector<1x1xf32>
      tpu.vector_store %arg20[%swap3A_149, %swap3A_150], %broadcast_in_dim3A_148 {strides = array<i32>} : memref<1x8xf32, #tpu.memory_space<vmem>>, vector<1x1xf32>,
      %get3A_152 = arith.constant 0 : index
      %get3A_153 = arith.constant 256 : index
      %get3A_154 = vector.load %arg6[%get3A_152, %get3A_153] : memref<128x1024xf32, #tpu.memory_space<vmem>>, vector<128x128xf32>
      %get3A_155 = arith.constant 0 : index
      %get3A_156 = arith.constant 256 : index
      %get3A_157 = vector.load %arg7[%get3A_155, %get3A_156] : memref<128x1024xf32, #tpu.memory_space<vmem>>, vector<128x128xf32>
      %get3A_158 = arith.constant 0 : index
      %get3A_159 = arith.constant 256 : index
      %get3A_160 = vector.load %arg8[%get3A_158, %get3A_159] : memref<16x1024xf32, #tpu.memory_space<vmem>>, vector<16x128xf32>
      %get3A_161 = arith.constant 0 : index
      %get3A_162 = arith.constant 256 : index
      %get3A_163 = vector.load %arg9[%get3A_161, %get3A_162] : memref<1x1024xf32, #tpu.memory_space<vmem>>, vector<1x128xf32>
      %get3A_164 = arith.constant 0 : index
      %get3A_165 = arith.constant 256 : index
      %get3A_166 = vector.load %arg10[%get3A_164, %get3A_165] : memref<1x1024xf32, #tpu.memory_space<vmem>>, vector<1x128xf32>
      %dot_general3A_167 = arith.constant dense<0.000000e+00> : vector<128x128xf32>
      %dot_general3A_168 = tpu.matmul %get3A_154, %get3A_157, %dot_general3A_167 {dimension_numbers = #tpu.dot_dimension_numbers<[1], [1], [0], [0], [0, 0, 1, 0], [], []>, transpose_lhs_hint = false} : vector<128x128xf32>, vector<128x128xf32>, vector<128x128xf32> -> vector<128x128xf32>
      %convert_element_type3A_169 = arith.truncf %dot_general3A_168 : vector<128x128xf32> to vector<128x128xbf16>
      %swap3A_170 = arith.constant 0 : index
      %swap3A_171 = arith.constant 256 : index
      %swap3A_172 = vector.load %arg14[%swap3A_170, %swap3A_171] : memref<128x1024xbf16, #tpu.memory_space<vmem>>, vector<128x128xbf16>
      tpu.vector_store %arg14[%swap3A_170, %swap3A_171], %convert_element_type3A_169 {strides = array<i32>} : memref<128x1024xbf16, #tpu.memory_space<vmem>>, vector<128x128xbf16>,
      %dot_general3A_173 = arith.constant dense<0.000000e+00> : vector<128x16xf32>
      %dot_general3A_174 = tpu.matmul %get3A_154, %get3A_160, %dot_general3A_173 {dimension_numbers = #tpu.dot_dimension_numbers<[1], [1], [0], [0], [0, 0, 1, 0], [], []>, transpose_lhs_hint = false} : vector<128x128xf32>, vector<16x128xf32>, vector<128x16xf32> -> vector<128x16xf32>
      %convert_element_type3A_175 = arith.truncf %dot_general3A_174 : vector<128x16xf32> to vector<128x16xbf16>
      %swap3A_176 = arith.constant 0 : index
      %swap3A_177 = arith.constant 32 : index
      %swap3A_178 = vector.load %arg15[%swap3A_176, %swap3A_177] : memref<128x128xbf16, #tpu.memory_space<vmem>>, vector<128x16xbf16>
      tpu.vector_store %arg15[%swap3A_176, %swap3A_177], %convert_element_type3A_175 {strides = array<i32>} : memref<128x128xbf16, #tpu.memory_space<vmem>>, vector<128x16xbf16>,
      %swap3A_179 = arith.constant 32 : index
      %swap3A_180 = arith.constant 0 : index
      %swap3A_181 = vector.load %arg16[%swap3A_179, %swap3A_180] : memref<128x128xf32, #tpu.memory_space<vmem>>, vector<16x128xf32>
      tpu.vector_store %arg16[%swap3A_179, %swap3A_180], %get3A_160 {strides = array<i32>} : memref<128x128xf32, #tpu.memory_space<vmem>>, vector<16x128xf32>,
      %dot_general3A_182 = arith.constant dense<0.000000e+00> : vector<128x1xf32>
      %dot_general3A_183 = tpu.matmul %get3A_154, %get3A_166, %dot_general3A_182 {dimension_numbers = #tpu.dot_dimension_numbers<[1], [1], [0], [0], [0, 0, 1, 0], [], []>, transpose_lhs_hint = false} : vector<128x128xf32>, vector<1x128xf32>, vector<128x1xf32> -> vector<128x1xf32>
      %swap3A_184 = arith.constant 0 : index
      %swap3A_185 = arith.constant 2 : index
      %swap3A_186 = vector.load %arg17[%swap3A_184, %swap3A_185] : memref<128x8xf32, #tpu.memory_space<vmem>>, vector<128x1xf32>
      tpu.vector_store %arg17[%swap3A_184, %swap3A_185], %dot_general3A_183 {strides = array<i32>} : memref<128x8xf32, #tpu.memory_space<vmem>>, vector<128x1xf32>,
      %dot_general3A_187 = arith.constant dense<0.000000e+00> : vector<128x1xf32>
      %dot_general3A_188 = tpu.matmul %get3A_157, %get3A_163, %dot_general3A_187 {dimension_numbers = #tpu.dot_dimension_numbers<[1], [1], [0], [0], [0, 0, 1, 0], [], []>, transpose_lhs_hint = false} : vector<128x128xf32>, vector<1x128xf32>, vector<128x1xf32> -> vector<128x1xf32>
      %swap3A_189 = arith.constant 0 : index
      %swap3A_190 = arith.constant 2 : index
      %swap3A_191 = vector.load %arg18[%swap3A_189, %swap3A_190] : memref<128x8xf32, #tpu.memory_space<vmem>>, vector<128x1xf32>
      tpu.vector_store %arg18[%swap3A_189, %swap3A_190], %dot_general3A_188 {strides = array<i32>} : memref<128x8xf32, #tpu.memory_space<vmem>>, vector<128x1xf32>,
      %dot_general3A_192 = arith.constant dense<0.000000e+00> : vector<16x1xf32>
      %dot_general3A_193 = tpu.matmul %get3A_160, %get3A_163, %dot_general3A_192 {dimension_numbers = #tpu.dot_dimension_numbers<[1], [1], [0], [0], [0, 0, 1, 0], [], []>, transpose_lhs_hint = false} : vector<16x128xf32>, vector<1x128xf32>, vector<16x1xf32> -> vector<16x1xf32>
      %swap3A_194 = arith.constant 0 : index
      %swap3A_195 = arith.constant 2 : index
      %swap3A_196 = vector.load %arg19[%swap3A_194, %swap3A_195] : memref<16x8xf32, #tpu.memory_space<vmem>>, vector<16x1xf32>
      tpu.vector_store %arg19[%swap3A_194, %swap3A_195], %dot_general3A_193 {strides = array<i32>} : memref<16x8xf32, #tpu.memory_space<vmem>>, vector<16x1xf32>,
      %mul3A_197 = arith.mulf %get3A_163, %get3A_166 : vector<1x128xf32>
      %reduce_sum3A_198 = arith.constant dense<0.000000e+00> : vector<1xf32>
      %reduce_sum3A_199 = vector.multi_reduction <add>, %mul3A_197, %reduce_sum3A_198 [1] : vector<1x128xf32> to vector<1xf32>
      %broadcast_in_dim3A_200 = vector.shape_cast %reduce_sum3A_199 : vector<1xf32> to vector<1x1xf32>
      %swap3A_201 = arith.constant 0 : index
      %swap3A_202 = arith.constant 2 : index
      %swap3A_203 = vector.load %arg20[%swap3A_201, %swap3A_202] : memref<1x8xf32, #tpu.memory_space<vmem>>, vector<1x1xf32>
      tpu.vector_store %arg20[%swap3A_201, %swap3A_202], %broadcast_in_dim3A_200 {strides = array<i32>} : memref<1x8xf32, #tpu.memory_space<vmem>>, vector<1x1xf32>,
      %get3A_204 = arith.constant 0 : index
      %get3A_205 = arith.constant 384 : index
      %get3A_206 = vector.load %arg6[%get3A_204, %get3A_205] : memref<128x1024xf32, #tpu.memory_space<vmem>>, vector<128x128xf32>
      %get3A_207 = arith.constant 0 : index
      %get3A_208 = arith.constant 384 : index
      %get3A_209 = vector.load %arg7[%get3A_207, %get3A_208] : memref<128x1024xf32, #tpu.memory_space<vmem>>, vector<128x128xf32>
      %get3A_210 = arith.constant 0 : index
      %get3A_211 = arith.constant 384 : index
      %get3A_212 = vector.load %arg8[%get3A_210, %get3A_211] : memref<16x1024xf32, #tpu.memory_space<vmem>>, vector<16x128xf32>
      %get3A_213 = arith.constant 0 : index
      %get3A_214 = arith.constant 384 : index
      %get3A_215 = vector.load %arg9[%get3A_213, %get3A_214] : memref<1x1024xf32, #tpu.memory_space<vmem>>, vector<1x128xf32>
      %get3A_216 = arith.constant 0 : index
      %get3A_217 = arith.constant 384 : index
      %get3A_218 = vector.load %arg10[%get3A_216, %get3A_217] : memref<1x1024xf32, #tpu.memory_space<vmem>>, vector<1x128xf32>
      %dot_general3A_219 = arith.constant dense<0.000000e+00> : vector<128x128xf32>
      %dot_general3A_220 = tpu.matmul %get3A_206, %get3A_209, %dot_general3A_219 {dimension_numbers = #tpu.dot_dimension_numbers<[1], [1], [0], [0], [0, 0, 1, 0], [], []>, transpose_lhs_hint = false} : vector<128x128xf32>, vector<128x128xf32>, vector<128x128xf32> -> vector<128x128xf32>
      %convert_element_type3A_221 = arith.truncf %dot_general3A_220 : vector<128x128xf32> to vector<128x128xbf16>
      %swap3A_222 = arith.constant 0 : index
      %swap3A_223 = arith.constant 384 : index
      %swap3A_224 = vector.load %arg14[%swap3A_222, %swap3A_223] : memref<128x1024xbf16, #tpu.memory_space<vmem>>, vector<128x128xbf16>
      tpu.vector_store %arg14[%swap3A_222, %swap3A_223], %convert_element_type3A_221 {strides = array<i32>} : memref<128x1024xbf16, #tpu.memory_space<vmem>>, vector<128x128xbf16>,
      %dot_general3A_225 = arith.constant dense<0.000000e+00> : vector<128x16xf32>
      %dot_general3A_226 = tpu.matmul %get3A_206, %get3A_212, %dot_general3A_225 {dimension_numbers = #tpu.dot_dimension_numbers<[1], [1], [0], [0], [0, 0, 1, 0], [], []>, transpose_lhs_hint = false} : vector<128x128xf32>, vector<16x128xf32>, vector<128x16xf32> -> vector<128x16xf32>
      %convert_element_type3A_227 = arith.truncf %dot_general3A_226 : vector<128x16xf32> to vector<128x16xbf16>
      %swap3A_228 = arith.constant 0 : index
      %swap3A_229 = arith.constant 48 : index
      %swap3A_230 = vector.load %arg15[%swap3A_228, %swap3A_229] : memref<128x128xbf16, #tpu.memory_space<vmem>>, vector<128x16xbf16>
      tpu.vector_store %arg15[%swap3A_228, %swap3A_229], %convert_element_type3A_227 {strides = array<i32>} : memref<128x128xbf16, #tpu.memory_space<vmem>>, vector<128x16xbf16>,
      %swap3A_231 = arith.constant 48 : index
      %swap3A_232 = arith.constant 0 : index
      %swap3A_233 = vector.load %arg16[%swap3A_231, %swap3A_232] : memref<128x128xf32, #tpu.memory_space<vmem>>, vector<16x128xf32>
      tpu.vector_store %arg16[%swap3A_231, %swap3A_232], %get3A_212 {strides = array<i32>} : memref<128x128xf32, #tpu.memory_space<vmem>>, vector<16x128xf32>,
      %dot_general3A_234 = arith.constant dense<0.000000e+00> : vector<128x1xf32>
      %dot_general3A_235 = tpu.matmul %get3A_206, %get3A_218, %dot_general3A_234 {dimension_numbers = #tpu.dot_dimension_numbers<[1], [1], [0], [0], [0, 0, 1, 0], [], []>, transpose_lhs_hint = false} : vector<128x128xf32>, vector<1x128xf32>, vector<128x1xf32> -> vector<128x1xf32>
      %swap3A_236 = arith.constant 0 : index
      %swap3A_237 = arith.constant 3 : index
      %swap3A_238 = vector.load %arg17[%swap3A_236, %swap3A_237] : memref<128x8xf32, #tpu.memory_space<vmem>>, vector<128x1xf32>
      tpu.vector_store %arg17[%swap3A_236, %swap3A_237], %dot_general3A_235 {strides = array<i32>} : memref<128x8xf32, #tpu.memory_space<vmem>>, vector<128x1xf32>,
      %dot_general3A_239 = arith.constant dense<0.000000e+00> : vector<128x1xf32>
      %dot_general3A_240 = tpu.matmul %get3A_209, %get3A_215, %dot_general3A_239 {dimension_numbers = #tpu.dot_dimension_numbers<[1], [1], [0], [0], [0, 0, 1, 0], [], []>, transpose_lhs_hint = false} : vector<128x128xf32>, vector<1x128xf32>, vector<128x1xf32> -> vector<128x1xf32>
      %swap3A_241 = arith.constant 0 : index
      %swap3A_242 = arith.constant 3 : index
      %swap3A_243 = vector.load %arg18[%swap3A_241, %swap3A_242] : memref<128x8xf32, #tpu.memory_space<vmem>>, vector<128x1xf32>
      tpu.vector_store %arg18[%swap3A_241, %swap3A_242], %dot_general3A_240 {strides = array<i32>} : memref<128x8xf32, #tpu.memory_space<vmem>>, vector<128x1xf32>,
      %dot_general3A_244 = arith.constant dense<0.000000e+00> : vector<16x1xf32>
      %dot_general3A_245 = tpu.matmul %get3A_212, %get3A_215, %dot_general3A_244 {dimension_numbers = #tpu.dot_dimension_numbers<[1], [1], [0], [0], [0, 0, 1, 0], [], []>, transpose_lhs_hint = false} : vector<16x128xf32>, vector<1x128xf32>, vector<16x1xf32> -> vector<16x1xf32>
      %swap3A_246 = arith.constant 0 : index
      %swap3A_247 = arith.constant 3 : index
      %swap3A_248 = vector.load %arg19[%swap3A_246, %swap3A_247] : memref<16x8xf32, #tpu.memory_space<vmem>>, vector<16x1xf32>
      tpu.vector_store %arg19[%swap3A_246, %swap3A_247], %dot_general3A_245 {strides = array<i32>} : memref<16x8xf32, #tpu.memory_space<vmem>>, vector<16x1xf32>,
      %mul3A_249 = arith.mulf %get3A_215, %get3A_218 : vector<1x128xf32>
      %reduce_sum3A_250 = arith.constant dense<0.000000e+00> : vector<1xf32>
      %reduce_sum3A_251 = vector.multi_reduction <add>, %mul3A_249, %reduce_sum3A_250 [1] : vector<1x128xf32> to vector<1xf32>
      %broadcast_in_dim3A_252 = vector.shape_cast %reduce_sum3A_251 : vector<1xf32> to vector<1x1xf32>
      %swap3A_253 = arith.constant 0 : index
      %swap3A_254 = arith.constant 3 : index
      %swap3A_255 = vector.load %arg20[%swap3A_253, %swap3A_254] : memref<1x8xf32, #tpu.memory_space<vmem>>, vector<1x1xf32>
      tpu.vector_store %arg20[%swap3A_253, %swap3A_254], %broadcast_in_dim3A_252 {strides = array<i32>} : memref<1x8xf32, #tpu.memory_space<vmem>>, vector<1x1xf32>,
      %get3A_256 = arith.constant 0 : index
      %get3A_257 = arith.constant 512 : index
      %get3A_258 = vector.load %arg6[%get3A_256, %get3A_257] : memref<128x1024xf32, #tpu.memory_space<vmem>>, vector<128x128xf32>
      %get3A_259 = arith.constant 0 : index
      %get3A_260 = arith.constant 512 : index
      %get3A_261 = vector.load %arg7[%get3A_259, %get3A_260] : memref<128x1024xf32, #tpu.memory_space<vmem>>, vector<128x128xf32>
      %get3A_262 = arith.constant 0 : index
      %get3A_263 = arith.constant 512 : index
      %get3A_264 = vector.load %arg8[%get3A_262, %get3A_263] : memref<16x1024xf32, #tpu.memory_space<vmem>>, vector<16x128xf32>
      %get3A_265 = arith.constant 0 : index
      %get3A_266 = arith.constant 512 : index
      %get3A_267 = vector.load %arg9[%get3A_265, %get3A_266] : memref<1x1024xf32, #tpu.memory_space<vmem>>, vector<1x128xf32>
      %get3A_268 = arith.constant 0 : index
      %get3A_269 = arith.constant 512 : index
      %get3A_270 = vector.load %arg10[%get3A_268, %get3A_269] : memref<1x1024xf32, #tpu.memory_space<vmem>>, vector<1x128xf32>
      %dot_general3A_271 = arith.constant dense<0.000000e+00> : vector<128x128xf32>
      %dot_general3A_272 = tpu.matmul %get3A_258, %get3A_261, %dot_general3A_271 {dimension_numbers = #tpu.dot_dimension_numbers<[1], [1], [0], [0], [0, 0, 1, 0], [], []>, transpose_lhs_hint = false} : vector<128x128xf32>, vector<128x128xf32>, vector<128x128xf32> -> vector<128x128xf32>
      %convert_element_type3A_273 = arith.truncf %dot_general3A_272 : vector<128x128xf32> to vector<128x128xbf16>
      %swap3A_274 = arith.constant 0 : index
      %swap3A_275 = arith.constant 512 : index
      %swap3A_276 = vector.load %arg14[%swap3A_274, %swap3A_275] : memref<128x1024xbf16, #tpu.memory_space<vmem>>, vector<128x128xbf16>
      tpu.vector_store %arg14[%swap3A_274, %swap3A_275], %convert_element_type3A_273 {strides = array<i32>} : memref<128x1024xbf16, #tpu.memory_space<vmem>>, vector<128x128xbf16>,
      %dot_general3A_277 = arith.constant dense<0.000000e+00> : vector<128x16xf32>
      %dot_general3A_278 = tpu.matmul %get3A_258, %get3A_264, %dot_general3A_277 {dimension_numbers = #tpu.dot_dimension_numbers<[1], [1], [0], [0], [0, 0, 1, 0], [], []>, transpose_lhs_hint = false} : vector<128x128xf32>, vector<16x128xf32>, vector<128x16xf32> -> vector<128x16xf32>
      %convert_element_type3A_279 = arith.truncf %dot_general3A_278 : vector<128x16xf32> to vector<128x16xbf16>
      %swap3A_280 = arith.constant 0 : index
      %swap3A_281 = arith.constant 64 : index
      %swap3A_282 = vector.load %arg15[%swap3A_280, %swap3A_281] : memref<128x128xbf16, #tpu.memory_space<vmem>>, vector<128x16xbf16>
      tpu.vector_store %arg15[%swap3A_280, %swap3A_281], %convert_element_type3A_279 {strides = array<i32>} : memref<128x128xbf16, #tpu.memory_space<vmem>>, vector<128x16xbf16>,
      %swap3A_283 = arith.constant 64 : index
      %swap3A_284 = arith.constant 0 : index
      %swap3A_285 = vector.load %arg16[%swap3A_283, %swap3A_284] : memref<128x128xf32, #tpu.memory_space<vmem>>, vector<16x128xf32>
      tpu.vector_store %arg16[%swap3A_283, %swap3A_284], %get3A_264 {strides = array<i32>} : memref<128x128xf32, #tpu.memory_space<vmem>>, vector<16x128xf32>,
      %dot_general3A_286 = arith.constant dense<0.000000e+00> : vector<128x1xf32>
      %dot_general3A_287 = tpu.matmul %get3A_258, %get3A_270, %dot_general3A_286 {dimension_numbers = #tpu.dot_dimension_numbers<[1], [1], [0], [0], [0, 0, 1, 0], [], []>, transpose_lhs_hint = false} : vector<128x128xf32>, vector<1x128xf32>, vector<128x1xf32> -> vector<128x1xf32>
      %swap3A_288 = arith.constant 0 : index
      %swap3A_289 = arith.constant 4 : index
      %swap3A_290 = vector.load %arg17[%swap3A_288, %swap3A_289] : memref<128x8xf32, #tpu.memory_space<vmem>>, vector<128x1xf32>
      tpu.vector_store %arg17[%swap3A_288, %swap3A_289], %dot_general3A_287 {strides = array<i32>} : memref<128x8xf32, #tpu.memory_space<vmem>>, vector<128x1xf32>,
      %dot_general3A_291 = arith.constant dense<0.000000e+00> : vector<128x1xf32>
      %dot_general3A_292 = tpu.matmul %get3A_261, %get3A_267, %dot_general3A_291 {dimension_numbers = #tpu.dot_dimension_numbers<[1], [1], [0], [0], [0, 0, 1, 0], [], []>, transpose_lhs_hint = false} : vector<128x128xf32>, vector<1x128xf32>, vector<128x1xf32> -> vector<128x1xf32>
      %swap3A_293 = arith.constant 0 : index
      %swap3A_294 = arith.constant 4 : index
      %swap3A_295 = vector.load %arg18[%swap3A_293, %swap3A_294] : memref<128x8xf32, #tpu.memory_space<vmem>>, vector<128x1xf32>
      tpu.vector_store %arg18[%swap3A_293, %swap3A_294], %dot_general3A_292 {strides = array<i32>} : memref<128x8xf32, #tpu.memory_space<vmem>>, vector<128x1xf32>,
      %dot_general3A_296 = arith.constant dense<0.000000e+00> : vector<16x1xf32>
      %dot_general3A_297 = tpu.matmul %get3A_264, %get3A_267, %dot_general3A_296 {dimension_numbers = #tpu.dot_dimension_numbers<[1], [1], [0], [0], [0, 0, 1, 0], [], []>, transpose_lhs_hint = false} : vector<16x128xf32>, vector<1x128xf32>, vector<16x1xf32> -> vector<16x1xf32>
      %swap3A_298 = arith.constant 0 : index
      %swap3A_299 = arith.constant 4 : index
      %swap3A_300 = vector.load %arg19[%swap3A_298, %swap3A_299] : memref<16x8xf32, #tpu.memory_space<vmem>>, vector<16x1xf32>
      tpu.vector_store %arg19[%swap3A_298, %swap3A_299], %dot_general3A_297 {strides = array<i32>} : memref<16x8xf32, #tpu.memory_space<vmem>>, vector<16x1xf32>,
      %mul3A_301 = arith.mulf %get3A_267, %get3A_270 : vector<1x128xf32>
      %reduce_sum3A_302 = arith.constant dense<0.000000e+00> : vector<1xf32>
      %reduce_sum3A_303 = vector.multi_reduction <add>, %mul3A_301, %reduce_sum3A_302 [1] : vector<1x128xf32> to vector<1xf32>
      %broadcast_in_dim3A_304 = vector.shape_cast %reduce_sum3A_303 : vector<1xf32> to vector<1x1xf32>
      %swap3A_305 = arith.constant 0 : index
      %swap3A_306 = arith.constant 4 : index
      %swap3A_307 = vector.load %arg20[%swap3A_305, %swap3A_306] : memref<1x8xf32, #tpu.memory_space<vmem>>, vector<1x1xf32>
      tpu.vector_store %arg20[%swap3A_305, %swap3A_306], %broadcast_in_dim3A_304 {strides = array<i32>} : memref<1x8xf32, #tpu.memory_space<vmem>>, vector<1x1xf32>,
      %get3A_308 = arith.constant 0 : index
      %get3A_309 = arith.constant 640 : index
      %get3A_310 = vector.load %arg6[%get3A_308, %get3A_309] : memref<128x1024xf32, #tpu.memory_space<vmem>>, vector<128x128xf32>
      %get3A_311 = arith.constant 0 : index
      %get3A_312 = arith.constant 640 : index
      %get3A_313 = vector.load %arg7[%get3A_311, %get3A_312] : memref<128x1024xf32, #tpu.memory_space<vmem>>, vector<128x128xf32>
      %get3A_314 = arith.constant 0 : index
      %get3A_315 = arith.constant 640 : index
      %get3A_316 = vector.load %arg8[%get3A_314, %get3A_315] : memref<16x1024xf32, #tpu.memory_space<vmem>>, vector<16x128xf32>
      %get3A_317 = arith.constant 0 : index
      %get3A_318 = arith.constant 640 : index
      %get3A_319 = vector.load %arg9[%get3A_317, %get3A_318] : memref<1x1024xf32, #tpu.memory_space<vmem>>, vector<1x128xf32>
      %get3A_320 = arith.constant 0 : index
      %get3A_321 = arith.constant 640 : index
      %get3A_322 = vector.load %arg10[%get3A_320, %get3A_321] : memref<1x1024xf32, #tpu.memory_space<vmem>>, vector<1x128xf32>
      %dot_general3A_323 = arith.constant dense<0.000000e+00> : vector<128x128xf32>
      %dot_general3A_324 = tpu.matmul %get3A_310, %get3A_313, %dot_general3A_323 {dimension_numbers = #tpu.dot_dimension_numbers<[1], [1], [0], [0], [0, 0, 1, 0], [], []>, transpose_lhs_hint = false} : vector<128x128xf32>, vector<128x128xf32>, vector<128x128xf32> -> vector<128x128xf32>
      %convert_element_type3A_325 = arith.truncf %dot_general3A_324 : vector<128x128xf32> to vector<128x128xbf16>
      %swap3A_326 = arith.constant 0 : index
      %swap3A_327 = arith.constant 640 : index
      %swap3A_328 = vector.load %arg14[%swap3A_326, %swap3A_327] : memref<128x1024xbf16, #tpu.memory_space<vmem>>, vector<128x128xbf16>
      tpu.vector_store %arg14[%swap3A_326, %swap3A_327], %convert_element_type3A_325 {strides = array<i32>} : memref<128x1024xbf16, #tpu.memory_space<vmem>>, vector<128x128xbf16>,
      %dot_general3A_329 = arith.constant dense<0.000000e+00> : vector<128x16xf32>
      %dot_general3A_330 = tpu.matmul %get3A_310, %get3A_316, %dot_general3A_329 {dimension_numbers = #tpu.dot_dimension_numbers<[1], [1], [0], [0], [0, 0, 1, 0], [], []>, transpose_lhs_hint = false} : vector<128x128xf32>, vector<16x128xf32>, vector<128x16xf32> -> vector<128x16xf32>
      %convert_element_type3A_331 = arith.truncf %dot_general3A_330 : vector<128x16xf32> to vector<128x16xbf16>
      %swap3A_332 = arith.constant 0 : index
      %swap3A_333 = arith.constant 80 : index
      %swap3A_334 = vector.load %arg15[%swap3A_332, %swap3A_333] : memref<128x128xbf16, #tpu.memory_space<vmem>>, vector<128x16xbf16>
      tpu.vector_store %arg15[%swap3A_332, %swap3A_333], %convert_element_type3A_331 {strides = array<i32>} : memref<128x128xbf16, #tpu.memory_space<vmem>>, vector<128x16xbf16>,
      %swap3A_335 = arith.constant 80 : index
      %swap3A_336 = arith.constant 0 : index
      %swap3A_337 = vector.load %arg16[%swap3A_335, %swap3A_336] : memref<128x128xf32, #tpu.memory_space<vmem>>, vector<16x128xf32>
      tpu.vector_store %arg16[%swap3A_335, %swap3A_336], %get3A_316 {strides = array<i32>} : memref<128x128xf32, #tpu.memory_space<vmem>>, vector<16x128xf32>,
      %dot_general3A_338 = arith.constant dense<0.000000e+00> : vector<128x1xf32>
      %dot_general3A_339 = tpu.matmul %get3A_310, %get3A_322, %dot_general3A_338 {dimension_numbers = #tpu.dot_dimension_numbers<[1], [1], [0], [0], [0, 0, 1, 0], [], []>, transpose_lhs_hint = false} : vector<128x128xf32>, vector<1x128xf32>, vector<128x1xf32> -> vector<128x1xf32>
      %swap3A_340 = arith.constant 0 : index
      %swap3A_341 = arith.constant 5 : index
      %swap3A_342 = vector.load %arg17[%swap3A_340, %swap3A_341] : memref<128x8xf32, #tpu.memory_space<vmem>>, vector<128x1xf32>
      tpu.vector_store %arg17[%swap3A_340, %swap3A_341], %dot_general3A_339 {strides = array<i32>} : memref<128x8xf32, #tpu.memory_space<vmem>>, vector<128x1xf32>,
      %dot_general3A_343 = arith.constant dense<0.000000e+00> : vector<128x1xf32>
      %dot_general3A_344 = tpu.matmul %get3A_313, %get3A_319, %dot_general3A_343 {dimension_numbers = #tpu.dot_dimension_numbers<[1], [1], [0], [0], [0, 0, 1, 0], [], []>, transpose_lhs_hint = false} : vector<128x128xf32>, vector<1x128xf32>, vector<128x1xf32> -> vector<128x1xf32>
      %swap3A_345 = arith.constant 0 : index
      %swap3A_346 = arith.constant 5 : index
      %swap3A_347 = vector.load %arg18[%swap3A_345, %swap3A_346] : memref<128x8xf32, #tpu.memory_space<vmem>>, vector<128x1xf32>
      tpu.vector_store %arg18[%swap3A_345, %swap3A_346], %dot_general3A_344 {strides = array<i32>} : memref<128x8xf32, #tpu.memory_space<vmem>>, vector<128x1xf32>,
      %dot_general3A_348 = arith.constant dense<0.000000e+00> : vector<16x1xf32>
      %dot_general3A_349 = tpu.matmul %get3A_316, %get3A_319, %dot_general3A_348 {dimension_numbers = #tpu.dot_dimension_numbers<[1], [1], [0], [0], [0, 0, 1, 0], [], []>, transpose_lhs_hint = false} : vector<16x128xf32>, vector<1x128xf32>, vector<16x1xf32> -> vector<16x1xf32>
      %swap3A_350 = arith.constant 0 : index
      %swap3A_351 = arith.constant 5 : index
      %swap3A_352 = vector.load %arg19[%swap3A_350, %swap3A_351] : memref<16x8xf32, #tpu.memory_space<vmem>>, vector<16x1xf32>
      tpu.vector_store %arg19[%swap3A_350, %swap3A_351], %dot_general3A_349 {strides = array<i32>} : memref<16x8xf32, #tpu.memory_space<vmem>>, vector<16x1xf32>,
      %mul3A_353 = arith.mulf %get3A_319, %get3A_322 : vector<1x128xf32>
      %reduce_sum3A_354 = arith.constant dense<0.000000e+00> : vector<1xf32>
      %reduce_sum3A_355 = vector.multi_reduction <add>, %mul3A_353, %reduce_sum3A_354 [1] : vector<1x128xf32> to vector<1xf32>
      %broadcast_in_dim3A_356 = vector.shape_cast %reduce_sum3A_355 : vector<1xf32> to vector<1x1xf32>
      %swap3A_357 = arith.constant 0 : index
      %swap3A_358 = arith.constant 5 : index
      %swap3A_359 = vector.load %arg20[%swap3A_357, %swap3A_358] : memref<1x8xf32, #tpu.memory_space<vmem>>, vector<1x1xf32>
      tpu.vector_store %arg20[%swap3A_357, %swap3A_358], %broadcast_in_dim3A_356 {strides = array<i32>} : memref<1x8xf32, #tpu.memory_space<vmem>>, vector<1x1xf32>,
      %get3A_360 = arith.constant 0 : index
      %get3A_361 = arith.constant 768 : index
      %get3A_362 = vector.load %arg6[%get3A_360, %get3A_361] : memref<128x1024xf32, #tpu.memory_space<vmem>>, vector<128x128xf32>
      %get3A_363 = arith.constant 0 : index
      %get3A_364 = arith.constant 768 : index
      %get3A_365 = vector.load %arg7[%get3A_363, %get3A_364] : memref<128x1024xf32, #tpu.memory_space<vmem>>, vector<128x128xf32>
      %get3A_366 = arith.constant 0 : index
      %get3A_367 = arith.constant 768 : index
      %get3A_368 = vector.load %arg8[%get3A_366, %get3A_367] : memref<16x1024xf32, #tpu.memory_space<vmem>>, vector<16x128xf32>
      %get3A_369 = arith.constant 0 : index
      %get3A_370 = arith.constant 768 : index
      %get3A_371 = vector.load %arg9[%get3A_369, %get3A_370] : memref<1x1024xf32, #tpu.memory_space<vmem>>, vector<1x128xf32>
      %get3A_372 = arith.constant 0 : index
      %get3A_373 = arith.constant 768 : index
      %get3A_374 = vector.load %arg10[%get3A_372, %get3A_373] : memref<1x1024xf32, #tpu.memory_space<vmem>>, vector<1x128xf32>
      %dot_general3A_375 = arith.constant dense<0.000000e+00> : vector<128x128xf32>
      %dot_general3A_376 = tpu.matmul %get3A_362, %get3A_365, %dot_general3A_375 {dimension_numbers = #tpu.dot_dimension_numbers<[1], [1], [0], [0], [0, 0, 1, 0], [], []>, transpose_lhs_hint = false} : vector<128x128xf32>, vector<128x128xf32>, vector<128x128xf32> -> vector<128x128xf32>
      %convert_element_type3A_377 = arith.truncf %dot_general3A_376 : vector<128x128xf32> to vector<128x128xbf16>
      %swap3A_378 = arith.constant 0 : index
      %swap3A_379 = arith.constant 768 : index
      %swap3A_380 = vector.load %arg14[%swap3A_378, %swap3A_379] : memref<128x1024xbf16, #tpu.memory_space<vmem>>, vector<128x128xbf16>
      tpu.vector_store %arg14[%swap3A_378, %swap3A_379], %convert_element_type3A_377 {strides = array<i32>} : memref<128x1024xbf16, #tpu.memory_space<vmem>>, vector<128x128xbf16>,
      %dot_general3A_381 = arith.constant dense<0.000000e+00> : vector<128x16xf32>
      %dot_general3A_382 = tpu.matmul %get3A_362, %get3A_368, %dot_general3A_381 {dimension_numbers = #tpu.dot_dimension_numbers<[1], [1], [0], [0], [0, 0, 1, 0], [], []>, transpose_lhs_hint = false} : vector<128x128xf32>, vector<16x128xf32>, vector<128x16xf32> -> vector<128x16xf32>
      %convert_element_type3A_383 = arith.truncf %dot_general3A_382 : vector<128x16xf32> to vector<128x16xbf16>
      %swap3A_384 = arith.constant 0 : index
      %swap3A_385 = arith.constant 96 : index
      %swap3A_386 = vector.load %arg15[%swap3A_384, %swap3A_385] : memref<128x128xbf16, #tpu.memory_space<vmem>>, vector<128x16xbf16>
      tpu.vector_store %arg15[%swap3A_384, %swap3A_385], %convert_element_type3A_383 {strides = array<i32>} : memref<128x128xbf16, #tpu.memory_space<vmem>>, vector<128x16xbf16>,
      %swap3A_387 = arith.constant 96 : index
      %swap3A_388 = arith.constant 0 : index
      %swap3A_389 = vector.load %arg16[%swap3A_387, %swap3A_388] : memref<128x128xf32, #tpu.memory_space<vmem>>, vector<16x128xf32>
      tpu.vector_store %arg16[%swap3A_387, %swap3A_388], %get3A_368 {strides = array<i32>} : memref<128x128xf32, #tpu.memory_space<vmem>>, vector<16x128xf32>,
      %dot_general3A_390 = arith.constant dense<0.000000e+00> : vector<128x1xf32>
      %dot_general3A_391 = tpu.matmul %get3A_362, %get3A_374, %dot_general3A_390 {dimension_numbers = #tpu.dot_dimension_numbers<[1], [1], [0], [0], [0, 0, 1, 0], [], []>, transpose_lhs_hint = false} : vector<128x128xf32>, vector<1x128xf32>, vector<128x1xf32> -> vector<128x1xf32>
      %swap3A_392 = arith.constant 0 : index
      %swap3A_393 = arith.constant 6 : index
      %swap3A_394 = vector.load %arg17[%swap3A_392, %swap3A_393] : memref<128x8xf32, #tpu.memory_space<vmem>>, vector<128x1xf32>
      tpu.vector_store %arg17[%swap3A_392, %swap3A_393], %dot_general3A_391 {strides = array<i32>} : memref<128x8xf32, #tpu.memory_space<vmem>>, vector<128x1xf32>,
      %dot_general3A_395 = arith.constant dense<0.000000e+00> : vector<128x1xf32>
      %dot_general3A_396 = tpu.matmul %get3A_365, %get3A_371, %dot_general3A_395 {dimension_numbers = #tpu.dot_dimension_numbers<[1], [1], [0], [0], [0, 0, 1, 0], [], []>, transpose_lhs_hint = false} : vector<128x128xf32>, vector<1x128xf32>, vector<128x1xf32> -> vector<128x1xf32>
      %swap3A_397 = arith.constant 0 : index
      %swap3A_398 = arith.constant 6 : index
      %swap3A_399 = vector.load %arg18[%swap3A_397, %swap3A_398] : memref<128x8xf32, #tpu.memory_space<vmem>>, vector<128x1xf32>
      tpu.vector_store %arg18[%swap3A_397, %swap3A_398], %dot_general3A_396 {strides = array<i32>} : memref<128x8xf32, #tpu.memory_space<vmem>>, vector<128x1xf32>,
      %dot_general3A_400 = arith.constant dense<0.000000e+00> : vector<16x1xf32>
      %dot_general3A_401 = tpu.matmul %get3A_368, %get3A_371, %dot_general3A_400 {dimension_numbers = #tpu.dot_dimension_numbers<[1], [1], [0], [0], [0, 0, 1, 0], [], []>, transpose_lhs_hint = false} : vector<16x128xf32>, vector<1x128xf32>, vector<16x1xf32> -> vector<16x1xf32>
      %swap3A_402 = arith.constant 0 : index
      %swap3A_403 = arith.constant 6 : index
      %swap3A_404 = vector.load %arg19[%swap3A_402, %swap3A_403] : memref<16x8xf32, #tpu.memory_space<vmem>>, vector<16x1xf32>
      tpu.vector_store %arg19[%swap3A_402, %swap3A_403], %dot_general3A_401 {strides = array<i32>} : memref<16x8xf32, #tpu.memory_space<vmem>>, vector<16x1xf32>,
      %mul3A_405 = arith.mulf %get3A_371, %get3A_374 : vector<1x128xf32>
      %reduce_sum3A_406 = arith.constant dense<0.000000e+00> : vector<1xf32>
      %reduce_sum3A_407 = vector.multi_reduction <add>, %mul3A_405, %reduce_sum3A_406 [1] : vector<1x128xf32> to vector<1xf32>
      %broadcast_in_dim3A_408 = vector.shape_cast %reduce_sum3A_407 : vector<1xf32> to vector<1x1xf32>
      %swap3A_409 = arith.constant 0 : index
      %swap3A_410 = arith.constant 6 : index
      %swap3A_411 = vector.load %arg20[%swap3A_409, %swap3A_410] : memref<1x8xf32, #tpu.memory_space<vmem>>, vector<1x1xf32>
      tpu.vector_store %arg20[%swap3A_409, %swap3A_410], %broadcast_in_dim3A_408 {strides = array<i32>} : memref<1x8xf32, #tpu.memory_space<vmem>>, vector<1x1xf32>,
      %get3A_412 = arith.constant 0 : index
      %get3A_413 = arith.constant 896 : index
      %get3A_414 = vector.load %arg6[%get3A_412, %get3A_413] : memref<128x1024xf32, #tpu.memory_space<vmem>>, vector<128x128xf32>
      %get3A_415 = arith.constant 0 : index
      %get3A_416 = arith.constant 896 : index
      %get3A_417 = vector.load %arg7[%get3A_415, %get3A_416] : memref<128x1024xf32, #tpu.memory_space<vmem>>, vector<128x128xf32>
      %get3A_418 = arith.constant 0 : index
      %get3A_419 = arith.constant 896 : index
      %get3A_420 = vector.load %arg8[%get3A_418, %get3A_419] : memref<16x1024xf32, #tpu.memory_space<vmem>>, vector<16x128xf32>
      %get3A_421 = arith.constant 0 : index
      %get3A_422 = arith.constant 896 : index
      %get3A_423 = vector.load %arg9[%get3A_421, %get3A_422] : memref<1x1024xf32, #tpu.memory_space<vmem>>, vector<1x128xf32>
      %get3A_424 = arith.constant 0 : index
      %get3A_425 = arith.constant 896 : index
      %get3A_426 = vector.load %arg10[%get3A_424, %get3A_425] : memref<1x1024xf32, #tpu.memory_space<vmem>>, vector<1x128xf32>
      %dot_general3A_427 = arith.constant dense<0.000000e+00> : vector<128x128xf32>
      %dot_general3A_428 = tpu.matmul %get3A_414, %get3A_417, %dot_general3A_427 {dimension_numbers = #tpu.dot_dimension_numbers<[1], [1], [0], [0], [0, 0, 1, 0], [], []>, transpose_lhs_hint = false} : vector<128x128xf32>, vector<128x128xf32>, vector<128x128xf32> -> vector<128x128xf32>
      %convert_element_type3A_429 = arith.truncf %dot_general3A_428 : vector<128x128xf32> to vector<128x128xbf16>
      %swap3A_430 = arith.constant 0 : index
      %swap3A_431 = arith.constant 896 : index
      %swap3A_432 = vector.load %arg14[%swap3A_430, %swap3A_431] : memref<128x1024xbf16, #tpu.memory_space<vmem>>, vector<128x128xbf16>
      tpu.vector_store %arg14[%swap3A_430, %swap3A_431], %convert_element_type3A_429 {strides = array<i32>} : memref<128x1024xbf16, #tpu.memory_space<vmem>>, vector<128x128xbf16>,
      %dot_general3A_433 = arith.constant dense<0.000000e+00> : vector<128x16xf32>
      %dot_general3A_434 = tpu.matmul %get3A_414, %get3A_420, %dot_general3A_433 {dimension_numbers = #tpu.dot_dimension_numbers<[1], [1], [0], [0], [0, 0, 1, 0], [], []>, transpose_lhs_hint = false} : vector<128x128xf32>, vector<16x128xf32>, vector<128x16xf32> -> vector<128x16xf32>
      %convert_element_type3A_435 = arith.truncf %dot_general3A_434 : vector<128x16xf32> to vector<128x16xbf16>
      %swap3A_436 = arith.constant 0 : index
      %swap3A_437 = arith.constant 112 : index
      %swap3A_438 = vector.load %arg15[%swap3A_436, %swap3A_437] : memref<128x128xbf16, #tpu.memory_space<vmem>>, vector<128x16xbf16>
      tpu.vector_store %arg15[%swap3A_436, %swap3A_437], %convert_element_type3A_435 {strides = array<i32>} : memref<128x128xbf16, #tpu.memory_space<vmem>>, vector<128x16xbf16>,
      %swap3A_439 = arith.constant 112 : index
      %swap3A_440 = arith.constant 0 : index
      %swap3A_441 = vector.load %arg16[%swap3A_439, %swap3A_440] : memref<128x128xf32, #tpu.memory_space<vmem>>, vector<16x128xf32>
      tpu.vector_store %arg16[%swap3A_439, %swap3A_440], %get3A_420 {strides = array<i32>} : memref<128x128xf32, #tpu.memory_space<vmem>>, vector<16x128xf32>,
      %dot_general3A_442 = arith.constant dense<0.000000e+00> : vector<128x1xf32>
      %dot_general3A_443 = tpu.matmul %get3A_414, %get3A_426, %dot_general3A_442 {dimension_numbers = #tpu.dot_dimension_numbers<[1], [1], [0], [0], [0, 0, 1, 0], [], []>, transpose_lhs_hint = false} : vector<128x128xf32>, vector<1x128xf32>, vector<128x1xf32> -> vector<128x1xf32>
      %swap3A_444 = arith.constant 0 : index
      %swap3A_445 = arith.constant 7 : index
      %swap3A_446 = vector.load %arg17[%swap3A_444, %swap3A_445] : memref<128x8xf32, #tpu.memory_space<vmem>>, vector<128x1xf32>
      tpu.vector_store %arg17[%swap3A_444, %swap3A_445], %dot_general3A_443 {strides = array<i32>} : memref<128x8xf32, #tpu.memory_space<vmem>>, vector<128x1xf32>,
      %dot_general3A_447 = arith.constant dense<0.000000e+00> : vector<128x1xf32>
      %dot_general3A_448 = tpu.matmul %get3A_417, %get3A_423, %dot_general3A_447 {dimension_numbers = #tpu.dot_dimension_numbers<[1], [1], [0], [0], [0, 0, 1, 0], [], []>, transpose_lhs_hint = false} : vector<128x128xf32>, vector<1x128xf32>, vector<128x1xf32> -> vector<128x1xf32>
      %swap3A_449 = arith.constant 0 : index
      %swap3A_450 = arith.constant 7 : index
      %swap3A_451 = vector.load %arg18[%swap3A_449, %swap3A_450] : memref<128x8xf32, #tpu.memory_space<vmem>>, vector<128x1xf32>
      tpu.vector_store %arg18[%swap3A_449, %swap3A_450], %dot_general3A_448 {strides = array<i32>} : memref<128x8xf32, #tpu.memory_space<vmem>>, vector<128x1xf32>,
      %dot_general3A_452 = arith.constant dense<0.000000e+00> : vector<16x1xf32>
      %dot_general3A_453 = tpu.matmul %get3A_420, %get3A_423, %dot_general3A_452 {dimension_numbers = #tpu.dot_dimension_numbers<[1], [1], [0], [0], [0, 0, 1, 0], [], []>, transpose_lhs_hint = false} : vector<16x128xf32>, vector<1x128xf32>, vector<16x1xf32> -> vector<16x1xf32>
      %swap3A_454 = arith.constant 0 : index
      %swap3A_455 = arith.constant 7 : index
      %swap3A_456 = vector.load %arg19[%swap3A_454, %swap3A_455] : memref<16x8xf32, #tpu.memory_space<vmem>>, vector<16x1xf32>
      tpu.vector_store %arg19[%swap3A_454, %swap3A_455], %dot_general3A_453 {strides = array<i32>} : memref<16x8xf32, #tpu.memory_space<vmem>>, vector<16x1xf32>,
      %mul3A_457 = arith.mulf %get3A_423, %get3A_426 : vector<1x128xf32>
      %reduce_sum3A_458 = arith.constant dense<0.000000e+00> : vector<1xf32>
      %reduce_sum3A_459 = vector.multi_reduction <add>, %mul3A_457, %reduce_sum3A_458 [1] : vector<1x128xf32> to vector<1xf32>
      %broadcast_in_dim3A_460 = vector.shape_cast %reduce_sum3A_459 : vector<1xf32> to vector<1x1xf32>
      %swap3A_461 = arith.constant 0 : index
      %swap3A_462 = arith.constant 7 : index
      %swap3A_463 = vector.load %arg20[%swap3A_461, %swap3A_462] : memref<1x8xf32, #tpu.memory_space<vmem>>, vector<1x1xf32>
      tpu.vector_store %arg20[%swap3A_461, %swap3A_462], %broadcast_in_dim3A_460 {strides = array<i32>} : memref<1x8xf32, #tpu.memory_space<vmem>>, vector<1x1xf32>,
    } else {
    }
    %get3A = arith.constant 0 : index
    %get3A_2 = arith.constant 0 : index
    %get3A_3 = vector.load %arg1[%get3A, %get3A_2] : memref<400x128xf32, #tpu.memory_space<vmem>>, vector<400x128xf32>
    %reduce_sum3A = arith.constant dense<0.000000e+00> : vector<400xf32>
    %reduce_sum3A_4 = vector.multi_reduction <add>, %get3A_3, %reduce_sum3A [1] : vector<400x128xf32> to vector<400xf32>
    %broadcast_in_dim3A = vector.shape_cast %reduce_sum3A_4 : vector<400xf32> to vector<400x1xf32>
    %div3A = arith.constant 1.280000e+02 : f32
    %div3A_5 = vector.broadcast %div3A : f32 to vector<400x1xf32>
    %div3A_6 = arith.divf %broadcast_in_dim3A, %div3A_5 : vector<400x1xf32>
    %sub3A = vector.broadcast %div3A_6 : vector<400x1xf32> to vector<400x128xf32>
    %sub3A_7 = arith.subf %get3A_3, %sub3A : vector<400x128xf32>
    %integer_pow3A = arith.mulf %sub3A_7, %sub3A_7 : vector<400x128xf32>
    %reduce_sum3A_8 = arith.constant dense<0.000000e+00> : vector<400xf32>
    %reduce_sum3A_9 = vector.multi_reduction <add>, %integer_pow3A, %reduce_sum3A_8 [1] : vector<400x128xf32> to vector<400xf32>
    %broadcast_in_dim3A_10 = vector.shape_cast %reduce_sum3A_9 : vector<400xf32> to vector<400x1xf32>
    %div3A_11 = arith.constant 1.280000e+02 : f32
    %div3A_12 = vector.broadcast %div3A_11 : f32 to vector<400x1xf32>
    %div3A_13 = arith.divf %broadcast_in_dim3A_10, %div3A_12 : vector<400x1xf32>
    %sub3A_14 = vector.broadcast %div3A_6 : vector<400x1xf32> to vector<400x128xf32>
    %sub3A_15 = arith.subf %get3A_3, %sub3A_14 : vector<400x128xf32>
    %add3A = arith.constant 9.99999974E-6 : f32
    %add3A_16 = vector.broadcast %add3A : f32 to vector<400x1xf32>
    %add3A_17 = arith.addf %div3A_13, %add3A_16 : vector<400x1xf32>
    %sqrt3A = math.sqrt %add3A_17 : vector<400x1xf32>
    %div3A_18 = vector.broadcast %sqrt3A : vector<400x1xf32> to vector<400x128xf32>
    %div3A_19 = arith.divf %sub3A_15, %div3A_18 : vector<400x128xf32>
    %get3A_20 = arith.constant 0 : index
    %get3A_21 = arith.constant 0 : index
    %get3A_22 = vector.load %arg2[%get3A_20, %get3A_21] : memref<1x128xf32, #tpu.memory_space<vmem>>, vector<1x128xf32>
    %mul3A = vector.broadcast %get3A_22 : vector<1x128xf32> to vector<400x128xf32>
    %mul3A_23 = arith.mulf %div3A_19, %mul3A : vector<400x128xf32>
    %get3A_24 = arith.constant 0 : index
    %get3A_25 = arith.constant 0 : index
    %get3A_26 = vector.load %arg3[%get3A_24, %get3A_25] : memref<1x128xf32, #tpu.memory_space<vmem>>, vector<1x128xf32>
    %add3A_27 = vector.broadcast %get3A_26 : vector<1x128xf32> to vector<400x128xf32>
    %add3A_28 = arith.addf %mul3A_23, %add3A_27 : vector<400x128xf32>
    %swap3A = arith.constant 0 : index
    %swap3A_29 = arith.constant 0 : index
    %swap3A_30 = vector.load %arg11[%swap3A, %swap3A_29] : memref<400x128xf32, #tpu.memory_space<vmem>>, vector<400x128xf32>
    tpu.vector_store %arg11[%swap3A, %swap3A_29], %add3A_28 {strides = array<i32>} : memref<400x128xf32, #tpu.memory_space<vmem>>, vector<400x128xf32>,
    %convert_element_type3A_31 = arith.truncf %add3A_28 : vector<400x128xf32> to vector<400x128xbf16>
    %swap3A_32 = arith.constant 0 : index
    %swap3A_33 = arith.constant 0 : index
    %swap3A_34 = vector.load %arg12[%swap3A_32, %swap3A_33] : memref<400x128xbf16, #tpu.memory_space<vmem>>, vector<400x128xbf16>
    tpu.vector_store %arg12[%swap3A_32, %swap3A_33], %convert_element_type3A_31 {strides = array<i32>} : memref<400x128xbf16, #tpu.memory_space<vmem>>, vector<400x128xbf16>,
    %get3A_35 = arith.constant 0 : index
    %get3A_36 = arith.constant 0 : index
    %get3A_37 = vector.load %arg4[%get3A_35, %get3A_36] : memref<128x1024xf32, #tpu.memory_space<vmem>>, vector<128x1024xf32>
    %dot_general3A = arith.constant dense<0.000000e+00> : vector<400x1024xf32>
    %dot_general3A_38 = tpu.matmul %add3A_28, %get3A_37, %dot_general3A {dimension_numbers = #tpu.dot_dimension_numbers<[1], [0], [0], [1], [0, 0, 1, 1], [], []>, transpose_lhs_hint = false} : vector<400x128xf32>, vector<128x1024xf32>, vector<400x1024xf32> -> vector<400x1024xf32>
    %get3A_39 = arith.constant 0 : index
    %get3A_40 = arith.constant 0 : index
    %get3A_41 = vector.load %arg5[%get3A_39, %get3A_40] : memref<1x1024xf32, #tpu.memory_space<vmem>>, vector<1x1024xf32>
    %add3A_42 = vector.broadcast %get3A_41 : vector<1x1024xf32> to vector<400x1024xf32>
    %add3A_43 = arith.addf %dot_general3A_38, %add3A_42 : vector<400x1024xf32>
    %convert_element_type3A_44 = arith.truncf %add3A_43 : vector<400x1024xf32> to vector<400x1024xbf16>
    %swap3A_45 = arith.constant 0 : index
    %swap3A_46 = arith.constant 0 : index
    %swap3A_47 = vector.load %arg13[%swap3A_45, %swap3A_46] : memref<400x1024xbf16, #tpu.memory_space<vmem>>, vector<400x1024xbf16>
    tpu.vector_store %arg13[%swap3A_45, %swap3A_46], %convert_element_type3A_44 {strides = array<i32>} : memref<400x1024xbf16, #tpu.memory_space<vmem>>, vector<400x1024xbf16>,
    return
  }
  func.func @transform_0(%arg0: i32) -> (i32, i32) {
    %c0_i32 = arith.constant 0 : i32
    %c0_i32_0 = arith.constant 0 : i32
    return %arg0, %c0_i32 : i32, i32
  }
  func.func @transform_1(%arg0: i32) -> (i32, i32) {
    %c0_i32 = arith.constant 0 : i32
    %c0_i32_0 = arith.constant 0 : i32
    %c0_i32_1 = arith.constant 0 : i32
    return %c0_i32, %c0_i32_0 : i32, i32
  }
  func.func @transform_2(%arg0: i32) -> (i32, i32) {
    %c0_i32 = arith.constant 0 : i32
    %c0_i32_0 = arith.constant 0 : i32
    %c0_i32_1 = arith.constant 0 : i32
    return %c0_i32, %c0_i32_0 : i32, i32
  }
  func.func @transform_3(%arg0: i32) -> (i32, i32) {
    %c0_i32 = arith.constant 0 : i32
    %c0_i32_0 = arith.constant 0 : i32
    %c0_i32_1 = arith.constant 0 : i32
    return %c0_i32, %c0_i32_0 : i32, i32
  }
  func.func @transform_4(%arg0: i32) -> (i32, i32) {
    %c0_i32 = arith.constant 0 : i32
    %c0_i32_0 = arith.constant 0 : i32
    %c0_i32_1 = arith.constant 0 : i32
    return %c0_i32, %c0_i32_0 : i32, i32
  }
  func.func @transform_5(%arg0: i32) -> (i32, i32) {
    %c0_i32 = arith.constant 0 : i32
    %c0_i32_0 = arith.constant 0 : i32
    %c0_i32_1 = arith.constant 0 : i32
    return %c0_i32, %c0_i32_0 : i32, i32
  }
  func.func @transform_6(%arg0: i32) -> (i32, i32) {
    %c0_i32 = arith.constant 0 : i32
    %c0_i32_0 = arith.constant 0 : i32
    %c0_i32_1 = arith.constant 0 : i32
    return %c0_i32, %c0_i32_0 : i32, i32
  }
  func.func @transform_7(%arg0: i32) -> (i32, i32) {
    %c0_i32 = arith.constant 0 : i32
    %c0_i32_0 = arith.constant 0 : i32
    %c0_i32_1 = arith.constant 0 : i32
    return %c0_i32, %c0_i32_0 : i32, i32
  }
  func.func @transform_8(%arg0: i32) -> (i32, i32) {
    %c0_i32 = arith.constant 0 : i32
    %c0_i32_0 = arith.constant 0 : i32
    %c0_i32_1 = arith.constant 0 : i32
    return %c0_i32, %c0_i32_0 : i32, i32
  }
  func.func @transform_9(%arg0: i32) -> (i32, i32) {
    %c0_i32 = arith.constant 0 : i32
    %c0_i32_0 = arith.constant 0 : i32
    %c0_i32_1 = arith.constant 0 : i32
    return %c0_i32, %c0_i32_0 : i32, i32
  }
  func.func @transform_10(%arg0: i32) -> (i32, i32) {
    %c0_i32 = arith.constant 0 : i32
    %c0_i32_0 = arith.constant 0 : i32
    return %arg0, %c0_i32 : i32, i32
  }
  func.func @transform_11(%arg0: i32) -> (i32, i32) {
    %c0_i32 = arith.constant 0 : i32
    %c0_i32_0 = arith.constant 0 : i32
    return %arg0, %c0_i32 : i32, i32
  }
  func.func @transform_12(%arg0: i32) -> (i32, i32) {
    %c0_i32 = arith.constant 0 : i32
    %c0_i32_0 = arith.constant 0 : i32
    return %arg0, %c0_i32 : i32, i32
  }
  func.func @transform_13(%arg0: i32) -> (i32, i32) {
    %c0_i32 = arith.constant 0 : i32
    %c0_i32_0 = arith.constant 0 : i32
    %c0_i32_1 = arith.constant 0 : i32
    return %c0_i32, %c0_i32_0 : i32, i32
  }
  func.func @transform_14(%arg0: i32) -> (i32, i32) {
    %c0_i32 = arith.constant 0 : i32
    %c0_i32_0 = arith.constant 0 : i32
    %c0_i32_1 = arith.constant 0 : i32
    return %c0_i32, %c0_i32_0 : i32, i32
  }
  func.func @transform_15(%arg0: i32) -> (i32, i32) {
    %c0_i32 = arith.constant 0 : i32
    %c0_i32_0 = arith.constant 0 : i32
    %c0_i32_1 = arith.constant 0 : i32
    return %c0_i32, %c0_i32_0 : i32, i32
  }
  func.func @transform_16(%arg0: i32) -> (i32, i32) {
    %c0_i32 = arith.constant 0 : i32
    %c0_i32_0 = arith.constant 0 : i32
    %c0_i32_1 = arith.constant 0 : i32
    return %c0_i32, %c0_i32_0 : i32, i32
  }
  func.func @transform_17(%arg0: i32) -> (i32, i32) {
    %c0_i32 = arith.constant 0 : i32
    %c0_i32_0 = arith.constant 0 : i32
    %c0_i32_1 = arith.constant 0 : i32
    return %c0_i32, %c0_i32_0 : i32, i32
  }
  func.func @transform_18(%arg0: i32) -> (i32, i32) {
    %c0_i32 = arith.constant 0 : i32
    %c0_i32_0 = arith.constant 0 : i32
    %c0_i32_1 = arith.constant 0 : i32
    return %c0_i32, %c0_i32_0 : i32, i32
  }
  func.func @transform_19(%arg0: i32) -> (i32, i32) {
    %c0_i32 = arith.constant 0 : i32
    %c0_i32_0 = arith.constant 0 : i32
    %c0_i32_1 = arith.constant 0 : i32
    return %c0_i32, %c0_i32_0 : i32, i32
  }
}

module attributes {stable_mosaic.version = 14 : i64} {
  func.func @_alpha_body(%arg0: i32, %arg1: memref<1024x128xbf16, #tpu.memory_space<vmem>>, %arg2: memref<1024x128xbf16, #tpu.memory_space<vmem>>, %arg3: memref<1024x16xf32, #tpu.memory_space<vmem>>, %arg4: memref<128x1024xbf16, #tpu.memory_space<vmem>>, %arg5: memref<128x128xbf16, #tpu.memory_space<vmem>>, %arg6: memref<128x8xf32, #tpu.memory_space<vmem>>, %arg7: memref<128x8xf32, #tpu.memory_space<vmem>>, %arg8: memref<16x8xf32, #tpu.memory_space<vmem>>, %arg9: memref<1x8xf32, #tpu.memory_space<vmem>>, %arg10: memref<1024x16xf32, #tpu.memory_space<vmem>>) attributes {dimension_semantics = [#tpu.dimension_semantics<arbitrary>], iteration_bounds = array<i64: 160>, scalar_prefetch = 0 : i64, scratch_operands = 0 : i64, tpu.core_type = #tpu.core_type<tc>, window_params = [{transform_indices = @transform_0, window_bounds = array<i64: 1024, 128>}, {transform_indices = @transform_1, window_bounds = array<i64: 1024, 128>}, {transform_indices = @transform_2, window_bounds = array<i64: 1024, 16>}, {pipeline_mode = #tpu.pipeline_mode<synchronous>, transform_indices = @transform_3, window_bounds = array<i64: 128, 1024>}, {pipeline_mode = #tpu.pipeline_mode<synchronous>, transform_indices = @transform_4, window_bounds = array<i64: 128, 128>}, {pipeline_mode = #tpu.pipeline_mode<synchronous>, transform_indices = @transform_5, window_bounds = array<i64: 128, 8>}, {pipeline_mode = #tpu.pipeline_mode<synchronous>, transform_indices = @transform_6, window_bounds = array<i64: 128, 8>}, {pipeline_mode = #tpu.pipeline_mode<synchronous>, transform_indices = @transform_7, window_bounds = array<i64: 16, 8>}, {pipeline_mode = #tpu.pipeline_mode<synchronous>, transform_indices = @transform_8, window_bounds = array<i64: 1, 8>}, {transform_indices = @transform_9, window_bounds = array<i64: 1024, 16>}]} {
    %get3A = arith.constant 0 : index
    %get3A_0 = arith.constant 0 : index
    %get3A_1 = vector.load %arg1[%get3A, %get3A_0] : memref<1024x128xbf16, #tpu.memory_space<vmem>>, vector<1024x128xbf16>
    %get3A_2 = arith.constant 0 : index
    %get3A_3 = arith.constant 0 : index
    %get3A_4 = vector.load %arg2[%get3A_2, %get3A_3] : memref<1024x128xbf16, #tpu.memory_space<vmem>>, vector<1024x128xbf16>
    %convert_element_type3A = arith.extf %get3A_1 : vector<1024x128xbf16> to vector<1024x128xf32>
    %convert_element_type3A_5 = arith.extf %get3A_4 : vector<1024x128xbf16> to vector<1024x128xf32>
    %get3A_6 = arith.constant 0 : index
    %get3A_7 = arith.constant 0 : index
    %get3A_8 = vector.load %arg3[%get3A_6, %get3A_7] : memref<1024x16xf32, #tpu.memory_space<vmem>>, vector<1024x16xf32>
    %get3A_9 = arith.constant 0 : index
    %get3A_10 = arith.constant 0 : index
    %get3A_11 = vector.load %arg4[%get3A_9, %get3A_10] : memref<128x1024xbf16, #tpu.memory_space<vmem>>, vector<128x1024xbf16>
    %dot_general3A = arith.constant dense<0.000000e+00> : vector<1024x1024xf32>
    %dot_general3A_12 = tpu.matmul %get3A_1, %get3A_11, %dot_general3A {dimension_numbers = #tpu.dot_dimension_numbers<[1], [0], [0], [1], [0, 0, 1, 1], [], []>, transpose_lhs_hint = false} : vector<1024x128xbf16>, vector<128x1024xbf16>, vector<1024x1024xf32> -> vector<1024x1024xf32>
    %concatenate3A = tpu.concatenate %convert_element_type3A_5, %convert_element_type3A_5, %convert_element_type3A_5, %convert_element_type3A_5, %convert_element_type3A_5, %convert_element_type3A_5, %convert_element_type3A_5, %convert_element_type3A_5 in 1 : vector<1024x128xf32>, vector<1024x128xf32>, vector<1024x128xf32>, vector<1024x128xf32>, vector<1024x128xf32>, vector<1024x128xf32>, vector<1024x128xf32>, vector<1024x128xf32> -> vector<1024x1024xf32>
    %iota3A = tpu.iota {dimensions = array<i32: 0>} : vector<1024x8xi32>
    %iota3A_13 = tpu.iota {dimensions = array<i32: 1>} : vector<1024x8xi32>
    %jit3A = arith.constant 128 : i32
    %div3A = vector.broadcast %jit3A : i32 to vector<1024x8xi32>
    %div3A_14 = arith.divsi %iota3A, %div3A : vector<1024x8xi32>
    %sign3A = arith.constant 0 : i32
    %sign3A_15 = vector.broadcast %sign3A : i32 to vector<1024x8xi32>
    %sign3A_16 = arith.cmpi sgt, %iota3A, %sign3A_15 : vector<1024x8xi32>
    %sign3A_17 = arith.extui %sign3A_16 : vector<1024x8xi1> to vector<1024x8xi32>
    %sign3A_18 = arith.constant 0 : i32
    %sign3A_19 = vector.broadcast %sign3A_18 : i32 to vector<1024x8xi32>
    %sign3A_20 = arith.cmpi slt, %iota3A, %sign3A_19 : vector<1024x8xi32>
    %sign3A_21 = arith.extui %sign3A_20 : vector<1024x8xi1> to vector<1024x8xi32>
    %sign3A_22 = arith.subi %sign3A_17, %sign3A_21 : vector<1024x8xi32>
    %sign3A_23 = arith.constant 0 : i32
    %sign3A_24 = arith.cmpi sgt, %jit3A, %sign3A_23 : i32
    %sign3A_25 = arith.extui %sign3A_24 : i1 to i32
    %sign3A_26 = arith.constant 0 : i32
    %sign3A_27 = arith.cmpi slt, %jit3A, %sign3A_26 : i32
    %sign3A_28 = arith.extui %sign3A_27 : i1 to i32
    %sign3A_29 = arith.subi %sign3A_25, %sign3A_28 : i32
    %ne3A = vector.broadcast %sign3A_29 : i32 to vector<1024x8xi32>
    %ne3A_30 = arith.cmpi ne, %sign3A_22, %ne3A : vector<1024x8xi32>
    %rem3A = vector.broadcast %jit3A : i32 to vector<1024x8xi32>
    %rem3A_31 = arith.remsi %iota3A, %rem3A : vector<1024x8xi32>
    %ne3A_32 = arith.constant 0 : i32
    %ne3A_33 = vector.broadcast %ne3A_32 : i32 to vector<1024x8xi32>
    %ne3A_34 = arith.cmpi ne, %rem3A_31, %ne3A_33 : vector<1024x8xi32>
    %and3A = arith.andi %ne3A_30, %ne3A_34 : vector<1024x8xi1>
    %sub3A = arith.constant 1 : i32
    %sub3A_35 = vector.broadcast %sub3A : i32 to vector<1024x8xi32>
    %sub3A_36 = arith.subi %div3A_14, %sub3A_35 : vector<1024x8xi32>
    %select_n3A = arith.select %and3A, %sub3A_36, %div3A_14 : vector<1024x8xi1>, vector<1024x8xi32>
    %eq3A = arith.cmpi eq, %select_n3A, %iota3A_13 : vector<1024x8xi32>
    %convert_element_type3A_37 = arith.extui %eq3A : vector<1024x8xi1> to vector<1024x8xi32>
    %convert_element_type3A_38 = arith.sitofp %convert_element_type3A_37 : vector<1024x8xi32> to vector<1024x8xf32>
    %convert_element_type3A_39 = arith.truncf %convert_element_type3A_38 : vector<1024x8xf32> to vector<1024x8xbf16>
    %mul3A = arith.mulf %dot_general3A_12, %concatenate3A : vector<1024x1024xf32>
    %convert_element_type3A_40 = arith.truncf %mul3A : vector<1024x1024xf32> to vector<1024x1024xbf16>
    %dot_general3A_41 = arith.constant dense<0.000000e+00> : vector<1024x8xf32>
    %dot_general3A_42 = tpu.matmul %convert_element_type3A_40, %convert_element_type3A_39, %dot_general3A_41 {dimension_numbers = #tpu.dot_dimension_numbers<[1], [0], [0], [1], [0, 0, 1, 1], [], []>, transpose_lhs_hint = false} : vector<1024x1024xbf16>, vector<1024x8xbf16>, vector<1024x8xf32> -> vector<1024x8xf32>
    %get3A_43 = arith.constant 0 : index
    %get3A_44 = arith.constant 0 : index
    %get3A_45 = vector.load %arg5[%get3A_43, %get3A_44] : memref<128x128xbf16, #tpu.memory_space<vmem>>, vector<128x128xbf16>
    %dot_general3A_46 = arith.constant dense<0.000000e+00> : vector<1024x128xf32>
    %dot_general3A_47 = tpu.matmul %get3A_1, %get3A_45, %dot_general3A_46 {dimension_numbers = #tpu.dot_dimension_numbers<[1], [0], [0], [1], [0, 0, 1, 1], [], []>, transpose_lhs_hint = false} : vector<1024x128xbf16>, vector<128x128xbf16>, vector<1024x128xf32> -> vector<1024x128xf32>
    %concatenate3A_48 = tpu.concatenate %get3A_8, %get3A_8, %get3A_8, %get3A_8, %get3A_8, %get3A_8, %get3A_8, %get3A_8 in 1 : vector<1024x16xf32>, vector<1024x16xf32>, vector<1024x16xf32>, vector<1024x16xf32>, vector<1024x16xf32>, vector<1024x16xf32>, vector<1024x16xf32>, vector<1024x16xf32> -> vector<1024x128xf32>
    %iota3A_49 = tpu.iota {dimensions = array<i32: 0>} : vector<128x8xi32>
    %iota3A_50 = tpu.iota {dimensions = array<i32: 1>} : vector<128x8xi32>
    %jit3A_51 = arith.constant 16 : i32
    %div3A_52 = vector.broadcast %jit3A_51 : i32 to vector<128x8xi32>
    %div3A_53 = arith.divsi %iota3A_49, %div3A_52 : vector<128x8xi32>
    %sign3A_54 = arith.constant 0 : i32
    %sign3A_55 = vector.broadcast %sign3A_54 : i32 to vector<128x8xi32>
    %sign3A_56 = arith.cmpi sgt, %iota3A_49, %sign3A_55 : vector<128x8xi32>
    %sign3A_57 = arith.extui %sign3A_56 : vector<128x8xi1> to vector<128x8xi32>
    %sign3A_58 = arith.constant 0 : i32
    %sign3A_59 = vector.broadcast %sign3A_58 : i32 to vector<128x8xi32>
    %sign3A_60 = arith.cmpi slt, %iota3A_49, %sign3A_59 : vector<128x8xi32>
    %sign3A_61 = arith.extui %sign3A_60 : vector<128x8xi1> to vector<128x8xi32>
    %sign3A_62 = arith.subi %sign3A_57, %sign3A_61 : vector<128x8xi32>
    %sign3A_63 = arith.constant 0 : i32
    %sign3A_64 = arith.cmpi sgt, %jit3A_51, %sign3A_63 : i32
    %sign3A_65 = arith.extui %sign3A_64 : i1 to i32
    %sign3A_66 = arith.constant 0 : i32
    %sign3A_67 = arith.cmpi slt, %jit3A_51, %sign3A_66 : i32
    %sign3A_68 = arith.extui %sign3A_67 : i1 to i32
    %sign3A_69 = arith.subi %sign3A_65, %sign3A_68 : i32
    %ne3A_70 = vector.broadcast %sign3A_69 : i32 to vector<128x8xi32>
    %ne3A_71 = arith.cmpi ne, %sign3A_62, %ne3A_70 : vector<128x8xi32>
    %rem3A_72 = vector.broadcast %jit3A_51 : i32 to vector<128x8xi32>
    %rem3A_73 = arith.remsi %iota3A_49, %rem3A_72 : vector<128x8xi32>
    %ne3A_74 = arith.constant 0 : i32
    %ne3A_75 = vector.broadcast %ne3A_74 : i32 to vector<128x8xi32>
    %ne3A_76 = arith.cmpi ne, %rem3A_73, %ne3A_75 : vector<128x8xi32>
    %and3A_77 = arith.andi %ne3A_71, %ne3A_76 : vector<128x8xi1>
    %sub3A_78 = arith.constant 1 : i32
    %sub3A_79 = vector.broadcast %sub3A_78 : i32 to vector<128x8xi32>
    %sub3A_80 = arith.subi %div3A_53, %sub3A_79 : vector<128x8xi32>
    %select_n3A_81 = arith.select %and3A_77, %sub3A_80, %div3A_53 : vector<128x8xi1>, vector<128x8xi32>
    %eq3A_82 = arith.cmpi eq, %select_n3A_81, %iota3A_50 : vector<128x8xi32>
    %convert_element_type3A_83 = arith.extui %eq3A_82 : vector<128x8xi1> to vector<128x8xi32>
    %convert_element_type3A_84 = arith.sitofp %convert_element_type3A_83 : vector<128x8xi32> to vector<128x8xf32>
    %convert_element_type3A_85 = arith.truncf %convert_element_type3A_84 : vector<128x8xf32> to vector<128x8xbf16>
    %mul3A_86 = arith.mulf %dot_general3A_47, %concatenate3A_48 : vector<1024x128xf32>
    %convert_element_type3A_87 = arith.truncf %mul3A_86 : vector<1024x128xf32> to vector<1024x128xbf16>
    %dot_general3A_88 = arith.constant dense<0.000000e+00> : vector<1024x8xf32>
    %dot_general3A_89 = tpu.matmul %convert_element_type3A_87, %convert_element_type3A_85, %dot_general3A_88 {dimension_numbers = #tpu.dot_dimension_numbers<[1], [0], [0], [1], [0, 0, 1, 1], [], []>, transpose_lhs_hint = false} : vector<1024x128xbf16>, vector<128x8xbf16>, vector<1024x8xf32> -> vector<1024x8xf32>
    %add3A = arith.addf %dot_general3A_42, %dot_general3A_89 : vector<1024x8xf32>
    %get3A_90 = arith.constant 0 : index
    %get3A_91 = arith.constant 0 : index
    %get3A_92 = vector.load %arg6[%get3A_90, %get3A_91] : memref<128x8xf32, #tpu.memory_space<vmem>>, vector<128x8xf32>
    %dot_general3A_93 = arith.constant dense<0.000000e+00> : vector<1024x8xf32>
    %dot_general3A_94 = tpu.matmul %convert_element_type3A, %get3A_92, %dot_general3A_93 {dimension_numbers = #tpu.dot_dimension_numbers<[1], [0], [0], [1], [0, 0, 1, 1], [], []>, transpose_lhs_hint = false} : vector<1024x128xf32>, vector<128x8xf32>, vector<1024x8xf32> -> vector<1024x8xf32>
    %add3A_95 = arith.addf %add3A, %dot_general3A_94 : vector<1024x8xf32>
    %get3A_96 = arith.constant 0 : index
    %get3A_97 = arith.constant 0 : index
    %get3A_98 = vector.load %arg7[%get3A_96, %get3A_97] : memref<128x8xf32, #tpu.memory_space<vmem>>, vector<128x8xf32>
    %dot_general3A_99 = arith.constant dense<0.000000e+00> : vector<1024x8xf32>
    %dot_general3A_100 = tpu.matmul %convert_element_type3A_5, %get3A_98, %dot_general3A_99 {dimension_numbers = #tpu.dot_dimension_numbers<[1], [0], [0], [1], [0, 0, 1, 1], [], []>, transpose_lhs_hint = false} : vector<1024x128xf32>, vector<128x8xf32>, vector<1024x8xf32> -> vector<1024x8xf32>
    %add3A_101 = arith.addf %add3A_95, %dot_general3A_100 : vector<1024x8xf32>
    %get3A_102 = arith.constant 0 : index
    %get3A_103 = arith.constant 0 : index
    %get3A_104 = vector.load %arg8[%get3A_102, %get3A_103] : memref<16x8xf32, #tpu.memory_space<vmem>>, vector<16x8xf32>
    %dot_general3A_105 = arith.constant dense<0.000000e+00> : vector<1024x8xf32>
    %dot_general3A_106 = tpu.matmul %get3A_8, %get3A_104, %dot_general3A_105 {dimension_numbers = #tpu.dot_dimension_numbers<[1], [0], [0], [1], [0, 0, 1, 1], [], []>, transpose_lhs_hint = false} : vector<1024x16xf32>, vector<16x8xf32>, vector<1024x8xf32> -> vector<1024x8xf32>
    %add3A_107 = arith.addf %add3A_101, %dot_general3A_106 : vector<1024x8xf32>
    %get3A_108 = arith.constant 0 : index
    %get3A_109 = arith.constant 0 : index
    %get3A_110 = vector.load %arg9[%get3A_108, %get3A_109] : memref<1x8xf32, #tpu.memory_space<vmem>>, vector<1x8xf32>
    %add3A_111 = vector.broadcast %get3A_110 : vector<1x8xf32> to vector<1024x8xf32>
    %add3A_112 = arith.addf %add3A_107, %add3A_111 : vector<1024x8xf32>
    %mul3A_113 = arith.constant 0.0883883461 : f32
    %mul3A_114 = vector.broadcast %mul3A_113 : f32 to vector<1024x8xf32>
    %mul3A_115 = arith.mulf %add3A_112, %mul3A_114 : vector<1024x8xf32>
    %broadcast_in_dim3A = arith.constant -1.000000e+09 : f32
    %broadcast_in_dim3A_116 = vector.broadcast %broadcast_in_dim3A : f32 to vector<1024x8xf32>
    %concatenate3A_117 = tpu.concatenate %mul3A_115, %broadcast_in_dim3A_116 in 1 : vector<1024x8xf32>, vector<1024x8xf32> -> vector<1024x16xf32>
    %mul3A_118 = arith.constant 1024 : i32
    %mul3A_119 = arith.muli %arg0, %mul3A_118 : i32
    %iota3A_120 = tpu.iota {dimensions = array<i32: 0>} : vector<1024x1xi32>
    %add3A_121 = vector.broadcast %mul3A_119 : i32 to vector<1024x1xi32>
    %add3A_122 = arith.addi %add3A_121, %iota3A_120 : vector<1024x1xi32>
    %lt3A = arith.constant 160000 : i32
    %lt3A_123 = vector.broadcast %lt3A : i32 to vector<1024x1xi32>
    %lt3A_124 = arith.cmpi slt, %add3A_122, %lt3A_123 : vector<1024x1xi32>
    %jit3A_125 = arith.constant -1.000000e+09 : f32
    %broadcast_in_dim3A_126 = vector.shape_cast %lt3A_124 : vector<1024x1xi1> to vector<1024x1xi1>
    %broadcast_in_dim3A_127 = vector.broadcast %broadcast_in_dim3A_126 : vector<1024x1xi1> to vector<1024x16xi1>
    %broadcast_in_dim3A_128 = vector.broadcast %jit3A_125 : f32 to vector<1024x16xf32>
    %select_n3A_129 = arith.select %broadcast_in_dim3A_127, %concatenate3A_117, %broadcast_in_dim3A_128 : vector<1024x16xi1>, vector<1024x16xf32>
    %swap3A = arith.constant 0 : index
    %swap3A_130 = arith.constant 0 : index
    %swap3A_131 = vector.load %arg10[%swap3A, %swap3A_130] : memref<1024x16xf32, #tpu.memory_space<vmem>>, vector<1024x16xf32>
    tpu.vector_store %arg10[%swap3A, %swap3A_130], %select_n3A_129 {strides = array<i32>} : memref<1024x16xf32, #tpu.memory_space<vmem>>, vector<1024x16xf32>,
    return
  }
  func.func @transform_0(%arg0: i32) -> (i32, i32) {
    %c0_i32 = arith.constant 0 : i32
    %c0_i32_0 = arith.constant 0 : i32
    return %arg0, %c0_i32 : i32, i32
  }
  func.func @transform_1(%arg0: i32) -> (i32, i32) {
    %c0_i32 = arith.constant 0 : i32
    %c0_i32_0 = arith.constant 0 : i32
    return %arg0, %c0_i32 : i32, i32
  }
  func.func @transform_2(%arg0: i32) -> (i32, i32) {
    %c0_i32 = arith.constant 0 : i32
    %c0_i32_0 = arith.constant 0 : i32
    return %arg0, %c0_i32 : i32, i32
  }
  func.func @transform_3(%arg0: i32) -> (i32, i32) {
    %c0_i32 = arith.constant 0 : i32
    %c0_i32_0 = arith.constant 0 : i32
    %c0_i32_1 = arith.constant 0 : i32
    return %c0_i32, %c0_i32_0 : i32, i32
  }
  func.func @transform_4(%arg0: i32) -> (i32, i32) {
    %c0_i32 = arith.constant 0 : i32
    %c0_i32_0 = arith.constant 0 : i32
    %c0_i32_1 = arith.constant 0 : i32
    return %c0_i32, %c0_i32_0 : i32, i32
  }
  func.func @transform_5(%arg0: i32) -> (i32, i32) {
    %c0_i32 = arith.constant 0 : i32
    %c0_i32_0 = arith.constant 0 : i32
    %c0_i32_1 = arith.constant 0 : i32
    return %c0_i32, %c0_i32_0 : i32, i32
  }
  func.func @transform_6(%arg0: i32) -> (i32, i32) {
    %c0_i32 = arith.constant 0 : i32
    %c0_i32_0 = arith.constant 0 : i32
    %c0_i32_1 = arith.constant 0 : i32
    return %c0_i32, %c0_i32_0 : i32, i32
  }
  func.func @transform_7(%arg0: i32) -> (i32, i32) {
    %c0_i32 = arith.constant 0 : i32
    %c0_i32_0 = arith.constant 0 : i32
    %c0_i32_1 = arith.constant 0 : i32
    return %c0_i32, %c0_i32_0 : i32, i32
  }
  func.func @transform_8(%arg0: i32) -> (i32, i32) {
    %c0_i32 = arith.constant 0 : i32
    %c0_i32_0 = arith.constant 0 : i32
    %c0_i32_1 = arith.constant 0 : i32
    return %c0_i32, %c0_i32_0 : i32, i32
  }
  func.func @transform_9(%arg0: i32) -> (i32, i32) {
    %c0_i32 = arith.constant 0 : i32
    %c0_i32_0 = arith.constant 0 : i32
    return %arg0, %c0_i32 : i32, i32
  }
}

module attributes {stable_mosaic.version = 14 : i64} {
  func.func @_norm_body(%arg0: i32, %arg1: memref<512x144xf32, #tpu.memory_space<vmem>>, %arg2: memref<512x144xf32, #tpu.memory_space<vmem>>, %arg3: memref<128x128xf32, #tpu.memory_space<vmem>>, %arg4: memref<512x16xf32, #tpu.memory_space<vmem>>, %arg5: memref<512x128xf32, #tpu.memory_space<vmem>>) attributes {dimension_semantics = [#tpu.dimension_semantics<arbitrary>], iteration_bounds = array<i64: 20>, scalar_prefetch = 0 : i64, scratch_operands = 0 : i64, tpu.core_type = #tpu.core_type<tc>, window_params = [{transform_indices = @transform_0, window_bounds = array<i64: 512, 144>}, {transform_indices = @transform_1, window_bounds = array<i64: 512, 144>}, {pipeline_mode = #tpu.pipeline_mode<synchronous>, transform_indices = @transform_2, window_bounds = array<i64: 128, 128>}, {transform_indices = @transform_3, window_bounds = array<i64: 512, 16>}, {transform_indices = @transform_4, window_bounds = array<i64: 512, 128>}]} {
    %get3A = arith.constant 0 : index
    %get3A_0 = arith.constant 128 : index
    %get3A_1 = vector.load %arg1[%get3A, %get3A_0] : memref<512x144xf32, #tpu.memory_space<vmem>>, vector<512x8xf32>
    %get3A_2 = arith.constant 0 : index
    %get3A_3 = arith.constant 128 : index
    %get3A_4 = vector.load %arg2[%get3A_2, %get3A_3] : memref<512x144xf32, #tpu.memory_space<vmem>>, vector<512x8xf32>
    %add3A = arith.addf %get3A_1, %get3A_4 : vector<512x8xf32>
    %add3A_5 = arith.constant 1.000000e-16 : f32
    %add3A_6 = vector.broadcast %add3A_5 : f32 to vector<512x8xf32>
    %add3A_7 = arith.addf %add3A, %add3A_6 : vector<512x8xf32>
    %div3A = arith.constant 1.000000e+00 : f32
    %div3A_8 = vector.broadcast %div3A : f32 to vector<512x8xf32>
    %div3A_9 = arith.divf %div3A_8, %add3A_7 : vector<512x8xf32>
    %get3A_10 = arith.constant 0 : index
    %get3A_11 = arith.constant 0 : index
    %get3A_12 = vector.load %arg1[%get3A_10, %get3A_11] : memref<512x144xf32, #tpu.memory_space<vmem>>, vector<512x128xf32>
    %get3A_13 = arith.constant 0 : index
    %get3A_14 = arith.constant 0 : index
    %get3A_15 = vector.load %arg2[%get3A_13, %get3A_14] : memref<512x144xf32, #tpu.memory_space<vmem>>, vector<512x128xf32>
    %add3A_16 = arith.addf %get3A_12, %get3A_15 : vector<512x128xf32>
    %slice3A = vector.extract_strided_slice %add3A_16 {offsets = [0, 0], sizes = [512, 16], strides = [1, 1]} : vector<512x128xf32> to vector<512x16xf32>
    %slice3A_17 = vector.extract_strided_slice %div3A_9 {offsets = [0, 0], sizes = [512, 1], strides = [1, 1]} : vector<512x8xf32> to vector<512x1xf32>
    %mul3A = vector.broadcast %slice3A_17 : vector<512x1xf32> to vector<512x16xf32>
    %mul3A_18 = arith.mulf %slice3A, %mul3A : vector<512x16xf32>
    %slice3A_19 = vector.extract_strided_slice %add3A_16 {offsets = [0, 16], sizes = [512, 16], strides = [1, 1]} : vector<512x128xf32> to vector<512x16xf32>
    %slice3A_20 = vector.extract_strided_slice %div3A_9 {offsets = [0, 1], sizes = [512, 1], strides = [1, 1]} : vector<512x8xf32> to vector<512x1xf32>
    %mul3A_21 = vector.broadcast %slice3A_20 : vector<512x1xf32> to vector<512x16xf32>
    %mul3A_22 = arith.mulf %slice3A_19, %mul3A_21 : vector<512x16xf32>
    %slice3A_23 = vector.extract_strided_slice %add3A_16 {offsets = [0, 32], sizes = [512, 16], strides = [1, 1]} : vector<512x128xf32> to vector<512x16xf32>
    %slice3A_24 = vector.extract_strided_slice %div3A_9 {offsets = [0, 2], sizes = [512, 1], strides = [1, 1]} : vector<512x8xf32> to vector<512x1xf32>
    %mul3A_25 = vector.broadcast %slice3A_24 : vector<512x1xf32> to vector<512x16xf32>
    %mul3A_26 = arith.mulf %slice3A_23, %mul3A_25 : vector<512x16xf32>
    %slice3A_27 = vector.extract_strided_slice %add3A_16 {offsets = [0, 48], sizes = [512, 16], strides = [1, 1]} : vector<512x128xf32> to vector<512x16xf32>
    %slice3A_28 = vector.extract_strided_slice %div3A_9 {offsets = [0, 3], sizes = [512, 1], strides = [1, 1]} : vector<512x8xf32> to vector<512x1xf32>
    %mul3A_29 = vector.broadcast %slice3A_28 : vector<512x1xf32> to vector<512x16xf32>
    %mul3A_30 = arith.mulf %slice3A_27, %mul3A_29 : vector<512x16xf32>
    %slice3A_31 = vector.extract_strided_slice %add3A_16 {offsets = [0, 64], sizes = [512, 16], strides = [1, 1]} : vector<512x128xf32> to vector<512x16xf32>
    %slice3A_32 = vector.extract_strided_slice %div3A_9 {offsets = [0, 4], sizes = [512, 1], strides = [1, 1]} : vector<512x8xf32> to vector<512x1xf32>
    %mul3A_33 = vector.broadcast %slice3A_32 : vector<512x1xf32> to vector<512x16xf32>
    %mul3A_34 = arith.mulf %slice3A_31, %mul3A_33 : vector<512x16xf32>
    %slice3A_35 = vector.extract_strided_slice %add3A_16 {offsets = [0, 80], sizes = [512, 16], strides = [1, 1]} : vector<512x128xf32> to vector<512x16xf32>
    %slice3A_36 = vector.extract_strided_slice %div3A_9 {offsets = [0, 5], sizes = [512, 1], strides = [1, 1]} : vector<512x8xf32> to vector<512x1xf32>
    %mul3A_37 = vector.broadcast %slice3A_36 : vector<512x1xf32> to vector<512x16xf32>
    %mul3A_38 = arith.mulf %slice3A_35, %mul3A_37 : vector<512x16xf32>
    %slice3A_39 = vector.extract_strided_slice %add3A_16 {offsets = [0, 96], sizes = [512, 16], strides = [1, 1]} : vector<512x128xf32> to vector<512x16xf32>
    %slice3A_40 = vector.extract_strided_slice %div3A_9 {offsets = [0, 6], sizes = [512, 1], strides = [1, 1]} : vector<512x8xf32> to vector<512x1xf32>
    %mul3A_41 = vector.broadcast %slice3A_40 : vector<512x1xf32> to vector<512x16xf32>
    %mul3A_42 = arith.mulf %slice3A_39, %mul3A_41 : vector<512x16xf32>
    %slice3A_43 = vector.extract_strided_slice %add3A_16 {offsets = [0, 112], sizes = [512, 16], strides = [1, 1]} : vector<512x128xf32> to vector<512x16xf32>
    %slice3A_44 = vector.extract_strided_slice %div3A_9 {offsets = [0, 7], sizes = [512, 1], strides = [1, 1]} : vector<512x8xf32> to vector<512x1xf32>
    %mul3A_45 = vector.broadcast %slice3A_44 : vector<512x1xf32> to vector<512x16xf32>
    %mul3A_46 = arith.mulf %slice3A_43, %mul3A_45 : vector<512x16xf32>
    %concatenate3A = tpu.concatenate %mul3A_18, %mul3A_22, %mul3A_26, %mul3A_30, %mul3A_34, %mul3A_38, %mul3A_42, %mul3A_46 in 1 : vector<512x16xf32>, vector<512x16xf32>, vector<512x16xf32>, vector<512x16xf32>, vector<512x16xf32>, vector<512x16xf32>, vector<512x16xf32>, vector<512x16xf32> -> vector<512x128xf32>
    %get3A_47 = arith.constant 0 : index
    %get3A_48 = arith.constant 0 : index
    %get3A_49 = vector.load %arg3[%get3A_47, %get3A_48] : memref<128x128xf32, #tpu.memory_space<vmem>>, vector<128x128xf32>
    %dot_general3A = arith.constant dense<0.000000e+00> : vector<512x128xf32>
    %dot_general3A_50 = tpu.matmul %concatenate3A, %get3A_49, %dot_general3A {dimension_numbers = #tpu.dot_dimension_numbers<[1], [0], [0], [1], [0, 0, 1, 1], [], []>, transpose_lhs_hint = false} : vector<512x128xf32>, vector<128x128xf32>, vector<512x128xf32> -> vector<512x128xf32>
    %swap3A = arith.constant 0 : index
    %swap3A_51 = arith.constant 0 : index
    %swap3A_52 = vector.load %arg5[%swap3A, %swap3A_51] : memref<512x128xf32, #tpu.memory_space<vmem>>, vector<512x128xf32>
    tpu.vector_store %arg5[%swap3A, %swap3A_51], %dot_general3A_50 {strides = array<i32>} : memref<512x128xf32, #tpu.memory_space<vmem>>, vector<512x128xf32>,
    %broadcast_in_dim3A = arith.constant 0.000000e+00 : f32
    %broadcast_in_dim3A_53 = vector.broadcast %broadcast_in_dim3A : f32 to vector<512x8xf32>
    %concatenate3A_54 = tpu.concatenate %div3A_9, %broadcast_in_dim3A_53 in 1 : vector<512x8xf32>, vector<512x8xf32> -> vector<512x16xf32>
    %swap3A_55 = arith.constant 0 : index
    %swap3A_56 = arith.constant 0 : index
    %swap3A_57 = vector.load %arg4[%swap3A_55, %swap3A_56] : memref<512x16xf32, #tpu.memory_space<vmem>>, vector<512x16xf32>
    tpu.vector_store %arg4[%swap3A_55, %swap3A_56], %concatenate3A_54 {strides = array<i32>} : memref<512x16xf32, #tpu.memory_space<vmem>>, vector<512x16xf32>,
    return
  }
  func.func @transform_0(%arg0: i32) -> (i32, i32) {
    %c0_i32 = arith.constant 0 : i32
    %c0_i32_0 = arith.constant 0 : i32
    return %arg0, %c0_i32 : i32, i32
  }
  func.func @transform_1(%arg0: i32) -> (i32, i32) {
    %c0_i32 = arith.constant 0 : i32
    %c0_i32_0 = arith.constant 0 : i32
    return %arg0, %c0_i32 : i32, i32
  }
  func.func @transform_2(%arg0: i32) -> (i32, i32) {
    %c0_i32 = arith.constant 0 : i32
    %c0_i32_0 = arith.constant 0 : i32
    %c0_i32_1 = arith.constant 0 : i32
    return %c0_i32, %c0_i32_0 : i32, i32
  }
  func.func @transform_3(%arg0: i32) -> (i32, i32) {
    %c0_i32 = arith.constant 0 : i32
    %c0_i32_0 = arith.constant 0 : i32
    return %arg0, %c0_i32 : i32, i32
  }
  func.func @transform_4(%arg0: i32) -> (i32, i32) {
    %c0_i32 = arith.constant 0 : i32
    %c0_i32_0 = arith.constant 0 : i32
    return %arg0, %c0_i32 : i32, i32
  }
}

module attributes {stable_mosaic.version = 14 : i64} {
  func.func @_final_body(%arg0: i32, %arg1: memref<400x128xf32, #tpu.memory_space<vmem>>, %arg2: memref<400x128xf32, #tpu.memory_space<vmem>>, %arg3: memref<400x128xf32, #tpu.memory_space<vmem>>, %arg4: memref<400x128xf32, #tpu.memory_space<vmem>>, %arg5: memref<128x128xf32, #tpu.memory_space<vmem>>, %arg6: memref<1x128xf32, #tpu.memory_space<vmem>>, %arg7: memref<384x192xf32, #tpu.memory_space<vmem>>, %arg8: memref<1x192xf32, #tpu.memory_space<vmem>>, %arg9: memref<192x96xf32, #tpu.memory_space<vmem>>, %arg10: memref<1x96xf32, #tpu.memory_space<vmem>>, %arg11: memref<1x96xf32, #tpu.memory_space<vmem>>, %arg12: memref<1x1xf32, #tpu.memory_space<vmem>>, %arg13: memref<1x128xf32, #tpu.memory_space<vmem>>, %arg14: memref<1x128xf32, #tpu.memory_space<vmem>>, %arg15: memref<128x128xf32, #tpu.memory_space<vmem>>, %arg16: memref<1x128xf32, #tpu.memory_space<vmem>>, %arg17: memref<128x128xf32, #tpu.memory_space<vmem>>, %arg18: memref<1x128xf32, #tpu.memory_space<vmem>>, %arg19: memref<384x192xf32, #tpu.memory_space<vmem>>, %arg20: memref<1x192xf32, #tpu.memory_space<vmem>>, %arg21: memref<192x96xf32, #tpu.memory_space<vmem>>, %arg22: memref<1x96xf32, #tpu.memory_space<vmem>>, %arg23: memref<1x96xf32, #tpu.memory_space<vmem>>, %arg24: memref<1x1xf32, #tpu.memory_space<vmem>>, %arg25: memref<400x128xf32, #tpu.memory_space<vmem>>) attributes {dimension_semantics = [#tpu.dimension_semantics<arbitrary>], iteration_bounds = array<i64: 25>, scalar_prefetch = 0 : i64, scratch_operands = 0 : i64, tpu.core_type = #tpu.core_type<tc>, window_params = [{transform_indices = @transform_0, window_bounds = array<i64: 400, 128>}, {transform_indices = @transform_1, window_bounds = array<i64: 400, 128>}, {transform_indices = @transform_2, window_bounds = array<i64: 400, 128>}, {transform_indices = @transform_3, window_bounds = array<i64: 400, 128>}, {pipeline_mode = #tpu.pipeline_mode<synchronous>, transform_indices = @transform_4, window_bounds = array<i64: 128, 128>}, {pipeline_mode = #tpu.pipeline_mode<synchronous>, transform_indices = @transform_5, window_bounds = array<i64: 1, 128>}, {pipeline_mode = #tpu.pipeline_mode<synchronous>, transform_indices = @transform_6, window_bounds = array<i64: 384, 192>}, {pipeline_mode = #tpu.pipeline_mode<synchronous>, transform_indices = @transform_7, window_bounds = array<i64: 1, 192>}, {pipeline_mode = #tpu.pipeline_mode<synchronous>, transform_indices = @transform_8, window_bounds = array<i64: 192, 96>}, {pipeline_mode = #tpu.pipeline_mode<synchronous>, transform_indices = @transform_9, window_bounds = array<i64: 1, 96>}, {pipeline_mode = #tpu.pipeline_mode<synchronous>, transform_indices = @transform_10, window_bounds = array<i64: 1, 96>}, {pipeline_mode = #tpu.pipeline_mode<synchronous>, transform_indices = @transform_11, window_bounds = array<i64: 1, 1>}, {pipeline_mode = #tpu.pipeline_mode<synchronous>, transform_indices = @transform_12, window_bounds = array<i64: 1, 128>}, {pipeline_mode = #tpu.pipeline_mode<synchronous>, transform_indices = @transform_13, window_bounds = array<i64: 1, 128>}, {pipeline_mode = #tpu.pipeline_mode<synchronous>, transform_indices = @transform_14, window_bounds = array<i64: 128, 128>}, {pipeline_mode = #tpu.pipeline_mode<synchronous>, transform_indices = @transform_15, window_bounds = array<i64: 1, 128>}, {pipeline_mode = #tpu.pipeline_mode<synchronous>, transform_indices = @transform_16, window_bounds = array<i64: 128, 128>}, {pipeline_mode = #tpu.pipeline_mode<synchronous>, transform_indices = @transform_17, window_bounds = array<i64: 1, 128>}, {pipeline_mode = #tpu.pipeline_mode<synchronous>, transform_indices = @transform_18, window_bounds = array<i64: 384, 192>}, {pipeline_mode = #tpu.pipeline_mode<synchronous>, transform_indices = @transform_19, window_bounds = array<i64: 1, 192>}, {pipeline_mode = #tpu.pipeline_mode<synchronous>, transform_indices = @transform_20, window_bounds = array<i64: 192, 96>}, {pipeline_mode = #tpu.pipeline_mode<synchronous>, transform_indices = @transform_21, window_bounds = array<i64: 1, 96>}, {pipeline_mode = #tpu.pipeline_mode<synchronous>, transform_indices = @transform_22, window_bounds = array<i64: 1, 96>}, {pipeline_mode = #tpu.pipeline_mode<synchronous>, transform_indices = @transform_23, window_bounds = array<i64: 1, 1>}, {transform_indices = @transform_24, window_bounds = array<i64: 400, 128>}]} {
    %get3A = arith.constant 0 : index
    %get3A_0 = arith.constant 0 : index
    %get3A_1 = vector.load %arg1[%get3A, %get3A_0] : memref<400x128xf32, #tpu.memory_space<vmem>>, vector<400x128xf32>
    %iota3A = tpu.iota {dimensions = array<i32: 0>} : vector<128x128xi32>
    %iota3A_2 = tpu.iota {dimensions = array<i32: 1>} : vector<128x128xi32>
    %shift_right_arithmetic3A = arith.constant 5 : i32
    %shift_right_arithmetic3A_3 = vector.broadcast %shift_right_arithmetic3A : i32 to vector<128x128xi32>
    %shift_right_arithmetic3A_4 = arith.shrsi %iota3A, %shift_right_arithmetic3A_3 : vector<128x128xi32>
    %shift_left3A = arith.constant 5 : i32
    %shift_left3A_5 = vector.broadcast %shift_left3A : i32 to vector<128x128xi32>
    %shift_left3A_6 = arith.shli %shift_right_arithmetic3A_4, %shift_left3A_5 : vector<128x128xi32>
    %and3A = arith.constant 15 : i32
    %and3A_7 = vector.broadcast %and3A : i32 to vector<128x128xi32>
    %and3A_8 = arith.andi %iota3A, %and3A_7 : vector<128x128xi32>
    %mul3A = arith.constant 2 : i32
    %mul3A_9 = vector.broadcast %mul3A : i32 to vector<128x128xi32>
    %mul3A_10 = arith.muli %mul3A_9, %and3A_8 : vector<128x128xi32>
    %add3A = arith.addi %shift_left3A_6, %mul3A_10 : vector<128x128xi32>
    %shift_right_arithmetic3A_11 = arith.constant 4 : i32
    %shift_right_arithmetic3A_12 = vector.broadcast %shift_right_arithmetic3A_11 : i32 to vector<128x128xi32>
    %shift_right_arithmetic3A_13 = arith.shrsi %iota3A, %shift_right_arithmetic3A_12 : vector<128x128xi32>
    %and3A_14 = arith.constant 1 : i32
    %and3A_15 = vector.broadcast %and3A_14 : i32 to vector<128x128xi32>
    %and3A_16 = arith.andi %shift_right_arithmetic3A_13, %and3A_15 : vector<128x128xi32>
    %add3A_17 = arith.addi %add3A, %and3A_16 : vector<128x128xi32>
    %eq3A = arith.cmpi eq, %iota3A_2, %add3A_17 : vector<128x128xi32>
    %convert_element_type3A = arith.extui %eq3A : vector<128x128xi1> to vector<128x128xi32>
    %convert_element_type3A_18 = arith.sitofp %convert_element_type3A : vector<128x128xi32> to vector<128x128xf32>
    %get3A_19 = arith.constant 0 : index
    %get3A_20 = arith.constant 0 : index
    %get3A_21 = vector.load %arg2[%get3A_19, %get3A_20] : memref<400x128xf32, #tpu.memory_space<vmem>>, vector<400x128xf32>
    %get3A_22 = arith.constant 0 : index
    %get3A_23 = arith.constant 0 : index
    %get3A_24 = vector.load %arg3[%get3A_22, %get3A_23] : memref<400x128xf32, #tpu.memory_space<vmem>>, vector<400x128xf32>
    %add3A_25 = arith.addf %get3A_21, %get3A_24 : vector<400x128xf32>
    %dot_general3A = arith.constant dense<0.000000e+00> : vector<400x128xf32>
    %dot_general3A_26 = tpu.matmul %add3A_25, %convert_element_type3A_18, %dot_general3A {dimension_numbers = #tpu.dot_dimension_numbers<[1], [0], [0], [1], [0, 0, 1, 1], [], []>, transpose_lhs_hint = false} : vector<400x128xf32>, vector<128x128xf32>, vector<400x128xf32> -> vector<400x128xf32>
    %get3A_27 = arith.constant 0 : index
    %get3A_28 = arith.constant 0 : index
    %get3A_29 = vector.load %arg4[%get3A_27, %get3A_28] : memref<400x128xf32, #tpu.memory_space<vmem>>, vector<400x128xf32>
    %add3A_30 = arith.addf %dot_general3A_26, %get3A_29 : vector<400x128xf32>
    %mul3A_31 = arith.constant 1.250000e-01 : f32
    %mul3A_32 = vector.broadcast %mul3A_31 : f32 to vector<400x128xf32>
    %mul3A_33 = arith.mulf %add3A_30, %mul3A_32 : vector<400x128xf32>
    %get3A_34 = arith.constant 0 : index
    %get3A_35 = arith.constant 0 : index
    %get3A_36 = vector.load %arg5[%get3A_34, %get3A_35] : memref<128x128xf32, #tpu.memory_space<vmem>>, vector<128x128xf32>
    %dot_general3A_37 = arith.constant dense<0.000000e+00> : vector<400x128xf32>
    %dot_general3A_38 = tpu.matmul %get3A_1, %get3A_36, %dot_general3A_37 {dimension_numbers = #tpu.dot_dimension_numbers<[1], [0], [0], [1], [0, 0, 1, 1], [], []>, transpose_lhs_hint = false} : vector<400x128xf32>, vector<128x128xf32>, vector<400x128xf32> -> vector<400x128xf32>
    %add3A_39 = arith.addf %mul3A_33, %dot_general3A_38 : vector<400x128xf32>
    %get3A_40 = arith.constant 0 : index
    %get3A_41 = arith.constant 0 : index
    %get3A_42 = vector.load %arg6[%get3A_40, %get3A_41] : memref<1x128xf32, #tpu.memory_space<vmem>>, vector<1x128xf32>
    %add3A_43 = vector.broadcast %get3A_42 : vector<1x128xf32> to vector<400x128xf32>
    %add3A_44 = arith.addf %add3A_39, %add3A_43 : vector<400x128xf32>
    %sub3A = arith.subf %get3A_1, %add3A_44 : vector<400x128xf32>
    %concatenate3A = tpu.concatenate %get3A_1, %add3A_44, %sub3A in 1 : vector<400x128xf32>, vector<400x128xf32>, vector<400x128xf32> -> vector<400x384xf32>
    %get3A_45 = arith.constant 0 : index
    %get3A_46 = arith.constant 0 : index
    %get3A_47 = vector.load %arg7[%get3A_45, %get3A_46] : memref<384x192xf32, #tpu.memory_space<vmem>>, vector<384x192xf32>
    %dot_general3A_48 = arith.constant dense<0.000000e+00> : vector<400x192xf32>
    %dot_general3A_49 = tpu.matmul %concatenate3A, %get3A_47, %dot_general3A_48 {dimension_numbers = #tpu.dot_dimension_numbers<[1], [0], [0], [1], [0, 0, 1, 1], [], []>, transpose_lhs_hint = false} : vector<400x384xf32>, vector<384x192xf32>, vector<400x192xf32> -> vector<400x192xf32>
    %get3A_50 = arith.constant 0 : index
    %get3A_51 = arith.constant 0 : index
    %get3A_52 = vector.load %arg8[%get3A_50, %get3A_51] : memref<1x192xf32, #tpu.memory_space<vmem>>, vector<1x192xf32>
    %add3A_53 = vector.broadcast %get3A_52 : vector<1x192xf32> to vector<400x192xf32>
    %add3A_54 = arith.addf %dot_general3A_49, %add3A_53 : vector<400x192xf32>
    %logistic3A = arith.negf %add3A_54 : vector<400x192xf32>
    %logistic3A_55 = math.exp %logistic3A : vector<400x192xf32>
    %logistic3A_56 = arith.constant 1.000000e+00 : f32
    %logistic3A_57 = vector.broadcast %logistic3A_56 : f32 to vector<400x192xf32>
    %logistic3A_58 = arith.addf %logistic3A_57, %logistic3A_55 : vector<400x192xf32>
    %logistic3A_59 = arith.divf %logistic3A_57, %logistic3A_58 : vector<400x192xf32>
    %mul3A_60 = arith.mulf %add3A_54, %logistic3A_59 : vector<400x192xf32>
    %get3A_61 = arith.constant 0 : index
    %get3A_62 = arith.constant 0 : index
    %get3A_63 = vector.load %arg9[%get3A_61, %get3A_62] : memref<192x96xf32, #tpu.memory_space<vmem>>, vector<192x96xf32>
    %dot_general3A_64 = arith.constant dense<0.000000e+00> : vector<400x96xf32>
    %dot_general3A_65 = tpu.matmul %mul3A_60, %get3A_63, %dot_general3A_64 {dimension_numbers = #tpu.dot_dimension_numbers<[1], [0], [0], [1], [0, 0, 1, 1], [], []>, transpose_lhs_hint = false} : vector<400x192xf32>, vector<192x96xf32>, vector<400x96xf32> -> vector<400x96xf32>
    %get3A_66 = arith.constant 0 : index
    %get3A_67 = arith.constant 0 : index
    %get3A_68 = vector.load %arg10[%get3A_66, %get3A_67] : memref<1x96xf32, #tpu.memory_space<vmem>>, vector<1x96xf32>
    %add3A_69 = vector.broadcast %get3A_68 : vector<1x96xf32> to vector<400x96xf32>
    %add3A_70 = arith.addf %dot_general3A_65, %add3A_69 : vector<400x96xf32>
    %logistic3A_71 = arith.negf %add3A_70 : vector<400x96xf32>
    %logistic3A_72 = math.exp %logistic3A_71 : vector<400x96xf32>
    %logistic3A_73 = arith.constant 1.000000e+00 : f32
    %logistic3A_74 = vector.broadcast %logistic3A_73 : f32 to vector<400x96xf32>
    %logistic3A_75 = arith.addf %logistic3A_74, %logistic3A_72 : vector<400x96xf32>
    %logistic3A_76 = arith.divf %logistic3A_74, %logistic3A_75 : vector<400x96xf32>
    %mul3A_77 = arith.mulf %add3A_70, %logistic3A_76 : vector<400x96xf32>
    %get3A_78 = arith.constant 0 : index
    %get3A_79 = arith.constant 0 : index
    %get3A_80 = vector.load %arg11[%get3A_78, %get3A_79] : memref<1x96xf32, #tpu.memory_space<vmem>>, vector<1x96xf32>
    %mul3A_81 = vector.broadcast %get3A_80 : vector<1x96xf32> to vector<400x96xf32>
    %mul3A_82 = arith.mulf %mul3A_77, %mul3A_81 : vector<400x96xf32>
    %reduce_sum3A = arith.constant dense<0.000000e+00> : vector<400xf32>
    %reduce_sum3A_83 = vector.multi_reduction <add>, %mul3A_82, %reduce_sum3A [1] : vector<400x96xf32> to vector<400xf32>
    %broadcast_in_dim3A = vector.shape_cast %reduce_sum3A_83 : vector<400xf32> to vector<400x1xf32>
    %get3A_84 = arith.constant 0 : index
    %get3A_85 = arith.constant 0 : index
    %get3A_86 = vector.load %arg12[%get3A_84, %get3A_85] : memref<1x1xf32, #tpu.memory_space<vmem>>, vector<1x1xf32>
    %add3A_87 = vector.broadcast %get3A_86 : vector<1x1xf32> to vector<400x1xf32>
    %add3A_88 = arith.addf %broadcast_in_dim3A, %add3A_87 : vector<400x1xf32>
    %logistic3A_89 = arith.negf %add3A_88 : vector<400x1xf32>
    %logistic3A_90 = math.exp %logistic3A_89 : vector<400x1xf32>
    %logistic3A_91 = arith.constant 1.000000e+00 : f32
    %logistic3A_92 = vector.broadcast %logistic3A_91 : f32 to vector<400x1xf32>
    %logistic3A_93 = arith.addf %logistic3A_92, %logistic3A_90 : vector<400x1xf32>
    %logistic3A_94 = arith.divf %logistic3A_92, %logistic3A_93 : vector<400x1xf32>
    %mul3A_95 = vector.broadcast %logistic3A_94 : vector<400x1xf32> to vector<400x128xf32>
    %mul3A_96 = arith.mulf %mul3A_95, %get3A_1 : vector<400x128xf32>
    %sub3A_97 = arith.constant 1.000000e+00 : f32
    %sub3A_98 = vector.broadcast %sub3A_97 : f32 to vector<400x1xf32>
    %sub3A_99 = arith.subf %sub3A_98, %logistic3A_94 : vector<400x1xf32>
    %mul3A_100 = vector.broadcast %sub3A_99 : vector<400x1xf32> to vector<400x128xf32>
    %mul3A_101 = arith.mulf %mul3A_100, %add3A_44 : vector<400x128xf32>
    %add3A_102 = arith.addf %mul3A_96, %mul3A_101 : vector<400x128xf32>
    %reduce_sum3A_103 = arith.constant dense<0.000000e+00> : vector<400xf32>
    %reduce_sum3A_104 = vector.multi_reduction <add>, %add3A_102, %reduce_sum3A_103 [1] : vector<400x128xf32> to vector<400xf32>
    %broadcast_in_dim3A_105 = vector.shape_cast %reduce_sum3A_104 : vector<400xf32> to vector<400x1xf32>
    %div3A = arith.constant 1.280000e+02 : f32
    %div3A_106 = vector.broadcast %div3A : f32 to vector<400x1xf32>
    %div3A_107 = arith.divf %broadcast_in_dim3A_105, %div3A_106 : vector<400x1xf32>
    %sub3A_108 = vector.broadcast %div3A_107 : vector<400x1xf32> to vector<400x128xf32>
    %sub3A_109 = arith.subf %add3A_102, %sub3A_108 : vector<400x128xf32>
    %integer_pow3A = arith.mulf %sub3A_109, %sub3A_109 : vector<400x128xf32>
    %reduce_sum3A_110 = arith.constant dense<0.000000e+00> : vector<400xf32>
    %reduce_sum3A_111 = vector.multi_reduction <add>, %integer_pow3A, %reduce_sum3A_110 [1] : vector<400x128xf32> to vector<400xf32>
    %broadcast_in_dim3A_112 = vector.shape_cast %reduce_sum3A_111 : vector<400xf32> to vector<400x1xf32>
    %div3A_113 = arith.constant 1.280000e+02 : f32
    %div3A_114 = vector.broadcast %div3A_113 : f32 to vector<400x1xf32>
    %div3A_115 = arith.divf %broadcast_in_dim3A_112, %div3A_114 : vector<400x1xf32>
    %sub3A_116 = vector.broadcast %div3A_107 : vector<400x1xf32> to vector<400x128xf32>
    %sub3A_117 = arith.subf %add3A_102, %sub3A_116 : vector<400x128xf32>
    %add3A_118 = arith.constant 9.99999974E-6 : f32
    %add3A_119 = vector.broadcast %add3A_118 : f32 to vector<400x1xf32>
    %add3A_120 = arith.addf %div3A_115, %add3A_119 : vector<400x1xf32>
    %sqrt3A = math.sqrt %add3A_120 : vector<400x1xf32>
    %div3A_121 = vector.broadcast %sqrt3A : vector<400x1xf32> to vector<400x128xf32>
    %div3A_122 = arith.divf %sub3A_117, %div3A_121 : vector<400x128xf32>
    %get3A_123 = arith.constant 0 : index
    %get3A_124 = arith.constant 0 : index
    %get3A_125 = vector.load %arg13[%get3A_123, %get3A_124] : memref<1x128xf32, #tpu.memory_space<vmem>>, vector<1x128xf32>
    %mul3A_126 = vector.broadcast %get3A_125 : vector<1x128xf32> to vector<400x128xf32>
    %mul3A_127 = arith.mulf %div3A_122, %mul3A_126 : vector<400x128xf32>
    %get3A_128 = arith.constant 0 : index
    %get3A_129 = arith.constant 0 : index
    %get3A_130 = vector.load %arg14[%get3A_128, %get3A_129] : memref<1x128xf32, #tpu.memory_space<vmem>>, vector<1x128xf32>
    %add3A_131 = vector.broadcast %get3A_130 : vector<1x128xf32> to vector<400x128xf32>
    %add3A_132 = arith.addf %mul3A_127, %add3A_131 : vector<400x128xf32>
    %get3A_133 = arith.constant 0 : index
    %get3A_134 = arith.constant 0 : index
    %get3A_135 = vector.load %arg15[%get3A_133, %get3A_134] : memref<128x128xf32, #tpu.memory_space<vmem>>, vector<128x128xf32>
    %dot_general3A_136 = arith.constant dense<0.000000e+00> : vector<400x128xf32>
    %dot_general3A_137 = tpu.matmul %add3A_132, %get3A_135, %dot_general3A_136 {dimension_numbers = #tpu.dot_dimension_numbers<[1], [0], [0], [1], [0, 0, 1, 1], [], []>, transpose_lhs_hint = false} : vector<400x128xf32>, vector<128x128xf32>, vector<400x128xf32> -> vector<400x128xf32>
    %get3A_138 = arith.constant 0 : index
    %get3A_139 = arith.constant 0 : index
    %get3A_140 = vector.load %arg16[%get3A_138, %get3A_139] : memref<1x128xf32, #tpu.memory_space<vmem>>, vector<1x128xf32>
    %add3A_141 = vector.broadcast %get3A_140 : vector<1x128xf32> to vector<400x128xf32>
    %add3A_142 = arith.addf %dot_general3A_137, %add3A_141 : vector<400x128xf32>
    %logistic3A_143 = arith.negf %add3A_142 : vector<400x128xf32>
    %logistic3A_144 = math.exp %logistic3A_143 : vector<400x128xf32>
    %logistic3A_145 = arith.constant 1.000000e+00 : f32
    %logistic3A_146 = vector.broadcast %logistic3A_145 : f32 to vector<400x128xf32>
    %logistic3A_147 = arith.addf %logistic3A_146, %logistic3A_144 : vector<400x128xf32>
    %logistic3A_148 = arith.divf %logistic3A_146, %logistic3A_147 : vector<400x128xf32>
    %mul3A_149 = arith.mulf %add3A_142, %logistic3A_148 : vector<400x128xf32>
    %get3A_150 = arith.constant 0 : index
    %get3A_151 = arith.constant 0 : index
    %get3A_152 = vector.load %arg17[%get3A_150, %get3A_151] : memref<128x128xf32, #tpu.memory_space<vmem>>, vector<128x128xf32>
    %dot_general3A_153 = arith.constant dense<0.000000e+00> : vector<400x128xf32>
    %dot_general3A_154 = tpu.matmul %mul3A_149, %get3A_152, %dot_general3A_153 {dimension_numbers = #tpu.dot_dimension_numbers<[1], [0], [0], [1], [0, 0, 1, 1], [], []>, transpose_lhs_hint = false} : vector<400x128xf32>, vector<128x128xf32>, vector<400x128xf32> -> vector<400x128xf32>
    %get3A_155 = arith.constant 0 : index
    %get3A_156 = arith.constant 0 : index
    %get3A_157 = vector.load %arg18[%get3A_155, %get3A_156] : memref<1x128xf32, #tpu.memory_space<vmem>>, vector<1x128xf32>
    %add3A_158 = vector.broadcast %get3A_157 : vector<1x128xf32> to vector<400x128xf32>
    %add3A_159 = arith.addf %dot_general3A_154, %add3A_158 : vector<400x128xf32>
    %sub3A_160 = arith.subf %add3A_132, %add3A_159 : vector<400x128xf32>
    %concatenate3A_161 = tpu.concatenate %add3A_132, %add3A_159, %sub3A_160 in 1 : vector<400x128xf32>, vector<400x128xf32>, vector<400x128xf32> -> vector<400x384xf32>
    %get3A_162 = arith.constant 0 : index
    %get3A_163 = arith.constant 0 : index
    %get3A_164 = vector.load %arg19[%get3A_162, %get3A_163] : memref<384x192xf32, #tpu.memory_space<vmem>>, vector<384x192xf32>
    %dot_general3A_165 = arith.constant dense<0.000000e+00> : vector<400x192xf32>
    %dot_general3A_166 = tpu.matmul %concatenate3A_161, %get3A_164, %dot_general3A_165 {dimension_numbers = #tpu.dot_dimension_numbers<[1], [0], [0], [1], [0, 0, 1, 1], [], []>, transpose_lhs_hint = false} : vector<400x384xf32>, vector<384x192xf32>, vector<400x192xf32> -> vector<400x192xf32>
    %get3A_167 = arith.constant 0 : index
    %get3A_168 = arith.constant 0 : index
    %get3A_169 = vector.load %arg20[%get3A_167, %get3A_168] : memref<1x192xf32, #tpu.memory_space<vmem>>, vector<1x192xf32>
    %add3A_170 = vector.broadcast %get3A_169 : vector<1x192xf32> to vector<400x192xf32>
    %add3A_171 = arith.addf %dot_general3A_166, %add3A_170 : vector<400x192xf32>
    %logistic3A_172 = arith.negf %add3A_171 : vector<400x192xf32>
    %logistic3A_173 = math.exp %logistic3A_172 : vector<400x192xf32>
    %logistic3A_174 = arith.constant 1.000000e+00 : f32
    %logistic3A_175 = vector.broadcast %logistic3A_174 : f32 to vector<400x192xf32>
    %logistic3A_176 = arith.addf %logistic3A_175, %logistic3A_173 : vector<400x192xf32>
    %logistic3A_177 = arith.divf %logistic3A_175, %logistic3A_176 : vector<400x192xf32>
    %mul3A_178 = arith.mulf %add3A_171, %logistic3A_177 : vector<400x192xf32>
    %get3A_179 = arith.constant 0 : index
    %get3A_180 = arith.constant 0 : index
    %get3A_181 = vector.load %arg21[%get3A_179, %get3A_180] : memref<192x96xf32, #tpu.memory_space<vmem>>, vector<192x96xf32>
    %dot_general3A_182 = arith.constant dense<0.000000e+00> : vector<400x96xf32>
    %dot_general3A_183 = tpu.matmul %mul3A_178, %get3A_181, %dot_general3A_182 {dimension_numbers = #tpu.dot_dimension_numbers<[1], [0], [0], [1], [0, 0, 1, 1], [], []>, transpose_lhs_hint = false} : vector<400x192xf32>, vector<192x96xf32>, vector<400x96xf32> -> vector<400x96xf32>
    %get3A_184 = arith.constant 0 : index
    %get3A_185 = arith.constant 0 : index
    %get3A_186 = vector.load %arg22[%get3A_184, %get3A_185] : memref<1x96xf32, #tpu.memory_space<vmem>>, vector<1x96xf32>
    %add3A_187 = vector.broadcast %get3A_186 : vector<1x96xf32> to vector<400x96xf32>
    %add3A_188 = arith.addf %dot_general3A_183, %add3A_187 : vector<400x96xf32>
    %logistic3A_189 = arith.negf %add3A_188 : vector<400x96xf32>
    %logistic3A_190 = math.exp %logistic3A_189 : vector<400x96xf32>
    %logistic3A_191 = arith.constant 1.000000e+00 : f32
    %logistic3A_192 = vector.broadcast %logistic3A_191 : f32 to vector<400x96xf32>
    %logistic3A_193 = arith.addf %logistic3A_192, %logistic3A_190 : vector<400x96xf32>
    %logistic3A_194 = arith.divf %logistic3A_192, %logistic3A_193 : vector<400x96xf32>
    %mul3A_195 = arith.mulf %add3A_188, %logistic3A_194 : vector<400x96xf32>
    %get3A_196 = arith.constant 0 : index
    %get3A_197 = arith.constant 0 : index
    %get3A_198 = vector.load %arg23[%get3A_196, %get3A_197] : memref<1x96xf32, #tpu.memory_space<vmem>>, vector<1x96xf32>
    %mul3A_199 = vector.broadcast %get3A_198 : vector<1x96xf32> to vector<400x96xf32>
    %mul3A_200 = arith.mulf %mul3A_195, %mul3A_199 : vector<400x96xf32>
    %reduce_sum3A_201 = arith.constant dense<0.000000e+00> : vector<400xf32>
    %reduce_sum3A_202 = vector.multi_reduction <add>, %mul3A_200, %reduce_sum3A_201 [1] : vector<400x96xf32> to vector<400xf32>
    %broadcast_in_dim3A_203 = vector.shape_cast %reduce_sum3A_202 : vector<400xf32> to vector<400x1xf32>
    %get3A_204 = arith.constant 0 : index
    %get3A_205 = arith.constant 0 : index
    %get3A_206 = vector.load %arg24[%get3A_204, %get3A_205] : memref<1x1xf32, #tpu.memory_space<vmem>>, vector<1x1xf32>
    %add3A_207 = vector.broadcast %get3A_206 : vector<1x1xf32> to vector<400x1xf32>
    %add3A_208 = arith.addf %broadcast_in_dim3A_203, %add3A_207 : vector<400x1xf32>
    %logistic3A_209 = arith.negf %add3A_208 : vector<400x1xf32>
    %logistic3A_210 = math.exp %logistic3A_209 : vector<400x1xf32>
    %logistic3A_211 = arith.constant 1.000000e+00 : f32
    %logistic3A_212 = vector.broadcast %logistic3A_211 : f32 to vector<400x1xf32>
    %logistic3A_213 = arith.addf %logistic3A_212, %logistic3A_210 : vector<400x1xf32>
    %logistic3A_214 = arith.divf %logistic3A_212, %logistic3A_213 : vector<400x1xf32>
    %mul3A_215 = vector.broadcast %logistic3A_214 : vector<400x1xf32> to vector<400x128xf32>
    %mul3A_216 = arith.mulf %mul3A_215, %add3A_132 : vector<400x128xf32>
    %sub3A_217 = arith.constant 1.000000e+00 : f32
    %sub3A_218 = vector.broadcast %sub3A_217 : f32 to vector<400x1xf32>
    %sub3A_219 = arith.subf %sub3A_218, %logistic3A_214 : vector<400x1xf32>
    %mul3A_220 = vector.broadcast %sub3A_219 : vector<400x1xf32> to vector<400x128xf32>
    %mul3A_221 = arith.mulf %mul3A_220, %add3A_159 : vector<400x128xf32>
    %add3A_222 = arith.addf %mul3A_216, %mul3A_221 : vector<400x128xf32>
    %swap3A = arith.constant 0 : index
    %swap3A_223 = arith.constant 0 : index
    %swap3A_224 = vector.load %arg25[%swap3A, %swap3A_223] : memref<400x128xf32, #tpu.memory_space<vmem>>, vector<400x128xf32>
    tpu.vector_store %arg25[%swap3A, %swap3A_223], %add3A_222 {strides = array<i32>} : memref<400x128xf32, #tpu.memory_space<vmem>>, vector<400x128xf32>,
    return
  }
  func.func @transform_0(%arg0: i32) -> (i32, i32) {
    %c0_i32 = arith.constant 0 : i32
    %c0_i32_0 = arith.constant 0 : i32
    return %arg0, %c0_i32 : i32, i32
  }
  func.func @transform_1(%arg0: i32) -> (i32, i32) {
    %c0_i32 = arith.constant 0 : i32
    %c0_i32_0 = arith.constant 0 : i32
    return %arg0, %c0_i32 : i32, i32
  }
  func.func @transform_2(%arg0: i32) -> (i32, i32) {
    %c0_i32 = arith.constant 0 : i32
    %c0_i32_0 = arith.constant 0 : i32
    return %arg0, %c0_i32 : i32, i32
  }
  func.func @transform_3(%arg0: i32) -> (i32, i32) {
    %c0_i32 = arith.constant 0 : i32
    %c0_i32_0 = arith.constant 0 : i32
    return %arg0, %c0_i32 : i32, i32
  }
  func.func @transform_4(%arg0: i32) -> (i32, i32) {
    %c0_i32 = arith.constant 0 : i32
    %c0_i32_0 = arith.constant 0 : i32
    %c0_i32_1 = arith.constant 0 : i32
    return %c0_i32, %c0_i32_0 : i32, i32
  }
  func.func @transform_5(%arg0: i32) -> (i32, i32) {
    %c0_i32 = arith.constant 0 : i32
    %c0_i32_0 = arith.constant 0 : i32
    %c0_i32_1 = arith.constant 0 : i32
    return %c0_i32, %c0_i32_0 : i32, i32
  }
  func.func @transform_6(%arg0: i32) -> (i32, i32) {
    %c0_i32 = arith.constant 0 : i32
    %c0_i32_0 = arith.constant 0 : i32
    %c0_i32_1 = arith.constant 0 : i32
    return %c0_i32, %c0_i32_0 : i32, i32
  }
  func.func @transform_7(%arg0: i32) -> (i32, i32) {
    %c0_i32 = arith.constant 0 : i32
    %c0_i32_0 = arith.constant 0 : i32
    %c0_i32_1 = arith.constant 0 : i32
    return %c0_i32, %c0_i32_0 : i32, i32
  }
  func.func @transform_8(%arg0: i32) -> (i32, i32) {
    %c0_i32 = arith.constant 0 : i32
    %c0_i32_0 = arith.constant 0 : i32
    %c0_i32_1 = arith.constant 0 : i32
    return %c0_i32, %c0_i32_0 : i32, i32
  }
  func.func @transform_9(%arg0: i32) -> (i32, i32) {
    %c0_i32 = arith.constant 0 : i32
    %c0_i32_0 = arith.constant 0 : i32
    %c0_i32_1 = arith.constant 0 : i32
    return %c0_i32, %c0_i32_0 : i32, i32
  }
  func.func @transform_10(%arg0: i32) -> (i32, i32) {
    %c0_i32 = arith.constant 0 : i32
    %c0_i32_0 = arith.constant 0 : i32
    %c0_i32_1 = arith.constant 0 : i32
    return %c0_i32, %c0_i32_0 : i32, i32
  }
  func.func @transform_11(%arg0: i32) -> (i32, i32) {
    %c0_i32 = arith.constant 0 : i32
    %c0_i32_0 = arith.constant 0 : i32
    %c0_i32_1 = arith.constant 0 : i32
    return %c0_i32, %c0_i32_0 : i32, i32
  }
  func.func @transform_12(%arg0: i32) -> (i32, i32) {
    %c0_i32 = arith.constant 0 : i32
    %c0_i32_0 = arith.constant 0 : i32
    %c0_i32_1 = arith.constant 0 : i32
    return %c0_i32, %c0_i32_0 : i32, i32
  }
  func.func @transform_13(%arg0: i32) -> (i32, i32) {
    %c0_i32 = arith.constant 0 : i32
    %c0_i32_0 = arith.constant 0 : i32
    %c0_i32_1 = arith.constant 0 : i32
    return %c0_i32, %c0_i32_0 : i32, i32
  }
  func.func @transform_14(%arg0: i32) -> (i32, i32) {
    %c0_i32 = arith.constant 0 : i32
    %c0_i32_0 = arith.constant 0 : i32
    %c0_i32_1 = arith.constant 0 : i32
    return %c0_i32, %c0_i32_0 : i32, i32
  }
  func.func @transform_15(%arg0: i32) -> (i32, i32) {
    %c0_i32 = arith.constant 0 : i32
    %c0_i32_0 = arith.constant 0 : i32
    %c0_i32_1 = arith.constant 0 : i32
    return %c0_i32, %c0_i32_0 : i32, i32
  }
  func.func @transform_16(%arg0: i32) -> (i32, i32) {
    %c0_i32 = arith.constant 0 : i32
    %c0_i32_0 = arith.constant 0 : i32
    %c0_i32_1 = arith.constant 0 : i32
    return %c0_i32, %c0_i32_0 : i32, i32
  }
  func.func @transform_17(%arg0: i32) -> (i32, i32) {
    %c0_i32 = arith.constant 0 : i32
    %c0_i32_0 = arith.constant 0 : i32
    %c0_i32_1 = arith.constant 0 : i32
    return %c0_i32, %c0_i32_0 : i32, i32
  }
  func.func @transform_18(%arg0: i32) -> (i32, i32) {
    %c0_i32 = arith.constant 0 : i32
    %c0_i32_0 = arith.constant 0 : i32
    %c0_i32_1 = arith.constant 0 : i32
    return %c0_i32, %c0_i32_0 : i32, i32
  }
  func.func @transform_19(%arg0: i32) -> (i32, i32) {
    %c0_i32 = arith.constant 0 : i32
    %c0_i32_0 = arith.constant 0 : i32
    %c0_i32_1 = arith.constant 0 : i32
    return %c0_i32, %c0_i32_0 : i32, i32
  }
  func.func @transform_20(%arg0: i32) -> (i32, i32) {
    %c0_i32 = arith.constant 0 : i32
    %c0_i32_0 = arith.constant 0 : i32
    %c0_i32_1 = arith.constant 0 : i32
    return %c0_i32, %c0_i32_0 : i32, i32
  }
  func.func @transform_21(%arg0: i32) -> (i32, i32) {
    %c0_i32 = arith.constant 0 : i32
    %c0_i32_0 = arith.constant 0 : i32
    %c0_i32_1 = arith.constant 0 : i32
    return %c0_i32, %c0_i32_0 : i32, i32
  }
  func.func @transform_22(%arg0: i32) -> (i32, i32) {
    %c0_i32 = arith.constant 0 : i32
    %c0_i32_0 = arith.constant 0 : i32
    %c0_i32_1 = arith.constant 0 : i32
    return %c0_i32, %c0_i32_0 : i32, i32
  }
  func.func @transform_23(%arg0: i32) -> (i32, i32) {
    %c0_i32 = arith.constant 0 : i32
    %c0_i32_0 = arith.constant 0 : i32
    %c0_i32_1 = arith.constant 0 : i32
    return %c0_i32, %c0_i32_0 : i32, i32
  }
  func.func @transform_24(%arg0: i32) -> (i32, i32) {
    %c0_i32 = arith.constant 0 : i32
    %c0_i32_0 = arith.constant 0 : i32
    return %arg0, %c0_i32 : i32, i32
  }
}

</mosaic_0001>

<sc_bundles>
// kernel: kernel.12.cloned.1.call-start
scs
__scs_entry_jumppad:
0x0: {  	(pc) =	sbr.rel $0x88, $3  }
0x1: {  	(tag) =	ssettag $0x0;
	lr =	simm.s32 $0x1  }
0x2: {  	[smem:$0x3F81] =	sst lr;
	_ =	strace $0xD0000000  }
0x3: {  	_ = 	snop  }
0x4: {  	_ = 	snop  }
0x5: {  	_ = 	snop  }
0x6: {  	_ = 	snop  }
0x7: {  	_ = 	snop  }
__scs_overlays_trampoline_lowered:
0x8: {  	[smem:$0x3F90] =	sst s0  }
0x9: {  	[smem:$0x3F91] =	sst s1  }
0xa: {  	[smem:$0x3F92] =	sst s2  }
0xb: {  	[smem:$0x3F93] =	sst s3  }
0xc: {  	[smem:$0x3F94] =	sst s4  }
0xd: {  	[smem:$0x3F95] =	sst s5  }
0xe: {  	[smem:$0x3F96] =	sst s6  }
0xf: {  	[smem:$0x3F97] =	sst s7  }
0x10: {  	[smem:$0x3F98] =	sst s8  }
0x11: {  	[smem:$0x3F99] =	sst s9;
	s0 =	simm.s32 @!p0 $0x0  }
0x12: {  	s1 =	sld [smem:$0x3F7F];
	s0 =	simm.s32 @p0 $0x1  }
0x13: {  	[smem:$0x3F9A] =	sst s0;
	s0 =	simm.s32 @!p1 $0x0  }
0x14: {  	s2 =	sld [smem:$0x3F7E];
	s0 =	simm.s32 @p1 $0x1  }
0x15: {  	[smem:$0x3F9B] =	sst s0;
	s0 =	simm.s32 @!p2 $0x0  }
0x16: {  	s3 =	sld [smem:$0x3FDB];
	s0 =	simm.s32 @p2 $0x1  }
0x17: {  	s4 =	simm.s32 $0x1BF5;
	[smem:$0x3F9D] =	sst s0  }
0x18: {  	s0 =	sld [smem:$0x3F80];
	_ =	swait.ge [sflag:s4], $0x0  }
0x19: {  	s7 =	sld [smem:$0x3F81]  }
0x1a: {  	s8 =	sadd.s32 $0xFFFFE003, lr  }
0x1b: {  	s9 =	sadd.s32 $0xFFFFFEF7, lr;
	s5 =	simm.s32 $0xFFFFFFFF;
	p2 =	slt.u32 s8, $0xFFFFF086  }
0x1c: {  	p1 =	slt.u32 s9, $0xF7A;
	s5 =	simm.s32 @!p2 $0x0  }
0x1d: {  	s5 =	simm.s32 @p1 $0x1;
	p0 =	seq.s32 s7, s2  }
0x1e: {  	s7 =	smul.u32 @!p0 $0xF7A, s2;
	p2 =	seq.s32 @!p0 s5, $0x0  }
0x1f: {  	s9 =	smul.u32 $0xF7A, s1;
	s8 =	simm.s32 @!p0 $0x1BF5;
	p2 =	por !p2, p0  }
0x20: {  	[sflag:s8] =	ssyncset.s32 @!p0 $0xFFFFF086;
	s6 =	sadd.s32 @!p0 s3, s7;
	s7 =	simm.s32 @!p0 $0x108  }
0x21: {  	s3 =	sadd.s32 s3, s9;
	s6 =	sadd.s32 @!p0 $0x88, s6;
	s7 =	simm.s32 @p2 $0x1082  }
0x22: {  	[simem:s7], [sflag:s8] =	dma.local @!p0 [hbm:s6], $0xF7A  }
0x23: {  	s9 =	sor.u32 $0xD0000000, s2;
	s6 =	simm.s32 $0x108;
	_ =	swait.ge @!p0 [sflag:s8], $0x0  }
0x24: {  	s3 =	sadd.s32 $0x88, s3;
	s6 =	simm.s32 @!p1 $0x1082;
	[sflag:s4] =	ssyncset.s32 $0xFFFFF086  }
0x25: {  	[simem:s6], [sflag:s4] =	dma.local [hbm:s3], $0xF7A  }
0x26: {  	[smem:$0x3F81] =	sst s1;
	(tag) =	ssettag s2;
	_ =	strace s9  }
0x27: {  	s1 =	sld [smem:$0x3F91]  }
0x28: {  	s2 =	sld [smem:$0x3F92]  }
0x29: {  	s4 =	sld [smem:$0x3F94]  }
0x2a: {  	p0 =	seq.s32 s5, $0x0;
	s5 =	sld [smem:$0x3F95]  }
0x2b: {  	s6 =	sld [smem:$0x3F96]  }
0x2c: {  	s7 =	sld [smem:$0x3F97]  }
0x2d: {  	s3 =	simm.s32 $0x108;
	s8 =	sld [smem:$0x3F98]  }
0x2e: {  	s3 =	simm.s32 @!p0 $0x1082;
	s9 =	sld [smem:$0x3F99]  }
0x2f: {  	lr =	sadd.s32 s0, s3;
	s0 =	sld [smem:$0x3F90]  }
0x30: {  	s3 =	sld [smem:$0x3F93]  }
0x31: {  	[smem:$0x3F9C] =	sst s10  }
0x32: {  	s10 =	sld [smem:$0x3F9A];
	_ =	sdelay $0x3  }
0x33: {  	p0 =	seq.s32 s10, $0x1;
	s10 =	sld [smem:$0x3F9C];
	_ =	sdelay $0x3  }
0x34: {  	[smem:$0x3F9C] =	sst s10  }
0x35: {  	s10 =	sld [smem:$0x3F9B];
	_ =	sdelay $0x3  }
0x36: {  	p1 =	seq.s32 s10, $0x1;
	s10 =	sld [smem:$0x3F9C];
	_ =	sdelay $0x3  }
0x37: {  	[smem:$0x3F9C] =	sst s10  }
0x38: {  	s10 =	sld [smem:$0x3F9D]  }
0x39: {  	_ = 	snop;
	(pc) =	sbr.ind lr, $3  }
0x3a: {  	_ = 	snop  }
0x3b: {  	_ = 	snop  }
0x3c: {  	p2 =	seq.s32 s10, $0x1;
	s10 =	sld [smem:$0x3F9C]  }
0x3d: {  	_ =	shalt  }
0x3e: {  	_ =	shalt  }
0x3f: {  	_ =	shalt  }
0x40: {  	_ =	shalt  }
0x41: {  	_ =	shalt  }
0x42: {  	_ =	shalt  }
0x43: {  	_ =	shalt  }
0x44: {  	_ =	shalt  }
0x45: {  	_ =	shalt  }
0x46: {  	_ =	shalt  }
0x47: {  	_ =	shalt  }
0x48: {  	_ =	shalt  }
0x49: {  	_ =	shalt  }
0x4a: {  	_ =	shalt  }
0x4b: {  	_ =	shalt  }
0x4c: {  	_ =	shalt  }
0x4d: {  	_ =	shalt  }
0x4e: {  	_ =	shalt  }
0x4f: {  	_ =	shalt  }
0x50: {  	_ =	shalt  }
0x51: {  	_ =	shalt  }
0x52: {  	_ =	shalt  }
0x53: {  	_ =	shalt  }
0x54: {  	_ =	shalt  }
0x55: {  	_ =	shalt  }
0x56: {  	_ =	shalt  }
0x57: {  	_ =	shalt  }
0x58: {  	_ =	shalt  }
0x59: {  	_ =	shalt  }
0x5a: {  	_ =	shalt  }
0x5b: {  	_ =	shalt  }
0x5c: {  	_ =	shalt  }
0x5d: {  	_ =	shalt  }
0x5e: {  	_ =	shalt  }
0x5f: {  	_ =	shalt  }
0x60: {  	_ =	shalt  }
0x61: {  	_ =	shalt  }
0x62: {  	_ =	shalt  }
0x63: {  	_ =	shalt  }
0x64: {  	_ =	shalt  }
0x65: {  	_ =	shalt  }
0x66: {  	_ =	shalt  }
0x67: {  	_ =	shalt  }
0x68: {  	_ =	shalt  }
0x69: {  	_ =	shalt  }
0x6a: {  	_ =	shalt  }
0x6b: {  	_ =	shalt  }
0x6c: {  	_ =	shalt  }
0x6d: {  	_ =	shalt  }
0x6e: {  	_ =	shalt  }
0x6f: {  	_ =	shalt  }
0x70: {  	_ =	shalt  }
0x71: {  	_ =	shalt  }
0x72: {  	_ =	shalt  }
0x73: {  	_ =	shalt  }
0x74: {  	_ =	shalt  }
0x75: {  	_ =	shalt  }
0x76: {  	_ =	shalt  }
0x77: {  	_ =	shalt  }
0x78: {  	_ =	shalt  }
0x79: {  	_ =	shalt  }
0x7a: {  	_ =	shalt  }
0x7b: {  	_ =	shalt  }
0x7c: {  	_ =	shalt  }
0x7d: {  	_ =	shalt  }
0x7e: {  	_ =	shalt  }
0x7f: {  	_ =	shalt  }
0x80: {  	_ =	shalt  }
0x81: {  	_ =	shalt  }
0x82: {  	_ =	shalt  }
0x83: {  	_ =	shalt  }
0x84: {  	_ =	shalt  }
0x85: {  	_ =	shalt  }
0x86: {  	_ =	shalt  }
0x87: {  	_ =	shalt  }
.Lfunc_end0:
.L_simem_size_0:
called_computation.1_lowered:
.L_overlay_start_0:
0x88: {  	s2 =	sld [smem:$0x3FD9]  }
0x89: {  	s3 =	sld [smem:$0x3FFE];
	_ =	sdelay $0x1  }
0x8a: {  	s1 =	srdreg.scid  }
0x8b: {  	s0 =	sand.u32 $0x1, s1  }
0x8c: {  	s16 =	sshll.u32 s0, $0xA;
	s2 =	sadd.s32 s3, s2  }
0x8d: {  	s2 =	sadd.s32 s2, s16  }
0x8e: {  	[smem:$0x3FA8] =	sst s2  }
0x8f: {  	_ = 	snop  }
0x90: {  	(tm) =	ssettm $0x1  }
0x91: {  	s17 =	sld [smem:$0x3FFB];
	_ =	sdelay $0x3  }
0x92: {  	_ =	strace s17  }
0x93: {  	s2 =	sld [smem:$0x3FFC];
	_ =	sdelay $0x3  }
0x94: {  	_ =	strace s2  }
0x95: {  	s2 =	sld [smem:$0x3FFD];
	_ =	sdelay $0x3  }
0x96: {  	_ =	strace s2  }
0x97: {  	_ =	strace $0x8FFFFFFF  }
0x98: {  	s18 =	sld [smem:$0x3FDB];
	_ =	sdelay $0x1  }
0x99: {  	s19 =	simm.s32 $_scs_section_size  }
0x9a: {  	s4 =	simm.s32 $_size__tile_overlayer_lowered;
	s5 =	simm.s32 $_tile_overlayer_lowered  }
0x9b: {  	s22 =	simm.s32 $0x1BFF;
	s21 =	sshll.u32 s5, $0x1;
	s2 =	sadd.s32 s19, s18  }
0x9c: {  	s6 =	simm.s32 $0x0;
	s20 =	sshll.u32 s4, $0x1;
	s4 =	sadd.s32 s21, s2  }
0x9d: {  	[timem:s6], [sflag:s22] =	dma.local [hbm:s4], s20  }
0x9e: {  	_ =	swait.ge [sflag:s22], s20  }
0x9f: {  	s3 =	ssub.s32 $0x0, s20;
	[sflag:s22] =	ssyncset.done $0x0  }
0xa0: {  	[sflag:s22] =	ssyncadd.s32 s3;
	_ =	sdelay $0x1  }
0xa1: {  	s23 =	simm.s32 $0x1B8B  }
0xa2: {  	_ =	swait.ge [sflag:s23], $0x1  }
0xa3: {  	[sflag:s23] =	ssyncset.done $0x0  }
0xa4: {  	s25 =	simm.s32 $0x1B8E;
	s24 =	sld [smem:$0x3FFE];
	[sflag:s23] =	ssyncadd.s32 $0xFFFFFFFF  }
0xa5: {  	s26 =	simm.s32 $execute0_lowered;
	[smem:$0x3FD2] =	sst s25  }
0xa6: {  	s4 =	sshll.u32 s26, $0x1;
	_ =	strace $0x80000049;
	[dreg:$0x1] =	wrdreg $0xFFFFFFFF  }
0xa7: {  	s28 =	simm.s32 $_size_execute0_lowered;
	s2 =	sadd.s32 s2, s4;
	[dreg:$0x0] =	wrdreg $0x0  }
0xa8: {  	s4 =	sshll.u32 s28, $0x1;
	[dreg:$0x2] =	wrdreg s2  }
0xa9: {  	[dreg:$0x3] =	wrdreg s4  }
0xaa: {  	[dreg:$0x4] =	wrdreg $0xC0  }
0xab: {  	_ =	task [dreg:s6], $0x5FFFF  }
0xac: {  	[dreg:$0x1] =	wrdreg $0xFFFFFFFF  }
0xad: {  	[dreg:$0x0] =	wrdreg $0x60  }
0xae: {  	[dreg:$0x2] =	wrdreg s24  }
0xaf: {  	[dreg:$0x3] =	wrdreg $0x6C000  }
0xb0: {  	[dreg:$0x4] =	wrdreg $0x9  }
0xb1: {  	_ =	task.clear_ibuf [dreg:s6], $0x5FFFF;
	_ =	strace $0x90000049  }
0xb2: {  	s29 =	simm.s32 $0x9;
	_ =	strace $0x8000004B  }
0xb3: {  	_ =	swait.ge [sflag:s29], $0x1  }
0xb4: {  	[sflag:s29] =	ssyncadd.s32 $0xFFFFFFFF  }
0xb5: {  	_ =	strace $0x9000004B  }
0xb6: {  	_ =	sfence  }
0xb7: {  	s30 =	sld [smem:$0x0];
	_ =	sdelay $0x2  }
0xb8: {  	s31 =	sshll.u32 s1, $0xD;
	s1 =	sshrl.u32 s1, $0x2  }
0xb9: {  	s3 =	sand.u32 $0x4000, s31;
	s1 =	sadd.s32 s1, s30  }
0xba: {  	s0 =	sor.u32 s3, s0;
	s1 =	sshll.u32 s1, $0x11  }
0xbb: {  	s0 =	sor.u32 s1, s0  }
0xbc: {  	s0 =	sadd.s32 $0x8F2B, s0  }
0xbd: {  	[sflag:s0] =	ssyncadd.remote.s32 $0x1  }
0xbe: {  	_ =	sfence.sel $0xFFFF  }
0xbf: {  	[dreg:$0x0] =	wrdreg $0xFFFFFFFF;
	(pc) =	sbr.abs _section_cstart, $3  }
0xc0: {  	[dreg:$0x1] =	wrdreg $0xFFFFFFFF  }
0xc1: {  	_ =	task.clear_ibuf [dreg:s6], $0x2FFFF;
	_ =	strace $0x9FFFFFFF  }
0xc2: {  	(tm) =	ssettm $0x7FFFFFFF  }
0xc3: {  	_ =	shalt  }
tec
execute0_lowered:
.L_overlay_start_1:
0x0: {  	(tag) =	ssettag $0x1  }
0x1: {  	s0 =	rddreg [dreg:$0x0];
	s1 =	srdreg.scid  }
0x2: {  	s11 =	stileid.u32;
	s2 =	rddreg [dreg:$0x1];
	s4 =	simm.s32 $0x0  }
0x3: {  	s1 =	sand.u32 $0x1, s1;
	s3 =	sshll.u32 s11, $0x1;
	[smem:$0x7FF] =	sst s4  }
0x4: {  	s5 =	sadd.s32 $0x346200, s0;
	s19 =	smul.u32 $0x5A000, s11;
	s3 =	sor.u32 s1, s3  }
0x5: {  	s4 =	sadd.s32 $0xC6200, s0;
	s18 =	sadd.s32 $0x143200, s0;
	s6 =	smul.u32 $0x280, s3  }
0x6: {  	s7 =	sadd.s32 $0x116200, s0;
	s8 =	ssub.s32 $0x2, s1;
	s10 =	smul.u32 $0x2800, s3  }
0x7: {  	_ =	strace $0x8000004A;
	s9 =	sshrl.u32 s8, $0x1;
	s3 =	smul.u32 $0x1400, s3  }
0x8: {  	s22 =	sshrl.u32 s19, $0x2;
	s16 =	ssub.s32 s8, s9;
	s17 =	sadd.s32 s4, s10  }
0x9: {  	s9 =	smul.u32 $0x16800, s11;
	s20 =	sadd.s32 s5, s10;
	[dreg:$0x4] =	wrdreg s17  }
0xa: {  	s6 =	sadd.s32 s6, s0;
	s0 =	smax.u32 s16, $0x1;
	[dreg:$0x5] =	wrdreg s20  }
0xb: {  	s21 =	sor.u32 $0x80, s10;
	s6 =	sadd.s32 $0xBC200, s6;
	[dreg:$0x8] =	wrdreg s0  }
0xc: {  	s13 =	sor.u32 $0x80, s3;
	s10 =	sadd.s32 s4, s21;
	[dreg:$0x3] =	wrdreg s6  }
0xd: {  	s8 =	sadd.s32 s5, s21;
	s23 =	sadd.s32 $0x2400, s9;
	[dreg:$0x6] =	wrdreg s10  }
0xe: {  	s25 =	sadd.s32 $0x4800, s9;
	[dreg:$0x7] =	wrdreg s8;
	s24 =	sshrl.u32 s23, $0x3  }
0xf: {  	s14 =	sor.u32 $0xC0, s3;
	s28 =	sshrl.u32 s25, $0x3;
	[dreg:$0xa] =	wrdreg s24  }
0x10: {  	s26 =	sadd.s32 $0x6C00, s9;
	s3 =	sadd.s32 s25, s2;
	[dreg:$0xb] =	wrdreg s28  }
0x11: {  	s15 =	sadd.s32 $0x9000, s9;
	s11 =	sshrl.u32 s26, $0x3;
	[dreg:$0xc] =	wrdreg s3  }
0x12: {  	s19 =	sadd.s32 $0xB400, s9;
	s16 =	sshrl.u32 s15, $0x3;
	[dreg:$0xd] =	wrdreg s11  }
0x13: {  	s21 =	sadd.s32 $0xD800, s9;
	s17 =	sadd.s32 s15, s2;
	[dreg:$0xe] =	wrdreg s16  }
0x14: {  	s29 =	sadd.s32 s9, s2;
	s20 =	sshrl.u32 s19, $0x3;
	[dreg:$0xf] =	wrdreg s17  }
0x15: {  	s10 =	sadd.s32 s22, s2;
	s22 =	sshrl.u32 s21, $0x3;
	[dreg:$0x10] =	wrdreg s20  }
0x16: {  	s0 =	sadd.s32 s23, s2;
	s6 =	sadd.s32 s21, s2;
	[dreg:$0x11] =	wrdreg s22  }
0x17: {  	s12 =	sadd.s32 s26, s2;
	s25 =	sshrl.u32 s9, $0x3;
	[dreg:$0x12] =	wrdreg s6  }
0x18: {  	s23 =	sadd.s32 $0xFC00, s9;
	s26 =	sadd.s32 $0x12000, s9;
	[dreg:$0x14] =	wrdreg s25  }
0x19: {  	s9 =	sadd.s32 $0x14400, s9;
	s24 =	sshrl.u32 s23, $0x3;
	[dreg:$0x9] =	wrdreg s10  }
0x1a: {  	s28 =	sshrl.u32 s9, $0x3;
	[dreg:$0x13] =	wrdreg s24  }
0x1b: {  	p0 =	sne.s32 s1, $0x0;
	s0 =	sshrl.u32 s0, $0x3;
	[dreg:$0x15] =	wrdreg s28  }
0x1c: {  	s1 =	sadd.s32 s19, s2;
	s12 =	sshrl.u32 s12, $0x3;
	[dreg:$0x16] =	wrdreg s0  }
0x1d: {  	s6 =	sadd.s32 s23, s2;
	s15 =	sshrl.u32 s1, $0x3;
	[dreg:$0x17] =	wrdreg s12  }
0x1e: {  	s30 =	sshrl.u32 s26, $0x3;
	s19 =	sadd.s32 $0x2400, s10;
	[dreg:$0x18] =	wrdreg s15  }
0x1f: {  	s31 =	sadd.s32 s26, s2;
	s20 =	sadd.s32 $0x4800, s10;
	[dreg:$0x1b] =	wrdreg s19  }
0x20: {  	s11 =	sadd.s32 s9, s2;
	s21 =	sadd.s32 $0x6C00, s10;
	[dreg:$0x1c] =	wrdreg s20  }
0x21: {  	s22 =	sadd.s32 $0x9000, s10;
	s23 =	sadd.s32 $0xB400, s10;
	[dreg:$0x1d] =	wrdreg s21  }
0x22: {  	s25 =	sadd.s32 $0xFC00, s10;
	s26 =	sadd.s32 $0x12000, s10;
	[dreg:$0x1e] =	wrdreg s22  }
0x23: {  	s9 =	simm.s32 $0x7;
	s3 =	simm.s32 $0x0;
	[dreg:$0x1f] =	wrdreg s23  }
0x24: {  	s16 =	sshrl.u32 s6, $0x3;
	s17 =	sshrl.u32 s11, $0x3;
	[smem:$0x7FB] =	sst s25  }
0x25: {  	s24 =	sadd.s32 $0xD800, s10;
	[smem:$0x7FC] =	sst s26;
	s28 =	sadd.s32 $0x14400, s10  }
0x26: {  	s10 =	simm.s32 $0x2400;
	s11 =	simm.s32 $0x1;
	[dreg:$0x19] =	wrdreg s16  }
0x27: {  	s12 =	simm.s32 $0x3;
	s15 =	simm.s32 $0x40;
	[dreg:$0x1a] =	wrdreg s17  }
0x28: {  	s20 =	simm.s32 $0x4;
	s23 =	simm.s32 $0x4800;
	[smem:$0x7FA] =	sst s24  }
0x29: {  	v0 =	vimm.f32 $0.0e+00;
	[smem:$0x7FD] =	sst s28;
	s17 =	simm.s32 $0x2;
	s24 =	stileid.u32  }
.LBB2_1:
0x2a: {  	s0 =	simm.s32 $0x0;
	s1 =	rddreg [dreg:$0x3];
	s6 =	simm.s32 $0x1000  }
0x2b: {  	[tilespmem:s6], [sflag:$0x7] =	stream.linear.gather [hbm4b:s1+s0], $0x1400, $0x38;
	[tilespmem:$0x1D400] =	vst v63  }
0x2c: {  	_ =	swait.ge [sflag:s9], $0x1400  }
0x2d: {  	[sflag:s9] =	ssyncset.done $0x0  }
0x2e: {  	s0 =	simm.s32 $0x40;
	s1 =	simm.s32 $0x340;
	[sflag:s9] =	ssyncadd.s32 $0xFFFFEC00  }
.LBB2_2:
0x2f: {  	p1 =	sne.s32 s1, $0x8EC0;
	[tilespmem:s0+$0x4840] =	vst v0  }
0x30: {  	[tilespmem:s0+$0x23C0] =	vst v0  }
0x31: {  	[tilespmem:s0+$0x23D0] =	vst v0  }
0x32: {  	[tilespmem:s0+$0x23E0] =	vst v0  }
0x33: {  	[tilespmem:s0+$0x23F0] =	vst v0  }
0x34: {  	[tilespmem:s0+$0x2400] =	vst v0  }
0x35: {  	[tilespmem:s0+$0x2410] =	vst v0  }
0x36: {  	[tilespmem:s0+$0x2420] =	vst v0  }
0x37: {  	[tilespmem:s0+$0x2430] =	vst v0  }
0x38: {  	[tilespmem:s0+$0x2440] =	vst v0  }
0x39: {  	[tilespmem:s0+$0x47C0] =	vst v0  }
0x3a: {  	[tilespmem:s0+$0x47D0] =	vst v0  }
0x3b: {  	[tilespmem:s0+$0x47E0] =	vst v0  }
.Ltmp0:
0x3c: {  	[tilespmem:s0+$0x47F0] =	vst v0;
	(pc) =	sbr.rel @p1 .LBB2_2-.Ltmp0, $4  }
0x3d: {  	[tilespmem:s0+$0x4800] =	vst v0  }
0x3e: {  	[tilespmem:s0+$0x4810] =	vst v0  }
0x3f: {  	[tilespmem:s0+$0x4820] =	vst v0  }
0x40: {  	[tilespmem:s0+$0x4830] =	vst v0;
	s0 =	sshra.s32 s1, $0x2;
	s1 =	sadd.s32 $0x240, s1  }
0x41: {  	[tilespmem:s0+$0x4840] =	vst v0  }
0x42: {  	[tilespmem:s0+$0x23C0] =	vst v0  }
0x43: {  	[tilespmem:s0+$0x23D0] =	vst v0  }
0x44: {  	[tilespmem:s0+$0x23E0] =	vst v0  }
0x45: {  	[tilespmem:s0+$0x23F0] =	vst v0  }
0x46: {  	[tilespmem:s0+$0x2400] =	vst v0  }
0x47: {  	[tilespmem:s0+$0x2410] =	vst v0  }
0x48: {  	[tilespmem:s0+$0x2420] =	vst v0  }
0x49: {  	[tilespmem:s0+$0x2430] =	vst v0  }
0x4a: {  	[tilespmem:s0+$0x2440] =	vst v0  }
0x4b: {  	[tilespmem:s0+$0x47C0] =	vst v0  }
0x4c: {  	[tilespmem:s0+$0x47D0] =	vst v0  }
0x4d: {  	[tilespmem:s0+$0x47E0] =	vst v0  }
0x4e: {  	[tilespmem:s0+$0x47F0] =	vst v0  }
0x4f: {  	[tilespmem:s0+$0x4800] =	vst v0  }
0x50: {  	[tilespmem:s0+$0x4810] =	vst v0  }
0x51: {  	[tilespmem:s0+$0x4820] =	vst v0  }
0x52: {  	[tilespmem:s0+$0x4830] =	vst v0;
	s19 =	rddreg [dreg:$0x9]  }
0x53: {  	[spmem:s19] =	stream.linear.scatter [tilespmem:s10], [sflag:$0x7], $0x2400, $0x38;
	[tilespmem:$0x1D400] =	vst v63  }
0x54: {  	_ =	swait.ge [sflag:s9], $0x2400  }
0x55: {  	[sflag:s9] =	ssyncset.done $0x0  }
0x56: {  	s21 =	rddreg [dreg:$0x1b];
	[sflag:s9] =	ssyncadd.s32 $0xFFFFDC00  }
0x57: {  	[spmem:s21] =	stream.linear.scatter [tilespmem:s10], [sflag:$0x7], $0x2400, $0x38;
	[tilespmem:$0x1D400] =	vst v63  }
0x58: {  	_ =	swait.ge [sflag:s9], $0x2400  }
0x59: {  	[sflag:s9] =	ssyncset.done $0x0  }
0x5a: {  	s22 =	rddreg [dreg:$0x1c];
	[sflag:s9] =	ssyncadd.s32 $0xFFFFDC00  }
0x5b: {  	[spmem:s22] =	stream.linear.scatter [tilespmem:s10], [sflag:$0x7], $0x2400, $0x38;
	[tilespmem:$0x1D400] =	vst v63  }
0x5c: {  	_ =	swait.ge [sflag:s9], $0x2400  }
0x5d: {  	[sflag:s9] =	ssyncset.done $0x0  }
0x5e: {  	s25 =	rddreg [dreg:$0x1d];
	[sflag:s9] =	ssyncadd.s32 $0xFFFFDC00  }
0x5f: {  	[spmem:s25] =	stream.linear.scatter [tilespmem:s10], [sflag:$0x7], $0x2400, $0x38;
	[tilespmem:$0x1D400] =	vst v63  }
0x60: {  	_ =	swait.ge [sflag:s9], $0x2400  }
0x61: {  	[sflag:s9] =	ssyncset.done $0x0  }
0x62: {  	s26 =	rddreg [dreg:$0x1e];
	[sflag:s9] =	ssyncadd.s32 $0xFFFFDC00  }
0x63: {  	[spmem:s26] =	stream.linear.scatter [tilespmem:s10], [sflag:$0x7], $0x2400, $0x38;
	[tilespmem:$0x1D400] =	vst v63  }
0x64: {  	_ =	swait.ge [sflag:s9], $0x2400  }
0x65: {  	[sflag:s9] =	ssyncset.done $0x0  }
0x66: {  	s28 =	rddreg [dreg:$0x1f];
	[sflag:s9] =	ssyncadd.s32 $0xFFFFDC00  }
0x67: {  	[spmem:s28] =	stream.linear.scatter [tilespmem:s10], [sflag:$0x7], $0x2400, $0x38;
	[tilespmem:$0x1D400] =	vst v63  }
0x68: {  	_ =	swait.ge [sflag:s9], $0x2400  }
0x69: {  	s1 =	sld [smem:$0x7FA]  }
0x6a: {  	[sflag:s9] =	ssyncset.done $0x0  }
0x6b: {  	[sflag:s9] =	ssyncadd.s32 $0xFFFFDC00  }
0x6c: {  	[spmem:s1] =	stream.linear.scatter [tilespmem:s10], [sflag:$0x7], $0x2400, $0x38;
	[tilespmem:$0x1D400] =	vst v63  }
0x6d: {  	_ =	swait.ge [sflag:s9], $0x2400  }
0x6e: {  	s6 =	sld [smem:$0x7FB]  }
0x6f: {  	[sflag:s9] =	ssyncset.done $0x0  }
0x70: {  	[sflag:s9] =	ssyncadd.s32 $0xFFFFDC00  }
0x71: {  	[spmem:s6] =	stream.linear.scatter [tilespmem:s10], [sflag:$0x7], $0x2400, $0x38;
	[tilespmem:$0x1D400] =	vst v63  }
0x72: {  	_ =	swait.ge [sflag:s9], $0x2400  }
0x73: {  	s8 =	sld [smem:$0x7FC]  }
0x74: {  	[sflag:s9] =	ssyncset.done $0x0  }
0x75: {  	[sflag:s9] =	ssyncadd.s32 $0xFFFFDC00  }
0x76: {  	[spmem:s8] =	stream.linear.scatter [tilespmem:s10], [sflag:$0x7], $0x2400, $0x38;
	[tilespmem:$0x1D400] =	vst v63  }
0x77: {  	_ =	swait.ge [sflag:s9], $0x2400  }
0x78: {  	s16 =	sld [smem:$0x7FD]  }
0x79: {  	[sflag:s9] =	ssyncset.done $0x0  }
0x7a: {  	[sflag:s9] =	ssyncadd.s32 $0xFFFFDC00  }
0x7b: {  	[spmem:s16] =	stream.linear.scatter [tilespmem:s10], [sflag:$0x7], $0x2400, $0x38;
	[tilespmem:$0x1D400] =	vst v63  }
0x7c: {  	_ =	swait.ge [sflag:s9], $0x2400  }
0x7d: {  	[sflag:s9] =	ssyncset.done $0x0  }
0x7e: {  	[sflag:s9] =	ssyncadd.s32 $0xFFFFDC00  }
0x7f: {  	[bflag:$0x0] =	sbarrier.arrive $0xFFFF  }
0x80: {  	s8 =	simm.s32 $0x0;
	s19 =	rddreg [dreg:$0x4]  }
0x81: {  	[tilespmem:s8], [sflag:$0x1] =	stream.linear.gather [hbm4b:s19+s8], $0x400, $0x38;
	[tilespmem:$0x1D400] =	vst v63  }
0x82: {  	s1 =	simm.s32 $0x800;
	s21 =	rddreg [dreg:$0x5]  }
0x83: {  	[tilespmem:s1], [sflag:$0x3] =	stream.linear.gather [hbm4b:s21+s8], $0x400, $0x38;
	[tilespmem:$0x1D400] =	vst v63  }
0x84: {  	s25 =	simm.s32 $0x400;
	s22 =	rddreg [dreg:$0x6]  }
0x85: {  	[tilespmem:s25], [sflag:$0x2] =	stream.linear.gather [hbm4b:s22+s8], $0x400, $0x38;
	[tilespmem:$0x1D400] =	vst v63  }
0x86: {  	s28 =	simm.s32 $0xC00;
	s26 =	rddreg [dreg:$0x7]  }
0x87: {  	[tilespmem:s28], [sflag:$0x4] =	stream.linear.gather [hbm4b:s26+s8], $0x400, $0x38;
	[tilespmem:$0x1D400] =	vst v63  }
.LBB2_4:
0x88: {  	_ =	swait.ge [sflag:s11], $0x400  }
0x89: {  	[sflag:s11] =	ssyncset.done $0x0  }
0x8a: {  	[sflag:s11] =	ssyncadd.s32 $0xFFFFFC00  }
0x8b: {  	_ =	swait.ge [sflag:s12], $0x400  }
0x8c: {  	[sflag:s12] =	ssyncset.done $0x0  }
0x8d: {  	s0 =	simm.s32 $0x0;
	[sflag:s12] =	ssyncadd.s32 $0xFFFFFC00  }
0x8e: {  	v1 =	vld [tilespmem:s0+$0x0];
	_ =	sdelay $0x4  }
0x8f: {  	v1 =	vmul.f32 $1.442695020e+00, v1;
	_ =	sdelay $0x1  }
0x90: {  	(erf) = vpow2.f32 v1;
	_ =	sdelay $0x8  }
0x91: {  	s26 =	simm.s32 $0x2440;
	v6 =	vpop (erf)  }
0x92: {  	[tilespmem:s26+$0x40] =	vst v6  }
0x93: {  	v1 =	vld [tilespmem:s0+$0x800]  }
0x94: {  	v3 =	vbroadcast v6, $0x3;
	v2 =	vbroadcast v6, $0x4  }
0x95: {  	v4 =	vbroadcast v6, $0x6;
	v8 =	vbroadcast v6, $0x7  }
0x96: {  	v7 =	vbroadcast v6, $0x0;
	v10 =	vbroadcast v6, $0x2  }
0x97: {  	v5 =	vbroadcast v6, $0x1;
	v11 =	vbroadcast v6, $0x5  }
0x98: {  	v7 =	vmul.f32 v7, v1;
	v9 =	vmul.f32 v8, v1  }
0x99: {  	s1 =	simm.s32 $0x2440;
	s0 =	simm.s32 $0x40;
	v6 =	vmul.f32 v10, v1;
	v8 =	vmul.f32 v11, v1  }
.LBB2_5:
0x9a: {  	p1 =	sne.s32 s0, $0xFC0  }
0x9b: {  	v5 =	vmul.f32 v5, v1;
	v4 =	vmul.f32 v4, v1;
	[tilespmem:s26+$0x30] =	vst v9;
	s1 =	sadd.s32 $0x90, s1;
	s6 =	smov.u32 s0;
	s0 =	sadd.s32 $0x40, s0  }
0x9c: {  	v3 =	vmul.f32 v3, v1;
	v1 =	vmul.f32 v2, v1;
	[tilespmem:s26+$0xFFFFFFC0] =	vst v7  }
0x9d: {  	[tilespmem:s26+$0x10] =	vst v8  }
0x9e: {  	[tilespmem:s26+$0xFFFFFFE0] =	vst v6  }
0x9f: {  	[tilespmem:s26+$0xFFFFFFF0] =	vst v3  }
0xa0: {  	[tilespmem:s26+$0x0] =	vst v1  }
0xa1: {  	[tilespmem:s26+$0x20] =	vst v4  }
0xa2: {  	s6 =	sshra.s32 s6, $0x2;
	[tilespmem:s26+$0xFFFFFFD0] =	vst v5;
	s26 =	smov.u32 s1  }
0xa3: {  	v1 =	vld [tilespmem:s6+$0x0];
	_ =	sdelay $0x4  }
0xa4: {  	v1 =	vmul.f32 $1.442695020e+00, v1;
	_ =	sdelay $0x1  }
0xa5: {  	(erf) = vpow2.f32 v1;
	_ =	sdelay $0x8  }
0xa6: {  	v6 =	vpop (erf)  }
0xa7: {  	[tilespmem:s1+$0x40] =	vst v6  }
0xa8: {  	v1 =	vld [tilespmem:s6+$0x800]  }
0xa9: {  	v3 =	vbroadcast v6, $0x3;
	v2 =	vbroadcast v6, $0x4  }
.Ltmp1:
0xaa: {  	v4 =	vbroadcast v6, $0x6;
	v8 =	vbroadcast v6, $0x7;
	(pc) =	sbr.rel @p1 .LBB2_5-.Ltmp1, $4  }
0xab: {  	v7 =	vbroadcast v6, $0x0;
	v10 =	vbroadcast v6, $0x2  }
0xac: {  	v5 =	vbroadcast v6, $0x1;
	v11 =	vbroadcast v6, $0x5  }
0xad: {  	v7 =	vmul.f32 v7, v1;
	v9 =	vmul.f32 v8, v1  }
0xae: {  	v6 =	vmul.f32 v10, v1;
	v8 =	vmul.f32 v11, v1  }
0xaf: {  	[tilespmem:s26+$0x30] =	vst v9  }
0xb0: {  	[tilespmem:s26+$0xFFFFFFC0] =	vst v7  }
0xb1: {  	v3 =	vmul.f32 v3, v1;
	[tilespmem:s26+$0x10] =	vst v8  }
0xb2: {  	v2 =	vmul.f32 v2, v1;
	[tilespmem:s26+$0xFFFFFFE0] =	vst v6  }
0xb3: {  	v4 =	vmul.f32 v4, v1;
	[tilespmem:s26+$0xFFFFFFF0] =	vst v3  }
0xb4: {  	v1 =	vmul.f32 v5, v1;
	s16 =	sshll.u32 s8, $0x7;
	[tilespmem:s26+$0x0] =	vst v2  }
0xb5: {  	s0 =	sand.u32 $0x3FFFFF80, s16;
	[tilespmem:s26+$0x20] =	vst v4  }
0xb6: {  	p1 =	seq.s32 s8, $0x27;
	[tilespmem:s26+$0xFFFFFFD0] =	vst v1;
	s1 =	sadd.s32 $0x1000, s0  }
0xb7: {  	[spmem:s2] =	stream.indirect.scatter.add.f32 [tilespmem:s10], [sflag:$0x5], $0x90, s1, s15, $0xb8;
	[tilespmem:$0x1D400] =	vst v63  }
0xb8: {  	s1 =	sadd.s32 @!p1 s16, s13  }
0xb9: {  	s1 =	sshll.u32 @!p1 s1, $0x1  }
0xba: {  	s1 =	sand.u32 @!p1 $0x1FFFFF00, s1  }
0xbb: {  	s19 =	simm.s32 @!p1 $0x0;
	s6 =	sadd.s32 @!p1 s4, s1  }
0xbc: {  	[tilespmem:s19], [sflag:$0x1] =	stream.linear.gather @!p1 [hbm4b:s6+s19], $0x400, $0x38;
	[tilespmem:$0x1D400] =	vst v63  }
0xbd: {  	s1 =	sadd.s32 @!p1 s5, s1;
	s6 =	simm.s32 @!p1 $0x800  }
0xbe: {  	[tilespmem:s6], [sflag:$0x3] =	stream.linear.gather @!p1 [hbm4b:s1+s19], $0x400, $0x38;
	[tilespmem:$0x1D400] =	vst v63  }
0xbf: {  	_ =	swait.ge [sflag:s17], $0x400  }
0xc0: {  	[sflag:s17] =	ssyncset.done $0x0  }
0xc1: {  	[sflag:s17] =	ssyncadd.s32 $0xFFFFFC00  }
0xc2: {  	_ =	swait.ge [sflag:s20], $0x400  }
0xc3: {  	[sflag:s20] =	ssyncset.done $0x0  }
0xc4: {  	s28 =	simm.s32 $0x0;
	[sflag:s20] =	ssyncadd.s32 $0xFFFFFC00  }
0xc5: {  	v1 =	vld [tilespmem:s28+$0x400];
	_ =	sdelay $0x4  }
0xc6: {  	v1 =	vmul.f32 $1.442695020e+00, v1;
	_ =	sdelay $0x1  }
0xc7: {  	(erf) = vpow2.f32 v1;
	_ =	sdelay $0x8  }
0xc8: {  	s26 =	simm.s32 $0x4880;
	v6 =	vpop (erf)  }
0xc9: {  	[tilespmem:s26+$0x0] =	vst v6  }
0xca: {  	v1 =	vld [tilespmem:s28+$0xC00]  }
0xcb: {  	v3 =	vbroadcast v6, $0x3;
	v2 =	vbroadcast v6, $0x4  }
0xcc: {  	v4 =	vbroadcast v6, $0x6;
	v8 =	vbroadcast v6, $0x7  }
0xcd: {  	v7 =	vbroadcast v6, $0x0;
	v10 =	vbroadcast v6, $0x2  }
0xce: {  	v5 =	vbroadcast v6, $0x1;
	v11 =	vbroadcast v6, $0x5  }
0xcf: {  	v7 =	vmul.f32 v7, v1;
	v9 =	vmul.f32 v8, v1  }
0xd0: {  	s8 =	sadd.s32 $0x1, s8;
	s1 =	simm.s32 $0x40;
	s6 =	simm.s32 $0x4880;
	v6 =	vmul.f32 v10, v1;
	v8 =	vmul.f32 v11, v1  }
.LBB2_7:
0xd1: {  	p2 =	sne.s32 s1, $0xFC0  }
0xd2: {  	v5 =	vmul.f32 v5, v1;
	v4 =	vmul.f32 v4, v1;
	[tilespmem:s26+$0xFFFFFFF0] =	vst v9;
	s6 =	sadd.s32 $0x90, s6;
	s19 =	smov.u32 s1;
	s1 =	sadd.s32 $0x40, s1  }
0xd3: {  	v3 =	vmul.f32 v3, v1;
	v1 =	vmul.f32 v2, v1;
	[tilespmem:s26+$0xFFFFFF80] =	vst v7  }
0xd4: {  	[tilespmem:s26+$0xFFFFFFD0] =	vst v8  }
0xd5: {  	[tilespmem:s26+$0xFFFFFFA0] =	vst v6  }
0xd6: {  	[tilespmem:s26+$0xFFFFFFB0] =	vst v3  }
0xd7: {  	[tilespmem:s26+$0xFFFFFFC0] =	vst v1  }
0xd8: {  	[tilespmem:s26+$0xFFFFFFE0] =	vst v4  }
0xd9: {  	s19 =	sshra.s32 s19, $0x2;
	[tilespmem:s26+$0xFFFFFF90] =	vst v5;
	s26 =	smov.u32 s6  }
0xda: {  	v1 =	vld [tilespmem:s19+$0x400];
	_ =	sdelay $0x4  }
0xdb: {  	v1 =	vmul.f32 $1.442695020e+00, v1;
	_ =	sdelay $0x1  }
0xdc: {  	(erf) = vpow2.f32 v1;
	_ =	sdelay $0x8  }
0xdd: {  	v6 =	vpop (erf)  }
0xde: {  	[tilespmem:s6+$0x0] =	vst v6  }
0xdf: {  	v1 =	vld [tilespmem:s19+$0xC00]  }
0xe0: {  	v3 =	vbroadcast v6, $0x3;
	v2 =	vbroadcast v6, $0x4  }
.Ltmp2:
0xe1: {  	v4 =	vbroadcast v6, $0x6;
	v8 =	vbroadcast v6, $0x7;
	(pc) =	sbr.rel @p2 .LBB2_7-.Ltmp2, $4  }
0xe2: {  	v7 =	vbroadcast v6, $0x0;
	v10 =	vbroadcast v6, $0x2  }
0xe3: {  	v5 =	vbroadcast v6, $0x1;
	v11 =	vbroadcast v6, $0x5  }
0xe4: {  	v7 =	vmul.f32 v7, v1;
	v9 =	vmul.f32 v8, v1  }
0xe5: {  	v6 =	vmul.f32 v10, v1;
	v8 =	vmul.f32 v11, v1  }
0xe6: {  	[tilespmem:s26+$0xFFFFFFF0] =	vst v9  }
0xe7: {  	[tilespmem:s26+$0xFFFFFF80] =	vst v7  }
0xe8: {  	v3 =	vmul.f32 v3, v1;
	[tilespmem:s26+$0xFFFFFFD0] =	vst v8  }
0xe9: {  	v2 =	vmul.f32 v2, v1;
	[tilespmem:s26+$0xFFFFFFA0] =	vst v6  }
0xea: {  	v4 =	vmul.f32 v4, v1;
	[tilespmem:s26+$0xFFFFFFB0] =	vst v3  }
0xeb: {  	v1 =	vmul.f32 v5, v1;
	[tilespmem:s26+$0xFFFFFFC0] =	vst v2  }
0xec: {  	[tilespmem:s26+$0xFFFFFFE0] =	vst v4  }
0xed: {  	s0 =	sadd.s32 $0x1040, s0;
	[tilespmem:s26+$0xFFFFFF90] =	vst v1  }
0xee: {  	[spmem:s2] =	stream.indirect.scatter.add.f32 [tilespmem:s23], [sflag:$0x6], $0x90, s0, s15, $0xb8;
	[tilespmem:$0x1D400] =	vst v63  }
0xef: {  	s0 =	sadd.s32 @!p1 s16, s14  }
0xf0: {  	s0 =	sshll.u32 @!p1 s0, $0x1  }
0xf1: {  	s0 =	sand.u32 @!p1 $0x1FFFFF80, s0  }
0xf2: {  	s6 =	simm.s32 @!p1 $0x0;
	s16 =	simm.s32 @!p1 $0x400;
	s1 =	sadd.s32 @!p1 s4, s0  }
0xf3: {  	[tilespmem:s16], [sflag:$0x2] =	stream.linear.gather @!p1 [hbm4b:s1+s6], $0x400, $0x38;
	[tilespmem:$0x1D400] =	vst v63  }
0xf4: {  	s0 =	sadd.s32 @!p1 s5, s0;
	s1 =	simm.s32 @!p1 $0xC00  }
0xf5: {  	[tilespmem:s1], [sflag:$0x4] =	stream.linear.gather @!p1 [hbm4b:s0+s6], $0x400, $0x38;
	[tilespmem:$0x1D400] =	vst v63  }
0xf6: {  	p2 =	sne.s32 @!p1 s8, $0x28;
	s0 =	simm.s32 @!p1 $0x5  }
0xf7: {  	p2 =	por p1, !p2;
	_ =	swait.ge @!p1 [sflag:s0], $0x2400  }
.Ltmp3:
0xf8: {  	[sflag:s0] =	ssyncset.done @!p1 $0x0;
	(pc) =	sbr.rel @!p2 .LBB2_4-.Ltmp3, $4  }
0xf9: {  	[sflag:s0] =	ssyncadd.s32 @!p1 $0xFFFFDC00;
	s0 =	simm.s32 @!p1 $0x6  }
0xfa: {  	_ =	swait.ge @!p1 [sflag:s0], $0x2400  }
0xfb: {  	[sflag:s0] =	ssyncset.done @!p1 $0x0  }
0xfc: {  	[sflag:s0] =	ssyncadd.s32 @!p1 $0xFFFFDC00  }
0xfd: {  	s0 =	simm.s32 $0x5  }
0xfe: {  	_ =	swait.ge [sflag:s0], $0x2400  }
0xff: {  	[sflag:s0] =	ssyncset.done $0x0  }
0x100: {  	s22 =	simm.s32 $0x6;
	[sflag:s0] =	ssyncadd.s32 $0xFFFFDC00  }
0x101: {  	_ =	swait.ge [sflag:s22], $0x2400  }
0x102: {  	[sflag:s22] =	ssyncset.done $0x0  }
0x103: {  	[sflag:s22] =	ssyncadd.s32 $0xFFFFDC00  }
0x104: {  	s19 =	stileid.u32;
	[bflag:$0x0] =	sbarrier.arrive $0xFFFF  }
0x105: {  	s8 =	simm.s32 @p0 $0x7;
	s0 =	sshll.u32 @p0 s19, $0x6;
	s6 =	rddreg [dreg:$0x14]  }
0x106: {  	s16 =	sor.u32 @p0 $0x1C07, s0;
	s0 =	sshrl.u32 @p0 s29, $0x3;
	s1 =	sadd.s32 @p0 s7, s6  }
0x107: {  	[hbm:s1], [sflag:s16] =	dma.local @p0 [spmem:s0], $0x480  }
0x108: {  	s26 =	simm.s32 @!p0 $0x8;
	s6 =	sadd.s32 @!p0 s18, s6;
	_ =	swait.ge @p0 [sflag:s8], $0x480  }
0x109: {  	s0 =	sshll.u32 @!p0 s19, $0x6;
	s19 =	sshll.u32 s19, $0x6;
	[sflag:s8] =	ssyncset.done @p0 $0x0  }
0x10a: {  	s1 =	sor.u32 @!p0 $0x1C08, s0;
	s0 =	sshrl.u32 @!p0 s29, $0x3;
	[sflag:s8] =	ssyncadd.s32 @p0 $0xFFFFFB80  }
0x10b: {  	[hbm:s6], [sflag:s1] =	dma.local @!p0 [spmem:s0], $0x480  }
0x10c: {  	s0 =	simm.s32 @!p0 $0x8;
	s6 =	smov.u32 s18;
	_ =	swait.ge @!p0 [sflag:s26], $0x480  }
0x10d: {  	s0 =	simm.s32 @p0 $0x7;
	s6 =	smov.u32 @p0 s7;
	s21 =	rddreg [dreg:$0xa]  }
0x10e: {  	[sflag:s26] =	ssyncset.done @!p0 $0x0;
	s19 =	sadd.s32 s0, s19;
	s22 =	rddreg [dreg:$0x16]  }
0x10f: {  	[sflag:s26] =	ssyncadd.s32 @!p0 $0xFFFFFB80;
	s21 =	sadd.s32 s6, s21;
	s19 =	sadd.s32 $0x1C00, s19  }
0x110: {  	[hbm:s21], [sflag:s19] =	dma.local [spmem:s22], $0x480  }
0x111: {  	_ =	swait.ge [sflag:s0], $0x480  }
0x112: {  	s25 =	rddreg [dreg:$0xb]  }
0x113: {  	[sflag:s0] =	ssyncset.done $0x0;
	s28 =	rddreg [dreg:$0xc]  }
0x114: {  	[sflag:s0] =	ssyncadd.s32 $0xFFFFFB80;
	s21 =	sadd.s32 @p0 s7, s25;
	s22 =	sshrl.u32 @p0 s28, $0x3  }
0x115: {  	[hbm:s21], [sflag:s16] =	dma.local @p0 [spmem:s22], $0x480  }
0x116: {  	_ =	swait.ge @p0 [sflag:s8], $0x480  }
0x117: {  	[sflag:s8] =	ssyncset.done @p0 $0x0  }
0x118: {  	s21 =	sadd.s32 @!p0 s18, s25;
	s22 =	sshrl.u32 @!p0 s28, $0x3;
	[sflag:s8] =	ssyncadd.s32 @p0 $0xFFFFFB80  }
0x119: {  	[hbm:s21], [sflag:s1] =	dma.local @!p0 [spmem:s22], $0x480  }
0x11a: {  	_ =	swait.ge @!p0 [sflag:s26], $0x480  }
0x11b: {  	[sflag:s26] =	ssyncset.done @!p0 $0x0;
	s25 =	rddreg [dreg:$0xd]  }
0x11c: {  	s28 =	rddreg [dreg:$0x17];
	[sflag:s26] =	ssyncadd.s32 @!p0 $0xFFFFFB80;
	s21 =	sadd.s32 s6, s25  }
0x11d: {  	[hbm:s21], [sflag:s19] =	dma.local [spmem:s28], $0x480  }
0x11e: {  	_ =	swait.ge [sflag:s0], $0x480  }
0x11f: {  	s25 =	rddreg [dreg:$0xe]  }
0x120: {  	[sflag:s0] =	ssyncset.done $0x0;
	s28 =	rddreg [dreg:$0xf]  }
0x121: {  	[sflag:s0] =	ssyncadd.s32 $0xFFFFFB80;
	s21 =	sadd.s32 @p0 s7, s25;
	s22 =	sshrl.u32 @p0 s28, $0x3  }
0x122: {  	[hbm:s21], [sflag:s16] =	dma.local @p0 [spmem:s22], $0x480  }
0x123: {  	_ =	swait.ge @p0 [sflag:s8], $0x480  }
0x124: {  	[sflag:s8] =	ssyncset.done @p0 $0x0  }
0x125: {  	s21 =	sadd.s32 @!p0 s18, s25;
	s22 =	sshrl.u32 @!p0 s28, $0x3;
	[sflag:s8] =	ssyncadd.s32 @p0 $0xFFFFFB80  }
0x126: {  	[hbm:s21], [sflag:s1] =	dma.local @!p0 [spmem:s22], $0x480  }
0x127: {  	_ =	swait.ge @!p0 [sflag:s26], $0x480  }
0x128: {  	[sflag:s26] =	ssyncset.done @!p0 $0x0;
	s25 =	rddreg [dreg:$0x10]  }
0x129: {  	s28 =	rddreg [dreg:$0x18];
	[sflag:s26] =	ssyncadd.s32 @!p0 $0xFFFFFB80;
	s21 =	sadd.s32 s6, s25  }
0x12a: {  	[hbm:s21], [sflag:s19] =	dma.local [spmem:s28], $0x480  }
0x12b: {  	_ =	swait.ge [sflag:s0], $0x480  }
0x12c: {  	s25 =	rddreg [dreg:$0x11]  }
0x12d: {  	[sflag:s0] =	ssyncset.done $0x0;
	s28 =	rddreg [dreg:$0x12]  }
0x12e: {  	[sflag:s0] =	ssyncadd.s32 $0xFFFFFB80;
	s21 =	sadd.s32 @p0 s7, s25;
	s22 =	sshrl.u32 @p0 s28, $0x3  }
0x12f: {  	[hbm:s21], [sflag:s16] =	dma.local @p0 [spmem:s22], $0x480  }
0x130: {  	_ =	swait.ge @p0 [sflag:s8], $0x480  }
0x131: {  	[sflag:s8] =	ssyncset.done @p0 $0x0  }
0x132: {  	s21 =	sadd.s32 @!p0 s18, s25;
	s22 =	sshrl.u32 @!p0 s28, $0x3;
	[sflag:s8] =	ssyncadd.s32 @p0 $0xFFFFFB80  }
0x133: {  	[hbm:s21], [sflag:s1] =	dma.local @!p0 [spmem:s22], $0x480  }
0x134: {  	_ =	swait.ge @!p0 [sflag:s26], $0x480  }
0x135: {  	[sflag:s26] =	ssyncset.done @!p0 $0x0;
	s25 =	rddreg [dreg:$0x13]  }
0x136: {  	s28 =	rddreg [dreg:$0x19];
	[sflag:s26] =	ssyncadd.s32 @!p0 $0xFFFFFB80;
	s21 =	sadd.s32 s6, s25  }
0x137: {  	[hbm:s21], [sflag:s19] =	dma.local [spmem:s28], $0x480  }
0x138: {  	_ =	swait.ge [sflag:s0], $0x480  }
0x139: {  	[sflag:s0] =	ssyncset.done $0x0  }
0x13a: {  	s22 =	sshrl.u32 @p0 s31, $0x3;
	s21 =	sadd.s32 @p0 s7, s30;
	[sflag:s0] =	ssyncadd.s32 $0xFFFFFB80  }
0x13b: {  	[hbm:s21], [sflag:s16] =	dma.local @p0 [spmem:s22], $0x480  }
0x13c: {  	_ =	swait.ge @p0 [sflag:s8], $0x480  }
0x13d: {  	[sflag:s8] =	ssyncset.done @p0 $0x0  }
0x13e: {  	s16 =	sshrl.u32 @!p0 s31, $0x3;
	[sflag:s8] =	ssyncadd.s32 @p0 $0xFFFFFB80;
	s8 =	sadd.s32 @!p0 s18, s30  }
0x13f: {  	[hbm:s8], [sflag:s1] =	dma.local @!p0 [spmem:s16], $0x480  }
0x140: {  	_ =	swait.ge @!p0 [sflag:s26], $0x480  }
0x141: {  	[sflag:s26] =	ssyncset.done @!p0 $0x0;
	s25 =	rddreg [dreg:$0x15]  }
0x142: {  	[sflag:s26] =	ssyncadd.s32 @!p0 $0xFFFFFB80;
	s1 =	sadd.s32 s6, s25;
	s26 =	rddreg [dreg:$0x1a]  }
0x143: {  	[hbm:s1], [sflag:s19] =	dma.local [spmem:s26], $0x480  }
0x144: {  	_ =	swait.ge [sflag:s0], $0x480  }
0x145: {  	s3 =	sadd.s32 $0x1, s3;
	s28 =	rddreg [dreg:$0x8]  }
0x146: {  	p1 =	sne.s32 s3, s28  }
.Ltmp4:
0x147: {  	_ = 	snop;
	(pc) =	sbr.rel @p1 .LBB2_1-.Ltmp4, $3  }
0x148: {  	_ =	sdelay $0x1  }
0x149: {  	[sflag:s0] =	ssyncset.done $0x0  }
0x14a: {  	[sflag:s0] =	ssyncadd.s32 $0xFFFFFB80  }
0x14b: {  	_ =	sfence.sel $0x180000  }
0x14c: {  	[bflag:$0x0] =	sbarrier.arrive $0xFFFF  }
0x14d: {  	_ =	strace $0x9000004A  }
0x14e: {  	[bflag:$0x2] =	sbarrier.arrive $0xFFFF  }
0x14f: {  	p0 =	sne.s32 s24, $0x0;
	s0 =	rddreg [dreg:$0x2]  }
0x150: {  	s0 =	sadd.s32 @!p0 $0x100000, s0  }
0x151: {  	[sflag:s0] =	ssyncadd.tile.s32 @!p0 $0x1;
	_ =	shalt  }
.Lfunc_end2:
_tile_overlayer_lowered:
.L_overlay_start_2:
0x152: {  	(tag) =	ssettag $0x2  }
0x153: {  	s0 =	rddreg [dreg:$0x0];
	s2 =	stileid.u32  }
0x154: {  	s1 =	rddreg [dreg:$0x1];
	p0 =	sne.s32 s2, $0x0  }
0x155: {  	s3 =	rddreg [dreg:$0x2];
	[bflag:$0x3] =	sbarrier.arrive $0xFFFF;
	s2 =	simm.s32 @!p0 $0x1C07  }
0x156: {  	[timem:s3], [sflag:s2] =	dma.local @!p0 [hbm:s0], s1  }
0x157: {  	s0 =	simm.s32 @!p0 $0x7  }
0x158: {  	_ =	swait.ge @!p0 [sflag:s0], s1  }
0x159: {  	s1 =	ssub.s32 @!p0 $0x0, s1;
	[sflag:s0] =	ssyncset.done @!p0 $0x0  }
0x15a: {  	[sflag:s0] =	ssyncadd.s32 @!p0 s1  }
0x15b: {  	[bflag:$0x3] =	sbarrier.arrive $0xFFFF  }
0x15c: {  	_ =	shalt  }

// kernel: kernel.15.cloned.1.call-start
scs
__scs_entry_jumppad:
0x0: {  	(pc) =	sbr.rel $0x88, $3  }
0x1: {  	(tag) =	ssettag $0x0;
	lr =	simm.s32 $0x1  }
0x2: {  	[smem:$0x3F81] =	sst lr;
	_ =	strace $0xD0000000  }
0x3: {  	_ = 	snop  }
0x4: {  	_ = 	snop  }
0x5: {  	_ = 	snop  }
0x6: {  	_ = 	snop  }
0x7: {  	_ = 	snop  }
__scs_overlays_trampoline_lowered:
0x8: {  	[smem:$0x3F90] =	sst s0  }
0x9: {  	[smem:$0x3F91] =	sst s1  }
0xa: {  	[smem:$0x3F92] =	sst s2  }
0xb: {  	[smem:$0x3F93] =	sst s3  }
0xc: {  	[smem:$0x3F94] =	sst s4  }
0xd: {  	[smem:$0x3F95] =	sst s5  }
0xe: {  	[smem:$0x3F96] =	sst s6  }
0xf: {  	[smem:$0x3F97] =	sst s7  }
0x10: {  	[smem:$0x3F98] =	sst s8  }
0x11: {  	[smem:$0x3F99] =	sst s9;
	s0 =	simm.s32 @!p0 $0x0  }
0x12: {  	s1 =	sld [smem:$0x3F7F];
	s0 =	simm.s32 @p0 $0x1  }
0x13: {  	[smem:$0x3F9A] =	sst s0;
	s0 =	simm.s32 @!p1 $0x0  }
0x14: {  	s2 =	sld [smem:$0x3F7E];
	s0 =	simm.s32 @p1 $0x1  }
0x15: {  	[smem:$0x3F9B] =	sst s0;
	s0 =	simm.s32 @!p2 $0x0  }
0x16: {  	s3 =	sld [smem:$0x3FDB];
	s0 =	simm.s32 @p2 $0x1  }
0x17: {  	s4 =	simm.s32 $0x1BF5;
	[smem:$0x3F9D] =	sst s0  }
0x18: {  	s0 =	sld [smem:$0x3F80];
	_ =	swait.ge [sflag:s4], $0x0  }
0x19: {  	s7 =	sld [smem:$0x3F81]  }
0x1a: {  	s8 =	sadd.s32 $0xFFFFE003, lr  }
0x1b: {  	s9 =	sadd.s32 $0xFFFFFEF7, lr;
	s5 =	simm.s32 $0xFFFFFFFF;
	p2 =	slt.u32 s8, $0xFFFFF086  }
0x1c: {  	p1 =	slt.u32 s9, $0xF7A;
	s5 =	simm.s32 @!p2 $0x0  }
0x1d: {  	s5 =	simm.s32 @p1 $0x1;
	p0 =	seq.s32 s7, s2  }
0x1e: {  	s7 =	smul.u32 @!p0 $0xF7A, s2;
	p2 =	seq.s32 @!p0 s5, $0x0  }
0x1f: {  	s9 =	smul.u32 $0xF7A, s1;
	s8 =	simm.s32 @!p0 $0x1BF5;
	p2 =	por !p2, p0  }
0x20: {  	[sflag:s8] =	ssyncset.s32 @!p0 $0xFFFFF086;
	s6 =	sadd.s32 @!p0 s3, s7;
	s7 =	simm.s32 @!p0 $0x108  }
0x21: {  	s3 =	sadd.s32 s3, s9;
	s6 =	sadd.s32 @!p0 $0x88, s6;
	s7 =	simm.s32 @p2 $0x1082  }
0x22: {  	[simem:s7], [sflag:s8] =	dma.local @!p0 [hbm:s6], $0xF7A  }
0x23: {  	s9 =	sor.u32 $0xD0000000, s2;
	s6 =	simm.s32 $0x108;
	_ =	swait.ge @!p0 [sflag:s8], $0x0  }
0x24: {  	s3 =	sadd.s32 $0x88, s3;
	s6 =	simm.s32 @!p1 $0x1082;
	[sflag:s4] =	ssyncset.s32 $0xFFFFF086  }
0x25: {  	[simem:s6], [sflag:s4] =	dma.local [hbm:s3], $0xF7A  }
0x26: {  	[smem:$0x3F81] =	sst s1;
	(tag) =	ssettag s2;
	_ =	strace s9  }
0x27: {  	s1 =	sld [smem:$0x3F91]  }
0x28: {  	s2 =	sld [smem:$0x3F92]  }
0x29: {  	s4 =	sld [smem:$0x3F94]  }
0x2a: {  	p0 =	seq.s32 s5, $0x0;
	s5 =	sld [smem:$0x3F95]  }
0x2b: {  	s6 =	sld [smem:$0x3F96]  }
0x2c: {  	s7 =	sld [smem:$0x3F97]  }
0x2d: {  	s3 =	simm.s32 $0x108;
	s8 =	sld [smem:$0x3F98]  }
0x2e: {  	s3 =	simm.s32 @!p0 $0x1082;
	s9 =	sld [smem:$0x3F99]  }
0x2f: {  	lr =	sadd.s32 s0, s3;
	s0 =	sld [smem:$0x3F90]  }
0x30: {  	s3 =	sld [smem:$0x3F93]  }
0x31: {  	[smem:$0x3F9C] =	sst s10  }
0x32: {  	s10 =	sld [smem:$0x3F9A];
	_ =	sdelay $0x3  }
0x33: {  	p0 =	seq.s32 s10, $0x1;
	s10 =	sld [smem:$0x3F9C];
	_ =	sdelay $0x3  }
0x34: {  	[smem:$0x3F9C] =	sst s10  }
0x35: {  	s10 =	sld [smem:$0x3F9B];
	_ =	sdelay $0x3  }
0x36: {  	p1 =	seq.s32 s10, $0x1;
	s10 =	sld [smem:$0x3F9C];
	_ =	sdelay $0x3  }
0x37: {  	[smem:$0x3F9C] =	sst s10  }
0x38: {  	s10 =	sld [smem:$0x3F9D]  }
0x39: {  	_ = 	snop;
	(pc) =	sbr.ind lr, $3  }
0x3a: {  	_ = 	snop  }
0x3b: {  	_ = 	snop  }
0x3c: {  	p2 =	seq.s32 s10, $0x1;
	s10 =	sld [smem:$0x3F9C]  }
0x3d: {  	_ =	shalt  }
0x3e: {  	_ =	shalt  }
0x3f: {  	_ =	shalt  }
0x40: {  	_ =	shalt  }
0x41: {  	_ =	shalt  }
0x42: {  	_ =	shalt  }
0x43: {  	_ =	shalt  }
0x44: {  	_ =	shalt  }
0x45: {  	_ =	shalt  }
0x46: {  	_ =	shalt  }
0x47: {  	_ =	shalt  }
0x48: {  	_ =	shalt  }
0x49: {  	_ =	shalt  }
0x4a: {  	_ =	shalt  }
0x4b: {  	_ =	shalt  }
0x4c: {  	_ =	shalt  }
0x4d: {  	_ =	shalt  }
0x4e: {  	_ =	shalt  }
0x4f: {  	_ =	shalt  }
0x50: {  	_ =	shalt  }
0x51: {  	_ =	shalt  }
0x52: {  	_ =	shalt  }
0x53: {  	_ =	shalt  }
0x54: {  	_ =	shalt  }
0x55: {  	_ =	shalt  }
0x56: {  	_ =	shalt  }
0x57: {  	_ =	shalt  }
0x58: {  	_ =	shalt  }
0x59: {  	_ =	shalt  }
0x5a: {  	_ =	shalt  }
0x5b: {  	_ =	shalt  }
0x5c: {  	_ =	shalt  }
0x5d: {  	_ =	shalt  }
0x5e: {  	_ =	shalt  }
0x5f: {  	_ =	shalt  }
0x60: {  	_ =	shalt  }
0x61: {  	_ =	shalt  }
0x62: {  	_ =	shalt  }
0x63: {  	_ =	shalt  }
0x64: {  	_ =	shalt  }
0x65: {  	_ =	shalt  }
0x66: {  	_ =	shalt  }
0x67: {  	_ =	shalt  }
0x68: {  	_ =	shalt  }
0x69: {  	_ =	shalt  }
0x6a: {  	_ =	shalt  }
0x6b: {  	_ =	shalt  }
0x6c: {  	_ =	shalt  }
0x6d: {  	_ =	shalt  }
0x6e: {  	_ =	shalt  }
0x6f: {  	_ =	shalt  }
0x70: {  	_ =	shalt  }
0x71: {  	_ =	shalt  }
0x72: {  	_ =	shalt  }
0x73: {  	_ =	shalt  }
0x74: {  	_ =	shalt  }
0x75: {  	_ =	shalt  }
0x76: {  	_ =	shalt  }
0x77: {  	_ =	shalt  }
0x78: {  	_ =	shalt  }
0x79: {  	_ =	shalt  }
0x7a: {  	_ =	shalt  }
0x7b: {  	_ =	shalt  }
0x7c: {  	_ =	shalt  }
0x7d: {  	_ =	shalt  }
0x7e: {  	_ =	shalt  }
0x7f: {  	_ =	shalt  }
0x80: {  	_ =	shalt  }
0x81: {  	_ =	shalt  }
0x82: {  	_ =	shalt  }
0x83: {  	_ =	shalt  }
0x84: {  	_ =	shalt  }
0x85: {  	_ =	shalt  }
0x86: {  	_ =	shalt  }
0x87: {  	_ =	shalt  }
.Lfunc_end0:
.L_simem_size_0:
called_computation.2_lowered:
.L_overlay_start_0:
0x88: {  	s2 =	sld [smem:$0x3FD9]  }
0x89: {  	s3 =	sld [smem:$0x3FFE];
	_ =	sdelay $0x1  }
0x8a: {  	s1 =	srdreg.scid  }
0x8b: {  	s0 =	sand.u32 $0x1, s1  }
0x8c: {  	s16 =	sshll.u32 s0, $0xA;
	s2 =	sadd.s32 s3, s2  }
0x8d: {  	s2 =	sadd.s32 s2, s16  }
0x8e: {  	[smem:$0x3FA8] =	sst s2  }
0x8f: {  	_ = 	snop  }
0x90: {  	(tm) =	ssettm $0x1  }
0x91: {  	s17 =	sld [smem:$0x3FFB];
	_ =	sdelay $0x3  }
0x92: {  	_ =	strace s17  }
0x93: {  	s2 =	sld [smem:$0x3FFC];
	_ =	sdelay $0x3  }
0x94: {  	_ =	strace s2  }
0x95: {  	s2 =	sld [smem:$0x3FFD];
	_ =	sdelay $0x3  }
0x96: {  	_ =	strace s2  }
0x97: {  	_ =	strace $0x8FFFFFFF  }
0x98: {  	s18 =	sld [smem:$0x3FDB];
	_ =	sdelay $0x1  }
0x99: {  	s19 =	simm.s32 $_scs_section_size  }
0x9a: {  	s4 =	simm.s32 $_size__tile_overlayer_lowered;
	s5 =	simm.s32 $_tile_overlayer_lowered  }
0x9b: {  	s22 =	simm.s32 $0x1BFF;
	s21 =	sshll.u32 s5, $0x1;
	s2 =	sadd.s32 s19, s18  }
0x9c: {  	s6 =	simm.s32 $0x0;
	s20 =	sshll.u32 s4, $0x1;
	s4 =	sadd.s32 s21, s2  }
0x9d: {  	[timem:s6], [sflag:s22] =	dma.local [hbm:s4], s20  }
0x9e: {  	_ =	swait.ge [sflag:s22], s20  }
0x9f: {  	s3 =	ssub.s32 $0x0, s20;
	[sflag:s22] =	ssyncset.done $0x0  }
0xa0: {  	[sflag:s22] =	ssyncadd.s32 s3;
	_ =	sdelay $0x1  }
0xa1: {  	s23 =	simm.s32 $0x1B8B  }
0xa2: {  	_ =	swait.ge [sflag:s23], $0x1  }
0xa3: {  	[sflag:s23] =	ssyncset.done $0x0  }
0xa4: {  	s25 =	simm.s32 $0x1B8E;
	s24 =	sld [smem:$0x3FFE];
	[sflag:s23] =	ssyncadd.s32 $0xFFFFFFFF  }
0xa5: {  	s26 =	simm.s32 $execute0_lowered;
	[smem:$0x3FD2] =	sst s25  }
0xa6: {  	s4 =	sshll.u32 s26, $0x1;
	_ =	strace $0x8000004C;
	[dreg:$0x1] =	wrdreg $0xFFFFFFFF  }
0xa7: {  	s28 =	simm.s32 $_size_execute0_lowered;
	s2 =	sadd.s32 s2, s4;
	[dreg:$0x0] =	wrdreg $0x0  }
0xa8: {  	s4 =	sshll.u32 s28, $0x1;
	[dreg:$0x2] =	wrdreg s2  }
0xa9: {  	[dreg:$0x3] =	wrdreg s4  }
0xaa: {  	[dreg:$0x4] =	wrdreg $0xC0  }
0xab: {  	_ =	task [dreg:s6], $0x5FFFF  }
0xac: {  	[dreg:$0x1] =	wrdreg $0xFFFFFFFF  }
0xad: {  	[dreg:$0x0] =	wrdreg $0x60  }
0xae: {  	[dreg:$0x2] =	wrdreg s24  }
0xaf: {  	[dreg:$0x3] =	wrdreg $0xC0000  }
0xb0: {  	[dreg:$0x4] =	wrdreg $0x9  }
0xb1: {  	_ =	task.clear_ibuf [dreg:s6], $0x5FFFF;
	_ =	strace $0x9000004C  }
0xb2: {  	s29 =	simm.s32 $0x9;
	_ =	strace $0x8000004E  }
0xb3: {  	_ =	swait.ge [sflag:s29], $0x1  }
0xb4: {  	[sflag:s29] =	ssyncadd.s32 $0xFFFFFFFF  }
0xb5: {  	_ =	strace $0x9000004E  }
0xb6: {  	_ =	sfence  }
0xb7: {  	s30 =	sld [smem:$0x0];
	_ =	sdelay $0x2  }
0xb8: {  	s31 =	sshll.u32 s1, $0xD;
	s1 =	sshrl.u32 s1, $0x2  }
0xb9: {  	s3 =	sand.u32 $0x4000, s31;
	s1 =	sadd.s32 s1, s30  }
0xba: {  	s0 =	sor.u32 s3, s0;
	s1 =	sshll.u32 s1, $0x11  }
0xbb: {  	s0 =	sor.u32 s1, s0  }
0xbc: {  	s0 =	sadd.s32 $0x8F2B, s0  }
0xbd: {  	[sflag:s0] =	ssyncadd.remote.s32 $0x1  }
0xbe: {  	_ =	sfence.sel $0xFFFF  }
0xbf: {  	[dreg:$0x0] =	wrdreg $0xFFFFFFFF;
	(pc) =	sbr.abs _section_cstart, $3  }
0xc0: {  	[dreg:$0x1] =	wrdreg $0xFFFFFFFF  }
0xc1: {  	_ =	task.clear_ibuf [dreg:s6], $0x2FFFF;
	_ =	strace $0x9FFFFFFF  }
0xc2: {  	(tm) =	ssettm $0x7FFFFFFF  }
0xc3: {  	_ =	shalt  }
tec
execute0_lowered:
.L_overlay_start_1:
0x0: {  	(tag) =	ssettag $0x1  }
0x1: {  	s0 =	srdreg.scid;
	s1 =	rddreg [dreg:$0x0]  }
0x2: {  	s14 =	stileid.u32;
	s2 =	rddreg [dreg:$0x1]  }
0x3: {  	s4 =	simm.s32 $0x0;
	s0 =	sand.u32 $0x1, s0;
	s3 =	sshll.u32 s14, $0x1  }
0x4: {  	[smem:$0x7FF] =	sst s4;
	s10 =	smul.u32 $0x50000, s14;
	s8 =	ssub.s32 $0x2, s0  }
0x5: {  	s4 =	sadd.s32 $0xC6200, s1;
	s6 =	sadd.s32 $0x116200, s1;
	s9 =	sshrl.u32 s8, $0x1  }
0x6: {  	s11 =	sadd.s32 $0x11B200, s1;
	s31 =	sshrl.u32 s10, $0x2;
	s8 =	ssub.s32 s8, s9  }
0x7: {  	s22 =	smul.u32 $0x2800, s14;
	s9 =	sadd.s32 s31, s2;
	s8 =	smax.u32 s8, $0x1  }
0x8: {  	_ =	strace $0x8000004D;
	s15 =	sadd.s32 $0x3000, s9;
	[dreg:$0x6] =	wrdreg s8  }
0x9: {  	s14 =	simm.s32 $0x200;
	s16 =	sadd.s32 $0x4000, s9;
	[dreg:$0x8] =	wrdreg s15  }
0xa: {  	s3 =	sor.u32 s0, s3;
	s17 =	sadd.s32 $0x5000, s9;
	[dreg:$0x9] =	wrdreg s16  }
0xb: {  	p0 =	sne.s32 s0, $0x0;
	s18 =	sadd.s32 $0x6000, s9;
	[dreg:$0xa] =	wrdreg s17  }
0xc: {  	s5 =	smul.u32 $0x280, s3;
	s19 =	sadd.s32 $0x7000, s9;
	[dreg:$0xb] =	wrdreg s18  }
0xd: {  	s12 =	smul.u32 $0x2800, s3;
	s20 =	sadd.s32 $0x8000, s9;
	[dreg:$0xc] =	wrdreg s19  }
0xe: {  	s10 =	smul.u32 $0x1400, s3;
	s21 =	sadd.s32 $0x9000, s9;
	[dreg:$0xd] =	wrdreg s20  }
0xf: {  	s3 =	simm.s32 $0x7000;
	s23 =	sadd.s32 $0xA000, s9;
	[dreg:$0xe] =	wrdreg s21  }
0x10: {  	s7 =	sadd.s32 s5, s1;
	s24 =	sadd.s32 $0xB000, s9;
	[dreg:$0xf] =	wrdreg s23  }
0x11: {  	s5 =	sadd.s32 $0x170200, s1;
	s25 =	sadd.s32 $0xC000, s9;
	[dreg:$0x10] =	wrdreg s24  }
0x12: {  	s1 =	sadd.s32 $0x143200, s1;
	s26 =	sadd.s32 $0xD000, s9;
	[dreg:$0x11] =	wrdreg s25  }
0x13: {  	s13 =	sadd.s32 $0x1000, s9;
	s28 =	sadd.s32 $0xE000, s9;
	[dreg:$0x12] =	wrdreg s26  }
0x14: {  	s29 =	sadd.s32 $0xF000, s9;
	s31 =	sadd.s32 $0x11000, s9;
	[dreg:$0x13] =	wrdreg s28  }
0x15: {  	s0 =	sadd.s32 $0x13000, s9;
	s30 =	sadd.s32 $0xC1200, s7;
	[dreg:$0x14] =	wrdreg s29  }
0x16: {  	s7 =	sadd.s32 $0xBC200, s7;
	s11 =	smov.u32 @p0 s1;
	[dreg:$0x16] =	wrdreg s31  }
0x17: {  	s1 =	sadd.s32 $0x12000, s9;
	s23 =	simm.s32 $0x1C00;
	s15 =	simm.s32 $0x600  }
0x18: {  	s16 =	simm.s32 $0x1;
	s8 =	simm.s32 $0x3;
	s17 =	simm.s32 $0x2  }
0x19: {  	s18 =	simm.s32 $0x4;
	s19 =	simm.s32 $0x0;
	[dreg:$0x3] =	wrdreg s30  }
0x1a: {  	[dreg:$0x4] =	wrdreg s7;
	s7 =	sadd.s32 s4, s12;
	s12 =	sadd.s32 $0x2000, s9  }
0x1b: {  	s24 =	sadd.s32 s11, s22;
	s30 =	sadd.s32 $0x10000, s9;
	[dreg:$0x5] =	wrdreg s7  }
0x1c: {  	s22 =	simm.s32 $0x800;
	s11 =	simm.s32 $0xB000;
	[dreg:$0x7] =	wrdreg s12  }
0x1d: {  	v0 =	vimm.f32 $0.0e+00;
	[dreg:$0x15] =	wrdreg s30;
	s7 =	simm.s32 $0x5;
	s12 =	simm.s32 $0x20  }
.LBB2_1:
0x1e: {  	s20 =	simm.s32 $0x0;
	s21 =	rddreg [dreg:$0x3]  }
0x1f: {  	[tilespmem:s22], [sflag:$0x5] =	stream.linear.gather [hbm4b:s21+s20], $0x1400, $0x38;
	v63 =	vld [tilespmem:$0x0]  }
0x20: {  	_ =	swait.ge [sflag:s7], $0x1400  }
0x21: {  	[sflag:s7] =	ssyncset.done $0x0  }
0x22: {  	s31 =	rddreg [dreg:$0x4];
	[sflag:s7] =	ssyncadd.s32 $0xFFFFEC00  }
0x23: {  	[tilespmem:s23], [sflag:$0x5] =	stream.linear.gather [hbm4b:s31+s20], $0x1400, $0x38;
	v63 =	vld [tilespmem:$0x0]  }
0x24: {  	_ =	swait.ge [sflag:s7], $0x1400  }
0x25: {  	[sflag:s7] =	ssyncset.done $0x0  }
0x26: {  	s21 =	simm.s32 $0x200;
	s20 =	simm.s32 $0x0;
	[sflag:s7] =	ssyncadd.s32 $0xFFFFEC00  }
.LBB2_2:
0x27: {  	p1 =	sne.s32 s21, $0x3E00;
	[tilespmem:s20+$0xB070] =	vst v0  }
0x28: {  	[tilespmem:s20+$0xB000] =	vst v0  }
0x29: {  	[tilespmem:s20+$0xB010] =	vst v0  }
.Ltmp0:
0x2a: {  	[tilespmem:s20+$0xB020] =	vst v0;
	(pc) =	sbr.rel @p1 .LBB2_2-.Ltmp0, $4  }
0x2b: {  	[tilespmem:s20+$0xB030] =	vst v0  }
0x2c: {  	[tilespmem:s20+$0xB040] =	vst v0  }
0x2d: {  	[tilespmem:s20+$0xB050] =	vst v0  }
0x2e: {  	[tilespmem:s20+$0xB060] =	vst v0;
	s20 =	sshra.s32 s21, $0x2;
	s21 =	sadd.s32 $0x200, s21  }
0x2f: {  	[tilespmem:s20+$0xB070] =	vst v0  }
0x30: {  	[tilespmem:s20+$0xB000] =	vst v0  }
0x31: {  	[tilespmem:s20+$0xB010] =	vst v0  }
0x32: {  	[tilespmem:s20+$0xB020] =	vst v0  }
0x33: {  	[tilespmem:s20+$0xB030] =	vst v0  }
0x34: {  	[tilespmem:s20+$0xB040] =	vst v0  }
0x35: {  	[tilespmem:s20+$0xB050] =	vst v0  }
0x36: {  	[tilespmem:s20+$0xB060] =	vst v0  }
0x37: {  	[spmem:s9] =	stream.linear.scatter [tilespmem:s11], [sflag:$0x5], $0x1000, $0x38;
	v63 =	vld [tilespmem:$0x0]  }
0x38: {  	_ =	swait.ge [sflag:s7], $0x1000  }
0x39: {  	[sflag:s7] =	ssyncset.done $0x0  }
0x3a: {  	[sflag:s7] =	ssyncadd.s32 $0xFFFFF000  }
0x3b: {  	[spmem:s13] =	stream.linear.scatter [tilespmem:s11], [sflag:$0x5], $0x1000, $0x38;
	v63 =	vld [tilespmem:$0x0]  }
0x3c: {  	_ =	swait.ge [sflag:s7], $0x1000  }
0x3d: {  	[sflag:s7] =	ssyncset.done $0x0  }
0x3e: {  	s28 =	rddreg [dreg:$0x7];
	[sflag:s7] =	ssyncadd.s32 $0xFFFFF000  }
0x3f: {  	[spmem:s28] =	stream.linear.scatter [tilespmem:s11], [sflag:$0x5], $0x1000, $0x38;
	v63 =	vld [tilespmem:$0x0]  }
0x40: {  	_ =	swait.ge [sflag:s7], $0x1000  }
0x41: {  	[sflag:s7] =	ssyncset.done $0x0  }
0x42: {  	s29 =	rddreg [dreg:$0x8];
	[sflag:s7] =	ssyncadd.s32 $0xFFFFF000  }
0x43: {  	[spmem:s29] =	stream.linear.scatter [tilespmem:s11], [sflag:$0x5], $0x1000, $0x38;
	v63 =	vld [tilespmem:$0x0]  }
0x44: {  	_ =	swait.ge [sflag:s7], $0x1000  }
0x45: {  	[sflag:s7] =	ssyncset.done $0x0  }
0x46: {  	s30 =	rddreg [dreg:$0x9];
	[sflag:s7] =	ssyncadd.s32 $0xFFFFF000  }
0x47: {  	[spmem:s30] =	stream.linear.scatter [tilespmem:s11], [sflag:$0x5], $0x1000, $0x38;
	v63 =	vld [tilespmem:$0x0]  }
0x48: {  	_ =	swait.ge [sflag:s7], $0x1000  }
0x49: {  	[sflag:s7] =	ssyncset.done $0x0  }
0x4a: {  	s31 =	rddreg [dreg:$0xa];
	[sflag:s7] =	ssyncadd.s32 $0xFFFFF000  }
0x4b: {  	[spmem:s31] =	stream.linear.scatter [tilespmem:s11], [sflag:$0x5], $0x1000, $0x38;
	v63 =	vld [tilespmem:$0x0]  }
0x4c: {  	_ =	swait.ge [sflag:s7], $0x1000  }
0x4d: {  	[sflag:s7] =	ssyncset.done $0x0  }
0x4e: {  	s21 =	rddreg [dreg:$0xb];
	[sflag:s7] =	ssyncadd.s32 $0xFFFFF000  }
0x4f: {  	[spmem:s21] =	stream.linear.scatter [tilespmem:s11], [sflag:$0x5], $0x1000, $0x38;
	v63 =	vld [tilespmem:$0x0]  }
0x50: {  	_ =	swait.ge [sflag:s7], $0x1000  }
0x51: {  	[sflag:s7] =	ssyncset.done $0x0  }
0x52: {  	s25 =	rddreg [dreg:$0xc];
	[sflag:s7] =	ssyncadd.s32 $0xFFFFF000  }
0x53: {  	[spmem:s25] =	stream.linear.scatter [tilespmem:s11], [sflag:$0x5], $0x1000, $0x38;
	v63 =	vld [tilespmem:$0x0]  }
0x54: {  	_ =	swait.ge [sflag:s7], $0x1000  }
0x55: {  	[sflag:s7] =	ssyncset.done $0x0  }
0x56: {  	s26 =	rddreg [dreg:$0xd];
	[sflag:s7] =	ssyncadd.s32 $0xFFFFF000  }
0x57: {  	[spmem:s26] =	stream.linear.scatter [tilespmem:s11], [sflag:$0x5], $0x1000, $0x38;
	v63 =	vld [tilespmem:$0x0]  }
0x58: {  	_ =	swait.ge [sflag:s7], $0x1000  }
0x59: {  	[sflag:s7] =	ssyncset.done $0x0  }
0x5a: {  	s28 =	rddreg [dreg:$0xe];
	[sflag:s7] =	ssyncadd.s32 $0xFFFFF000  }
0x5b: {  	[spmem:s28] =	stream.linear.scatter [tilespmem:s11], [sflag:$0x5], $0x1000, $0x38;
	v63 =	vld [tilespmem:$0x0]  }
0x5c: {  	_ =	swait.ge [sflag:s7], $0x1000  }
0x5d: {  	[sflag:s7] =	ssyncset.done $0x0  }
0x5e: {  	s29 =	rddreg [dreg:$0xf];
	[sflag:s7] =	ssyncadd.s32 $0xFFFFF000  }
0x5f: {  	[spmem:s29] =	stream.linear.scatter [tilespmem:s11], [sflag:$0x5], $0x1000, $0x38;
	v63 =	vld [tilespmem:$0x0]  }
0x60: {  	_ =	swait.ge [sflag:s7], $0x1000  }
0x61: {  	[sflag:s7] =	ssyncset.done $0x0  }
0x62: {  	s30 =	rddreg [dreg:$0x10];
	[sflag:s7] =	ssyncadd.s32 $0xFFFFF000  }
0x63: {  	[spmem:s30] =	stream.linear.scatter [tilespmem:s11], [sflag:$0x5], $0x1000, $0x38;
	v63 =	vld [tilespmem:$0x0]  }
0x64: {  	_ =	swait.ge [sflag:s7], $0x1000  }
0x65: {  	[sflag:s7] =	ssyncset.done $0x0  }
0x66: {  	s31 =	rddreg [dreg:$0x11];
	[sflag:s7] =	ssyncadd.s32 $0xFFFFF000  }
0x67: {  	[spmem:s31] =	stream.linear.scatter [tilespmem:s11], [sflag:$0x5], $0x1000, $0x38;
	v63 =	vld [tilespmem:$0x0]  }
0x68: {  	_ =	swait.ge [sflag:s7], $0x1000  }
0x69: {  	[sflag:s7] =	ssyncset.done $0x0  }
0x6a: {  	s21 =	rddreg [dreg:$0x12];
	[sflag:s7] =	ssyncadd.s32 $0xFFFFF000  }
0x6b: {  	[spmem:s21] =	stream.linear.scatter [tilespmem:s11], [sflag:$0x5], $0x1000, $0x38;
	v63 =	vld [tilespmem:$0x0]  }
0x6c: {  	_ =	swait.ge [sflag:s7], $0x1000  }
0x6d: {  	[sflag:s7] =	ssyncset.done $0x0  }
0x6e: {  	s25 =	rddreg [dreg:$0x13];
	[sflag:s7] =	ssyncadd.s32 $0xFFFFF000  }
0x6f: {  	[spmem:s25] =	stream.linear.scatter [tilespmem:s11], [sflag:$0x5], $0x1000, $0x38;
	v63 =	vld [tilespmem:$0x0]  }
0x70: {  	_ =	swait.ge [sflag:s7], $0x1000  }
0x71: {  	[sflag:s7] =	ssyncset.done $0x0  }
0x72: {  	s26 =	rddreg [dreg:$0x14];
	[sflag:s7] =	ssyncadd.s32 $0xFFFFF000  }
0x73: {  	[spmem:s26] =	stream.linear.scatter [tilespmem:s11], [sflag:$0x5], $0x1000, $0x38;
	v63 =	vld [tilespmem:$0x0]  }
0x74: {  	_ =	swait.ge [sflag:s7], $0x1000  }
0x75: {  	[sflag:s7] =	ssyncset.done $0x0  }
0x76: {  	s28 =	rddreg [dreg:$0x15];
	[sflag:s7] =	ssyncadd.s32 $0xFFFFF000  }
0x77: {  	[spmem:s28] =	stream.linear.scatter [tilespmem:s11], [sflag:$0x5], $0x1000, $0x38;
	v63 =	vld [tilespmem:$0x0]  }
0x78: {  	_ =	swait.ge [sflag:s7], $0x1000  }
0x79: {  	[sflag:s7] =	ssyncset.done $0x0  }
0x7a: {  	s29 =	rddreg [dreg:$0x16];
	[sflag:s7] =	ssyncadd.s32 $0xFFFFF000  }
0x7b: {  	[spmem:s29] =	stream.linear.scatter [tilespmem:s11], [sflag:$0x5], $0x1000, $0x38;
	v63 =	vld [tilespmem:$0x0]  }
0x7c: {  	_ =	swait.ge [sflag:s7], $0x1000  }
0x7d: {  	[sflag:s7] =	ssyncset.done $0x0  }
0x7e: {  	[sflag:s7] =	ssyncadd.s32 $0xFFFFF000  }
0x7f: {  	[spmem:s1] =	stream.linear.scatter [tilespmem:s11], [sflag:$0x5], $0x1000, $0x38;
	v63 =	vld [tilespmem:$0x0]  }
0x80: {  	_ =	swait.ge [sflag:s7], $0x1000  }
0x81: {  	[sflag:s7] =	ssyncset.done $0x0  }
0x82: {  	[sflag:s7] =	ssyncadd.s32 $0xFFFFF000  }
0x83: {  	[spmem:s0] =	stream.linear.scatter [tilespmem:s11], [sflag:$0x5], $0x1000, $0x38;
	v63 =	vld [tilespmem:$0x0]  }
0x84: {  	_ =	swait.ge [sflag:s7], $0x1000  }
0x85: {  	[sflag:s7] =	ssyncset.done $0x0  }
0x86: {  	[sflag:s7] =	ssyncadd.s32 $0xFFFFF000  }
0x87: {  	[bflag:$0x0] =	sbarrier.arrive $0xFFFF  }
0x88: {  	s20 =	simm.s32 $0x0;
	s21 =	rddreg [dreg:$0x5]  }
0x89: {  	[tilespmem:s20], [sflag:$0x5] =	stream.linear.gather [hbm4b:s21+s20], $0x200, $0x38;
	v63 =	vld [tilespmem:$0x0]  }
0x8a: {  	_ =	swait.ge [sflag:s7], $0x200  }
0x8b: {  	[sflag:s7] =	ssyncset.done $0x0  }
0x8c: {  	s30 =	simm.s32 $0x3000;
	[sflag:s7] =	ssyncadd.s32 $0xFFFFFE00  }
0x8d: {  	[tilespmem:s30], [sflag:$0x1] =	stream.indirect.gather [hbm4b:s5+s12], $0x200, s22, s12, $0xb8;
	v63 =	vld [tilespmem:$0x0]  }
0x8e: {  	s31 =	simm.s32 $0x400;
	s22 =	simm.s32 $0x0  }
0x8f: {  	[tilespmem:s31], [sflag:$0x3] =	stream.indirect.gather [hbm4b:s6+s12], $0x10, s23, s12, $0xb8;
	v63 =	vld [tilespmem:$0x0]  }
.LBB2_4:
0x90: {  	s23 =	sshll.u32 s22, $0x6  }
0x91: {  	s21 =	sadd.s32 s23, s10  }
0x92: {  	s21 =	sshll.u32 s21, $0x1  }
0x93: {  	s21 =	sadd.s32 $0x40, s21  }
0x94: {  	s21 =	sand.u32 $0x1FFFFFC0, s21  }
0x95: {  	s21 =	sadd.s32 s4, s21  }
0x96: {  	[tilespmem:s14], [sflag:$0x5] =	stream.linear.gather [hbm4b:s21+s20], $0x200, $0x38;
	v63 =	vld [tilespmem:$0x0]  }
0x97: {  	_ =	swait.ge [sflag:s7], $0x200  }
0x98: {  	[sflag:s7] =	ssyncset.done $0x0  }
0x99: {  	s31 =	sadd.s32 $0x820, s23;
	[sflag:s7] =	ssyncadd.s32 $0xFFFFFE00  }
0x9a: {  	[tilespmem:s3], [sflag:$0x2] =	stream.indirect.gather [hbm4b:s5+s12], $0x200, s31, s12, $0xb8;
	v63 =	vld [tilespmem:$0x0]  }
0x9b: {  	s21 =	sadd.s32 $0x1C20, s23  }
0x9c: {  	[tilespmem:s15], [sflag:$0x4] =	stream.indirect.gather [hbm4b:s6+s12], $0x10, s21, s12, $0xb8;
	v63 =	vld [tilespmem:$0x0]  }
0x9d: {  	_ =	swait.ge [sflag:s16], $0x4000  }
0x9e: {  	[sflag:s16] =	ssyncset.done $0x0  }
0x9f: {  	[sflag:s16] =	ssyncadd.s32 $0xFFFFC000  }
0xa0: {  	_ =	swait.ge [sflag:s8], $0x200  }
0xa1: {  	[sflag:s8] =	ssyncset.done $0x0  }
0xa2: {  	s25 =	simm.s32 $0x0;
	[sflag:s8] =	ssyncadd.s32 $0xFFFFFE00  }
0xa3: {  	v1 =	vld [tilespmem:s25+$0x0];
	_ =	sdelay $0x4  }
0xa4: {  	v1 =	vmul.f32 $1.442695020e+00, v1;
	_ =	sdelay $0x1  }
0xa5: {  	(erf) = vpow2.f32 v1;
	_ =	sdelay $0x2  }
0xa6: {  	s26 =	simm.s32 $0x3100  }
0xa7: {  	v4 =	vld [tilespmem:s26+$0x70]  }
0xa8: {  	v1 =	vld [tilespmem:s25+$0x400]  }
0xa9: {  	v7 =	vld [tilespmem:s26+$0xB0]  }
0xaa: {  	v8 =	vld [tilespmem:s26+$0xFFFFFF20]  }
0xab: {  	v9 =	vld [tilespmem:s26+$0xFFFFFF90]  }
0xac: {  	v11 =	vld [tilespmem:s26+$0x0];
	v3 =	vpop (erf)  }
0xad: {  	v19 =	vld [tilespmem:s26+$0xFFFFFFA0];
	v1 =	vmul.f32 v3, v1  }
0xae: {  	v3 =	vld [tilespmem:s26+$0xFFFFFF00]  }
0xaf: {  	v23 =	vld [tilespmem:s26+$0xFFFFFF10];
	v10 =	vbroadcast v1, $0x0;
	v5 =	vbroadcast v1, $0x7  }
0xb0: {  	v14 =	vld [tilespmem:s26+$0xFFFFFFE0];
	v12 =	vbroadcast v1, $0x2;
	v13 =	vbroadcast v1, $0x6  }
0xb1: {  	v26 =	vld [tilespmem:s26+$0xFFFFFF80];
	v16 =	vbroadcast v1, $0x4;
	v15 =	vbroadcast v1, $0x5  }
0xb2: {  	v22 =	vld [tilespmem:s26+$0xFFFFFFD0];
	v17 =	vpack.i.f32.bf16 v10, v10;
	v10 =	vbroadcast v1, $0x3;
	v1 =	vbroadcast v1, $0x1  }
0xb3: {  	v25 =	vld [tilespmem:s26+$0xFFFFFFF0];
	v31 =	vpack.i.f32.bf16 v12, v12;
	v3 =	vmul.bf16 v3, v17;
	v8 =	vmul.bf16 v8, v17  }
0xb4: {  	v37 =	vld [tilespmem:s26+$0xFFFFFF70];
	v27 =	vpack.i.f32.bf16 v16, v16;
	v29 =	vmul.bf16 v19, v31;
	v34 =	vmul.bf16 v23, v17  }
0xb5: {  	v38 =	vld [tilespmem:s26+$0xFFFFFF50];
	v13 =	vpack.i.f32.bf16 v13, v13;
	v28 =	vmul.bf16 v9, v31;
	v11 =	vmul.bf16 v11, v27  }
0xb6: {  	v6 =	vld [tilespmem:s26+$0x50];
	v16 =	vmul.bf16 v26, v31;
	v7 =	vmul.bf16 v7, v13;
	v32 =	vpack.i.f32.bf16 v10, v10  }
0xb7: {  	v2 =	vld [tilespmem:s26+$0x40];
	v30 =	vpack.i.f32.bf16 v1, v1;
	v10 =	vunpack.i.u.bf16.f32 v3;
	v12 =	vunpack.i.l.bf16.f32 v3  }
0xb8: {  	v33 =	vld [tilespmem:s26+$0xFFFFFFC0];
	v3 =	vpack.i.f32.bf16 v15, v15;
	v20 =	vmul.bf16 v14, v32;
	v23 =	vmul.bf16 v22, v32  }
0xb9: {  	v35 =	vld [tilespmem:s26+$0x20];
	v26 =	vmul.bf16 v25, v32;
	v61 =	vunpack.i.l.bf16.f32 v34;
	v37 =	vmul.bf16 v37, v30  }
0xba: {  	v19 =	vld [tilespmem:s26+$0x30];
	v42 =	vmul.bf16 v38, v30;
	v15 =	vadd.f32 $0.0e+00, v12;
	v12 =	vunpack.i.l.bf16.f32 v8  }
0xbb: {  	v14 =	vmul.bf16 v4, v3;
	v4 =	vunpack.i.u.bf16.f32 v8;
	v8 =	vld [tilespmem:s26+$0xFFFFFF30];
	v21 =	vmul.bf16 v6, v3  }
0xbc: {  	v41 =	vld [tilespmem:s26+$0xFFFFFF40];
	v18 =	vadd.f32 $0.0e+00, v10;
	v6 =	vmul.bf16 v2, v3;
	v40 =	vadd.f32 $0.0e+00, v61  }
0xbd: {  	v2 =	vld [tilespmem:s26+$0xFFFFFFB0];
	v10 =	vunpack.i.u.bf16.f32 v29;
	v24 =	vadd.f32 $0.0e+00, v12;
	v12 =	vadd.f32 $0.0e+00, v4  }
0xbe: {  	v25 =	vunpack.i.l.bf16.f32 v23;
	v38 =	vunpack.i.u.bf16.f32 v42;
	v42 =	vunpack.i.l.bf16.f32 v42  }
0xbf: {  	v1 =	vunpack.i.l.bf16.f32 v14;
	v4 =	vunpack.i.l.bf16.f32 v6;
	v22 =	vmul.bf16 v19, v27  }
0xc0: {  	v9 =	vunpack.i.u.bf16.f32 v14;
	v36 =	vmul.bf16 v8, v17;
	v17 =	vmul.bf16 v33, v32;
	v32 =	vld [tilespmem:s26+$0xFFFFFF60]  }
0xc1: {  	v19 =	vunpack.i.u.bf16.f32 v34;
	v14 =	vunpack.i.u.bf16.f32 v20;
	v34 =	vmul.bf16 v41, v30  }
0xc2: {  	v41 =	vld [tilespmem:s26+$0x10];
	v62 =	vmul.bf16 v2, v31;
	v8 =	vunpack.i.l.bf16.f32 v11;
	v33 =	vmul.bf16 v35, v27  }
0xc3: {  	s29 =	simm.s32 $0xB040;
	v2 =	vunpack.i.u.bf16.f32 v7;
	v35 =	vadd.f32 $0.0e+00, v19;
	v11 =	vunpack.i.u.bf16.f32 v11  }
0xc4: {  	s30 =	simm.s32 $0x40;
	s28 =	simm.s32 $0x3100;
	s25 =	simm.s32 $0xB040;
	v31 =	vunpack.i.u.bf16.f32 v62;
	v19 =	vunpack.i.l.bf16.f32 v62;
	v39 =	vunpack.i.u.bf16.f32 v36  }
.LBB2_5:
0xc5: {  	p1 =	sne.s32 s30, $0x7C0;
	v30 =	vmul.bf16 v32, v30;
	v32 =	vunpack.i.l.bf16.f32 v28;
	v43 =	vunpack.i.l.bf16.f32 v26;
	s29 =	sadd.s32 $0x80, s29;
	s26 =	sadd.s32 $0x200, s26  }
0xc6: {  	v36 =	vunpack.i.l.bf16.f32 v36;
	v44 =	vunpack.i.l.bf16.f32 v37;
	v45 =	vunpack.i.l.bf16.f32 v22;
	s31 =	smov.u32 s30;
	s30 =	sadd.s32 $0x40, s30  }
0xc7: {  	v40 =	vadd.f32 v42, v40;
	v42 =	vunpack.i.l.bf16.f32 v17;
	v27 =	vmul.bf16 v41, v27  }
0xc8: {  	v29 =	vunpack.i.l.bf16.f32 v29;
	v46 =	vunpack.i.u.bf16.f32 v33;
	v41 =	vunpack.i.l.bf16.f32 v30  }
0xc9: {  	v39 =	vadd.f32 $0.0e+00, v39;
	v24 =	vadd.f32 v41, v24;
	v41 =	vunpack.i.l.bf16.f32 v27  }
0xca: {  	v47 =	vunpack.i.l.bf16.f32 v34;
	v37 =	vunpack.i.u.bf16.f32 v37;
	v48 =	vunpack.i.u.bf16.f32 v21  }
0xcb: {  	v20 =	vunpack.i.l.bf16.f32 v20;
	v36 =	vadd.f32 $0.0e+00, v36;
	v37 =	vadd.f32 v37, v39  }
0xcc: {  	v35 =	vadd.f32 v38, v35;
	v28 =	vunpack.i.u.bf16.f32 v28;
	v21 =	vunpack.i.l.bf16.f32 v21;
	v38 =	vld [tilespmem:s28+$0xC0]  }
0xcd: {  	v33 =	vunpack.i.l.bf16.f32 v33;
	v32 =	vadd.f32 v32, v40;
	v36 =	vadd.f32 v44, v36;
	v39 =	vld [tilespmem:s28+$0xA0]  }
0xce: {  	v23 =	vunpack.i.u.bf16.f32 v23;
	v26 =	vunpack.i.u.bf16.f32 v26;
	v28 =	vadd.f32 v28, v35;
	v35 =	vld [tilespmem:s28+$0xF0]  }
0xcf: {  	v34 =	vunpack.i.u.bf16.f32 v34;
	v40 =	vunpack.i.l.bf16.f32 v16;
	v25 =	vadd.f32 v25, v32;
	v32 =	vld [tilespmem:s28+$0x90]  }
0xd0: {  	v18 =	vadd.f32 v34, v18;
	v31 =	vadd.f32 v31, v37;
	v27 =	vunpack.i.u.bf16.f32 v27;
	v34 =	vld [tilespmem:s28+$0xE0]  }
0xd1: {  	v22 =	vunpack.i.u.bf16.f32 v22;
	v15 =	vadd.f32 v47, v15;
	v23 =	vadd.f32 v23, v28  }
0xd2: {  	v5 =	vpack.i.f32.bf16 v5, v5;
	v26 =	vadd.f32 v26, v31;
	v28 =	vmul.bf16 v39, v13;
	v31 =	vld [tilespmem:s28+$0xD0]  }
0xd3: {  	v25 =	vadd.f32 v41, v25;
	v23 =	vadd.f32 v27, v23;
	v27 =	vld [tilespmem:s28+$0x80];
	v35 =	vmul.bf16 v35, v5  }
0xd4: {  	v15 =	vadd.f32 v40, v15;
	v37 =	vmul.bf16 v38, v5;
	v32 =	vmul.bf16 v32, v13  }
0xd5: {  	v23 =	vadd.f32 v48, v23;
	v34 =	vmul.bf16 v34, v5;
	v38 =	vunpack.i.u.bf16.f32 v35  }
0xd6: {  	v15 =	vadd.f32 v42, v15;
	v35 =	vunpack.i.l.bf16.f32 v35;
	v39 =	vld [tilespmem:s28+$0x60];
	v40 =	vunpack.i.u.bf16.f32 v32;
	s28 =	smov.u32 s26  }
0xd7: {  	v16 =	vunpack.i.u.bf16.f32 v16;
	v21 =	vadd.f32 v21, v25;
	v5 =	vmul.bf16 v31, v5  }
0xd8: {  	v16 =	vadd.f32 v16, v18;
	v18 =	vadd.f32 v29, v24;
	v13 =	vmul.bf16 v27, v13  }
0xd9: {  	v17 =	vunpack.i.u.bf16.f32 v17;
	v24 =	vunpack.i.u.bf16.f32 v30;
	v25 =	vunpack.i.l.bf16.f32 v5  }
0xda: {  	v12 =	vadd.f32 v24, v12;
	v27 =	vunpack.i.l.bf16.f32 v32;
	v24 =	vunpack.i.l.bf16.f32 v13  }
0xdb: {  	v19 =	vadd.f32 v19, v36;
	v18 =	vadd.f32 v20, v18;
	v3 =	vmul.bf16 v39, v3  }
0xdc: {  	v6 =	vunpack.i.u.bf16.f32 v6;
	v10 =	vadd.f32 v10, v12;
	v12 =	vadd.f32 v27, v21  }
0xdd: {  	v19 =	vadd.f32 v43, v19;
	v20 =	vadd.f32 v22, v26;
	v21 =	vunpack.i.l.bf16.f32 v3  }
0xde: {  	v10 =	vadd.f32 v14, v10;
	v14 =	vunpack.i.l.bf16.f32 v28;
	v12 =	vadd.f32 v25, v12  }
0xdf: {  	v19 =	vadd.f32 v45, v19;
	v9 =	vadd.f32 v9, v20;
	v13 =	vunpack.i.u.bf16.f32 v13  }
0xe0: {  	v16 =	vadd.f32 v17, v16;
	v17 =	vadd.f32 v33, v18;
	v18 =	vunpack.i.u.bf16.f32 v28;
	[tilespmem:s25+$0xFFFFFFE0] =	vst v12  }
0xe1: {  	v10 =	vadd.f32 v46, v10;
	v3 =	vunpack.i.u.bf16.f32 v3;
	v12 =	vadd.f32 v40, v23  }
0xe2: {  	v1 =	vadd.f32 v1, v19;
	v19 =	vunpack.i.u.bf16.f32 v37;
	v17 =	vadd.f32 v21, v17  }
0xe3: {  	v7 =	vunpack.i.l.bf16.f32 v7;
	v8 =	vadd.f32 v8, v15;
	v3 =	vadd.f32 v3, v10  }
0xe4: {  	v1 =	vadd.f32 v7, v1;
	v7 =	vunpack.i.l.bf16.f32 v34;
	v10 =	vadd.f32 v14, v17  }
0xe5: {  	v4 =	vadd.f32 v4, v8;
	v8 =	vunpack.i.u.bf16.f32 v34;
	v3 =	vadd.f32 v18, v3  }
0xe6: {  	v11 =	vadd.f32 v11, v16;
	v5 =	vunpack.i.u.bf16.f32 v5;
	v7 =	vadd.f32 v7, v10  }
0xe7: {  	v1 =	vadd.f32 v35, v1;
	v4 =	vadd.f32 v24, v4  }
0xe8: {  	v6 =	vadd.f32 v6, v11;
	v10 =	vunpack.i.l.bf16.f32 v37;
	v3 =	vadd.f32 v8, v3;
	[tilespmem:s25+$0x0] =	vst v7  }
0xe9: {  	v5 =	vadd.f32 v5, v12;
	v4 =	vadd.f32 v10, v4;
	[tilespmem:s25+$0x20] =	vst v1  }
0xea: {  	v2 =	vadd.f32 v2, v9;
	v1 =	vadd.f32 v13, v6  }
0xeb: {  	[tilespmem:s25+$0xFFFFFFF0] =	vst v5  }
0xec: {  	v2 =	vadd.f32 v38, v2;
	v1 =	vadd.f32 v19, v1;
	[tilespmem:s25+$0x10] =	vst v3  }
0xed: {  	[tilespmem:s25+$0xFFFFFFC0] =	vst v4  }
0xee: {  	[tilespmem:s25+$0xFFFFFFD0] =	vst v1  }
0xef: {  	s31 =	sshra.s32 s31, $0x2;
	[tilespmem:s25+$0x30] =	vst v2;
	s25 =	smov.u32 s29  }
0xf0: {  	v1 =	vld [tilespmem:s31+$0x0];
	_ =	sdelay $0x4  }
0xf1: {  	v1 =	vmul.f32 $1.442695020e+00, v1;
	_ =	sdelay $0x1  }
0xf2: {  	v2 =	vld [tilespmem:s26+$0x40];
	(erf) = vpow2.f32 v1  }
0xf3: {  	v1 =	vld [tilespmem:s26+$0x70]  }
0xf4: {  	v4 =	vld [tilespmem:s26+$0x50]  }
0xf5: {  	v7 =	vld [tilespmem:s26+$0xB0]  }
0xf6: {  	v8 =	vld [tilespmem:s26+$0xFFFFFF90]  }
0xf7: {  	v3 =	vld [tilespmem:s31+$0x400]  }
0xf8: {  	v11 =	vld [tilespmem:s26+$0xFFFFFFB0]  }
0xf9: {  	v9 =	vld [tilespmem:s26+$0x0]  }
0xfa: {  	v32 =	vld [tilespmem:s26+$0xFFFFFF60]  }
0xfb: {  	v6 =	vld [tilespmem:s26+$0xFFFFFFA0];
	v5 =	vpop (erf)  }
0xfc: {  	v3 =	vmul.f32 v5, v3;
	v10 =	vld [tilespmem:s26+$0xFFFFFF00]  }
0xfd: {  	v12 =	vld [tilespmem:s26+$0xFFFFFF20]  }
0xfe: {  	v13 =	vbroadcast v3, $0x0;
	v14 =	vld [tilespmem:s26+$0xFFFFFFE0];
	v5 =	vbroadcast v3, $0x7  }
0xff: {  	v15 =	vbroadcast v3, $0x2;
	v16 =	vbroadcast v3, $0x6;
	v19 =	vld [tilespmem:s26+$0xFFFFFF70]  }
0x100: {  	v18 =	vbroadcast v3, $0x4;
	v17 =	vpack.i.f32.bf16 v13, v13;
	v13 =	vbroadcast v3, $0x3;
	v22 =	vld [tilespmem:s26+$0xFFFFFFD0]  }
0x101: {  	v31 =	vpack.i.f32.bf16 v15, v15;
	v15 =	vbroadcast v3, $0x5;
	v10 =	vmul.bf16 v10, v17;
	v25 =	vld [tilespmem:s26+$0xFFFFFFF0]  }
0x102: {  	v20 =	vbroadcast v3, $0x1;
	v12 =	vmul.bf16 v12, v17;
	v34 =	vld [tilespmem:s26+$0xFFFFFF50];
	v33 =	vpack.i.f32.bf16 v13, v13  }
0x103: {  	v3 =	vpack.i.f32.bf16 v15, v15;
	v13 =	vunpack.i.u.bf16.f32 v10;
	v10 =	vunpack.i.l.bf16.f32 v10;
	v23 =	vld [tilespmem:s26+$0xFFFFFF10]  }
0x104: {  	v30 =	vpack.i.f32.bf16 v20, v20;
	v15 =	vadd.f32 $0.0e+00, v10;
	v10 =	vunpack.i.l.bf16.f32 v12;
	v35 =	vld [tilespmem:s26+$0xFFFFFFC0]  }
0x105: {  	v27 =	vpack.i.f32.bf16 v18, v18;
	v20 =	vmul.bf16 v14, v33;
	v14 =	vmul.bf16 v1, v3;
	v26 =	vld [tilespmem:s26+$0xFFFFFF80]  }
0x106: {  	v21 =	vmul.bf16 v4, v3;
	v12 =	vunpack.i.u.bf16.f32 v12;
	v24 =	vadd.f32 $0.0e+00, v10;
	v36 =	vld [tilespmem:s26+$0xFFFFFF30]  }
0x107: {  	v29 =	vmul.bf16 v6, v31;
	v18 =	vadd.f32 $0.0e+00, v13;
	v1 =	vunpack.i.l.bf16.f32 v14;
	v37 =	vld [tilespmem:s26+$0x30]  }
0x108: {  	v6 =	vmul.bf16 v2, v3;
	v13 =	vpack.i.f32.bf16 v16, v16;
	v38 =	vmul.bf16 v23, v17  }
0x109: {  	v28 =	vmul.bf16 v8, v31;
	v43 =	vmul.bf16 v9, v27;
	v12 =	vadd.f32 $0.0e+00, v12;
	v42 =	vld [tilespmem:s26+$0xFFFFFF40]  }
0x10a: {  	v10 =	vunpack.i.u.bf16.f32 v29;
	v23 =	vmul.bf16 v22, v33;
	v16 =	vmul.bf16 v26, v31;
	v2 =	vld [tilespmem:s26+$0x20]  }
0x10b: {  	v4 =	vunpack.i.l.bf16.f32 v6;
	v26 =	vmul.bf16 v25, v33;
	v36 =	vmul.bf16 v36, v17  }
0x10c: {  	v9 =	vunpack.i.u.bf16.f32 v14;
	v25 =	vunpack.i.l.bf16.f32 v23;
	v22 =	vmul.bf16 v37, v27  }
0x10d: {  	v7 =	vmul.bf16 v7, v13;
	v17 =	vmul.bf16 v35, v33;
	v37 =	vunpack.i.u.bf16.f32 v38  }
0x10e: {  	v11 =	vmul.bf16 v11, v31;
	v8 =	vunpack.i.l.bf16.f32 v43;
	v38 =	vunpack.i.l.bf16.f32 v38  }
.Ltmp1:
0x10f: {  	v14 =	vunpack.i.u.bf16.f32 v20;
	v33 =	vmul.bf16 v2, v27;
	v2 =	vunpack.i.u.bf16.f32 v7;
	(pc) =	sbr.rel @p1 .LBB2_5-.Ltmp1, $4  }
0x110: {  	v31 =	vunpack.i.u.bf16.f32 v11;
	v35 =	vadd.f32 $0.0e+00, v37;
	v37 =	vmul.bf16 v19, v30  }
0x111: {  	v44 =	vmul.bf16 v34, v30;
	v40 =	vadd.f32 $0.0e+00, v38;
	v19 =	vunpack.i.l.bf16.f32 v11;
	v41 =	vld [tilespmem:s26+$0x10]  }
0x112: {  	v39 =	vunpack.i.u.bf16.f32 v36;
	v34 =	vmul.bf16 v42, v30  }
0x113: {  	v38 =	vunpack.i.u.bf16.f32 v44;
	v11 =	vunpack.i.u.bf16.f32 v43;
	v42 =	vunpack.i.l.bf16.f32 v44  }
0x114: {  	v30 =	vmul.bf16 v32, v30;
	v55 =	vunpack.i.l.bf16.f32 v28  }
0x115: {  	v43 =	vunpack.i.l.bf16.f32 v26;
	v36 =	vunpack.i.l.bf16.f32 v36;
	v44 =	vunpack.i.l.bf16.f32 v37  }
0x116: {  	v45 =	vunpack.i.l.bf16.f32 v22;
	v40 =	vadd.f32 v42, v40;
	v56 =	vunpack.i.l.bf16.f32 v17  }
0x117: {  	v29 =	vunpack.i.l.bf16.f32 v29;
	v46 =	vunpack.i.u.bf16.f32 v33;
	v39 =	vadd.f32 $0.0e+00, v39  }
0x118: {  	v47 =	vunpack.i.l.bf16.f32 v34;
	v59 =	vunpack.i.u.bf16.f32 v37;
	v48 =	vunpack.i.u.bf16.f32 v21  }
0x119: {  	v20 =	vunpack.i.l.bf16.f32 v20;
	v35 =	vadd.f32 v38, v35;
	v28 =	vunpack.i.u.bf16.f32 v28  }
0x11a: {  	v21 =	vunpack.i.l.bf16.f32 v21;
	v62 =	vunpack.i.l.bf16.f32 v33;
	v23 =	vunpack.i.u.bf16.f32 v23  }
0x11b: {  	v26 =	vunpack.i.u.bf16.f32 v26;
	v49 =	vunpack.i.u.bf16.f32 v34;
	v51 =	vunpack.i.l.bf16.f32 v16  }
0x11c: {  	v22 =	vunpack.i.u.bf16.f32 v22;
	v5 =	vpack.i.f32.bf16 v5, v5;
	v16 =	vunpack.i.u.bf16.f32 v16  }
0x11d: {  	v17 =	vunpack.i.u.bf16.f32 v17;
	v36 =	vadd.f32 $0.0e+00, v36;
	v18 =	vadd.f32 v49, v18  }
0x11e: {  	v6 =	vunpack.i.u.bf16.f32 v6;
	v15 =	vadd.f32 v47, v15;
	v37 =	vadd.f32 v59, v39  }
0x11f: {  	v61 =	vld [tilespmem:s28+$0xA0];
	v57 =	vunpack.i.l.bf16.f32 v30;
	v32 =	vadd.f32 v55, v40;
	v28 =	vadd.f32 v28, v35  }
0x120: {  	v50 =	vld [tilespmem:s28+$0x90];
	v27 =	vmul.bf16 v41, v27;
	v24 =	vadd.f32 v57, v24;
	v36 =	vadd.f32 v44, v36  }
0x121: {  	v7 =	vunpack.i.l.bf16.f32 v7;
	v15 =	vadd.f32 v51, v15;
	v16 =	vadd.f32 v16, v18  }
0x122: {  	v60 =	vld [tilespmem:s28+$0xC0];
	v58 =	vunpack.i.l.bf16.f32 v27;
	v25 =	vadd.f32 v25, v32;
	v31 =	vadd.f32 v31, v37  }
0x123: {  	v52 =	vld [tilespmem:s28+$0xE0];
	v27 =	vunpack.i.u.bf16.f32 v27;
	v23 =	vadd.f32 v23, v28;
	v15 =	vadd.f32 v56, v15  }
0x124: {  	v28 =	vmul.bf16 v61, v13;
	v18 =	vadd.f32 v29, v24;
	v19 =	vadd.f32 v19, v36  }
0x125: {  	v32 =	vmul.bf16 v50, v13;
	v16 =	vadd.f32 v17, v16;
	v26 =	vadd.f32 v26, v31  }
0x126: {  	v44 =	vld [tilespmem:s28+$0xF0];
	v24 =	vunpack.i.u.bf16.f32 v30;
	v25 =	vadd.f32 v58, v25;
	v23 =	vadd.f32 v27, v23  }
0x127: {  	v53 =	vmul.bf16 v60, v5;
	v12 =	vadd.f32 v24, v12;
	v18 =	vadd.f32 v20, v18  }
0x128: {  	v34 =	vmul.bf16 v52, v5;
	v19 =	vadd.f32 v43, v19;
	v8 =	vadd.f32 v8, v15  }
0x129: {  	v31 =	vld [tilespmem:s28+$0xD0];
	v54 =	vunpack.i.u.bf16.f32 v32;
	v23 =	vadd.f32 v48, v23;
	v21 =	vadd.f32 v21, v25  }
0x12a: {  	v27 =	vld [tilespmem:s28+$0x80];
	v24 =	vunpack.i.l.bf16.f32 v32;
	v10 =	vadd.f32 v10, v12;
	v22 =	vadd.f32 v22, v26  }
0x12b: {  	v35 =	vmul.bf16 v44, v5;
	v25 =	vld [tilespmem:s28+$0x60];
	v17 =	vadd.f32 v62, v18;
	v4 =	vadd.f32 v4, v8  }
0x12c: {  	v18 =	vunpack.i.l.bf16.f32 v28;
	v8 =	vadd.f32 v11, v16;
	v12 =	vadd.f32 v24, v21  }
0x12d: {  	v55 =	vunpack.i.l.bf16.f32 v35;
	v10 =	vadd.f32 v14, v10;
	v14 =	vadd.f32 v45, v19  }
0x12e: {  	v9 =	vadd.f32 v9, v22;
	v5 =	vmul.bf16 v31, v5;
	v6 =	vadd.f32 v6, v8  }
0x12f: {  	v13 =	vmul.bf16 v27, v13;
	v10 =	vadd.f32 v46, v10;
	v1 =	vadd.f32 v1, v14  }
0x130: {  	v2 =	vadd.f32 v2, v9;
	v20 =	vunpack.i.l.bf16.f32 v5;
	v3 =	vmul.bf16 v25, v3  }
0x131: {  	v8 =	vunpack.i.u.bf16.f32 v34;
	v12 =	vadd.f32 v20, v12;
	v20 =	vadd.f32 v54, v23  }
0x132: {  	v5 =	vunpack.i.u.bf16.f32 v5;
	v1 =	vadd.f32 v7, v1;
	v19 =	vunpack.i.l.bf16.f32 v3  }
0x133: {  	v3 =	vunpack.i.u.bf16.f32 v3;
	v17 =	vadd.f32 v19, v17;
	v5 =	vadd.f32 v5, v20  }
0x134: {  	v11 =	vunpack.i.u.bf16.f32 v13;
	v3 =	vadd.f32 v3, v10;
	v10 =	vunpack.i.u.bf16.f32 v28  }
0x135: {  	v1 =	vadd.f32 v55, v1;
	v14 =	vadd.f32 v18, v17;
	[tilespmem:s25+$0xFFFFFFF0] =	vst v5;
	v5 =	vunpack.i.u.bf16.f32 v35  }
0x136: {  	v7 =	vunpack.i.l.bf16.f32 v34;
	[tilespmem:s25+$0xFFFFFFE0] =	vst v12;
	v3 =	vadd.f32 v10, v3;
	v2 =	vadd.f32 v5, v2  }
0x137: {  	v21 =	vunpack.i.l.bf16.f32 v13;
	[tilespmem:s25+$0x20] =	vst v1;
	v1 =	vadd.f32 v11, v6;
	v7 =	vadd.f32 v7, v14  }
0x138: {  	v4 =	vadd.f32 v21, v4;
	v6 =	vunpack.i.u.bf16.f32 v53;
	v3 =	vadd.f32 v8, v3;
	[tilespmem:s25+$0x30] =	vst v2  }
0x139: {  	v1 =	vadd.f32 v6, v1;
	[tilespmem:s25+$0x0] =	vst v7;
	v7 =	vunpack.i.l.bf16.f32 v53  }
0x13a: {  	[tilespmem:s25+$0x10] =	vst v3;
	v4 =	vadd.f32 v7, v4  }
0x13b: {  	s26 =	sand.u32 $0x3FFFFFC0, s23;
	p1 =	seq.s32 s22, $0x4F;
	[tilespmem:s25+$0xFFFFFFD0] =	vst v1  }
0x13c: {  	s31 =	sadd.s32 $0x1C00, s26;
	[tilespmem:s25+$0xFFFFFFC0] =	vst v4;
	s25 =	sadd.s32 @!p1 s10, s23  }
0x13d: {  	[spmem:s2] =	stream.indirect.scatter.add.f32 [tilespmem:s11], [sflag:$0x5], $0x80, s31, s12, $0xb8;
	v63 =	vld [tilespmem:$0x0]  }
0x13e: {  	s25 =	sshll.u32 @!p1 s25, $0x1  }
0x13f: {  	_ =	swait.ge [sflag:s7], $0x1000;
	s25 =	sadd.s32 @!p1 $0x80, s25  }
0x140: {  	[sflag:s7] =	ssyncset.done $0x0;
	s25 =	sand.u32 @!p1 $0x1FFFFF80, s25  }
0x141: {  	s26 =	simm.s32 @!p1 $0x0;
	[sflag:s7] =	ssyncadd.s32 $0xFFFFF000;
	s25 =	sadd.s32 @!p1 s4, s25  }
0x142: {  	[tilespmem:s26], [sflag:$0x5] =	stream.linear.gather @!p1 [hbm4b:s25+s26], $0x200, $0x38;
	v63 =	vld [tilespmem:$0x0]  }
0x143: {  	s25 =	simm.s32 @!p1 $0x5  }
0x144: {  	_ =	swait.ge @!p1 [sflag:s25], $0x200  }
0x145: {  	s28 =	simm.s32 @!p1 $0x3000;
	[sflag:s25] =	ssyncset.done @!p1 $0x0  }
0x146: {  	s26 =	simm.s32 @!p1 $0x20;
	[sflag:s25] =	ssyncadd.s32 @!p1 $0xFFFFFE00;
	s25 =	sadd.s32 @!p1 $0x840, s23  }
0x147: {  	[tilespmem:s28], [sflag:$0x1] =	stream.indirect.gather @!p1 [hbm4b:s5+s26], $0x200, s25, s26, $0xb8;
	v63 =	vld [tilespmem:$0x0]  }
0x148: {  	s23 =	sadd.s32 @!p1 $0x1C40, s23;
	s25 =	simm.s32 @!p1 $0x400  }
0x149: {  	[tilespmem:s25], [sflag:$0x3] =	stream.indirect.gather @!p1 [hbm4b:s6+s26], $0x10, s23, s26, $0xb8;
	v63 =	vld [tilespmem:$0x0]  }
0x14a: {  	_ =	swait.ge [sflag:s17], $0x4000  }
0x14b: {  	[sflag:s17] =	ssyncset.done $0x0  }
0x14c: {  	[sflag:s17] =	ssyncadd.s32 $0xFFFFC000  }
0x14d: {  	_ =	swait.ge [sflag:s18], $0x200  }
0x14e: {  	[sflag:s18] =	ssyncset.done $0x0  }
0x14f: {  	s26 =	simm.s32 $0x200;
	[sflag:s18] =	ssyncadd.s32 $0xFFFFFE00  }
0x150: {  	v1 =	vld [tilespmem:s26+$0x0];
	_ =	sdelay $0x4  }
0x151: {  	v1 =	vmul.f32 $1.442695020e+00, v1;
	_ =	sdelay $0x1  }
0x152: {  	(erf) = vpow2.f32 v1;
	_ =	sdelay $0x3  }
0x153: {  	s28 =	simm.s32 $0x600  }
0x154: {  	v1 =	vld [tilespmem:s28+$0x0]  }
0x155: {  	s25 =	simm.s32 $0x0  }
0x156: {  	v3 =	vld [tilespmem:s25+$0x7020]  }
0x157: {  	v4 =	vld [tilespmem:s25+$0x70F0]  }
0x158: {  	v8 =	vld [tilespmem:s25+$0x70E0];
	v2 =	vpop (erf)  }
0x159: {  	v11 =	vld [tilespmem:s25+$0x7090];
	v7 =	vmul.f32 v2, v1  }
0x15a: {  	v2 =	vld [tilespmem:s25+$0x7000]  }
0x15b: {  	v18 =	vld [tilespmem:s25+$0x70A0];
	v1 =	vbroadcast v7, $0x0;
	v5 =	vbroadcast v7, $0x6  }
0x15c: {  	v24 =	vld [tilespmem:s25+$0x7080];
	v9 =	vbroadcast v7, $0x2;
	v10 =	vbroadcast v7, $0x3  }
0x15d: {  	v26 =	vld [tilespmem:s25+$0x70B0];
	v14 =	vbroadcast v7, $0x4;
	v12 =	vbroadcast v7, $0x1  }
0x15e: {  	v31 =	vld [tilespmem:s25+$0x7030];
	v13 =	vpack.i.f32.bf16 v1, v1;
	v16 =	vpack.i.f32.bf16 v9, v9;
	v9 =	vbroadcast v7, $0x5  }
0x15f: {  	v59 =	vld [tilespmem:s25+$0x7050];
	v22 =	vpack.i.f32.bf16 v10, v10;
	v7 =	vbroadcast v7, $0x7;
	v2 =	vmul.bf16 v2, v13  }
0x160: {  	v15 =	vmul.bf16 v3, v13;
	v19 =	vmul.bf16 v4, v22  }
0x161: {  	v25 =	vmul.bf16 v11, v16;
	v28 =	vmul.bf16 v8, v22  }
0x162: {  	v1 =	vpack.i.f32.bf16 v5, v5;
	v18 =	vmul.bf16 v18, v16;
	v58 =	vmul.bf16 v24, v16  }
0x163: {  	v6 =	vld [tilespmem:s25+$0x7100];
	v21 =	vpack.i.f32.bf16 v12, v12;
	v31 =	vmul.bf16 v31, v13;
	v33 =	vmul.bf16 v26, v16  }
0x164: {  	v29 =	vld [tilespmem:s25+$0x7120];
	v62 =	vmul.bf16 v59, v21;
	v7 =	vpack.i.f32.bf16 v7, v7;
	v17 =	vunpack.i.u.bf16.f32 v2  }
0x165: {  	v56 =	vld [tilespmem:s25+$0x7160];
	v2 =	vunpack.i.l.bf16.f32 v2;
	v12 =	vunpack.i.u.bf16.f32 v19;
	v23 =	vunpack.i.l.bf16.f32 v25  }
0x166: {  	v5 =	vld [tilespmem:s25+$0x70D0];
	v20 =	vunpack.i.l.bf16.f32 v19;
	v8 =	vunpack.i.l.bf16.f32 v28;
	v19 =	vpack.i.f32.bf16 v14, v14  }
0x167: {  	v10 =	vld [tilespmem:s25+$0x7010];
	v27 =	vunpack.i.u.bf16.f32 v25;
	v61 =	vunpack.i.l.bf16.f32 v31;
	v43 =	vunpack.i.l.bf16.f32 v62  }
0x168: {  	v57 =	vld [tilespmem:s25+$0x7070];
	v36 =	vunpack.i.u.bf16.f32 v31;
	v44 =	vunpack.i.u.bf16.f32 v62;
	v3 =	vadd.f32 $0.0e+00, v2  }
0x169: {  	v26 =	vld [tilespmem:s25+$0x7060];
	v2 =	vunpack.i.l.bf16.f32 v15;
	v4 =	vadd.f32 $0.0e+00, v17;
	v15 =	vunpack.i.u.bf16.f32 v15  }
0x16a: {  	v17 =	vpack.i.f32.bf16 v9, v9;
	v25 =	vmul.bf16 v6, v19;
	v14 =	vmul.bf16 v29, v19  }
0x16b: {  	v30 =	vld [tilespmem:s25+$0x71F0];
	v29 =	vunpack.i.u.bf16.f32 v33;
	v37 =	vadd.f32 $0.0e+00, v61;
	v11 =	vadd.f32 $0.0e+00, v2  }
0x16c: {  	v32 =	vld [tilespmem:s25+$0x7190];
	v10 =	vmul.bf16 v10, v13;
	v24 =	vmul.bf16 v5, v22;
	v9 =	vadd.f32 $0.0e+00, v15  }
0x16d: {  	v39 =	vld [tilespmem:s25+$0x70C0];
	v2 =	vunpack.i.u.bf16.f32 v28;
	v5 =	vunpack.i.u.bf16.f32 v58;
	v13 =	vmul.bf16 v56, v17  }
0x16e: {  	v42 =	vld [tilespmem:s25+$0x7140];
	v15 =	vunpack.i.l.bf16.f32 v18;
	v28 =	vmul.bf16 v57, v21;
	v31 =	vmul.bf16 v26, v21  }
0x16f: {  	v34 =	vld [tilespmem:s25+$0x7040];
	v60 =	vunpack.i.u.bf16.f32 v10;
	v6 =	vunpack.i.l.bf16.f32 v10;
	v10 =	vunpack.i.u.bf16.f32 v18  }
0x170: {  	s22 =	sadd.s32 $0x1, s22;
	v40 =	vld [tilespmem:s25+$0x7130];
	v35 =	vunpack.i.l.bf16.f32 v28;
	v18 =	vunpack.i.l.bf16.f32 v58;
	v38 =	vadd.f32 $0.0e+00, v6  }
0x171: {  	s29 =	simm.s32 $0xB040;
	s30 =	simm.s32 $0x800;
	s23 =	simm.s32 $0xB040;
	v16 =	vld [tilespmem:s25+$0x71A0];
	v26 =	vunpack.i.l.bf16.f32 v24;
	v6 =	vunpack.i.u.bf16.f32 v14;
	v41 =	vadd.f32 $0.0e+00, v60  }
.LBB2_7:
0x172: {  	v38 =	vadd.f32 v43, v38;
	v43 =	vunpack.i.l.bf16.f32 v31;
	v39 =	vmul.bf16 v39, v22;
	s28 =	sadd.s32 $0x10, s28;
	s26 =	sadd.s32 $0x10, s26;
	s29 =	sadd.s32 $0x80, s29  }
0x173: {  	p1 =	sne.s32 s30, $0xF800;
	v41 =	vadd.f32 v44, v41;
	v22 =	vmul.bf16 v30, v7;
	s31 =	smov.u32 s30;
	s30 =	sadd.s32 $0x800, s30;
	v42 =	vmul.bf16 v42, v17  }
0x174: {  	v30 =	vunpack.i.l.bf16.f32 v33;
	v32 =	vmul.bf16 v32, v1;
	v33 =	vunpack.i.u.bf16.f32 v39  }
0x175: {  	v34 =	vmul.bf16 v34, v21;
	v40 =	vmul.bf16 v40, v19;
	v21 =	vunpack.i.l.bf16.f32 v42;
	v44 =	vld [tilespmem:s25+$0x71C0]  }
0x176: {  	v27 =	vadd.f32 v27, v41;
	v41 =	vunpack.i.u.bf16.f32 v25;
	v45 =	vld [tilespmem:s25+$0x71B0]  }
0x177: {  	v35 =	vadd.f32 v35, v37;
	v37 =	vunpack.i.l.bf16.f32 v39;
	v39 =	vld [tilespmem:s25+$0x7110];
	v46 =	vunpack.i.l.bf16.f32 v40  }
0x178: {  	v36 =	vadd.f32 $0.0e+00, v36;
	v24 =	vunpack.i.u.bf16.f32 v24;
	v23 =	vadd.f32 v23, v38;
	v38 =	vld [tilespmem:s25+$0x7170]  }
0x179: {  	v28 =	vunpack.i.u.bf16.f32 v28;
	v30 =	vadd.f32 v30, v35;
	v25 =	vunpack.i.l.bf16.f32 v25;
	v35 =	vld [tilespmem:s25+$0x7150]  }
0x17a: {  	v28 =	vadd.f32 v28, v36;
	v24 =	vadd.f32 v24, v27;
	v27 =	vunpack.i.u.bf16.f32 v13  }
0x17b: {  	v31 =	vunpack.i.u.bf16.f32 v31;
	v20 =	vadd.f32 v20, v30;
	v30 =	vmul.bf16 v45, v1;
	v36 =	vld [tilespmem:s25+$0x71D0]  }
0x17c: {  	v28 =	vadd.f32 v29, v28;
	v29 =	vmul.bf16 v44, v7;
	v19 =	vmul.bf16 v39, v19  }
0x17d: {  	v20 =	vadd.f32 v46, v20;
	v39 =	vunpack.i.u.bf16.f32 v34;
	v38 =	vmul.bf16 v38, v17  }
0x17e: {  	v34 =	vunpack.i.l.bf16.f32 v34;
	v17 =	vmul.bf16 v35, v17;
	v35 =	vunpack.i.l.bf16.f32 v29  }
0x17f: {  	v11 =	vadd.f32 v43, v11;
	v12 =	vadd.f32 v12, v28;
	v28 =	vunpack.i.l.bf16.f32 v38  }
0x180: {  	v43 =	vunpack.i.u.bf16.f32 v22;
	v40 =	vunpack.i.u.bf16.f32 v40;
	v36 =	vmul.bf16 v36, v7  }
0x181: {  	v23 =	vadd.f32 v26, v23;
	v12 =	vadd.f32 v40, v12;
	v26 =	vunpack.i.l.bf16.f32 v19  }
0x182: {  	v11 =	vadd.f32 v15, v11;
	v15 =	vunpack.i.u.bf16.f32 v19;
	v19 =	vunpack.i.u.bf16.f32 v38;
	v38 =	vld [tilespmem:s25+$0x7180]  }
0x183: {  	v23 =	vadd.f32 v26, v23;
	v26 =	vunpack.i.u.bf16.f32 v17;
	v40 =	vunpack.i.l.bf16.f32 v36  }
0x184: {  	v8 =	vadd.f32 v8, v11;
	v11 =	vunpack.i.l.bf16.f32 v14;
	v3 =	vadd.f32 v34, v3  }
0x185: {  	v9 =	vadd.f32 v31, v9;
	v4 =	vadd.f32 v39, v4;
	v14 =	vunpack.i.l.bf16.f32 v17  }
0x186: {  	v16 =	vmul.bf16 v16, v1;
	v13 =	vunpack.i.l.bf16.f32 v13;
	v3 =	vadd.f32 v18, v3  }
0x187: {  	v15 =	vadd.f32 v15, v24;
	v14 =	vadd.f32 v14, v23;
	v1 =	vmul.bf16 v38, v1  }
0x188: {  	v8 =	vadd.f32 v11, v8;
	v11 =	vadd.f32 v19, v12;
	v12 =	vunpack.i.u.bf16.f32 v32  }
0x189: {  	v17 =	vunpack.i.u.bf16.f32 v42;
	v3 =	vadd.f32 v37, v3;
	v15 =	vadd.f32 v26, v15  }
0x18a: {  	v4 =	vadd.f32 v5, v4;
	v5 =	vadd.f32 v10, v9;
	v9 =	vunpack.i.l.bf16.f32 v32  }
0x18b: {  	v9 =	vadd.f32 v9, v14;
	v12 =	vadd.f32 v12, v15;
	v10 =	vunpack.i.u.bf16.f32 v1  }
0x18c: {  	v8 =	vadd.f32 v13, v8;
	v13 =	vunpack.i.l.bf16.f32 v16;
	v3 =	vadd.f32 v25, v3  }
0x18d: {  	v4 =	vadd.f32 v33, v4;
	v14 =	vunpack.i.u.bf16.f32 v36;
	v9 =	vadd.f32 v40, v9  }
0x18e: {  	v2 =	vadd.f32 v2, v5;
	v5 =	vadd.f32 v14, v12;
	v1 =	vunpack.i.l.bf16.f32 v1;
	v12 =	vld [tilespmem:s25+$0x71E0]  }
0x18f: {  	v4 =	vadd.f32 v41, v4;
	v15 =	vunpack.i.u.bf16.f32 v30;
	v14 =	vadd.f32 v28, v20;
	[tilespmem:s23+$0xFFFFFFE0] =	vst v9  }
0x190: {  	v2 =	vadd.f32 v6, v2;
	v6 =	vunpack.i.l.bf16.f32 v30;
	v9 =	vadd.f32 v15, v11;
	[tilespmem:s23+$0xFFFFFFF0] =	vst v5  }
0x191: {  	v4 =	vadd.f32 v17, v4;
	v6 =	vadd.f32 v6, v14;
	v5 =	vunpack.i.u.bf16.f32 v16  }
0x192: {  	v2 =	vadd.f32 v27, v2;
	v11 =	vunpack.i.l.bf16.f32 v22;
	v9 =	vadd.f32 v43, v9  }
0x193: {  	v4 =	vadd.f32 v10, v4;
	v6 =	vadd.f32 v11, v6;
	v7 =	vmul.bf16 v12, v7  }
0x194: {  	v8 =	vadd.f32 v13, v8;
	v2 =	vadd.f32 v5, v2;
	v5 =	vunpack.i.u.bf16.f32 v29;
	[tilespmem:s23+$0x30] =	vst v9  }
0x195: {  	v3 =	vadd.f32 v21, v3;
	v4 =	vadd.f32 v5, v4;
	v5 =	vunpack.i.u.bf16.f32 v7;
	[tilespmem:s23+$0x20] =	vst v6  }
0x196: {  	v6 =	vunpack.i.l.bf16.f32 v7;
	v2 =	vadd.f32 v5, v2  }
0x197: {  	v1 =	vadd.f32 v1, v3;
	v3 =	vadd.f32 v6, v8;
	[tilespmem:s23+$0xFFFFFFD0] =	vst v4;
	_ =	sdelay $0x1  }
0x198: {  	v1 =	vadd.f32 v35, v1;
	[tilespmem:s23+$0x10] =	vst v2  }
0x199: {  	[tilespmem:s23+$0x0] =	vst v3  }
0x19a: {  	[tilespmem:s23+$0xFFFFFFC0] =	vst v1;
	s23 =	smov.u32 s29;
	_ =	sdelay $0x2  }
0x19b: {  	v1 =	vld [tilespmem:s26+$0x0];
	_ =	sdelay $0x4  }
0x19c: {  	v1 =	vmul.f32 $1.442695020e+00, v1;
	_ =	sdelay $0x1  }
0x19d: {  	(erf) = vpow2.f32 v1;
	_ =	sdelay $0x4  }
0x19e: {  	v1 =	vld [tilespmem:s28+$0x0];
	_ =	sdelay $0x1  }
0x19f: {  	s25 =	sshra.s32 s31, $0x2  }
0x1a0: {  	v6 =	vld [tilespmem:s25+$0x7100]  }
0x1a1: {  	v2 =	vld [tilespmem:s25+$0x70F0];
	v3 =	vpop (erf)  }
0x1a2: {  	v7 =	vmul.f32 v3, v1;
	v3 =	vld [tilespmem:s25+$0x7000]  }
0x1a3: {  	v4 =	vld [tilespmem:s25+$0x7020]  }
0x1a4: {  	v1 =	vbroadcast v7, $0x0;
	v5 =	vld [tilespmem:s25+$0x70E0];
	v8 =	vbroadcast v7, $0x6  }
0x1a5: {  	v9 =	vbroadcast v7, $0x2;
	v10 =	vbroadcast v7, $0x3;
	v13 =	vld [tilespmem:s25+$0x70D0]  }
0x1a6: {  	v15 =	vbroadcast v7, $0x4;
	v14 =	vpack.i.f32.bf16 v1, v1;
	v11 =	vld [tilespmem:s25+$0x7090];
	v1 =	vpack.i.f32.bf16 v8, v8  }
0x1a7: {  	v8 =	vbroadcast v7, $0x1;
	v22 =	vpack.i.f32.bf16 v10, v10;
	v3 =	vmul.bf16 v3, v14;
	v16 =	vld [tilespmem:s25+$0x70B0]  }
0x1a8: {  	v18 =	vpack.i.f32.bf16 v9, v9;
	v9 =	vbroadcast v7, $0x5;
	v10 =	vld [tilespmem:s25+$0x7010];
	v12 =	vmul.bf16 v4, v14  }
0x1a9: {  	v21 =	vpack.i.f32.bf16 v8, v8;
	v4 =	vunpack.i.u.bf16.f32 v3;
	v3 =	vunpack.i.l.bf16.f32 v3;
	v8 =	vld [tilespmem:s25+$0x70A0]  }
0x1aa: {  	v2 =	vmul.bf16 v2, v22;
	v3 =	vadd.f32 $0.0e+00, v3;
	v17 =	vunpack.i.l.bf16.f32 v12;
	v24 =	vld [tilespmem:s25+$0x7080]  }
0x1ab: {  	v5 =	vmul.bf16 v5, v22;
	v4 =	vadd.f32 $0.0e+00, v4;
	v25 =	vmul.bf16 v11, v18;
	v26 =	vld [tilespmem:s25+$0x7120]  }
0x1ac: {  	v27 =	vunpack.i.u.bf16.f32 v12;
	v12 =	vunpack.i.u.bf16.f32 v2;
	v11 =	vadd.f32 $0.0e+00, v17;
	v28 =	vld [tilespmem:s25+$0x7160]  }
0x1ad: {  	v20 =	vunpack.i.l.bf16.f32 v2;
	v10 =	vmul.bf16 v10, v14;
	v29 =	vld [tilespmem:s25+$0x7030];
	v23 =	vunpack.i.l.bf16.f32 v25  }
0x1ae: {  	v19 =	vpack.i.f32.bf16 v15, v15;
	v31 =	vld [tilespmem:s25+$0x7070];
	v35 =	vmul.bf16 v8, v18;
	v8 =	vunpack.i.l.bf16.f32 v5  }
0x1af: {  	v17 =	vpack.i.f32.bf16 v9, v9;
	v36 =	vld [tilespmem:s25+$0x7050];
	v37 =	vmul.bf16 v24, v18;
	v24 =	vmul.bf16 v13, v22  }
0x1b0: {  	v9 =	vadd.f32 $0.0e+00, v27;
	v2 =	vunpack.i.u.bf16.f32 v5;
	v27 =	vunpack.i.u.bf16.f32 v25;
	v30 =	vld [tilespmem:s25+$0x71F0]  }
0x1b1: {  	v25 =	vmul.bf16 v6, v19;
	v15 =	vunpack.i.l.bf16.f32 v35;
	v5 =	vunpack.i.u.bf16.f32 v37;
	v32 =	vld [tilespmem:s25+$0x7190]  }
0x1b2: {  	v33 =	vmul.bf16 v16, v18;
	v40 =	vunpack.i.u.bf16.f32 v10;
	v44 =	vmul.bf16 v29, v14;
	v45 =	vld [tilespmem:s25+$0x7060]  }
0x1b3: {  	v6 =	vunpack.i.l.bf16.f32 v10;
	v13 =	vmul.bf16 v28, v17;
	v14 =	vmul.bf16 v26, v19;
	v34 =	vld [tilespmem:s25+$0x7040]  }
0x1b4: {  	v38 =	vadd.f32 $0.0e+00, v6;
	v10 =	vunpack.i.u.bf16.f32 v35;
	v28 =	vmul.bf16 v31, v21;
	v16 =	vld [tilespmem:s25+$0x71A0]  }
.Ltmp2:
0x1b5: {  	v7 =	vbroadcast v7, $0x7;
	v26 =	vunpack.i.l.bf16.f32 v44;
	v46 =	vmul.bf16 v36, v21;
	v39 =	vld [tilespmem:s25+$0x70C0];
	(pc) =	sbr.rel @p1 .LBB2_7-.Ltmp2, $4  }
0x1b6: {  	v18 =	vunpack.i.l.bf16.f32 v37;
	v6 =	vunpack.i.u.bf16.f32 v14;
	v35 =	vunpack.i.l.bf16.f32 v28;
	v42 =	vld [tilespmem:s25+$0x7140]  }
0x1b7: {  	v41 =	vadd.f32 $0.0e+00, v40;
	v29 =	vunpack.i.u.bf16.f32 v33;
	v43 =	vunpack.i.l.bf16.f32 v46  }
0x1b8: {  	v36 =	vunpack.i.u.bf16.f32 v44;
	v37 =	vadd.f32 $0.0e+00, v26;
	v31 =	vmul.bf16 v45, v21;
	v40 =	vld [tilespmem:s25+$0x7130]  }
0x1b9: {  	v7 =	vpack.i.f32.bf16 v7, v7;
	v26 =	vunpack.i.l.bf16.f32 v24;
	v44 =	vunpack.i.u.bf16.f32 v46  }
0x1ba: {  	v38 =	vadd.f32 v43, v38  }
0x1bb: {  	v58 =	vunpack.i.l.bf16.f32 v31;
	v22 =	vmul.bf16 v39, v22;
	v59 =	vadd.f32 v44, v41  }
0x1bc: {  	v30 =	vmul.bf16 v30, v7;
	v33 =	vunpack.i.l.bf16.f32 v33;
	v32 =	vmul.bf16 v32, v1  }
0x1bd: {  	v21 =	vmul.bf16 v34, v21;
	v45 =	vunpack.i.u.bf16.f32 v25;
	v35 =	vadd.f32 v35, v37  }
0x1be: {  	v36 =	vadd.f32 $0.0e+00, v36;
	v24 =	vunpack.i.u.bf16.f32 v24;
	v28 =	vunpack.i.u.bf16.f32 v28  }
0x1bf: {  	v25 =	vunpack.i.l.bf16.f32 v25;
	v49 =	vunpack.i.u.bf16.f32 v31;
	v34 =	vunpack.i.l.bf16.f32 v13  }
0x1c0: {  	v16 =	vmul.bf16 v16, v1;
	v41 =	vmul.bf16 v42, v17;
	v11 =	vadd.f32 v58, v11  }
0x1c1: {  	v60 =	vld [tilespmem:s25+$0x71C0];
	v9 =	vadd.f32 v49, v9;
	v42 =	vunpack.i.u.bf16.f32 v22;
	v27 =	vadd.f32 v27, v59  }
0x1c2: {  	v61 =	vld [tilespmem:s25+$0x71B0];
	v22 =	vunpack.i.l.bf16.f32 v22;
	v23 =	vadd.f32 v23, v38;
	v33 =	vadd.f32 v33, v35  }
0x1c3: {  	v62 =	vld [tilespmem:s25+$0x7110];
	v28 =	vadd.f32 v28, v36;
	v52 =	vunpack.i.u.bf16.f32 v21;
	v21 =	vunpack.i.l.bf16.f32 v21  }
0x1c4: {  	v47 =	vld [tilespmem:s25+$0x7170];
	v38 =	vunpack.i.u.bf16.f32 v30;
	v49 =	vunpack.i.l.bf16.f32 v16;
	v40 =	vmul.bf16 v40, v19  }
0x1c5: {  	v48 =	vld [tilespmem:s25+$0x7150];
	v44 =	vunpack.i.l.bf16.f32 v41;
	v11 =	vadd.f32 v15, v11;
	v3 =	vadd.f32 v21, v3  }
0x1c6: {  	v50 =	vld [tilespmem:s25+$0x71D0];
	v21 =	vunpack.i.l.bf16.f32 v14;
	v4 =	vadd.f32 v52, v4;
	v43 =	vunpack.i.u.bf16.f32 v41  }
0x1c7: {  	v24 =	vadd.f32 v24, v27;
	v27 =	vunpack.i.u.bf16.f32 v13;
	v20 =	vadd.f32 v20, v33  }
0x1c8: {  	v28 =	vadd.f32 v29, v28;
	v23 =	vadd.f32 v26, v23;
	v36 =	vmul.bf16 v61, v1  }
0x1c9: {  	v46 =	vunpack.i.l.bf16.f32 v40;
	v51 =	vmul.bf16 v62, v19;
	v29 =	vmul.bf16 v60, v7  }
0x1ca: {  	v53 =	vmul.bf16 v47, v17;
	v54 =	vmul.bf16 v48, v17;
	v56 =	vunpack.i.u.bf16.f32 v40  }
0x1cb: {  	v33 =	vmul.bf16 v50, v7;
	v8 =	vadd.f32 v8, v11;
	v3 =	vadd.f32 v18, v3  }
0x1cc: {  	v40 =	vunpack.i.u.bf16.f32 v32;
	v4 =	vadd.f32 v5, v4;
	v20 =	vadd.f32 v46, v20  }
0x1cd: {  	v47 =	vunpack.i.l.bf16.f32 v32;
	v12 =	vadd.f32 v12, v28;
	v46 =	vadd.f32 v10, v9  }
0x1ce: {  	v55 =	vunpack.i.l.bf16.f32 v53;
	v57 =	vunpack.i.l.bf16.f32 v51;
	v58 =	vunpack.i.u.bf16.f32 v51  }
0x1cf: {  	v59 =	vunpack.i.u.bf16.f32 v53;
	v8 =	vadd.f32 v21, v8;
	v3 =	vadd.f32 v22, v3  }
0x1d0: {  	v61 =	vunpack.i.u.bf16.f32 v54;
	v4 =	vadd.f32 v42, v4;
	v12 =	vadd.f32 v56, v12  }
0x1d1: {  	v62 =	vunpack.i.l.bf16.f32 v33;
	v23 =	vadd.f32 v57, v23;
	v15 =	vadd.f32 v58, v24  }
0x1d2: {  	v31 =	vunpack.i.l.bf16.f32 v54;
	v2 =	vadd.f32 v2, v46;
	v53 =	vadd.f32 v55, v20  }
0x1d3: {  	v52 =	vld [tilespmem:s25+$0x71E0];
	v50 =	vunpack.i.u.bf16.f32 v33;
	v3 =	vadd.f32 v25, v3;
	v8 =	vadd.f32 v34, v8  }
0x1d4: {  	v60 =	vld [tilespmem:s25+$0x7180];
	v54 =	vunpack.i.u.bf16.f32 v36;
	v4 =	vadd.f32 v45, v4;
	v14 =	vadd.f32 v31, v23  }
0x1d5: {  	v55 =	vunpack.i.l.bf16.f32 v36;
	v39 =	vadd.f32 v59, v12;
	v15 =	vadd.f32 v61, v15  }
0x1d6: {  	v56 =	vunpack.i.u.bf16.f32 v16;
	v2 =	vadd.f32 v6, v2;
	v6 =	vadd.f32 v55, v53  }
0x1d7: {  	v57 =	vunpack.i.l.bf16.f32 v30;
	v4 =	vadd.f32 v43, v4;
	v3 =	vadd.f32 v44, v3  }
0x1d8: {  	v58 =	vmul.bf16 v52, v7;
	v8 =	vadd.f32 v49, v8;
	v9 =	vadd.f32 v47, v14  }
0x1d9: {  	v1 =	vmul.bf16 v60, v1;
	v12 =	vadd.f32 v40, v15;
	v6 =	vadd.f32 v57, v6  }
0x1da: {  	v61 =	vunpack.i.l.bf16.f32 v58;
	v11 =	vadd.f32 v54, v39;
	v9 =	vadd.f32 v62, v9  }
0x1db: {  	v48 =	vunpack.i.u.bf16.f32 v1;
	v2 =	vadd.f32 v27, v2;
	v51 =	vadd.f32 v50, v12;
	[tilespmem:s23+$0x20] =	vst v6  }
0x1dc: {  	v1 =	vunpack.i.l.bf16.f32 v1;
	v4 =	vadd.f32 v48, v4;
	v11 =	vadd.f32 v38, v11;
	[tilespmem:s23+$0xFFFFFFE0] =	vst v9  }
0x1dd: {  	v59 =	vunpack.i.u.bf16.f32 v29;
	v1 =	vadd.f32 v1, v3;
	v62 =	vadd.f32 v61, v8;
	[tilespmem:s23+$0xFFFFFFF0] =	vst v51  }
0x1de: {  	v3 =	vunpack.i.l.bf16.f32 v29;
	v2 =	vadd.f32 v56, v2;
	v4 =	vadd.f32 v59, v4;
	[tilespmem:s23+$0x30] =	vst v11  }
0x1df: {  	v60 =	vunpack.i.u.bf16.f32 v58;
	v1 =	vadd.f32 v3, v1;
	[tilespmem:s23+$0x0] =	vst v62  }
0x1e0: {  	v2 =	vadd.f32 v60, v2;
	[tilespmem:s23+$0xFFFFFFD0] =	vst v4  }
0x1e1: {  	p1 =	sne.s32 s22, $0x50;
	[tilespmem:s23+$0xFFFFFFC0] =	vst v1  }
.Ltmp3:
0x1e2: {  	[tilespmem:s23+$0x10] =	vst v2;
	(pc) =	sbr.rel @p1 .LBB2_4-.Ltmp3, $4  }
0x1e3: {  	[spmem:s2] =	stream.indirect.scatter.add.f32 [tilespmem:s11], [sflag:$0x5], $0x80, s21, s12, $0xb8;
	v63 =	vld [tilespmem:$0x0]  }
0x1e4: {  	_ =	swait.ge [sflag:s7], $0x1000  }
0x1e5: {  	[sflag:s7] =	ssyncset.done $0x0  }
0x1e6: {  	[sflag:s7] =	ssyncadd.s32 $0xFFFFF000  }
0x1e7: {  	s21 =	simm.s32 @!p0 $0x6;
	s20 =	stileid.u32  }
0x1e8: {  	s22 =	sshll.u32 s20, $0x6;
	s21 =	simm.s32 @p0 $0x5  }
0x1e9: {  	[bflag:$0x0] =	sbarrier.arrive $0xFFFF;
	s23 =	sadd.s32 $0x0, s24;
	s20 =	sadd.s32 s21, s22  }
0x1ea: {  	s25 =	sshrl.u32 s9, $0x3;
	s26 =	simm.s32 $0x400;
	s20 =	sadd.s32 $0x1C00, s20  }
0x1eb: {  	[hbm:s23], [sflag:s20] =	dma.local [spmem:s25], $0x200  }
0x1ec: {  	s28 =	smov.u32 s22;
	s23 =	simm.s32 $0x200;
	_ =	swait.ge [sflag:s21], $0x200  }
0x1ed: {  	s20 =	simm.s32 @!p0 $0x6;
	s25 =	smov.u32 s13;
	[sflag:s21] =	ssyncset.done $0x0  }
.LBB2_10:
0x1ee: {  	[sflag:s21] =	ssyncadd.s32 $0xFFFFFE00;
	s21 =	smov.u32 s20  }
0x1ef: {  	s29 =	smov.u32 s23;
	s23 =	smov.u32 s26;
	s26 =	sadd.s32 $0x200, s26  }
0x1f0: {  	s21 =	simm.s32 @p0 $0x5;
	p1 =	sne.s32 s26, $0x2800  }
.Ltmp4:
0x1f1: {  	s28 =	sadd.s32 s21, s28;
	(pc) =	sbr.rel @p1 .LBB2_10-.Ltmp4, $4  }
0x1f2: {  	s30 =	sshrl.u32 s25, $0x3;
	s29 =	sadd.s32 s29, s24;
	s28 =	sadd.s32 $0x1C00, s28  }
0x1f3: {  	[hbm:s29], [sflag:s28] =	dma.local [spmem:s30], $0x200  }
0x1f4: {  	s28 =	smov.u32 s22;
	_ =	swait.ge [sflag:s21], $0x200  }
0x1f5: {  	s25 =	sadd.s32 $0x1000, s25;
	[sflag:s21] =	ssyncset.done $0x0  }
0x1f6: {  	s20 =	simm.s32 @p0 $0x5  }
0x1f7: {  	[sflag:s21] =	ssyncadd.s32 $0xFFFFFE00;
	s29 =	sadd.s32 s20, s28  }
0x1f8: {  	s22 =	sadd.s32 s23, s24;
	s30 =	sshrl.u32 s25, $0x3;
	s21 =	sadd.s32 $0x1C00, s29  }
0x1f9: {  	[hbm:s22], [sflag:s21] =	dma.local [spmem:s30], $0x200  }
0x1fa: {  	_ =	swait.ge [sflag:s20], $0x200  }
0x1fb: {  	s19 =	sadd.s32 $0x1, s19;
	s31 =	rddreg [dreg:$0x6]  }
0x1fc: {  	p1 =	sne.s32 s19, s31  }
.Ltmp5:
0x1fd: {  	_ = 	snop;
	(pc) =	sbr.rel @p1 .LBB2_1-.Ltmp5, $3  }
0x1fe: {  	_ =	sdelay $0x1  }
0x1ff: {  	[sflag:s20] =	ssyncset.done $0x0  }
0x200: {  	s23 =	simm.s32 $0x1C00;
	s22 =	simm.s32 $0x800;
	[sflag:s20] =	ssyncadd.s32 $0xFFFFFE00  }
0x201: {  	_ =	sfence.sel $0x180000  }
0x202: {  	[bflag:$0x0] =	sbarrier.arrive $0xFFFF  }
0x203: {  	_ =	strace $0x9000004D  }
0x204: {  	s0 =	stileid.u32;
	[bflag:$0x2] =	sbarrier.arrive $0xFFFF  }
0x205: {  	p0 =	sne.s32 s0, $0x0;
	s0 =	rddreg [dreg:$0x2]  }
0x206: {  	s0 =	sadd.s32 @!p0 $0x100000, s0  }
0x207: {  	[sflag:s0] =	ssyncadd.tile.s32 @!p0 $0x1;
	_ =	shalt  }
.Lfunc_end2:
_tile_overlayer_lowered:
.L_overlay_start_2:
0x208: {  	(tag) =	ssettag $0x2  }
0x209: {  	s0 =	rddreg [dreg:$0x0];
	s2 =	stileid.u32  }
0x20a: {  	s1 =	rddreg [dreg:$0x1];
	p0 =	sne.s32 s2, $0x0  }
0x20b: {  	s3 =	rddreg [dreg:$0x2];
	[bflag:$0x3] =	sbarrier.arrive $0xFFFF;
	s2 =	simm.s32 @!p0 $0x1C05  }
0x20c: {  	[timem:s3], [sflag:s2] =	dma.local @!p0 [hbm:s0], s1  }
0x20d: {  	s0 =	simm.s32 @!p0 $0x5  }
0x20e: {  	_ =	swait.ge @!p0 [sflag:s0], s1  }
0x20f: {  	s1 =	ssub.s32 @!p0 $0x0, s1;
	[sflag:s0] =	ssyncset.done @!p0 $0x0  }
0x210: {  	[sflag:s0] =	ssyncadd.s32 @!p0 s1  }
0x211: {  	[bflag:$0x3] =	sbarrier.arrive $0xFFFF  }
0x212: {  	_ =	shalt  }

// kernel: kernel.9.cloned.1.call-start
scs
__scs_entry_jumppad:
0x0: {  	(pc) =	sbr.rel $0x88, $3  }
0x1: {  	(tag) =	ssettag $0x0;
	lr =	simm.s32 $0x1  }
0x2: {  	[smem:$0x3F81] =	sst lr;
	_ =	strace $0xD0000000  }
0x3: {  	_ = 	snop  }
0x4: {  	_ = 	snop  }
0x5: {  	_ = 	snop  }
0x6: {  	_ = 	snop  }
0x7: {  	_ = 	snop  }
__scs_overlays_trampoline_lowered:
0x8: {  	[smem:$0x3F90] =	sst s0  }
0x9: {  	[smem:$0x3F91] =	sst s1  }
0xa: {  	[smem:$0x3F92] =	sst s2  }
0xb: {  	[smem:$0x3F93] =	sst s3  }
0xc: {  	[smem:$0x3F94] =	sst s4  }
0xd: {  	[smem:$0x3F95] =	sst s5  }
0xe: {  	[smem:$0x3F96] =	sst s6  }
0xf: {  	[smem:$0x3F97] =	sst s7  }
0x10: {  	[smem:$0x3F98] =	sst s8  }
0x11: {  	[smem:$0x3F99] =	sst s9;
	s0 =	simm.s32 @!p0 $0x0  }
0x12: {  	s1 =	sld [smem:$0x3F7F];
	s0 =	simm.s32 @p0 $0x1  }
0x13: {  	[smem:$0x3F9A] =	sst s0;
	s0 =	simm.s32 @!p1 $0x0  }
0x14: {  	s2 =	sld [smem:$0x3F7E];
	s0 =	simm.s32 @p1 $0x1  }
0x15: {  	[smem:$0x3F9B] =	sst s0;
	s0 =	simm.s32 @!p2 $0x0  }
0x16: {  	s3 =	sld [smem:$0x3FDB];
	s0 =	simm.s32 @p2 $0x1  }
0x17: {  	s4 =	simm.s32 $0x1BF5;
	[smem:$0x3F9D] =	sst s0  }
0x18: {  	s0 =	sld [smem:$0x3F80];
	_ =	swait.ge [sflag:s4], $0x0  }
0x19: {  	s7 =	sld [smem:$0x3F81]  }
0x1a: {  	s8 =	sadd.s32 $0xFFFFE003, lr  }
0x1b: {  	s9 =	sadd.s32 $0xFFFFFEF7, lr;
	s5 =	simm.s32 $0xFFFFFFFF;
	p2 =	slt.u32 s8, $0xFFFFF086  }
0x1c: {  	p1 =	slt.u32 s9, $0xF7A;
	s5 =	simm.s32 @!p2 $0x0  }
0x1d: {  	s5 =	simm.s32 @p1 $0x1;
	p0 =	seq.s32 s7, s2  }
0x1e: {  	s7 =	smul.u32 @!p0 $0xF7A, s2;
	p2 =	seq.s32 @!p0 s5, $0x0  }
0x1f: {  	s9 =	smul.u32 $0xF7A, s1;
	s8 =	simm.s32 @!p0 $0x1BF5;
	p2 =	por !p2, p0  }
0x20: {  	[sflag:s8] =	ssyncset.s32 @!p0 $0xFFFFF086;
	s6 =	sadd.s32 @!p0 s3, s7;
	s7 =	simm.s32 @!p0 $0x108  }
0x21: {  	s3 =	sadd.s32 s3, s9;
	s6 =	sadd.s32 @!p0 $0x88, s6;
	s7 =	simm.s32 @p2 $0x1082  }
0x22: {  	[simem:s7], [sflag:s8] =	dma.local @!p0 [hbm:s6], $0xF7A  }
0x23: {  	s9 =	sor.u32 $0xD0000000, s2;
	s6 =	simm.s32 $0x108;
	_ =	swait.ge @!p0 [sflag:s8], $0x0  }
0x24: {  	s3 =	sadd.s32 $0x88, s3;
	s6 =	simm.s32 @!p1 $0x1082;
	[sflag:s4] =	ssyncset.s32 $0xFFFFF086  }
0x25: {  	[simem:s6], [sflag:s4] =	dma.local [hbm:s3], $0xF7A  }
0x26: {  	[smem:$0x3F81] =	sst s1;
	(tag) =	ssettag s2;
	_ =	strace s9  }
0x27: {  	s1 =	sld [smem:$0x3F91]  }
0x28: {  	s2 =	sld [smem:$0x3F92]  }
0x29: {  	s4 =	sld [smem:$0x3F94]  }
0x2a: {  	p0 =	seq.s32 s5, $0x0;
	s5 =	sld [smem:$0x3F95]  }
0x2b: {  	s6 =	sld [smem:$0x3F96]  }
0x2c: {  	s7 =	sld [smem:$0x3F97]  }
0x2d: {  	s3 =	simm.s32 $0x108;
	s8 =	sld [smem:$0x3F98]  }
0x2e: {  	s3 =	simm.s32 @!p0 $0x1082;
	s9 =	sld [smem:$0x3F99]  }
0x2f: {  	lr =	sadd.s32 s0, s3;
	s0 =	sld [smem:$0x3F90]  }
0x30: {  	s3 =	sld [smem:$0x3F93]  }
0x31: {  	[smem:$0x3F9C] =	sst s10  }
0x32: {  	s10 =	sld [smem:$0x3F9A];
	_ =	sdelay $0x3  }
0x33: {  	p0 =	seq.s32 s10, $0x1;
	s10 =	sld [smem:$0x3F9C];
	_ =	sdelay $0x3  }
0x34: {  	[smem:$0x3F9C] =	sst s10  }
0x35: {  	s10 =	sld [smem:$0x3F9B];
	_ =	sdelay $0x3  }
0x36: {  	p1 =	seq.s32 s10, $0x1;
	s10 =	sld [smem:$0x3F9C];
	_ =	sdelay $0x3  }
0x37: {  	[smem:$0x3F9C] =	sst s10  }
0x38: {  	s10 =	sld [smem:$0x3F9D]  }
0x39: {  	_ = 	snop;
	(pc) =	sbr.ind lr, $3  }
0x3a: {  	_ = 	snop  }
0x3b: {  	_ = 	snop  }
0x3c: {  	p2 =	seq.s32 s10, $0x1;
	s10 =	sld [smem:$0x3F9C]  }
0x3d: {  	_ =	shalt  }
0x3e: {  	_ =	shalt  }
0x3f: {  	_ =	shalt  }
0x40: {  	_ =	shalt  }
0x41: {  	_ =	shalt  }
0x42: {  	_ =	shalt  }
0x43: {  	_ =	shalt  }
0x44: {  	_ =	shalt  }
0x45: {  	_ =	shalt  }
0x46: {  	_ =	shalt  }
0x47: {  	_ =	shalt  }
0x48: {  	_ =	shalt  }
0x49: {  	_ =	shalt  }
0x4a: {  	_ =	shalt  }
0x4b: {  	_ =	shalt  }
0x4c: {  	_ =	shalt  }
0x4d: {  	_ =	shalt  }
0x4e: {  	_ =	shalt  }
0x4f: {  	_ =	shalt  }
0x50: {  	_ =	shalt  }
0x51: {  	_ =	shalt  }
0x52: {  	_ =	shalt  }
0x53: {  	_ =	shalt  }
0x54: {  	_ =	shalt  }
0x55: {  	_ =	shalt  }
0x56: {  	_ =	shalt  }
0x57: {  	_ =	shalt  }
0x58: {  	_ =	shalt  }
0x59: {  	_ =	shalt  }
0x5a: {  	_ =	shalt  }
0x5b: {  	_ =	shalt  }
0x5c: {  	_ =	shalt  }
0x5d: {  	_ =	shalt  }
0x5e: {  	_ =	shalt  }
0x5f: {  	_ =	shalt  }
0x60: {  	_ =	shalt  }
0x61: {  	_ =	shalt  }
0x62: {  	_ =	shalt  }
0x63: {  	_ =	shalt  }
0x64: {  	_ =	shalt  }
0x65: {  	_ =	shalt  }
0x66: {  	_ =	shalt  }
0x67: {  	_ =	shalt  }
0x68: {  	_ =	shalt  }
0x69: {  	_ =	shalt  }
0x6a: {  	_ =	shalt  }
0x6b: {  	_ =	shalt  }
0x6c: {  	_ =	shalt  }
0x6d: {  	_ =	shalt  }
0x6e: {  	_ =	shalt  }
0x6f: {  	_ =	shalt  }
0x70: {  	_ =	shalt  }
0x71: {  	_ =	shalt  }
0x72: {  	_ =	shalt  }
0x73: {  	_ =	shalt  }
0x74: {  	_ =	shalt  }
0x75: {  	_ =	shalt  }
0x76: {  	_ =	shalt  }
0x77: {  	_ =	shalt  }
0x78: {  	_ =	shalt  }
0x79: {  	_ =	shalt  }
0x7a: {  	_ =	shalt  }
0x7b: {  	_ =	shalt  }
0x7c: {  	_ =	shalt  }
0x7d: {  	_ =	shalt  }
0x7e: {  	_ =	shalt  }
0x7f: {  	_ =	shalt  }
0x80: {  	_ =	shalt  }
0x81: {  	_ =	shalt  }
0x82: {  	_ =	shalt  }
0x83: {  	_ =	shalt  }
0x84: {  	_ =	shalt  }
0x85: {  	_ =	shalt  }
0x86: {  	_ =	shalt  }
0x87: {  	_ =	shalt  }
.Lfunc_end0:
.L_simem_size_0:
called_computation_lowered:
.L_overlay_start_0:
0x88: {  	s2 =	sld [smem:$0x3FD9]  }
0x89: {  	s3 =	sld [smem:$0x3FFE];
	_ =	sdelay $0x1  }
0x8a: {  	s1 =	srdreg.scid  }
0x8b: {  	s0 =	sand.u32 $0x1, s1  }
0x8c: {  	s16 =	sshll.u32 s0, $0xA;
	s2 =	sadd.s32 s3, s2  }
0x8d: {  	s2 =	sadd.s32 s2, s16  }
0x8e: {  	[smem:$0x3FA8] =	sst s2  }
0x8f: {  	_ = 	snop  }
0x90: {  	(tm) =	ssettm $0x1  }
0x91: {  	s17 =	sld [smem:$0x3FFB];
	_ =	sdelay $0x3  }
0x92: {  	_ =	strace s17  }
0x93: {  	s2 =	sld [smem:$0x3FFC];
	_ =	sdelay $0x3  }
0x94: {  	_ =	strace s2  }
0x95: {  	s2 =	sld [smem:$0x3FFD];
	_ =	sdelay $0x3  }
0x96: {  	_ =	strace s2  }
0x97: {  	_ =	strace $0x8FFFFFFF  }
0x98: {  	s18 =	sld [smem:$0x3FDB];
	_ =	sdelay $0x1  }
0x99: {  	s19 =	simm.s32 $_scs_section_size  }
0x9a: {  	s4 =	simm.s32 $_size__tile_overlayer_lowered;
	s5 =	simm.s32 $_tile_overlayer_lowered  }
0x9b: {  	s22 =	simm.s32 $0x1BFF;
	s21 =	sshll.u32 s5, $0x1;
	s2 =	sadd.s32 s19, s18  }
0x9c: {  	s6 =	simm.s32 $0x0;
	s20 =	sshll.u32 s4, $0x1;
	s4 =	sadd.s32 s21, s2  }
0x9d: {  	[timem:s6], [sflag:s22] =	dma.local [hbm:s4], s20  }
0x9e: {  	_ =	swait.ge [sflag:s22], s20  }
0x9f: {  	s3 =	ssub.s32 $0x0, s20;
	[sflag:s22] =	ssyncset.done $0x0  }
0xa0: {  	[sflag:s22] =	ssyncadd.s32 s3;
	_ =	sdelay $0x1  }
0xa1: {  	s23 =	simm.s32 $0x1B8B  }
0xa2: {  	_ =	swait.ge [sflag:s23], $0x1  }
0xa3: {  	[sflag:s23] =	ssyncset.done $0x0  }
0xa4: {  	s25 =	simm.s32 $0x1B8E;
	s24 =	sld [smem:$0x3FFE];
	[sflag:s23] =	ssyncadd.s32 $0xFFFFFFFF  }
0xa5: {  	s26 =	simm.s32 $execute0_lowered;
	[smem:$0x3FD2] =	sst s25  }
0xa6: {  	s4 =	sshll.u32 s26, $0x1;
	_ =	strace $0x80000046;
	[dreg:$0x1] =	wrdreg $0xFFFFFFFF  }
0xa7: {  	s28 =	simm.s32 $_size_execute0_lowered;
	s2 =	sadd.s32 s2, s4;
	[dreg:$0x0] =	wrdreg $0x0  }
0xa8: {  	s4 =	sshll.u32 s28, $0x1;
	[dreg:$0x2] =	wrdreg s2  }
0xa9: {  	[dreg:$0x3] =	wrdreg s4  }
0xaa: {  	[dreg:$0x4] =	wrdreg $0xC0  }
0xab: {  	_ =	task [dreg:s6], $0x5FFFF  }
0xac: {  	[dreg:$0x1] =	wrdreg $0xFFFFFFFF  }
0xad: {  	[dreg:$0x0] =	wrdreg $0x60  }
0xae: {  	[dreg:$0x2] =	wrdreg s24  }
0xaf: {  	[dreg:$0x3] =	wrdreg $0x9  }
0xb0: {  	_ =	task.clear_ibuf [dreg:s6], $0x4FFFF;
	_ =	strace $0x90000046  }
0xb1: {  	s29 =	simm.s32 $0x9;
	_ =	strace $0x80000048  }
0xb2: {  	_ =	swait.ge [sflag:s29], $0x1  }
0xb3: {  	[sflag:s29] =	ssyncadd.s32 $0xFFFFFFFF  }
0xb4: {  	_ =	strace $0x90000048  }
0xb5: {  	_ =	sfence  }
0xb6: {  	s30 =	sld [smem:$0x0];
	_ =	sdelay $0x2  }
0xb7: {  	s31 =	sshll.u32 s1, $0xD;
	s1 =	sshrl.u32 s1, $0x2  }
0xb8: {  	s3 =	sand.u32 $0x4000, s31;
	s1 =	sadd.s32 s1, s30  }
0xb9: {  	s0 =	sor.u32 s3, s0;
	s1 =	sshll.u32 s1, $0x11  }
0xba: {  	s0 =	sor.u32 s1, s0  }
0xbb: {  	s0 =	sadd.s32 $0x8F2B, s0  }
0xbc: {  	[sflag:s0] =	ssyncadd.remote.s32 $0x1  }
0xbd: {  	_ =	sfence.sel $0xFFFF  }
0xbe: {  	[dreg:$0x0] =	wrdreg $0xFFFFFFFF;
	(pc) =	sbr.abs _section_cstart, $3  }
0xbf: {  	[dreg:$0x1] =	wrdreg $0xFFFFFFFF  }
0xc0: {  	_ =	task.clear_ibuf [dreg:s6], $0x2FFFF;
	_ =	strace $0x9FFFFFFF  }
0xc1: {  	(tm) =	ssettm $0x7FFFFFFF  }
tec
execute0_lowered:
.L_overlay_start_1:
0x0: {  	(tag) =	ssettag $0x1  }
0x1: {  	s0 =	srdreg.scid;
	s9 =	stileid.u32  }
0x2: {  	s1 =	rddreg [dreg:$0x0];
	s2 =	simm.s32 $0x0;
	s15 =	simm.s32 $0x9  }
0x3: {  	s16 =	simm.s32 $0x1400;
	s17 =	simm.s32 $0x80;
	s18 =	simm.s32 $0x2800  }
0x4: {  	s19 =	simm.s32 $0x6800;
	s20 =	simm.s32 $0x4800;
	s28 =	simm.s32 $0x2  }
0x5: {  	s29 =	simm.s32 $0x4;
	s30 =	simm.s32 $0x6;
	s10 =	smul.u32 $0x140000, s9  }
0x6: {  	s0 =	sand.u32 $0x1, s0;
	s3 =	sshll.u32 s9, $0x1;
	s9 =	smul.u32 $0x2800, s9  }
0x7: {  	s31 =	simm.s32 $0x8;
	[smem:$0x7FF] =	sst s2;
	s11 =	smul.u32 $0x1400, s0  }
0x8: {  	s4 =	sor.u32 s0, s3;
	s6 =	ssub.s32 $0x2, s0;
	s0 =	smul.u32 $0xA0000, s0  }
0x9: {  	s13 =	sadd.s32 $0xC6200, s1;
	_ =	strace $0x80000047;
	s5 =	smul.u32 $0x280, s4  }
0xa: {  	s3 =	sadd.s32 $0xA8800, s1;
	s7 =	smul.u32 $0xA0000, s4;
	s8 =	sshrl.u32 s6, $0x1  }
0xb: {  	s4 =	smul.u32 $0xA000, s4;
	s6 =	ssub.s32 s6, s8;
	s25 =	sadd.s32 s11, s9  }
0xc: {  	s0 =	sadd.s32 s0, s10;
	s5 =	sadd.s32 s5, s1;
	s1 =	sadd.s32 $0x206200, s1  }
0xd: {  	s7 =	sshrl.u32 s7, $0x4;
	s6 =	smax.u32 s6, $0x1;
	s4 =	sadd.s32 $0x9C00, s4  }
0xe: {  	s0 =	sshrl.u32 s0, $0x4;
	s22 =	sadd.s32 $0xC1200, s5;
	s5 =	sadd.s32 $0xBC200, s5  }
0xf: {  	s23 =	sadd.s32 $0x9800, s7;
	[dreg:$0x4] =	wrdreg s6;
	s9 =	sadd.s32 s13, s4  }
0x10: {  	s10 =	sadd.s32 s1, s4;
	s11 =	sadd.s32 s0, s1;
	[dreg:$0x2] =	wrdreg s22  }
0x11: {  	s12 =	sadd.s32 s0, s13;
	[dreg:$0x3] =	wrdreg s5;
	s24 =	sadd.s32 s13, s23  }
0x12: {  	s8 =	sadd.s32 s1, s23;
	s5 =	sshll.u32 s25, $0x3;
	s22 =	simm.s32 $0x8800  }
0x13: {  	s23 =	simm.s32 $0x1;
	s25 =	simm.s32 $0x5;
	s26 =	sor.u32 $0x400, s5  }
0x14: {  	[dreg:$0x5] =	wrdreg s24;
	s24 =	simm.s32 $0x3;
	s13 =	sadd.s32 s26, s13  }
0x15: {  	s14 =	sadd.s32 s26, s1;
	s26 =	simm.s32 $0x7;
	s1 =	simm.s32 $0x0  }
.LBB2_1:
0x16: {  	s0 =	rddreg [dreg:$0x2]  }
0x17: {  	[tilespmem:s2], [sflag:$0x9] =	stream.linear.gather [hbm4b:s0+s2], $0x1400, $0x38;
	[tilespmem:$0xA800] =	vst v63  }
0x18: {  	_ =	swait.ge [sflag:s15], $0x1400  }
0x19: {  	[sflag:s15] =	ssyncset.done $0x0  }
0x1a: {  	s5 =	rddreg [dreg:$0x3];
	[sflag:s15] =	ssyncadd.s32 $0xFFFFEC00  }
0x1b: {  	[tilespmem:s16], [sflag:$0x9] =	stream.linear.gather [hbm4b:s5+s2], $0x1400, $0x38;
	[tilespmem:$0xA800] =	vst v63  }
0x1c: {  	_ =	swait.ge [sflag:s15], $0x1400  }
0x1d: {  	[sflag:s15] =	ssyncset.done $0x0  }
0x1e: {  	[sflag:s15] =	ssyncadd.s32 $0xFFFFEC00  }
0x1f: {  	[tilespmem:s18], [sflag:$0x1] =	stream.indirect.gather [hbm4b:s3+s17], $0x40, s2, s17, $0xb8;
	[tilespmem:$0xA800] =	vst v63  }
0x20: {  	_ = 	snop  }
0x21: {  	[tilespmem:s19], [sflag:$0x3] =	stream.indirect.gather [hbm4b:s3+s17], $0x40, s16, s17, $0xb8;
	[tilespmem:$0xA800] =	vst v63  }
0x22: {  	_ = 	snop  }
0x23: {  	[tilespmem:s20], [sflag:$0x2] =	stream.indirect.gather [hbm4b:s3+s17], $0x40, s17, s17, $0xb8;
	[tilespmem:$0xA800] =	vst v63  }
0x24: {  	s6 =	simm.s32 $0x1480  }
0x25: {  	[tilespmem:s22], [sflag:$0x4] =	stream.indirect.gather [hbm4b:s3+s17], $0x40, s6, s17, $0xb8;
	[tilespmem:$0xA800] =	vst v63  }
0x26: {  	_ =	swait.ge [sflag:s23], $0x2000  }
0x27: {  	[sflag:s23] =	ssyncset.done $0x0  }
0x28: {  	[sflag:s23] =	ssyncadd.s32 $0xFFFFE000  }
0x29: {  	_ =	swait.ge [sflag:s24], $0x2000  }
0x2a: {  	[sflag:s24] =	ssyncset.done $0x0  }
0x2b: {  	s7 =	sadd.s32 $0x0, s12;
	[sflag:s24] =	ssyncadd.s32 $0xFFFFE000  }
0x2c: {  	[hbm4b:s7+s2] =	stream.linear.scatter [tilespmem:s18], [sflag:$0x5], $0x2000, $0x38;
	[tilespmem:$0xA800] =	vst v63  }
0x2d: {  	s21 =	sadd.s32 $0x0, s11  }
0x2e: {  	[hbm4b:s21+s2] =	stream.linear.scatter [tilespmem:s19], [sflag:$0x7], $0x2000, $0x38;
	[tilespmem:$0xA800] =	vst v63  }
0x2f: {  	_ =	swait.ge [sflag:s25], $0x2000  }
0x30: {  	[sflag:s25] =	ssyncset.done $0x0  }
0x31: {  	[sflag:s25] =	ssyncadd.s32 $0xFFFFE000  }
0x32: {  	_ =	swait.ge [sflag:s26], $0x2000  }
0x33: {  	[sflag:s26] =	ssyncset.done $0x0  }
0x34: {  	s4 =	simm.s32 $0x100;
	[sflag:s26] =	ssyncadd.s32 $0xFFFFE000  }
0x35: {  	[tilespmem:s18], [sflag:$0x1] =	stream.indirect.gather [hbm4b:s3+s17], $0x40, s4, s17, $0xb8;
	[tilespmem:$0xA800] =	vst v63  }
0x36: {  	s5 =	simm.s32 $0x1500  }
0x37: {  	[tilespmem:s19], [sflag:$0x3] =	stream.indirect.gather [hbm4b:s3+s17], $0x40, s5, s17, $0xb8;
	[tilespmem:$0xA800] =	vst v63  }
0x38: {  	_ =	swait.ge [sflag:s28], $0x2000  }
0x39: {  	[sflag:s28] =	ssyncset.done $0x0  }
0x3a: {  	[sflag:s28] =	ssyncadd.s32 $0xFFFFE000  }
0x3b: {  	_ =	swait.ge [sflag:s29], $0x2000  }
0x3c: {  	[sflag:s29] =	ssyncset.done $0x0  }
0x3d: {  	s6 =	sadd.s32 $0x0, s13;
	[sflag:s29] =	ssyncadd.s32 $0xFFFFE000  }
0x3e: {  	[hbm4b:s6+s2] =	stream.linear.scatter [tilespmem:s20], [sflag:$0x6], $0x2000, $0x38;
	[tilespmem:$0xA800] =	vst v63  }
0x3f: {  	s7 =	sadd.s32 $0x0, s14  }
0x40: {  	[hbm4b:s7+s2] =	stream.linear.scatter [tilespmem:s22], [sflag:$0x8], $0x2000, $0x38;
	[tilespmem:$0xA800] =	vst v63  }
0x41: {  	_ =	swait.ge [sflag:s30], $0x2000  }
0x42: {  	[sflag:s30] =	ssyncset.done $0x0  }
0x43: {  	[sflag:s30] =	ssyncadd.s32 $0xFFFFE000  }
0x44: {  	_ =	swait.ge [sflag:s31], $0x2000  }
0x45: {  	[sflag:s31] =	ssyncset.done $0x0  }
0x46: {  	s0 =	simm.s32 $0x1580;
	s21 =	simm.s32 $0x180;
	[sflag:s31] =	ssyncadd.s32 $0xFFFFE000  }
0x47: {  	[tilespmem:s20], [sflag:$0x2] =	stream.indirect.gather [hbm4b:s3+s17], $0x40, s21, s17, $0xb8;
	[tilespmem:$0xA800] =	vst v63  }
0x48: {  	s4 =	simm.s32 $0x1680;
	s5 =	simm.s32 $0x280;
	s21 =	simm.s32 $0x800  }
.LBB2_2:
0x49: {  	[tilespmem:s22], [sflag:$0x4] =	stream.indirect.gather [hbm4b:s3+s17], $0x40, s0, s17, $0xb8;
	[tilespmem:$0xA800] =	vst v63  }
0x4a: {  	s6 =	smov.u32 s21;
	s0 =	smov.u32 s4  }
0x4b: {  	p0 =	sne.s32 s21, $0x9000;
	s21 =	sadd.s32 $0x800, s21;
	_ =	swait.ge [sflag:s23], $0x2000  }
0x4c: {  	[sflag:s23] =	ssyncset.done $0x0  }
0x4d: {  	[sflag:s23] =	ssyncadd.s32 $0xFFFFE000  }
0x4e: {  	_ =	swait.ge [sflag:s24], $0x2000  }
0x4f: {  	[sflag:s24] =	ssyncset.done $0x0  }
0x50: {  	s7 =	sadd.s32 s6, s12;
	[sflag:s24] =	ssyncadd.s32 $0xFFFFE000  }
0x51: {  	[hbm4b:s7+s2] =	stream.linear.scatter [tilespmem:s18], [sflag:$0x5], $0x2000, $0x38;
	[tilespmem:$0xA800] =	vst v63  }
0x52: {  	s7 =	sadd.s32 s6, s11  }
0x53: {  	[hbm4b:s7+s2] =	stream.linear.scatter [tilespmem:s19], [sflag:$0x7], $0x2000, $0x38;
	[tilespmem:$0xA800] =	vst v63  }
0x54: {  	_ =	swait.ge [sflag:s25], $0x2000  }
0x55: {  	[sflag:s25] =	ssyncset.done $0x0  }
0x56: {  	[sflag:s25] =	ssyncadd.s32 $0xFFFFE000  }
0x57: {  	_ =	swait.ge [sflag:s26], $0x2000  }
0x58: {  	[sflag:s26] =	ssyncset.done $0x0  }
0x59: {  	s7 =	sadd.s32 $0xFFFFFF80, s5;
	[sflag:s26] =	ssyncadd.s32 $0xFFFFE000  }
0x5a: {  	[tilespmem:s18], [sflag:$0x1] =	stream.indirect.gather [hbm4b:s3+s17], $0x40, s7, s17, $0xb8;
	[tilespmem:$0xA800] =	vst v63  }
0x5b: {  	s7 =	sadd.s32 $0xFFFFFF80, s4  }
0x5c: {  	[tilespmem:s19], [sflag:$0x3] =	stream.indirect.gather [hbm4b:s3+s17], $0x40, s7, s17, $0xb8;
	[tilespmem:$0xA800] =	vst v63  }
0x5d: {  	_ =	swait.ge [sflag:s28], $0x2000  }
0x5e: {  	[sflag:s28] =	ssyncset.done $0x0  }
0x5f: {  	[sflag:s28] =	ssyncadd.s32 $0xFFFFE000  }
0x60: {  	_ =	swait.ge [sflag:s29], $0x2000  }
0x61: {  	[sflag:s29] =	ssyncset.done $0x0  }
0x62: {  	s7 =	sadd.s32 s6, s13;
	[sflag:s29] =	ssyncadd.s32 $0xFFFFE000  }
0x63: {  	[hbm4b:s7+s2] =	stream.linear.scatter [tilespmem:s20], [sflag:$0x6], $0x2000, $0x38;
	[tilespmem:$0xA800] =	vst v63  }
0x64: {  	s6 =	sadd.s32 s6, s14  }
0x65: {  	[hbm4b:s6+s2] =	stream.linear.scatter [tilespmem:s22], [sflag:$0x8], $0x2000, $0x38;
	[tilespmem:$0xA800] =	vst v63  }
0x66: {  	_ =	swait.ge [sflag:s30], $0x2000  }
0x67: {  	[sflag:s30] =	ssyncset.done $0x0  }
0x68: {  	[sflag:s30] =	ssyncadd.s32 $0xFFFFE000  }
.Ltmp0:
0x69: {  	_ =	swait.ge [sflag:s31], $0x2000;
	(pc) =	sbr.rel @p0 .LBB2_2-.Ltmp0, $4  }
0x6a: {  	[sflag:s31] =	ssyncset.done $0x0  }
0x6b: {  	[sflag:s31] =	ssyncadd.s32 $0xFFFFE000  }
0x6c: {  	[tilespmem:s20], [sflag:$0x2] =	stream.indirect.gather [hbm4b:s3+s17], $0x40, s5, s17, $0xb8;
	[tilespmem:$0xA800] =	vst v63  }
0x6d: {  	s4 =	sadd.s32 $0x100, s4;
	s5 =	sadd.s32 $0x100, s5  }
0x6e: {  	[tilespmem:s22], [sflag:$0x4] =	stream.indirect.gather [hbm4b:s3+s17], $0x40, s0, s17, $0xb8;
	[tilespmem:$0xA800] =	vst v63  }
0x6f: {  	_ =	swait.ge [sflag:s23], $0x2000  }
0x70: {  	[sflag:s23] =	ssyncset.done $0x0  }
0x71: {  	[sflag:s23] =	ssyncadd.s32 $0xFFFFE000  }
0x72: {  	_ =	swait.ge [sflag:s24], $0x2000  }
0x73: {  	[sflag:s24] =	ssyncset.done $0x0  }
0x74: {  	s7 =	rddreg [dreg:$0x5];
	[sflag:s24] =	ssyncadd.s32 $0xFFFFE000  }
0x75: {  	[hbm4b:s7+s2] =	stream.linear.scatter [tilespmem:s18], [sflag:$0x5], $0x2000, $0x38;
	[tilespmem:$0xA800] =	vst v63  }
0x76: {  	_ = 	snop  }
0x77: {  	[hbm4b:s8+s2] =	stream.linear.scatter [tilespmem:s19], [sflag:$0x7], $0x2000, $0x38;
	[tilespmem:$0xA800] =	vst v63  }
0x78: {  	_ =	swait.ge [sflag:s28], $0x2000  }
0x79: {  	[sflag:s28] =	ssyncset.done $0x0  }
0x7a: {  	[sflag:s28] =	ssyncadd.s32 $0xFFFFE000  }
0x7b: {  	_ =	swait.ge [sflag:s29], $0x2000  }
0x7c: {  	[sflag:s29] =	ssyncset.done $0x0  }
0x7d: {  	[sflag:s29] =	ssyncadd.s32 $0xFFFFE000  }
0x7e: {  	[hbm4b:s9+s2] =	stream.linear.scatter [tilespmem:s20], [sflag:$0x6], $0x2000, $0x38;
	[tilespmem:$0xA800] =	vst v63  }
0x7f: {  	_ = 	snop  }
0x80: {  	[hbm4b:s10+s2] =	stream.linear.scatter [tilespmem:s22], [sflag:$0x8], $0x2000, $0x38;
	[tilespmem:$0xA800] =	vst v63  }
0x81: {  	_ =	swait.ge [sflag:s25], $0x2000  }
0x82: {  	[sflag:s25] =	ssyncset.done $0x0  }
0x83: {  	[sflag:s25] =	ssyncadd.s32 $0xFFFFE000  }
0x84: {  	_ =	swait.ge [sflag:s26], $0x2000  }
0x85: {  	[sflag:s26] =	ssyncset.done $0x0  }
0x86: {  	[sflag:s26] =	ssyncadd.s32 $0xFFFFE000  }
0x87: {  	_ =	swait.ge [sflag:s30], $0x2000  }
0x88: {  	[sflag:s30] =	ssyncset.done $0x0  }
0x89: {  	[sflag:s30] =	ssyncadd.s32 $0xFFFFE000  }
0x8a: {  	_ =	swait.ge [sflag:s31], $0x2000  }
0x8b: {  	s1 =	sadd.s32 $0x1, s1;
	s21 =	rddreg [dreg:$0x4]  }
0x8c: {  	p0 =	sne.s32 s1, s21  }
.Ltmp1:
0x8d: {  	_ = 	snop;
	(pc) =	sbr.rel @p0 .LBB2_1-.Ltmp1, $3  }
0x8e: {  	_ =	sdelay $0x1  }
0x8f: {  	[sflag:s31] =	ssyncset.done $0x0  }
0x90: {  	[sflag:s31] =	ssyncadd.s32 $0xFFFFE000  }
0x91: {  	_ =	sfence.sel $0x180000  }
0x92: {  	[bflag:$0x0] =	sbarrier.arrive $0xFFFF  }
0x93: {  	_ =	strace $0x90000047  }
0x94: {  	s0 =	stileid.u32;
	[bflag:$0x2] =	sbarrier.arrive $0xFFFF  }
0x95: {  	p0 =	sne.s32 s0, $0x0;
	s0 =	rddreg [dreg:$0x1]  }
0x96: {  	s0 =	sadd.s32 @!p0 $0x100000, s0  }
0x97: {  	[sflag:s0] =	ssyncadd.tile.s32 @!p0 $0x1;
	_ =	shalt  }
.Lfunc_end2:
_tile_overlayer_lowered:
.L_overlay_start_2:
0x98: {  	(tag) =	ssettag $0x2  }
0x99: {  	s0 =	rddreg [dreg:$0x0];
	s2 =	stileid.u32  }
0x9a: {  	s1 =	rddreg [dreg:$0x1];
	p0 =	sne.s32 s2, $0x0  }
0x9b: {  	s3 =	rddreg [dreg:$0x2];
	[bflag:$0x3] =	sbarrier.arrive $0xFFFF;
	s2 =	simm.s32 @!p0 $0x1C09  }
0x9c: {  	[timem:s3], [sflag:s2] =	dma.local @!p0 [hbm:s0], s1  }
0x9d: {  	s0 =	simm.s32 @!p0 $0x9  }
0x9e: {  	_ =	swait.ge @!p0 [sflag:s0], s1  }
0x9f: {  	s1 =	ssub.s32 @!p0 $0x0, s1;
	[sflag:s0] =	ssyncset.done @!p0 $0x0  }
0xa0: {  	[sflag:s0] =	ssyncadd.s32 @!p0 s1  }
0xa1: {  	[bflag:$0x3] =	sbarrier.arrive $0xFFFF  }
0xa2: {  	_ =	shalt  }

</sc_bundles>
